<compile_context>
chip_gen: v7x
topology: tpu7x:2x2x1
jax: 0.10.2.dev20260603
libtpu: 0.0.44.dev20260713+nightly
codegen_flags: <defaults>
</compile_context>

<pallas_src>
import functools

import jax
import jax.numpy as jnp
from jax import lax
from jax.experimental import pallas as pl
from jax.experimental.pallas import tpu as pltpu
from jax.experimental.pallas import tpu_sc as plsc

VOCAB = 1000001
EMB = 64
SEQ = 200
BATCH = 4096
NUM_CORES = 2
NUM_SUBCORES = 16
NW = NUM_CORES * NUM_SUBCORES
BPW = BATCH // NW
LANES = 16
BC = 16384
NBLK = 62
VPAD = NBLK * BC
HALF = VPAD // 2


def _tc_tw(table_t, w_row, b2):
    def body(t0_ref, t1_ref, w_ref, b_ref, o0_ref, o1_ref):
        tb = b_ref[...] * (1.0 / SEQ)
        o0_ref[...] = (
            lax.dot_general(w_ref[...], t0_ref[...], (((1,), (0,)), ((), ())),
                            preferred_element_type=jnp.float32)
            * (1.0 / SEQ) + tb
        )
        o1_ref[...] = (
            lax.dot_general(w_ref[...], t1_ref[...], (((1,), (0,)), ((), ())),
                            preferred_element_type=jnp.float32)
            * (1.0 / SEQ) + tb
        )

    return pl.pallas_call(
        body,
        grid=(NBLK // 2,),
        in_specs=[
            pl.BlockSpec((EMB, BC), lambda i: (0, i)),
            pl.BlockSpec((EMB, BC), lambda i: (0, i + NBLK // 2)),
            pl.BlockSpec((1, EMB), lambda i: (0, 0)),
            pl.BlockSpec((1, 1), lambda i: (0, 0)),
        ],
        out_specs=[
            pl.BlockSpec((1, BC), lambda i: (0, i)),
            pl.BlockSpec((1, BC), lambda i: (0, i)),
        ],
        out_shape=[
            jax.ShapeDtypeStruct((1, HALF), jnp.float32),
            jax.ShapeDtypeStruct((1, HALF), jnp.float32),
        ],
    )(table_t, table_t, w_row, b2)


G = 512
NG = SEQ * BPW // G
NRING = 5


def _sc_gather_sum(tw_lo, tw_hi, x4):
    mesh = plsc.VectorSubcoreMesh(
        core_axis_name="c", subcore_axis_name="s",
        num_cores=NUM_CORES, num_subcores=NUM_SUBCORES)

    @functools.partial(
        pl.kernel,
        out_type=jax.ShapeDtypeStruct((BATCH,), jnp.float32),
        mesh=mesh,
        scratch_types=[
            pltpu.VMEM((NG, G), jnp.int32),
            pltpu.VMEM((BPW,), jnp.float32),
            pltpu.VMEM((NRING, G), jnp.float32),
            pltpu.VMEM_SHARED((VPAD,), jnp.float32),
            [pltpu.SemaphoreType.DMA] * NRING,
        ],
        compiler_params=pltpu.CompilerParams(use_tc_tiling_on_sc=False),
    )
    def k(lo_hbm, hi_hbm, x_hbm, out_hbm, idx_v, acc_v, buf_v, tw_sp, sems):
        wid = lax.axis_index("s") * NUM_CORES + lax.axis_index("c")
        sid = lax.axis_index("s")
        base = wid * BPW

        twc = HALF // NUM_SUBCORES
        st0 = (lo_hbm.at[pl.ds(sid * twc, twc)],
               tw_sp.at[pl.ds(sid * twc, twc)])
        st1 = (hi_hbm.at[pl.ds(sid * twc, twc)],
               tw_sp.at[pl.ds(HALF + sid * twc, twc)])
        st2 = (x_hbm.at[wid], idx_v)
        pltpu.async_copy(*st0, sems[0])
        pltpu.async_copy(*st1, sems[1])
        pltpu.async_copy(*st2, sems[2])
        pltpu.make_async_copy(*st0, sems[0]).wait()
        pltpu.make_async_copy(*st1, sems[1]).wait()
        pltpu.make_async_copy(*st2, sems[2]).wait()
        plsc.subcore_barrier()

        for cc in range(BPW // LANES):
            acc_v[pl.ds(cc * LANES, LANES)] = jnp.zeros((LANES,), jnp.float32)

        def idx_grp(j):
            return idx_v.at[j]

        for u in range(NRING):
            pltpu.async_copy(tw_sp.at[idx_grp(u)], buf_v.at[u], sems[u])

        def wait_buf(u):
            pltpu.make_async_copy(
                tw_sp.at[idx_grp(0)], buf_v.at[u], sems[u]).wait()

        def accumulate(u):
            for cc in range(G // LANES):
                sl = pl.ds(cc * LANES, LANES)
                plsc.addupdate(acc_v.at[pl.ds((cc % 8) * LANES, LANES)],
                               buf_v[u, sl])

        def body(kk, carry):
            for u in range(NRING):
                j = NRING * kk + u
                wait_buf(u)
                accumulate(u)

                @pl.when(j + NRING <= NG - 1)
                def _():
                    pltpu.async_copy(
                        tw_sp.at[idx_grp(j + NRING)], buf_v.at[u], sems[u])
            return carry

        lax.fori_loop(0, NG // NRING - 1, body, None)
        for u in range(NRING):
            wait_buf(u)
            accumulate(u)

        pltpu.sync_copy(acc_v, out_hbm.at[pl.ds(base, BPW)])

    return k(tw_lo, tw_hi, x4)


def kernel(x, table, W, b):
    x32 = x.astype(jnp.int32)
    x4 = x32.reshape(SEQ, NW, BPW).transpose(1, 0, 2).reshape(NW, NG, G)
    tw_lo, tw_hi = _tc_tw(table.T, W.reshape(1, EMB), b.reshape(1, 1))
    return _sc_gather_sum(tw_lo.reshape(HALF), tw_hi.reshape(HALF), x4)

# --- scband reference (transcript-rebuilt; emitter-appended) ---
"""Pipeline reference for scband-baseline-model-87325275062289 (READ-ONLY COPY).

The authoritative reference and input builder live on the scoring server;
editing this copy changes nothing except your own understanding.
"""

import jax, jax.numpy as jnp
import numpy as np

VOCAB = 1000001  # 1M pretrained rows + 1 cloned last row (per the torch snippet)
EMB_DIM = 64
SEQ_LEN = 200
BATCH = 4096


def setup_inputs(seed: int = 0) -> dict:
    key = jax.random.key(seed)
    k_x, k_tab, k_w, k_b = jax.random.split(key, 4)
    x = jax.random.randint(k_x, (SEQ_LEN, BATCH), 0, VOCAB, dtype=jnp.int64)
    # pretrained embedding table (nn.Embedding.from_pretrained)
    table = jax.random.normal(k_tab, (VOCAB, EMB_DIM), dtype=jnp.float32)
    # nn.Linear(emb_dim, 1): W [1, emb_dim] in torch; store as [emb_dim, 1] for matmul
    W = jax.random.normal(k_w, (EMB_DIM, 1), dtype=jnp.float32) * (1.0 / np.sqrt(EMB_DIM))
    b = jax.random.normal(k_b, (1,), dtype=jnp.float32) * 0.01
    return {"x": x, "table": table, "W": W, "b": b}


def reference(x, table, W, b):
    # emb = self.embedding(x)              -> [seq, batch, emb_dim]
    emb = jnp.take(table, x, axis=0)
    # sent_emb = emb.mean(dim=0)           -> [batch, emb_dim]
    sent_emb = jnp.mean(emb, axis=0)
    # logits = self.fc(sent_emb).squeeze(1) -> [batch]
    logits = (sent_emb @ W + b)[:, 0]
    return logits

if __name__ == "__main__":
    import jax
    _d = setup_inputs()
    print(jax.jit(kernel)(*tuple(_d.values())))

</pallas_src>

<mosaic_0001>
#map = affine_map<(d0, d1) -> (0)>
#map1 = affine_map<(d0, d1) -> (0, 0, 0)>
module attributes {stable_mosaic.version = 14 : i64} {
  func.func @k(%arg0: i32, %arg1: i32, %arg2: memref<507904xf32, #tpu.memory_space<hbm>>, %arg3: memref<507904xf32, #tpu.memory_space<hbm>>, %arg4: memref<32x50x512xi32, #tpu.memory_space<hbm>>, %arg5: memref<4096xf32, #tpu.memory_space<hbm>>, %arg6: memref<50x512xi32, #tpu.memory_space<vmem>>, %arg7: memref<128xf32, #tpu.memory_space<vmem>>, %arg8: memref<5x512xf32, #tpu.memory_space<vmem>>, %arg9: memref<1015808xf32, #tpu.memory_space<vmem_shared>>, %arg10: memref<!tpu.dma_semaphore, #tpu.memory_space<semaphore_mem>>, %arg11: memref<!tpu.dma_semaphore, #tpu.memory_space<semaphore_mem>>, %arg12: memref<!tpu.dma_semaphore, #tpu.memory_space<semaphore_mem>>, %arg13: memref<!tpu.dma_semaphore, #tpu.memory_space<semaphore_mem>>, %arg14: memref<!tpu.dma_semaphore, #tpu.memory_space<semaphore_mem>>) attributes {dimension_semantics = [#tpu.dimension_semantics<core_parallel>, #tpu.dimension_semantics<subcore_parallel>], iteration_bounds = array<i64: 2, 16>, scalar_prefetch = 0 : i64, scratch_operands = 9 : i64, tpu.core_type = #tpu.core_type<sc_vector_subcore>, window_params = [{transform_indices = #map}, {transform_indices = #map}, {transform_indices = #map1}, {transform_indices = #map}]} {
    %mul3A = arith.constant 2 : i32
    %mul3A_0 = arith.muli %arg1, %mul3A : i32
    %add3A = arith.addi %mul3A_0, %arg0 : i32
    %mul3A_1 = arith.constant 128 : i32
    %mul3A_2 = arith.muli %add3A, %mul3A_1 : i32
    %mul3A_3 = arith.constant 31744 : i32
    %mul3A_4 = arith.muli %arg1, %mul3A_3 : i32
    %mul3A_5 = arith.constant 31744 : i32
    %mul3A_6 = arith.muli %arg1, %mul3A_5 : i32
    %mul3A_7 = arith.constant 31744 : i32
    %mul3A_8 = arith.muli %arg1, %mul3A_7 : i32
    %mul3A_9 = arith.constant 31744 : i32
    %mul3A_10 = arith.muli %arg1, %mul3A_9 : i32
    %add3A_11 = arith.constant 507904 : i32
    %add3A_12 = arith.addi %add3A_11, %mul3A_10 : i32
    %dma_start3A = tpu.memref_slice %arg9[%mul3A_6] : memref<1015808xf32, #tpu.memory_space<vmem_shared>> -> memref<31744xf32, #tpu.memory_space<vmem_shared>>
    %dma_start3A_13 = tpu.memref_slice %arg2[%mul3A_4] : memref<507904xf32, #tpu.memory_space<hbm>> -> memref<31744xf32, #tpu.memory_space<hbm>>
    tpu.enqueue_dma source(%dma_start3A_13 : memref<31744xf32, #tpu.memory_space<hbm>>) target(%dma_start3A : memref<31744xf32, #tpu.memory_space<vmem_shared>>) target_semaphore(%arg10 : memref<!tpu.dma_semaphore, #tpu.memory_space<semaphore_mem>>)
    %dma_start3A_14 = tpu.memref_slice %arg9[%add3A_12] : memref<1015808xf32, #tpu.memory_space<vmem_shared>> -> memref<31744xf32, #tpu.memory_space<vmem_shared>>
    %dma_start3A_15 = tpu.memref_slice %arg3[%mul3A_8] : memref<507904xf32, #tpu.memory_space<hbm>> -> memref<31744xf32, #tpu.memory_space<hbm>>
    tpu.enqueue_dma source(%dma_start3A_15 : memref<31744xf32, #tpu.memory_space<hbm>>) target(%dma_start3A_14 : memref<31744xf32, #tpu.memory_space<vmem_shared>>) target_semaphore(%arg11 : memref<!tpu.dma_semaphore, #tpu.memory_space<semaphore_mem>>)
    %dma_start3A_16 = arith.constant 0 : i32
    %dma_start3A_17 = arith.constant 0 : i32
    %dma_start3A_18 = tpu.memref_slice %arg4[%add3A, %dma_start3A_16, %dma_start3A_17] : memref<32x50x512xi32, #tpu.memory_space<hbm>> -> memref<1x50x512xi32, #tpu.memory_space<hbm>>
    %dma_start3A_19 = tpu.memref_squeeze %dma_start3A_18 : memref<1x50x512xi32, #tpu.memory_space<hbm>> -> memref<50x512xi32, #tpu.memory_space<hbm>>
    %dma_start3A_20 = arith.constant 0 : i32
    %dma_start3A_21 = arith.constant 0 : i32
    %dma_start3A_22 = tpu.memref_slice %arg4[%add3A, %dma_start3A_20, %dma_start3A_21] : memref<32x50x512xi32, #tpu.memory_space<hbm>> -> memref<1x50x512xi32, #tpu.memory_space<hbm>>
    %dma_start3A_23 = tpu.memref_squeeze %dma_start3A_22 : memref<1x50x512xi32, #tpu.memory_space<hbm>> -> memref<50x512xi32, #tpu.memory_space<hbm>>
    tpu.enqueue_dma source(%dma_start3A_23 : memref<50x512xi32, #tpu.memory_space<hbm>>) target(%arg6 : memref<50x512xi32, #tpu.memory_space<vmem>>) target_semaphore(%arg12 : memref<!tpu.dma_semaphore, #tpu.memory_space<semaphore_mem>>)
    %dma_wait3A = tpu.memref_slice %arg9[%mul3A_6] : memref<1015808xf32, #tpu.memory_space<vmem_shared>> -> memref<31744xf32, #tpu.memory_space<vmem_shared>>
    %dma_wait3A_24 = tpu.memref_slice %arg2[%mul3A_4] : memref<507904xf32, #tpu.memory_space<hbm>> -> memref<31744xf32, #tpu.memory_space<hbm>>
    tpu.wait_dma2 semaphore(%arg10 : memref<!tpu.dma_semaphore, #tpu.memory_space<semaphore_mem>>) src(%dma_wait3A_24 : memref<31744xf32, #tpu.memory_space<hbm>>) dst(%dma_wait3A : memref<31744xf32, #tpu.memory_space<vmem_shared>>)
    %dma_wait3A_25 = tpu.memref_slice %arg9[%add3A_12] : memref<1015808xf32, #tpu.memory_space<vmem_shared>> -> memref<31744xf32, #tpu.memory_space<vmem_shared>>
    %dma_wait3A_26 = tpu.memref_slice %arg3[%mul3A_8] : memref<507904xf32, #tpu.memory_space<hbm>> -> memref<31744xf32, #tpu.memory_space<hbm>>
    tpu.wait_dma2 semaphore(%arg11 : memref<!tpu.dma_semaphore, #tpu.memory_space<semaphore_mem>>) src(%dma_wait3A_26 : memref<31744xf32, #tpu.memory_space<hbm>>) dst(%dma_wait3A_25 : memref<31744xf32, #tpu.memory_space<vmem_shared>>)
    %dma_wait3A_27 = arith.constant 0 : i32
    %dma_wait3A_28 = arith.constant 0 : i32
    %dma_wait3A_29 = tpu.memref_slice %arg4[%add3A, %dma_wait3A_27, %dma_wait3A_28] : memref<32x50x512xi32, #tpu.memory_space<hbm>> -> memref<1x50x512xi32, #tpu.memory_space<hbm>>
    %dma_wait3A_30 = tpu.memref_squeeze %dma_wait3A_29 : memref<1x50x512xi32, #tpu.memory_space<hbm>> -> memref<50x512xi32, #tpu.memory_space<hbm>>
    %dma_wait3A_31 = arith.constant 0 : i32
    %dma_wait3A_32 = arith.constant 0 : i32
    %dma_wait3A_33 = tpu.memref_slice %arg4[%add3A, %dma_wait3A_31, %dma_wait3A_32] : memref<32x50x512xi32, #tpu.memory_space<hbm>> -> memref<1x50x512xi32, #tpu.memory_space<hbm>>
    %dma_wait3A_34 = tpu.memref_squeeze %dma_wait3A_33 : memref<1x50x512xi32, #tpu.memory_space<hbm>> -> memref<50x512xi32, #tpu.memory_space<hbm>>
    tpu.wait_dma2 semaphore(%arg12 : memref<!tpu.dma_semaphore, #tpu.memory_space<semaphore_mem>>) src(%dma_wait3A_34 : memref<50x512xi32, #tpu.memory_space<hbm>>) dst(%arg6 : memref<50x512xi32, #tpu.memory_space<vmem>>)
    %barrier3A = arith.constant 0 : index
    tpu.barrier barrier_id(%barrier3A)
    %broadcast_in_dim3A = arith.constant 0.000000e+00 : f32
    %broadcast_in_dim3A_35 = vector.broadcast %broadcast_in_dim3A : f32 to vector<16xf32>
    %swap3A = arith.constant 0 : index
    %swap3A_36 = tpu.vector_load %arg7[%swap3A] {strides = array<i32>} : memref<128xf32, #tpu.memory_space<vmem>>, vector<16xf32>,
    %swap3A_37 = vector.shape_cast %swap3A_36 : vector<16xf32> to vector<16xf32>
    %swap3A_38 = vector.shape_cast %broadcast_in_dim3A_35 : vector<16xf32> to vector<16xf32>
    tpu.vector_store %arg7[%swap3A], %swap3A_38 {strides = array<i32>} : memref<128xf32, #tpu.memory_space<vmem>>, vector<16xf32>,
    %broadcast_in_dim3A_39 = arith.constant 0.000000e+00 : f32
    %broadcast_in_dim3A_40 = vector.broadcast %broadcast_in_dim3A_39 : f32 to vector<16xf32>
    %swap3A_41 = arith.constant 16 : index
    %swap3A_42 = tpu.vector_load %arg7[%swap3A_41] {strides = array<i32>} : memref<128xf32, #tpu.memory_space<vmem>>, vector<16xf32>,
    %swap3A_43 = vector.shape_cast %swap3A_42 : vector<16xf32> to vector<16xf32>
    %swap3A_44 = vector.shape_cast %broadcast_in_dim3A_40 : vector<16xf32> to vector<16xf32>
    tpu.vector_store %arg7[%swap3A_41], %swap3A_44 {strides = array<i32>} : memref<128xf32, #tpu.memory_space<vmem>>, vector<16xf32>,
    %broadcast_in_dim3A_45 = arith.constant 0.000000e+00 : f32
    %broadcast_in_dim3A_46 = vector.broadcast %broadcast_in_dim3A_45 : f32 to vector<16xf32>
    %swap3A_47 = arith.constant 32 : index
    %swap3A_48 = tpu.vector_load %arg7[%swap3A_47] {strides = array<i32>} : memref<128xf32, #tpu.memory_space<vmem>>, vector<16xf32>,
    %swap3A_49 = vector.shape_cast %swap3A_48 : vector<16xf32> to vector<16xf32>
    %swap3A_50 = vector.shape_cast %broadcast_in_dim3A_46 : vector<16xf32> to vector<16xf32>
    tpu.vector_store %arg7[%swap3A_47], %swap3A_50 {strides = array<i32>} : memref<128xf32, #tpu.memory_space<vmem>>, vector<16xf32>,
    %broadcast_in_dim3A_51 = arith.constant 0.000000e+00 : f32
    %broadcast_in_dim3A_52 = vector.broadcast %broadcast_in_dim3A_51 : f32 to vector<16xf32>
    %swap3A_53 = arith.constant 48 : index
    %swap3A_54 = tpu.vector_load %arg7[%swap3A_53] {strides = array<i32>} : memref<128xf32, #tpu.memory_space<vmem>>, vector<16xf32>,
    %swap3A_55 = vector.shape_cast %swap3A_54 : vector<16xf32> to vector<16xf32>
    %swap3A_56 = vector.shape_cast %broadcast_in_dim3A_52 : vector<16xf32> to vector<16xf32>
    tpu.vector_store %arg7[%swap3A_53], %swap3A_56 {strides = array<i32>} : memref<128xf32, #tpu.memory_space<vmem>>, vector<16xf32>,
    %broadcast_in_dim3A_57 = arith.constant 0.000000e+00 : f32
    %broadcast_in_dim3A_58 = vector.broadcast %broadcast_in_dim3A_57 : f32 to vector<16xf32>
    %swap3A_59 = arith.constant 64 : index
    %swap3A_60 = tpu.vector_load %arg7[%swap3A_59] {strides = array<i32>} : memref<128xf32, #tpu.memory_space<vmem>>, vector<16xf32>,
    %swap3A_61 = vector.shape_cast %swap3A_60 : vector<16xf32> to vector<16xf32>
    %swap3A_62 = vector.shape_cast %broadcast_in_dim3A_58 : vector<16xf32> to vector<16xf32>
    tpu.vector_store %arg7[%swap3A_59], %swap3A_62 {strides = array<i32>} : memref<128xf32, #tpu.memory_space<vmem>>, vector<16xf32>,
    %broadcast_in_dim3A_63 = arith.constant 0.000000e+00 : f32
    %broadcast_in_dim3A_64 = vector.broadcast %broadcast_in_dim3A_63 : f32 to vector<16xf32>
    %swap3A_65 = arith.constant 80 : index
    %swap3A_66 = tpu.vector_load %arg7[%swap3A_65] {strides = array<i32>} : memref<128xf32, #tpu.memory_space<vmem>>, vector<16xf32>,
    %swap3A_67 = vector.shape_cast %swap3A_66 : vector<16xf32> to vector<16xf32>
    %swap3A_68 = vector.shape_cast %broadcast_in_dim3A_64 : vector<16xf32> to vector<16xf32>
    tpu.vector_store %arg7[%swap3A_65], %swap3A_68 {strides = array<i32>} : memref<128xf32, #tpu.memory_space<vmem>>, vector<16xf32>,
    %broadcast_in_dim3A_69 = arith.constant 0.000000e+00 : f32
    %broadcast_in_dim3A_70 = vector.broadcast %broadcast_in_dim3A_69 : f32 to vector<16xf32>
    %swap3A_71 = arith.constant 96 : index
    %swap3A_72 = tpu.vector_load %arg7[%swap3A_71] {strides = array<i32>} : memref<128xf32, #tpu.memory_space<vmem>>, vector<16xf32>,
    %swap3A_73 = vector.shape_cast %swap3A_72 : vector<16xf32> to vector<16xf32>
    %swap3A_74 = vector.shape_cast %broadcast_in_dim3A_70 : vector<16xf32> to vector<16xf32>
    tpu.vector_store %arg7[%swap3A_71], %swap3A_74 {strides = array<i32>} : memref<128xf32, #tpu.memory_space<vmem>>, vector<16xf32>,
    %broadcast_in_dim3A_75 = arith.constant 0.000000e+00 : f32
    %broadcast_in_dim3A_76 = vector.broadcast %broadcast_in_dim3A_75 : f32 to vector<16xf32>
    %swap3A_77 = arith.constant 112 : index
    %swap3A_78 = tpu.vector_load %arg7[%swap3A_77] {strides = array<i32>} : memref<128xf32, #tpu.memory_space<vmem>>, vector<16xf32>,
    %swap3A_79 = vector.shape_cast %swap3A_78 : vector<16xf32> to vector<16xf32>
    %swap3A_80 = vector.shape_cast %broadcast_in_dim3A_76 : vector<16xf32> to vector<16xf32>
    tpu.vector_store %arg7[%swap3A_77], %swap3A_80 {strides = array<i32>} : memref<128xf32, #tpu.memory_space<vmem>>, vector<16xf32>,
    %dma_start3A_81 = arith.constant 0 : i32
    %dma_start3A_82 = arith.constant 0 : i32
    %dma_start3A_83 = arith.constant 0 : i32
    %dma_start3A_84 = tpu.memref_slice %arg8[%dma_start3A_82, %dma_start3A_83] : memref<5x512xf32, #tpu.memory_space<vmem>> -> memref<1x512xf32, #tpu.memory_space<vmem>>
    %dma_start3A_85 = tpu.memref_squeeze %dma_start3A_84 : memref<1x512xf32, #tpu.memory_space<vmem>> -> memref<512xf32, #tpu.memory_space<vmem>>
    %dma_start3A_86 = arith.constant 0 : i32
    %dma_start3A_87 = tpu.memref_slice %arg6[%dma_start3A_81, %dma_start3A_86] : memref<50x512xi32, #tpu.memory_space<vmem>> -> memref<1x512xi32, #tpu.memory_space<vmem>>
    %dma_start3A_88 = tpu.memref_squeeze %dma_start3A_87 : memref<1x512xi32, #tpu.memory_space<vmem>> -> memref<512xi32, #tpu.memory_space<vmem>>
    %dma_start3A_89 = arith.constant 0 : i32
    %dma_start3A_90 = tpu.memref_slice %arg9[%dma_start3A_89] : memref<1015808xf32, #tpu.memory_space<vmem_shared>> -> memref<1015808xf32, #tpu.memory_space<vmem_shared>>
    tpu.enqueue_indirect_dma source(%dma_start3A_90 : memref<1015808xf32, #tpu.memory_space<vmem_shared>>) target(%dma_start3A_85 : memref<512xf32, #tpu.memory_space<vmem>>) offsets(%dma_start3A_88 : memref<512xi32, #tpu.memory_space<vmem>>) semaphore(%arg10 : memref<!tpu.dma_semaphore, #tpu.memory_space<semaphore_mem>>)
    %dma_start3A_91 = arith.constant 1 : i32
    %dma_start3A_92 = arith.constant 1 : i32
    %dma_start3A_93 = arith.constant 0 : i32
    %dma_start3A_94 = tpu.memref_slice %arg8[%dma_start3A_92, %dma_start3A_93] : memref<5x512xf32, #tpu.memory_space<vmem>> -> memref<1x512xf32, #tpu.memory_space<vmem>>
    %dma_start3A_95 = tpu.memref_squeeze %dma_start3A_94 : memref<1x512xf32, #tpu.memory_space<vmem>> -> memref<512xf32, #tpu.memory_space<vmem>>
    %dma_start3A_96 = arith.constant 0 : i32
    %dma_start3A_97 = tpu.memref_slice %arg6[%dma_start3A_91, %dma_start3A_96] : memref<50x512xi32, #tpu.memory_space<vmem>> -> memref<1x512xi32, #tpu.memory_space<vmem>>
    %dma_start3A_98 = tpu.memref_squeeze %dma_start3A_97 : memref<1x512xi32, #tpu.memory_space<vmem>> -> memref<512xi32, #tpu.memory_space<vmem>>
    %dma_start3A_99 = arith.constant 0 : i32
    %dma_start3A_100 = tpu.memref_slice %arg9[%dma_start3A_99] : memref<1015808xf32, #tpu.memory_space<vmem_shared>> -> memref<1015808xf32, #tpu.memory_space<vmem_shared>>
    tpu.enqueue_indirect_dma source(%dma_start3A_100 : memref<1015808xf32, #tpu.memory_space<vmem_shared>>) target(%dma_start3A_95 : memref<512xf32, #tpu.memory_space<vmem>>) offsets(%dma_start3A_98 : memref<512xi32, #tpu.memory_space<vmem>>) semaphore(%arg11 : memref<!tpu.dma_semaphore, #tpu.memory_space<semaphore_mem>>)
    %dma_start3A_101 = arith.constant 2 : i32
    %dma_start3A_102 = arith.constant 2 : i32
    %dma_start3A_103 = arith.constant 0 : i32
    %dma_start3A_104 = tpu.memref_slice %arg8[%dma_start3A_102, %dma_start3A_103] : memref<5x512xf32, #tpu.memory_space<vmem>> -> memref<1x512xf32, #tpu.memory_space<vmem>>
    %dma_start3A_105 = tpu.memref_squeeze %dma_start3A_104 : memref<1x512xf32, #tpu.memory_space<vmem>> -> memref<512xf32, #tpu.memory_space<vmem>>
    %dma_start3A_106 = arith.constant 0 : i32
    %dma_start3A_107 = tpu.memref_slice %arg6[%dma_start3A_101, %dma_start3A_106] : memref<50x512xi32, #tpu.memory_space<vmem>> -> memref<1x512xi32, #tpu.memory_space<vmem>>
    %dma_start3A_108 = tpu.memref_squeeze %dma_start3A_107 : memref<1x512xi32, #tpu.memory_space<vmem>> -> memref<512xi32, #tpu.memory_space<vmem>>
    %dma_start3A_109 = arith.constant 0 : i32
    %dma_start3A_110 = tpu.memref_slice %arg9[%dma_start3A_109] : memref<1015808xf32, #tpu.memory_space<vmem_shared>> -> memref<1015808xf32, #tpu.memory_space<vmem_shared>>
    tpu.enqueue_indirect_dma source(%dma_start3A_110 : memref<1015808xf32, #tpu.memory_space<vmem_shared>>) target(%dma_start3A_105 : memref<512xf32, #tpu.memory_space<vmem>>) offsets(%dma_start3A_108 : memref<512xi32, #tpu.memory_space<vmem>>) semaphore(%arg12 : memref<!tpu.dma_semaphore, #tpu.memory_space<semaphore_mem>>)
    %dma_start3A_111 = arith.constant 3 : i32
    %dma_start3A_112 = arith.constant 3 : i32
    %dma_start3A_113 = arith.constant 0 : i32
    %dma_start3A_114 = tpu.memref_slice %arg8[%dma_start3A_112, %dma_start3A_113] : memref<5x512xf32, #tpu.memory_space<vmem>> -> memref<1x512xf32, #tpu.memory_space<vmem>>
    %dma_start3A_115 = tpu.memref_squeeze %dma_start3A_114 : memref<1x512xf32, #tpu.memory_space<vmem>> -> memref<512xf32, #tpu.memory_space<vmem>>
    %dma_start3A_116 = arith.constant 0 : i32
    %dma_start3A_117 = tpu.memref_slice %arg6[%dma_start3A_111, %dma_start3A_116] : memref<50x512xi32, #tpu.memory_space<vmem>> -> memref<1x512xi32, #tpu.memory_space<vmem>>
    %dma_start3A_118 = tpu.memref_squeeze %dma_start3A_117 : memref<1x512xi32, #tpu.memory_space<vmem>> -> memref<512xi32, #tpu.memory_space<vmem>>
    %dma_start3A_119 = arith.constant 0 : i32
    %dma_start3A_120 = tpu.memref_slice %arg9[%dma_start3A_119] : memref<1015808xf32, #tpu.memory_space<vmem_shared>> -> memref<1015808xf32, #tpu.memory_space<vmem_shared>>
    tpu.enqueue_indirect_dma source(%dma_start3A_120 : memref<1015808xf32, #tpu.memory_space<vmem_shared>>) target(%dma_start3A_115 : memref<512xf32, #tpu.memory_space<vmem>>) offsets(%dma_start3A_118 : memref<512xi32, #tpu.memory_space<vmem>>) semaphore(%arg13 : memref<!tpu.dma_semaphore, #tpu.memory_space<semaphore_mem>>)
    %dma_start3A_121 = arith.constant 4 : i32
    %dma_start3A_122 = arith.constant 4 : i32
    %dma_start3A_123 = arith.constant 0 : i32
    %dma_start3A_124 = tpu.memref_slice %arg8[%dma_start3A_122, %dma_start3A_123] : memref<5x512xf32, #tpu.memory_space<vmem>> -> memref<1x512xf32, #tpu.memory_space<vmem>>
    %dma_start3A_125 = tpu.memref_squeeze %dma_start3A_124 : memref<1x512xf32, #tpu.memory_space<vmem>> -> memref<512xf32, #tpu.memory_space<vmem>>
    %dma_start3A_126 = arith.constant 0 : i32
    %dma_start3A_127 = tpu.memref_slice %arg6[%dma_start3A_121, %dma_start3A_126] : memref<50x512xi32, #tpu.memory_space<vmem>> -> memref<1x512xi32, #tpu.memory_space<vmem>>
    %dma_start3A_128 = tpu.memref_squeeze %dma_start3A_127 : memref<1x512xi32, #tpu.memory_space<vmem>> -> memref<512xi32, #tpu.memory_space<vmem>>
    %dma_start3A_129 = arith.constant 0 : i32
    %dma_start3A_130 = tpu.memref_slice %arg9[%dma_start3A_129] : memref<1015808xf32, #tpu.memory_space<vmem_shared>> -> memref<1015808xf32, #tpu.memory_space<vmem_shared>>
    tpu.enqueue_indirect_dma source(%dma_start3A_130 : memref<1015808xf32, #tpu.memory_space<vmem_shared>>) target(%dma_start3A_125 : memref<512xf32, #tpu.memory_space<vmem>>) offsets(%dma_start3A_128 : memref<512xi32, #tpu.memory_space<vmem>>) semaphore(%arg14 : memref<!tpu.dma_semaphore, #tpu.memory_space<semaphore_mem>>)
    %scan3A = arith.constant 0 : i32
    %scan3A_131 = arith.constant 9 : i32
    %scan3A_132 = arith.addi %scan3A, %scan3A_131 : i32
    %scan3A_133 = arith.constant 1 : i32
    scf.for %scan3A_1624 = %scan3A to %scan3A_132 step %scan3A_133  : i32 {
      %mul3A_1625 = arith.constant 5 : i32
      %mul3A_1626 = arith.muli %mul3A_1625, %scan3A_1624 : i32
      %add3A_1627 = arith.constant 0 : i32
      %add3A_1628 = arith.addi %mul3A_1626, %add3A_1627 : i32
      %dma_wait3A_1629 = arith.constant 0 : i32
      %dma_wait3A_1630 = arith.constant 0 : i32
      %dma_wait3A_1631 = arith.constant 0 : i32
      %dma_wait3A_1632 = tpu.memref_slice %arg8[%dma_wait3A_1630, %dma_wait3A_1631] : memref<5x512xf32, #tpu.memory_space<vmem>> -> memref<1x512xf32, #tpu.memory_space<vmem>>
      %dma_wait3A_1633 = tpu.memref_squeeze %dma_wait3A_1632 : memref<1x512xf32, #tpu.memory_space<vmem>> -> memref<512xf32, #tpu.memory_space<vmem>>
      %dma_wait3A_1634 = arith.constant 0 : i32
      %dma_wait3A_1635 = tpu.memref_slice %arg6[%dma_wait3A_1629, %dma_wait3A_1634] : memref<50x512xi32, #tpu.memory_space<vmem>> -> memref<1x512xi32, #tpu.memory_space<vmem>>
      %dma_wait3A_1636 = tpu.memref_squeeze %dma_wait3A_1635 : memref<1x512xi32, #tpu.memory_space<vmem>> -> memref<512xi32, #tpu.memory_space<vmem>>
      %dma_wait3A_1637 = arith.constant 0 : i32
      %dma_wait3A_1638 = tpu.memref_slice %arg9[%dma_wait3A_1637] : memref<1015808xf32, #tpu.memory_space<vmem_shared>> -> memref<1015808xf32, #tpu.memory_space<vmem_shared>>
      tpu.wait_indirect_dma semaphore(%arg10 : memref<!tpu.dma_semaphore, #tpu.memory_space<semaphore_mem>>) src(%dma_wait3A_1638 : memref<1015808xf32, #tpu.memory_space<vmem_shared>>) dst(%dma_wait3A_1633 : memref<512xf32, #tpu.memory_space<vmem>>)
      %get3A_1639 = arith.constant 0 : i32
      %get3A_1640 = arith.index_cast %get3A_1639 : i32 to index
      %get3A_1641 = arith.constant 0 : index
      %get3A_1642 = tpu.vector_load %arg8[%get3A_1640, %get3A_1641] {strides = array<i32>} : memref<5x512xf32, #tpu.memory_space<vmem>>, vector<1x16xf32>,
      %get3A_1643 = vector.shape_cast %get3A_1642 : vector<1x16xf32> to vector<16xf32>
      %swap3A_1644 = arith.constant 0 : index
      %swap3A_1645 = tpu.vector_load %arg7[%swap3A_1644] {strides = array<i32>} : memref<128xf32, #tpu.memory_space<vmem>>, vector<16xf32>,
      %swap3A_1646 = vector.shape_cast %swap3A_1645 : vector<16xf32> to vector<16xf32>
      %swap3A_1647 = vector.shape_cast %get3A_1643 : vector<16xf32> to vector<16xf32>
      tpu.vector_store %arg7[%swap3A_1644], %swap3A_1647 {add = true, strides = array<i32>} : memref<128xf32, #tpu.memory_space<vmem>>, vector<16xf32>,
      %get3A_1648 = arith.constant 0 : i32
      %get3A_1649 = arith.index_cast %get3A_1648 : i32 to index
      %get3A_1650 = arith.constant 16 : index
      %get3A_1651 = tpu.vector_load %arg8[%get3A_1649, %get3A_1650] {strides = array<i32>} : memref<5x512xf32, #tpu.memory_space<vmem>>, vector<1x16xf32>,
      %get3A_1652 = vector.shape_cast %get3A_1651 : vector<1x16xf32> to vector<16xf32>
      %swap3A_1653 = arith.constant 16 : index
      %swap3A_1654 = tpu.vector_load %arg7[%swap3A_1653] {strides = array<i32>} : memref<128xf32, #tpu.memory_space<vmem>>, vector<16xf32>,
      %swap3A_1655 = vector.shape_cast %swap3A_1654 : vector<16xf32> to vector<16xf32>
      %swap3A_1656 = vector.shape_cast %get3A_1652 : vector<16xf32> to vector<16xf32>
      tpu.vector_store %arg7[%swap3A_1653], %swap3A_1656 {add = true, strides = array<i32>} : memref<128xf32, #tpu.memory_space<vmem>>, vector<16xf32>,
      %get3A_1657 = arith.constant 0 : i32
      %get3A_1658 = arith.index_cast %get3A_1657 : i32 to index
      %get3A_1659 = arith.constant 32 : index
      %get3A_1660 = tpu.vector_load %arg8[%get3A_1658, %get3A_1659] {strides = array<i32>} : memref<5x512xf32, #tpu.memory_space<vmem>>, vector<1x16xf32>,
      %get3A_1661 = vector.shape_cast %get3A_1660 : vector<1x16xf32> to vector<16xf32>
      %swap3A_1662 = arith.constant 32 : index
      %swap3A_1663 = tpu.vector_load %arg7[%swap3A_1662] {strides = array<i32>} : memref<128xf32, #tpu.memory_space<vmem>>, vector<16xf32>,
      %swap3A_1664 = vector.shape_cast %swap3A_1663 : vector<16xf32> to vector<16xf32>
      %swap3A_1665 = vector.shape_cast %get3A_1661 : vector<16xf32> to vector<16xf32>
      tpu.vector_store %arg7[%swap3A_1662], %swap3A_1665 {add = true, strides = array<i32>} : memref<128xf32, #tpu.memory_space<vmem>>, vector<16xf32>,
      %get3A_1666 = arith.constant 0 : i32
      %get3A_1667 = arith.index_cast %get3A_1666 : i32 to index
      %get3A_1668 = arith.constant 48 : index
      %get3A_1669 = tpu.vector_load %arg8[%get3A_1667, %get3A_1668] {strides = array<i32>} : memref<5x512xf32, #tpu.memory_space<vmem>>, vector<1x16xf32>,
      %get3A_1670 = vector.shape_cast %get3A_1669 : vector<1x16xf32> to vector<16xf32>
      %swap3A_1671 = arith.constant 48 : index
      %swap3A_1672 = tpu.vector_load %arg7[%swap3A_1671] {strides = array<i32>} : memref<128xf32, #tpu.memory_space<vmem>>, vector<16xf32>,
      %swap3A_1673 = vector.shape_cast %swap3A_1672 : vector<16xf32> to vector<16xf32>
      %swap3A_1674 = vector.shape_cast %get3A_1670 : vector<16xf32> to vector<16xf32>
      tpu.vector_store %arg7[%swap3A_1671], %swap3A_1674 {add = true, strides = array<i32>} : memref<128xf32, #tpu.memory_space<vmem>>, vector<16xf32>,
      %get3A_1675 = arith.constant 0 : i32
      %get3A_1676 = arith.index_cast %get3A_1675 : i32 to index
      %get3A_1677 = arith.constant 64 : index
      %get3A_1678 = tpu.vector_load %arg8[%get3A_1676, %get3A_1677] {strides = array<i32>} : memref<5x512xf32, #tpu.memory_space<vmem>>, vector<1x16xf32>,
      %get3A_1679 = vector.shape_cast %get3A_1678 : vector<1x16xf32> to vector<16xf32>
      %swap3A_1680 = arith.constant 64 : index
      %swap3A_1681 = tpu.vector_load %arg7[%swap3A_1680] {strides = array<i32>} : memref<128xf32, #tpu.memory_space<vmem>>, vector<16xf32>,
      %swap3A_1682 = vector.shape_cast %swap3A_1681 : vector<16xf32> to vector<16xf32>
      %swap3A_1683 = vector.shape_cast %get3A_1679 : vector<16xf32> to vector<16xf32>
      tpu.vector_store %arg7[%swap3A_1680], %swap3A_1683 {add = true, strides = array<i32>} : memref<128xf32, #tpu.memory_space<vmem>>, vector<16xf32>,
      %get3A_1684 = arith.constant 0 : i32
      %get3A_1685 = arith.index_cast %get3A_1684 : i32 to index
      %get3A_1686 = arith.constant 80 : index
      %get3A_1687 = tpu.vector_load %arg8[%get3A_1685, %get3A_1686] {strides = array<i32>} : memref<5x512xf32, #tpu.memory_space<vmem>>, vector<1x16xf32>,
      %get3A_1688 = vector.shape_cast %get3A_1687 : vector<1x16xf32> to vector<16xf32>
      %swap3A_1689 = arith.constant 80 : index
      %swap3A_1690 = tpu.vector_load %arg7[%swap3A_1689] {strides = array<i32>} : memref<128xf32, #tpu.memory_space<vmem>>, vector<16xf32>,
      %swap3A_1691 = vector.shape_cast %swap3A_1690 : vector<16xf32> to vector<16xf32>
      %swap3A_1692 = vector.shape_cast %get3A_1688 : vector<16xf32> to vector<16xf32>
      tpu.vector_store %arg7[%swap3A_1689], %swap3A_1692 {add = true, strides = array<i32>} : memref<128xf32, #tpu.memory_space<vmem>>, vector<16xf32>,
      %get3A_1693 = arith.constant 0 : i32
      %get3A_1694 = arith.index_cast %get3A_1693 : i32 to index
      %get3A_1695 = arith.constant 96 : index
      %get3A_1696 = tpu.vector_load %arg8[%get3A_1694, %get3A_1695] {strides = array<i32>} : memref<5x512xf32, #tpu.memory_space<vmem>>, vector<1x16xf32>,
      %get3A_1697 = vector.shape_cast %get3A_1696 : vector<1x16xf32> to vector<16xf32>
      %swap3A_1698 = arith.constant 96 : index
      %swap3A_1699 = tpu.vector_load %arg7[%swap3A_1698] {strides = array<i32>} : memref<128xf32, #tpu.memory_space<vmem>>, vector<16xf32>,
      %swap3A_1700 = vector.shape_cast %swap3A_1699 : vector<16xf32> to vector<16xf32>
      %swap3A_1701 = vector.shape_cast %get3A_1697 : vector<16xf32> to vector<16xf32>
      tpu.vector_store %arg7[%swap3A_1698], %swap3A_1701 {add = true, strides = array<i32>} : memref<128xf32, #tpu.memory_space<vmem>>, vector<16xf32>,
      %get3A_1702 = arith.constant 0 : i32
      %get3A_1703 = arith.index_cast %get3A_1702 : i32 to index
      %get3A_1704 = arith.constant 112 : index
      %get3A_1705 = tpu.vector_load %arg8[%get3A_1703, %get3A_1704] {strides = array<i32>} : memref<5x512xf32, #tpu.memory_space<vmem>>, vector<1x16xf32>,
      %get3A_1706 = vector.shape_cast %get3A_1705 : vector<1x16xf32> to vector<16xf32>
      %swap3A_1707 = arith.constant 112 : index
      %swap3A_1708 = tpu.vector_load %arg7[%swap3A_1707] {strides = array<i32>} : memref<128xf32, #tpu.memory_space<vmem>>, vector<16xf32>,
      %swap3A_1709 = vector.shape_cast %swap3A_1708 : vector<16xf32> to vector<16xf32>
      %swap3A_1710 = vector.shape_cast %get3A_1706 : vector<16xf32> to vector<16xf32>
      tpu.vector_store %arg7[%swap3A_1707], %swap3A_1710 {add = true, strides = array<i32>} : memref<128xf32, #tpu.memory_space<vmem>>, vector<16xf32>,
      %get3A_1711 = arith.constant 0 : i32
      %get3A_1712 = arith.index_cast %get3A_1711 : i32 to index
      %get3A_1713 = arith.constant 128 : index
      %get3A_1714 = tpu.vector_load %arg8[%get3A_1712, %get3A_1713] {strides = array<i32>} : memref<5x512xf32, #tpu.memory_space<vmem>>, vector<1x16xf32>,
      %get3A_1715 = vector.shape_cast %get3A_1714 : vector<1x16xf32> to vector<16xf32>
      %swap3A_1716 = arith.constant 0 : index
      %swap3A_1717 = tpu.vector_load %arg7[%swap3A_1716] {strides = array<i32>} : memref<128xf32, #tpu.memory_space<vmem>>, vector<16xf32>,
      %swap3A_1718 = vector.shape_cast %swap3A_1717 : vector<16xf32> to vector<16xf32>
      %swap3A_1719 = vector.shape_cast %get3A_1715 : vector<16xf32> to vector<16xf32>
      tpu.vector_store %arg7[%swap3A_1716], %swap3A_1719 {add = true, strides = array<i32>} : memref<128xf32, #tpu.memory_space<vmem>>, vector<16xf32>,
      %get3A_1720 = arith.constant 0 : i32
      %get3A_1721 = arith.index_cast %get3A_1720 : i32 to index
      %get3A_1722 = arith.constant 144 : index
      %get3A_1723 = tpu.vector_load %arg8[%get3A_1721, %get3A_1722] {strides = array<i32>} : memref<5x512xf32, #tpu.memory_space<vmem>>, vector<1x16xf32>,
      %get3A_1724 = vector.shape_cast %get3A_1723 : vector<1x16xf32> to vector<16xf32>
      %swap3A_1725 = arith.constant 16 : index
      %swap3A_1726 = tpu.vector_load %arg7[%swap3A_1725] {strides = array<i32>} : memref<128xf32, #tpu.memory_space<vmem>>, vector<16xf32>,
      %swap3A_1727 = vector.shape_cast %swap3A_1726 : vector<16xf32> to vector<16xf32>
      %swap3A_1728 = vector.shape_cast %get3A_1724 : vector<16xf32> to vector<16xf32>
      tpu.vector_store %arg7[%swap3A_1725], %swap3A_1728 {add = true, strides = array<i32>} : memref<128xf32, #tpu.memory_space<vmem>>, vector<16xf32>,
      %get3A_1729 = arith.constant 0 : i32
      %get3A_1730 = arith.index_cast %get3A_1729 : i32 to index
      %get3A_1731 = arith.constant 160 : index
      %get3A_1732 = tpu.vector_load %arg8[%get3A_1730, %get3A_1731] {strides = array<i32>} : memref<5x512xf32, #tpu.memory_space<vmem>>, vector<1x16xf32>,
      %get3A_1733 = vector.shape_cast %get3A_1732 : vector<1x16xf32> to vector<16xf32>
      %swap3A_1734 = arith.constant 32 : index
      %swap3A_1735 = tpu.vector_load %arg7[%swap3A_1734] {strides = array<i32>} : memref<128xf32, #tpu.memory_space<vmem>>, vector<16xf32>,
      %swap3A_1736 = vector.shape_cast %swap3A_1735 : vector<16xf32> to vector<16xf32>
      %swap3A_1737 = vector.shape_cast %get3A_1733 : vector<16xf32> to vector<16xf32>
      tpu.vector_store %arg7[%swap3A_1734], %swap3A_1737 {add = true, strides = array<i32>} : memref<128xf32, #tpu.memory_space<vmem>>, vector<16xf32>,
      %get3A_1738 = arith.constant 0 : i32
      %get3A_1739 = arith.index_cast %get3A_1738 : i32 to index
      %get3A_1740 = arith.constant 176 : index
      %get3A_1741 = tpu.vector_load %arg8[%get3A_1739, %get3A_1740] {strides = array<i32>} : memref<5x512xf32, #tpu.memory_space<vmem>>, vector<1x16xf32>,
      %get3A_1742 = vector.shape_cast %get3A_1741 : vector<1x16xf32> to vector<16xf32>
      %swap3A_1743 = arith.constant 48 : index
      %swap3A_1744 = tpu.vector_load %arg7[%swap3A_1743] {strides = array<i32>} : memref<128xf32, #tpu.memory_space<vmem>>, vector<16xf32>,
      %swap3A_1745 = vector.shape_cast %swap3A_1744 : vector<16xf32> to vector<16xf32>
      %swap3A_1746 = vector.shape_cast %get3A_1742 : vector<16xf32> to vector<16xf32>
      tpu.vector_store %arg7[%swap3A_1743], %swap3A_1746 {add = true, strides = array<i32>} : memref<128xf32, #tpu.memory_space<vmem>>, vector<16xf32>,
      %get3A_1747 = arith.constant 0 : i32
      %get3A_1748 = arith.index_cast %get3A_1747 : i32 to index
      %get3A_1749 = arith.constant 192 : index
      %get3A_1750 = tpu.vector_load %arg8[%get3A_1748, %get3A_1749] {strides = array<i32>} : memref<5x512xf32, #tpu.memory_space<vmem>>, vector<1x16xf32>,
      %get3A_1751 = vector.shape_cast %get3A_1750 : vector<1x16xf32> to vector<16xf32>
      %swap3A_1752 = arith.constant 64 : index
      %swap3A_1753 = tpu.vector_load %arg7[%swap3A_1752] {strides = array<i32>} : memref<128xf32, #tpu.memory_space<vmem>>, vector<16xf32>,
      %swap3A_1754 = vector.shape_cast %swap3A_1753 : vector<16xf32> to vector<16xf32>
      %swap3A_1755 = vector.shape_cast %get3A_1751 : vector<16xf32> to vector<16xf32>
      tpu.vector_store %arg7[%swap3A_1752], %swap3A_1755 {add = true, strides = array<i32>} : memref<128xf32, #tpu.memory_space<vmem>>, vector<16xf32>,
      %get3A_1756 = arith.constant 0 : i32
      %get3A_1757 = arith.index_cast %get3A_1756 : i32 to index
      %get3A_1758 = arith.constant 208 : index
      %get3A_1759 = tpu.vector_load %arg8[%get3A_1757, %get3A_1758] {strides = array<i32>} : memref<5x512xf32, #tpu.memory_space<vmem>>, vector<1x16xf32>,
      %get3A_1760 = vector.shape_cast %get3A_1759 : vector<1x16xf32> to vector<16xf32>
      %swap3A_1761 = arith.constant 80 : index
      %swap3A_1762 = tpu.vector_load %arg7[%swap3A_1761] {strides = array<i32>} : memref<128xf32, #tpu.memory_space<vmem>>, vector<16xf32>,
      %swap3A_1763 = vector.shape_cast %swap3A_1762 : vector<16xf32> to vector<16xf32>
      %swap3A_1764 = vector.shape_cast %get3A_1760 : vector<16xf32> to vector<16xf32>
      tpu.vector_store %arg7[%swap3A_1761], %swap3A_1764 {add = true, strides = array<i32>} : memref<128xf32, #tpu.memory_space<vmem>>, vector<16xf32>,
      %get3A_1765 = arith.constant 0 : i32
      %get3A_1766 = arith.index_cast %get3A_1765 : i32 to index
      %get3A_1767 = arith.constant 224 : index
      %get3A_1768 = tpu.vector_load %arg8[%get3A_1766, %get3A_1767] {strides = array<i32>} : memref<5x512xf32, #tpu.memory_space<vmem>>, vector<1x16xf32>,
      %get3A_1769 = vector.shape_cast %get3A_1768 : vector<1x16xf32> to vector<16xf32>
      %swap3A_1770 = arith.constant 96 : index
      %swap3A_1771 = tpu.vector_load %arg7[%swap3A_1770] {strides = array<i32>} : memref<128xf32, #tpu.memory_space<vmem>>, vector<16xf32>,
      %swap3A_1772 = vector.shape_cast %swap3A_1771 : vector<16xf32> to vector<16xf32>
      %swap3A_1773 = vector.shape_cast %get3A_1769 : vector<16xf32> to vector<16xf32>
      tpu.vector_store %arg7[%swap3A_1770], %swap3A_1773 {add = true, strides = array<i32>} : memref<128xf32, #tpu.memory_space<vmem>>, vector<16xf32>,
      %get3A_1774 = arith.constant 0 : i32
      %get3A_1775 = arith.index_cast %get3A_1774 : i32 to index
      %get3A_1776 = arith.constant 240 : index
      %get3A_1777 = tpu.vector_load %arg8[%get3A_1775, %get3A_1776] {strides = array<i32>} : memref<5x512xf32, #tpu.memory_space<vmem>>, vector<1x16xf32>,
      %get3A_1778 = vector.shape_cast %get3A_1777 : vector<1x16xf32> to vector<16xf32>
      %swap3A_1779 = arith.constant 112 : index
      %swap3A_1780 = tpu.vector_load %arg7[%swap3A_1779] {strides = array<i32>} : memref<128xf32, #tpu.memory_space<vmem>>, vector<16xf32>,
      %swap3A_1781 = vector.shape_cast %swap3A_1780 : vector<16xf32> to vector<16xf32>
      %swap3A_1782 = vector.shape_cast %get3A_1778 : vector<16xf32> to vector<16xf32>
      tpu.vector_store %arg7[%swap3A_1779], %swap3A_1782 {add = true, strides = array<i32>} : memref<128xf32, #tpu.memory_space<vmem>>, vector<16xf32>,
      %get3A_1783 = arith.constant 0 : i32
      %get3A_1784 = arith.index_cast %get3A_1783 : i32 to index
      %get3A_1785 = arith.constant 256 : index
      %get3A_1786 = tpu.vector_load %arg8[%get3A_1784, %get3A_1785] {strides = array<i32>} : memref<5x512xf32, #tpu.memory_space<vmem>>, vector<1x16xf32>,
      %get3A_1787 = vector.shape_cast %get3A_1786 : vector<1x16xf32> to vector<16xf32>
      %swap3A_1788 = arith.constant 0 : index
      %swap3A_1789 = tpu.vector_load %arg7[%swap3A_1788] {strides = array<i32>} : memref<128xf32, #tpu.memory_space<vmem>>, vector<16xf32>,
      %swap3A_1790 = vector.shape_cast %swap3A_1789 : vector<16xf32> to vector<16xf32>
      %swap3A_1791 = vector.shape_cast %get3A_1787 : vector<16xf32> to vector<16xf32>
      tpu.vector_store %arg7[%swap3A_1788], %swap3A_1791 {add = true, strides = array<i32>} : memref<128xf32, #tpu.memory_space<vmem>>, vector<16xf32>,
      %get3A_1792 = arith.constant 0 : i32
      %get3A_1793 = arith.index_cast %get3A_1792 : i32 to index
      %get3A_1794 = arith.constant 272 : index
      %get3A_1795 = tpu.vector_load %arg8[%get3A_1793, %get3A_1794] {strides = array<i32>} : memref<5x512xf32, #tpu.memory_space<vmem>>, vector<1x16xf32>,
      %get3A_1796 = vector.shape_cast %get3A_1795 : vector<1x16xf32> to vector<16xf32>
      %swap3A_1797 = arith.constant 16 : index
      %swap3A_1798 = tpu.vector_load %arg7[%swap3A_1797] {strides = array<i32>} : memref<128xf32, #tpu.memory_space<vmem>>, vector<16xf32>,
      %swap3A_1799 = vector.shape_cast %swap3A_1798 : vector<16xf32> to vector<16xf32>
      %swap3A_1800 = vector.shape_cast %get3A_1796 : vector<16xf32> to vector<16xf32>
      tpu.vector_store %arg7[%swap3A_1797], %swap3A_1800 {add = true, strides = array<i32>} : memref<128xf32, #tpu.memory_space<vmem>>, vector<16xf32>,
      %get3A_1801 = arith.constant 0 : i32
      %get3A_1802 = arith.index_cast %get3A_1801 : i32 to index
      %get3A_1803 = arith.constant 288 : index
      %get3A_1804 = tpu.vector_load %arg8[%get3A_1802, %get3A_1803] {strides = array<i32>} : memref<5x512xf32, #tpu.memory_space<vmem>>, vector<1x16xf32>,
      %get3A_1805 = vector.shape_cast %get3A_1804 : vector<1x16xf32> to vector<16xf32>
      %swap3A_1806 = arith.constant 32 : index
      %swap3A_1807 = tpu.vector_load %arg7[%swap3A_1806] {strides = array<i32>} : memref<128xf32, #tpu.memory_space<vmem>>, vector<16xf32>,
      %swap3A_1808 = vector.shape_cast %swap3A_1807 : vector<16xf32> to vector<16xf32>
      %swap3A_1809 = vector.shape_cast %get3A_1805 : vector<16xf32> to vector<16xf32>
      tpu.vector_store %arg7[%swap3A_1806], %swap3A_1809 {add = true, strides = array<i32>} : memref<128xf32, #tpu.memory_space<vmem>>, vector<16xf32>,
      %get3A_1810 = arith.constant 0 : i32
      %get3A_1811 = arith.index_cast %get3A_1810 : i32 to index
      %get3A_1812 = arith.constant 304 : index
      %get3A_1813 = tpu.vector_load %arg8[%get3A_1811, %get3A_1812] {strides = array<i32>} : memref<5x512xf32, #tpu.memory_space<vmem>>, vector<1x16xf32>,
      %get3A_1814 = vector.shape_cast %get3A_1813 : vector<1x16xf32> to vector<16xf32>
      %swap3A_1815 = arith.constant 48 : index
      %swap3A_1816 = tpu.vector_load %arg7[%swap3A_1815] {strides = array<i32>} : memref<128xf32, #tpu.memory_space<vmem>>, vector<16xf32>,
      %swap3A_1817 = vector.shape_cast %swap3A_1816 : vector<16xf32> to vector<16xf32>
      %swap3A_1818 = vector.shape_cast %get3A_1814 : vector<16xf32> to vector<16xf32>
      tpu.vector_store %arg7[%swap3A_1815], %swap3A_1818 {add = true, strides = array<i32>} : memref<128xf32, #tpu.memory_space<vmem>>, vector<16xf32>,
      %get3A_1819 = arith.constant 0 : i32
      %get3A_1820 = arith.index_cast %get3A_1819 : i32 to index
      %get3A_1821 = arith.constant 320 : index
      %get3A_1822 = tpu.vector_load %arg8[%get3A_1820, %get3A_1821] {strides = array<i32>} : memref<5x512xf32, #tpu.memory_space<vmem>>, vector<1x16xf32>,
      %get3A_1823 = vector.shape_cast %get3A_1822 : vector<1x16xf32> to vector<16xf32>
      %swap3A_1824 = arith.constant 64 : index
      %swap3A_1825 = tpu.vector_load %arg7[%swap3A_1824] {strides = array<i32>} : memref<128xf32, #tpu.memory_space<vmem>>, vector<16xf32>,
      %swap3A_1826 = vector.shape_cast %swap3A_1825 : vector<16xf32> to vector<16xf32>
      %swap3A_1827 = vector.shape_cast %get3A_1823 : vector<16xf32> to vector<16xf32>
      tpu.vector_store %arg7[%swap3A_1824], %swap3A_1827 {add = true, strides = array<i32>} : memref<128xf32, #tpu.memory_space<vmem>>, vector<16xf32>,
      %get3A_1828 = arith.constant 0 : i32
      %get3A_1829 = arith.index_cast %get3A_1828 : i32 to index
      %get3A_1830 = arith.constant 336 : index
      %get3A_1831 = tpu.vector_load %arg8[%get3A_1829, %get3A_1830] {strides = array<i32>} : memref<5x512xf32, #tpu.memory_space<vmem>>, vector<1x16xf32>,
      %get3A_1832 = vector.shape_cast %get3A_1831 : vector<1x16xf32> to vector<16xf32>
      %swap3A_1833 = arith.constant 80 : index
      %swap3A_1834 = tpu.vector_load %arg7[%swap3A_1833] {strides = array<i32>} : memref<128xf32, #tpu.memory_space<vmem>>, vector<16xf32>,
      %swap3A_1835 = vector.shape_cast %swap3A_1834 : vector<16xf32> to vector<16xf32>
      %swap3A_1836 = vector.shape_cast %get3A_1832 : vector<16xf32> to vector<16xf32>
      tpu.vector_store %arg7[%swap3A_1833], %swap3A_1836 {add = true, strides = array<i32>} : memref<128xf32, #tpu.memory_space<vmem>>, vector<16xf32>,
      %get3A_1837 = arith.constant 0 : i32
      %get3A_1838 = arith.index_cast %get3A_1837 : i32 to index
      %get3A_1839 = arith.constant 352 : index
      %get3A_1840 = tpu.vector_load %arg8[%get3A_1838, %get3A_1839] {strides = array<i32>} : memref<5x512xf32, #tpu.memory_space<vmem>>, vector<1x16xf32>,
      %get3A_1841 = vector.shape_cast %get3A_1840 : vector<1x16xf32> to vector<16xf32>
      %swap3A_1842 = arith.constant 96 : index
      %swap3A_1843 = tpu.vector_load %arg7[%swap3A_1842] {strides = array<i32>} : memref<128xf32, #tpu.memory_space<vmem>>, vector<16xf32>,
      %swap3A_1844 = vector.shape_cast %swap3A_1843 : vector<16xf32> to vector<16xf32>
      %swap3A_1845 = vector.shape_cast %get3A_1841 : vector<16xf32> to vector<16xf32>
      tpu.vector_store %arg7[%swap3A_1842], %swap3A_1845 {add = true, strides = array<i32>} : memref<128xf32, #tpu.memory_space<vmem>>, vector<16xf32>,
      %get3A_1846 = arith.constant 0 : i32
      %get3A_1847 = arith.index_cast %get3A_1846 : i32 to index
      %get3A_1848 = arith.constant 368 : index
      %get3A_1849 = tpu.vector_load %arg8[%get3A_1847, %get3A_1848] {strides = array<i32>} : memref<5x512xf32, #tpu.memory_space<vmem>>, vector<1x16xf32>,
      %get3A_1850 = vector.shape_cast %get3A_1849 : vector<1x16xf32> to vector<16xf32>
      %swap3A_1851 = arith.constant 112 : index
      %swap3A_1852 = tpu.vector_load %arg7[%swap3A_1851] {strides = array<i32>} : memref<128xf32, #tpu.memory_space<vmem>>, vector<16xf32>,
      %swap3A_1853 = vector.shape_cast %swap3A_1852 : vector<16xf32> to vector<16xf32>
      %swap3A_1854 = vector.shape_cast %get3A_1850 : vector<16xf32> to vector<16xf32>
      tpu.vector_store %arg7[%swap3A_1851], %swap3A_1854 {add = true, strides = array<i32>} : memref<128xf32, #tpu.memory_space<vmem>>, vector<16xf32>,
      %get3A_1855 = arith.constant 0 : i32
      %get3A_1856 = arith.index_cast %get3A_1855 : i32 to index
      %get3A_1857 = arith.constant 384 : index
      %get3A_1858 = tpu.vector_load %arg8[%get3A_1856, %get3A_1857] {strides = array<i32>} : memref<5x512xf32, #tpu.memory_space<vmem>>, vector<1x16xf32>,
      %get3A_1859 = vector.shape_cast %get3A_1858 : vector<1x16xf32> to vector<16xf32>
      %swap3A_1860 = arith.constant 0 : index
      %swap3A_1861 = tpu.vector_load %arg7[%swap3A_1860] {strides = array<i32>} : memref<128xf32, #tpu.memory_space<vmem>>, vector<16xf32>,
      %swap3A_1862 = vector.shape_cast %swap3A_1861 : vector<16xf32> to vector<16xf32>
      %swap3A_1863 = vector.shape_cast %get3A_1859 : vector<16xf32> to vector<16xf32>
      tpu.vector_store %arg7[%swap3A_1860], %swap3A_1863 {add = true, strides = array<i32>} : memref<128xf32, #tpu.memory_space<vmem>>, vector<16xf32>,
      %get3A_1864 = arith.constant 0 : i32
      %get3A_1865 = arith.index_cast %get3A_1864 : i32 to index
      %get3A_1866 = arith.constant 400 : index
      %get3A_1867 = tpu.vector_load %arg8[%get3A_1865, %get3A_1866] {strides = array<i32>} : memref<5x512xf32, #tpu.memory_space<vmem>>, vector<1x16xf32>,
      %get3A_1868 = vector.shape_cast %get3A_1867 : vector<1x16xf32> to vector<16xf32>
      %swap3A_1869 = arith.constant 16 : index
      %swap3A_1870 = tpu.vector_load %arg7[%swap3A_1869] {strides = array<i32>} : memref<128xf32, #tpu.memory_space<vmem>>, vector<16xf32>,
      %swap3A_1871 = vector.shape_cast %swap3A_1870 : vector<16xf32> to vector<16xf32>
      %swap3A_1872 = vector.shape_cast %get3A_1868 : vector<16xf32> to vector<16xf32>
      tpu.vector_store %arg7[%swap3A_1869], %swap3A_1872 {add = true, strides = array<i32>} : memref<128xf32, #tpu.memory_space<vmem>>, vector<16xf32>,
      %get3A_1873 = arith.constant 0 : i32
      %get3A_1874 = arith.index_cast %get3A_1873 : i32 to index
      %get3A_1875 = arith.constant 416 : index
      %get3A_1876 = tpu.vector_load %arg8[%get3A_1874, %get3A_1875] {strides = array<i32>} : memref<5x512xf32, #tpu.memory_space<vmem>>, vector<1x16xf32>,
      %get3A_1877 = vector.shape_cast %get3A_1876 : vector<1x16xf32> to vector<16xf32>
      %swap3A_1878 = arith.constant 32 : index
      %swap3A_1879 = tpu.vector_load %arg7[%swap3A_1878] {strides = array<i32>} : memref<128xf32, #tpu.memory_space<vmem>>, vector<16xf32>,
      %swap3A_1880 = vector.shape_cast %swap3A_1879 : vector<16xf32> to vector<16xf32>
      %swap3A_1881 = vector.shape_cast %get3A_1877 : vector<16xf32> to vector<16xf32>
      tpu.vector_store %arg7[%swap3A_1878], %swap3A_1881 {add = true, strides = array<i32>} : memref<128xf32, #tpu.memory_space<vmem>>, vector<16xf32>,
      %get3A_1882 = arith.constant 0 : i32
      %get3A_1883 = arith.index_cast %get3A_1882 : i32 to index
      %get3A_1884 = arith.constant 432 : index
      %get3A_1885 = tpu.vector_load %arg8[%get3A_1883, %get3A_1884] {strides = array<i32>} : memref<5x512xf32, #tpu.memory_space<vmem>>, vector<1x16xf32>,
      %get3A_1886 = vector.shape_cast %get3A_1885 : vector<1x16xf32> to vector<16xf32>
      %swap3A_1887 = arith.constant 48 : index
      %swap3A_1888 = tpu.vector_load %arg7[%swap3A_1887] {strides = array<i32>} : memref<128xf32, #tpu.memory_space<vmem>>, vector<16xf32>,
      %swap3A_1889 = vector.shape_cast %swap3A_1888 : vector<16xf32> to vector<16xf32>
      %swap3A_1890 = vector.shape_cast %get3A_1886 : vector<16xf32> to vector<16xf32>
      tpu.vector_store %arg7[%swap3A_1887], %swap3A_1890 {add = true, strides = array<i32>} : memref<128xf32, #tpu.memory_space<vmem>>, vector<16xf32>,
      %get3A_1891 = arith.constant 0 : i32
      %get3A_1892 = arith.index_cast %get3A_1891 : i32 to index
      %get3A_1893 = arith.constant 448 : index
      %get3A_1894 = tpu.vector_load %arg8[%get3A_1892, %get3A_1893] {strides = array<i32>} : memref<5x512xf32, #tpu.memory_space<vmem>>, vector<1x16xf32>,
      %get3A_1895 = vector.shape_cast %get3A_1894 : vector<1x16xf32> to vector<16xf32>
      %swap3A_1896 = arith.constant 64 : index
      %swap3A_1897 = tpu.vector_load %arg7[%swap3A_1896] {strides = array<i32>} : memref<128xf32, #tpu.memory_space<vmem>>, vector<16xf32>,
      %swap3A_1898 = vector.shape_cast %swap3A_1897 : vector<16xf32> to vector<16xf32>
      %swap3A_1899 = vector.shape_cast %get3A_1895 : vector<16xf32> to vector<16xf32>
      tpu.vector_store %arg7[%swap3A_1896], %swap3A_1899 {add = true, strides = array<i32>} : memref<128xf32, #tpu.memory_space<vmem>>, vector<16xf32>,
      %get3A_1900 = arith.constant 0 : i32
      %get3A_1901 = arith.index_cast %get3A_1900 : i32 to index
      %get3A_1902 = arith.constant 464 : index
      %get3A_1903 = tpu.vector_load %arg8[%get3A_1901, %get3A_1902] {strides = array<i32>} : memref<5x512xf32, #tpu.memory_space<vmem>>, vector<1x16xf32>,
      %get3A_1904 = vector.shape_cast %get3A_1903 : vector<1x16xf32> to vector<16xf32>
      %swap3A_1905 = arith.constant 80 : index
      %swap3A_1906 = tpu.vector_load %arg7[%swap3A_1905] {strides = array<i32>} : memref<128xf32, #tpu.memory_space<vmem>>, vector<16xf32>,
      %swap3A_1907 = vector.shape_cast %swap3A_1906 : vector<16xf32> to vector<16xf32>
      %swap3A_1908 = vector.shape_cast %get3A_1904 : vector<16xf32> to vector<16xf32>
      tpu.vector_store %arg7[%swap3A_1905], %swap3A_1908 {add = true, strides = array<i32>} : memref<128xf32, #tpu.memory_space<vmem>>, vector<16xf32>,
      %get3A_1909 = arith.constant 0 : i32
      %get3A_1910 = arith.index_cast %get3A_1909 : i32 to index
      %get3A_1911 = arith.constant 480 : index
      %get3A_1912 = tpu.vector_load %arg8[%get3A_1910, %get3A_1911] {strides = array<i32>} : memref<5x512xf32, #tpu.memory_space<vmem>>, vector<1x16xf32>,
      %get3A_1913 = vector.shape_cast %get3A_1912 : vector<1x16xf32> to vector<16xf32>
      %swap3A_1914 = arith.constant 96 : index
      %swap3A_1915 = tpu.vector_load %arg7[%swap3A_1914] {strides = array<i32>} : memref<128xf32, #tpu.memory_space<vmem>>, vector<16xf32>,
      %swap3A_1916 = vector.shape_cast %swap3A_1915 : vector<16xf32> to vector<16xf32>
      %swap3A_1917 = vector.shape_cast %get3A_1913 : vector<16xf32> to vector<16xf32>
      tpu.vector_store %arg7[%swap3A_1914], %swap3A_1917 {add = true, strides = array<i32>} : memref<128xf32, #tpu.memory_space<vmem>>, vector<16xf32>,
      %get3A_1918 = arith.constant 0 : i32
      %get3A_1919 = arith.index_cast %get3A_1918 : i32 to index
      %get3A_1920 = arith.constant 496 : index
      %get3A_1921 = tpu.vector_load %arg8[%get3A_1919, %get3A_1920] {strides = array<i32>} : memref<5x512xf32, #tpu.memory_space<vmem>>, vector<1x16xf32>,
      %get3A_1922 = vector.shape_cast %get3A_1921 : vector<1x16xf32> to vector<16xf32>
      %swap3A_1923 = arith.constant 112 : index
      %swap3A_1924 = tpu.vector_load %arg7[%swap3A_1923] {strides = array<i32>} : memref<128xf32, #tpu.memory_space<vmem>>, vector<16xf32>,
      %swap3A_1925 = vector.shape_cast %swap3A_1924 : vector<16xf32> to vector<16xf32>
      %swap3A_1926 = vector.shape_cast %get3A_1922 : vector<16xf32> to vector<16xf32>
      tpu.vector_store %arg7[%swap3A_1923], %swap3A_1926 {add = true, strides = array<i32>} : memref<128xf32, #tpu.memory_space<vmem>>, vector<16xf32>,
      %add3A_1927 = arith.constant 5 : i32
      %add3A_1928 = arith.addi %add3A_1628, %add3A_1927 : i32
      %le3A = arith.constant 49 : i32
      %le3A_1929 = arith.cmpi sle, %add3A_1928, %le3A : i32
      %convert_element_type3A = arith.extui %le3A_1929 : i1 to i32
      %cond3A = arith.constant 0 : i32
      %cond3A_1930 = arith.cmpi ne, %convert_element_type3A, %cond3A : i32
      scf.if %cond3A_1930 {
        %add3A_3167 = arith.constant 5 : i32
        %add3A_3168 = arith.addi %add3A_1628, %add3A_3167 : i32
        %dma_start3A_3169 = arith.constant 0 : i32
        %dma_start3A_3170 = arith.constant 0 : i32
        %dma_start3A_3171 = tpu.memref_slice %arg8[%dma_start3A_3169, %dma_start3A_3170] : memref<5x512xf32, #tpu.memory_space<vmem>> -> memref<1x512xf32, #tpu.memory_space<vmem>>
        %dma_start3A_3172 = tpu.memref_squeeze %dma_start3A_3171 : memref<1x512xf32, #tpu.memory_space<vmem>> -> memref<512xf32, #tpu.memory_space<vmem>>
        %dma_start3A_3173 = arith.constant 0 : i32
        %dma_start3A_3174 = tpu.memref_slice %arg6[%add3A_3168, %dma_start3A_3173] : memref<50x512xi32, #tpu.memory_space<vmem>> -> memref<1x512xi32, #tpu.memory_space<vmem>>
        %dma_start3A_3175 = tpu.memref_squeeze %dma_start3A_3174 : memref<1x512xi32, #tpu.memory_space<vmem>> -> memref<512xi32, #tpu.memory_space<vmem>>
        %dma_start3A_3176 = arith.constant 0 : i32
        %dma_start3A_3177 = tpu.memref_slice %arg9[%dma_start3A_3176] : memref<1015808xf32, #tpu.memory_space<vmem_shared>> -> memref<1015808xf32, #tpu.memory_space<vmem_shared>>
        tpu.enqueue_indirect_dma source(%dma_start3A_3177 : memref<1015808xf32, #tpu.memory_space<vmem_shared>>) target(%dma_start3A_3172 : memref<512xf32, #tpu.memory_space<vmem>>) offsets(%dma_start3A_3175 : memref<512xi32, #tpu.memory_space<vmem>>) semaphore(%arg10 : memref<!tpu.dma_semaphore, #tpu.memory_space<semaphore_mem>>)
      } else {
      }
      %mul3A_1931 = arith.constant 5 : i32
      %mul3A_1932 = arith.muli %mul3A_1931, %scan3A_1624 : i32
      %add3A_1933 = arith.constant 1 : i32
      %add3A_1934 = arith.addi %mul3A_1932, %add3A_1933 : i32
      %dma_wait3A_1935 = arith.constant 0 : i32
      %dma_wait3A_1936 = arith.constant 1 : i32
      %dma_wait3A_1937 = arith.constant 0 : i32
      %dma_wait3A_1938 = tpu.memref_slice %arg8[%dma_wait3A_1936, %dma_wait3A_1937] : memref<5x512xf32, #tpu.memory_space<vmem>> -> memref<1x512xf32, #tpu.memory_space<vmem>>
      %dma_wait3A_1939 = tpu.memref_squeeze %dma_wait3A_1938 : memref<1x512xf32, #tpu.memory_space<vmem>> -> memref<512xf32, #tpu.memory_space<vmem>>
      %dma_wait3A_1940 = arith.constant 0 : i32
      %dma_wait3A_1941 = tpu.memref_slice %arg6[%dma_wait3A_1935, %dma_wait3A_1940] : memref<50x512xi32, #tpu.memory_space<vmem>> -> memref<1x512xi32, #tpu.memory_space<vmem>>
      %dma_wait3A_1942 = tpu.memref_squeeze %dma_wait3A_1941 : memref<1x512xi32, #tpu.memory_space<vmem>> -> memref<512xi32, #tpu.memory_space<vmem>>
      %dma_wait3A_1943 = arith.constant 0 : i32
      %dma_wait3A_1944 = tpu.memref_slice %arg9[%dma_wait3A_1943] : memref<1015808xf32, #tpu.memory_space<vmem_shared>> -> memref<1015808xf32, #tpu.memory_space<vmem_shared>>
      tpu.wait_indirect_dma semaphore(%arg11 : memref<!tpu.dma_semaphore, #tpu.memory_space<semaphore_mem>>) src(%dma_wait3A_1944 : memref<1015808xf32, #tpu.memory_space<vmem_shared>>) dst(%dma_wait3A_1939 : memref<512xf32, #tpu.memory_space<vmem>>)
      %get3A_1945 = arith.constant 1 : i32
      %get3A_1946 = arith.index_cast %get3A_1945 : i32 to index
      %get3A_1947 = arith.constant 0 : index
      %get3A_1948 = tpu.vector_load %arg8[%get3A_1946, %get3A_1947] {strides = array<i32>} : memref<5x512xf32, #tpu.memory_space<vmem>>, vector<1x16xf32>,
      %get3A_1949 = vector.shape_cast %get3A_1948 : vector<1x16xf32> to vector<16xf32>
      %swap3A_1950 = arith.constant 0 : index
      %swap3A_1951 = tpu.vector_load %arg7[%swap3A_1950] {strides = array<i32>} : memref<128xf32, #tpu.memory_space<vmem>>, vector<16xf32>,
      %swap3A_1952 = vector.shape_cast %swap3A_1951 : vector<16xf32> to vector<16xf32>
      %swap3A_1953 = vector.shape_cast %get3A_1949 : vector<16xf32> to vector<16xf32>
      tpu.vector_store %arg7[%swap3A_1950], %swap3A_1953 {add = true, strides = array<i32>} : memref<128xf32, #tpu.memory_space<vmem>>, vector<16xf32>,
      %get3A_1954 = arith.constant 1 : i32
      %get3A_1955 = arith.index_cast %get3A_1954 : i32 to index
      %get3A_1956 = arith.constant 16 : index
      %get3A_1957 = tpu.vector_load %arg8[%get3A_1955, %get3A_1956] {strides = array<i32>} : memref<5x512xf32, #tpu.memory_space<vmem>>, vector<1x16xf32>,
      %get3A_1958 = vector.shape_cast %get3A_1957 : vector<1x16xf32> to vector<16xf32>
      %swap3A_1959 = arith.constant 16 : index
      %swap3A_1960 = tpu.vector_load %arg7[%swap3A_1959] {strides = array<i32>} : memref<128xf32, #tpu.memory_space<vmem>>, vector<16xf32>,
      %swap3A_1961 = vector.shape_cast %swap3A_1960 : vector<16xf32> to vector<16xf32>
      %swap3A_1962 = vector.shape_cast %get3A_1958 : vector<16xf32> to vector<16xf32>
      tpu.vector_store %arg7[%swap3A_1959], %swap3A_1962 {add = true, strides = array<i32>} : memref<128xf32, #tpu.memory_space<vmem>>, vector<16xf32>,
      %get3A_1963 = arith.constant 1 : i32
      %get3A_1964 = arith.index_cast %get3A_1963 : i32 to index
      %get3A_1965 = arith.constant 32 : index
      %get3A_1966 = tpu.vector_load %arg8[%get3A_1964, %get3A_1965] {strides = array<i32>} : memref<5x512xf32, #tpu.memory_space<vmem>>, vector<1x16xf32>,
      %get3A_1967 = vector.shape_cast %get3A_1966 : vector<1x16xf32> to vector<16xf32>
      %swap3A_1968 = arith.constant 32 : index
      %swap3A_1969 = tpu.vector_load %arg7[%swap3A_1968] {strides = array<i32>} : memref<128xf32, #tpu.memory_space<vmem>>, vector<16xf32>,
      %swap3A_1970 = vector.shape_cast %swap3A_1969 : vector<16xf32> to vector<16xf32>
      %swap3A_1971 = vector.shape_cast %get3A_1967 : vector<16xf32> to vector<16xf32>
      tpu.vector_store %arg7[%swap3A_1968], %swap3A_1971 {add = true, strides = array<i32>} : memref<128xf32, #tpu.memory_space<vmem>>, vector<16xf32>,
      %get3A_1972 = arith.constant 1 : i32
      %get3A_1973 = arith.index_cast %get3A_1972 : i32 to index
      %get3A_1974 = arith.constant 48 : index
      %get3A_1975 = tpu.vector_load %arg8[%get3A_1973, %get3A_1974] {strides = array<i32>} : memref<5x512xf32, #tpu.memory_space<vmem>>, vector<1x16xf32>,
      %get3A_1976 = vector.shape_cast %get3A_1975 : vector<1x16xf32> to vector<16xf32>
      %swap3A_1977 = arith.constant 48 : index
      %swap3A_1978 = tpu.vector_load %arg7[%swap3A_1977] {strides = array<i32>} : memref<128xf32, #tpu.memory_space<vmem>>, vector<16xf32>,
      %swap3A_1979 = vector.shape_cast %swap3A_1978 : vector<16xf32> to vector<16xf32>
      %swap3A_1980 = vector.shape_cast %get3A_1976 : vector<16xf32> to vector<16xf32>
      tpu.vector_store %arg7[%swap3A_1977], %swap3A_1980 {add = true, strides = array<i32>} : memref<128xf32, #tpu.memory_space<vmem>>, vector<16xf32>,
      %get3A_1981 = arith.constant 1 : i32
      %get3A_1982 = arith.index_cast %get3A_1981 : i32 to index
      %get3A_1983 = arith.constant 64 : index
      %get3A_1984 = tpu.vector_load %arg8[%get3A_1982, %get3A_1983] {strides = array<i32>} : memref<5x512xf32, #tpu.memory_space<vmem>>, vector<1x16xf32>,
      %get3A_1985 = vector.shape_cast %get3A_1984 : vector<1x16xf32> to vector<16xf32>
      %swap3A_1986 = arith.constant 64 : index
      %swap3A_1987 = tpu.vector_load %arg7[%swap3A_1986] {strides = array<i32>} : memref<128xf32, #tpu.memory_space<vmem>>, vector<16xf32>,
      %swap3A_1988 = vector.shape_cast %swap3A_1987 : vector<16xf32> to vector<16xf32>
      %swap3A_1989 = vector.shape_cast %get3A_1985 : vector<16xf32> to vector<16xf32>
      tpu.vector_store %arg7[%swap3A_1986], %swap3A_1989 {add = true, strides = array<i32>} : memref<128xf32, #tpu.memory_space<vmem>>, vector<16xf32>,
      %get3A_1990 = arith.constant 1 : i32
      %get3A_1991 = arith.index_cast %get3A_1990 : i32 to index
      %get3A_1992 = arith.constant 80 : index
      %get3A_1993 = tpu.vector_load %arg8[%get3A_1991, %get3A_1992] {strides = array<i32>} : memref<5x512xf32, #tpu.memory_space<vmem>>, vector<1x16xf32>,
      %get3A_1994 = vector.shape_cast %get3A_1993 : vector<1x16xf32> to vector<16xf32>
      %swap3A_1995 = arith.constant 80 : index
      %swap3A_1996 = tpu.vector_load %arg7[%swap3A_1995] {strides = array<i32>} : memref<128xf32, #tpu.memory_space<vmem>>, vector<16xf32>,
      %swap3A_1997 = vector.shape_cast %swap3A_1996 : vector<16xf32> to vector<16xf32>
      %swap3A_1998 = vector.shape_cast %get3A_1994 : vector<16xf32> to vector<16xf32>
      tpu.vector_store %arg7[%swap3A_1995], %swap3A_1998 {add = true, strides = array<i32>} : memref<128xf32, #tpu.memory_space<vmem>>, vector<16xf32>,
      %get3A_1999 = arith.constant 1 : i32
      %get3A_2000 = arith.index_cast %get3A_1999 : i32 to index
      %get3A_2001 = arith.constant 96 : index
      %get3A_2002 = tpu.vector_load %arg8[%get3A_2000, %get3A_2001] {strides = array<i32>} : memref<5x512xf32, #tpu.memory_space<vmem>>, vector<1x16xf32>,
      %get3A_2003 = vector.shape_cast %get3A_2002 : vector<1x16xf32> to vector<16xf32>
      %swap3A_2004 = arith.constant 96 : index
      %swap3A_2005 = tpu.vector_load %arg7[%swap3A_2004] {strides = array<i32>} : memref<128xf32, #tpu.memory_space<vmem>>, vector<16xf32>,
      %swap3A_2006 = vector.shape_cast %swap3A_2005 : vector<16xf32> to vector<16xf32>
      %swap3A_2007 = vector.shape_cast %get3A_2003 : vector<16xf32> to vector<16xf32>
      tpu.vector_store %arg7[%swap3A_2004], %swap3A_2007 {add = true, strides = array<i32>} : memref<128xf32, #tpu.memory_space<vmem>>, vector<16xf32>,
      %get3A_2008 = arith.constant 1 : i32
      %get3A_2009 = arith.index_cast %get3A_2008 : i32 to index
      %get3A_2010 = arith.constant 112 : index
      %get3A_2011 = tpu.vector_load %arg8[%get3A_2009, %get3A_2010] {strides = array<i32>} : memref<5x512xf32, #tpu.memory_space<vmem>>, vector<1x16xf32>,
      %get3A_2012 = vector.shape_cast %get3A_2011 : vector<1x16xf32> to vector<16xf32>
      %swap3A_2013 = arith.constant 112 : index
      %swap3A_2014 = tpu.vector_load %arg7[%swap3A_2013] {strides = array<i32>} : memref<128xf32, #tpu.memory_space<vmem>>, vector<16xf32>,
      %swap3A_2015 = vector.shape_cast %swap3A_2014 : vector<16xf32> to vector<16xf32>
      %swap3A_2016 = vector.shape_cast %get3A_2012 : vector<16xf32> to vector<16xf32>
      tpu.vector_store %arg7[%swap3A_2013], %swap3A_2016 {add = true, strides = array<i32>} : memref<128xf32, #tpu.memory_space<vmem>>, vector<16xf32>,
      %get3A_2017 = arith.constant 1 : i32
      %get3A_2018 = arith.index_cast %get3A_2017 : i32 to index
      %get3A_2019 = arith.constant 128 : index
      %get3A_2020 = tpu.vector_load %arg8[%get3A_2018, %get3A_2019] {strides = array<i32>} : memref<5x512xf32, #tpu.memory_space<vmem>>, vector<1x16xf32>,
      %get3A_2021 = vector.shape_cast %get3A_2020 : vector<1x16xf32> to vector<16xf32>
      %swap3A_2022 = arith.constant 0 : index
      %swap3A_2023 = tpu.vector_load %arg7[%swap3A_2022] {strides = array<i32>} : memref<128xf32, #tpu.memory_space<vmem>>, vector<16xf32>,
      %swap3A_2024 = vector.shape_cast %swap3A_2023 : vector<16xf32> to vector<16xf32>
      %swap3A_2025 = vector.shape_cast %get3A_2021 : vector<16xf32> to vector<16xf32>
      tpu.vector_store %arg7[%swap3A_2022], %swap3A_2025 {add = true, strides = array<i32>} : memref<128xf32, #tpu.memory_space<vmem>>, vector<16xf32>,
      %get3A_2026 = arith.constant 1 : i32
      %get3A_2027 = arith.index_cast %get3A_2026 : i32 to index
      %get3A_2028 = arith.constant 144 : index
      %get3A_2029 = tpu.vector_load %arg8[%get3A_2027, %get3A_2028] {strides = array<i32>} : memref<5x512xf32, #tpu.memory_space<vmem>>, vector<1x16xf32>,
      %get3A_2030 = vector.shape_cast %get3A_2029 : vector<1x16xf32> to vector<16xf32>
      %swap3A_2031 = arith.constant 16 : index
      %swap3A_2032 = tpu.vector_load %arg7[%swap3A_2031] {strides = array<i32>} : memref<128xf32, #tpu.memory_space<vmem>>, vector<16xf32>,
      %swap3A_2033 = vector.shape_cast %swap3A_2032 : vector<16xf32> to vector<16xf32>
      %swap3A_2034 = vector.shape_cast %get3A_2030 : vector<16xf32> to vector<16xf32>
      tpu.vector_store %arg7[%swap3A_2031], %swap3A_2034 {add = true, strides = array<i32>} : memref<128xf32, #tpu.memory_space<vmem>>, vector<16xf32>,
      %get3A_2035 = arith.constant 1 : i32
      %get3A_2036 = arith.index_cast %get3A_2035 : i32 to index
      %get3A_2037 = arith.constant 160 : index
      %get3A_2038 = tpu.vector_load %arg8[%get3A_2036, %get3A_2037] {strides = array<i32>} : memref<5x512xf32, #tpu.memory_space<vmem>>, vector<1x16xf32>,
      %get3A_2039 = vector.shape_cast %get3A_2038 : vector<1x16xf32> to vector<16xf32>
      %swap3A_2040 = arith.constant 32 : index
      %swap3A_2041 = tpu.vector_load %arg7[%swap3A_2040] {strides = array<i32>} : memref<128xf32, #tpu.memory_space<vmem>>, vector<16xf32>,
      %swap3A_2042 = vector.shape_cast %swap3A_2041 : vector<16xf32> to vector<16xf32>
      %swap3A_2043 = vector.shape_cast %get3A_2039 : vector<16xf32> to vector<16xf32>
      tpu.vector_store %arg7[%swap3A_2040], %swap3A_2043 {add = true, strides = array<i32>} : memref<128xf32, #tpu.memory_space<vmem>>, vector<16xf32>,
      %get3A_2044 = arith.constant 1 : i32
      %get3A_2045 = arith.index_cast %get3A_2044 : i32 to index
      %get3A_2046 = arith.constant 176 : index
      %get3A_2047 = tpu.vector_load %arg8[%get3A_2045, %get3A_2046] {strides = array<i32>} : memref<5x512xf32, #tpu.memory_space<vmem>>, vector<1x16xf32>,
      %get3A_2048 = vector.shape_cast %get3A_2047 : vector<1x16xf32> to vector<16xf32>
      %swap3A_2049 = arith.constant 48 : index
      %swap3A_2050 = tpu.vector_load %arg7[%swap3A_2049] {strides = array<i32>} : memref<128xf32, #tpu.memory_space<vmem>>, vector<16xf32>,
      %swap3A_2051 = vector.shape_cast %swap3A_2050 : vector<16xf32> to vector<16xf32>
      %swap3A_2052 = vector.shape_cast %get3A_2048 : vector<16xf32> to vector<16xf32>
      tpu.vector_store %arg7[%swap3A_2049], %swap3A_2052 {add = true, strides = array<i32>} : memref<128xf32, #tpu.memory_space<vmem>>, vector<16xf32>,
      %get3A_2053 = arith.constant 1 : i32
      %get3A_2054 = arith.index_cast %get3A_2053 : i32 to index
      %get3A_2055 = arith.constant 192 : index
      %get3A_2056 = tpu.vector_load %arg8[%get3A_2054, %get3A_2055] {strides = array<i32>} : memref<5x512xf32, #tpu.memory_space<vmem>>, vector<1x16xf32>,
      %get3A_2057 = vector.shape_cast %get3A_2056 : vector<1x16xf32> to vector<16xf32>
      %swap3A_2058 = arith.constant 64 : index
      %swap3A_2059 = tpu.vector_load %arg7[%swap3A_2058] {strides = array<i32>} : memref<128xf32, #tpu.memory_space<vmem>>, vector<16xf32>,
      %swap3A_2060 = vector.shape_cast %swap3A_2059 : vector<16xf32> to vector<16xf32>
      %swap3A_2061 = vector.shape_cast %get3A_2057 : vector<16xf32> to vector<16xf32>
      tpu.vector_store %arg7[%swap3A_2058], %swap3A_2061 {add = true, strides = array<i32>} : memref<128xf32, #tpu.memory_space<vmem>>, vector<16xf32>,
      %get3A_2062 = arith.constant 1 : i32
      %get3A_2063 = arith.index_cast %get3A_2062 : i32 to index
      %get3A_2064 = arith.constant 208 : index
      %get3A_2065 = tpu.vector_load %arg8[%get3A_2063, %get3A_2064] {strides = array<i32>} : memref<5x512xf32, #tpu.memory_space<vmem>>, vector<1x16xf32>,
      %get3A_2066 = vector.shape_cast %get3A_2065 : vector<1x16xf32> to vector<16xf32>
      %swap3A_2067 = arith.constant 80 : index
      %swap3A_2068 = tpu.vector_load %arg7[%swap3A_2067] {strides = array<i32>} : memref<128xf32, #tpu.memory_space<vmem>>, vector<16xf32>,
      %swap3A_2069 = vector.shape_cast %swap3A_2068 : vector<16xf32> to vector<16xf32>
      %swap3A_2070 = vector.shape_cast %get3A_2066 : vector<16xf32> to vector<16xf32>
      tpu.vector_store %arg7[%swap3A_2067], %swap3A_2070 {add = true, strides = array<i32>} : memref<128xf32, #tpu.memory_space<vmem>>, vector<16xf32>,
      %get3A_2071 = arith.constant 1 : i32
      %get3A_2072 = arith.index_cast %get3A_2071 : i32 to index
      %get3A_2073 = arith.constant 224 : index
      %get3A_2074 = tpu.vector_load %arg8[%get3A_2072, %get3A_2073] {strides = array<i32>} : memref<5x512xf32, #tpu.memory_space<vmem>>, vector<1x16xf32>,
      %get3A_2075 = vector.shape_cast %get3A_2074 : vector<1x16xf32> to vector<16xf32>
      %swap3A_2076 = arith.constant 96 : index
      %swap3A_2077 = tpu.vector_load %arg7[%swap3A_2076] {strides = array<i32>} : memref<128xf32, #tpu.memory_space<vmem>>, vector<16xf32>,
      %swap3A_2078 = vector.shape_cast %swap3A_2077 : vector<16xf32> to vector<16xf32>
      %swap3A_2079 = vector.shape_cast %get3A_2075 : vector<16xf32> to vector<16xf32>
      tpu.vector_store %arg7[%swap3A_2076], %swap3A_2079 {add = true, strides = array<i32>} : memref<128xf32, #tpu.memory_space<vmem>>, vector<16xf32>,
      %get3A_2080 = arith.constant 1 : i32
      %get3A_2081 = arith.index_cast %get3A_2080 : i32 to index
      %get3A_2082 = arith.constant 240 : index
      %get3A_2083 = tpu.vector_load %arg8[%get3A_2081, %get3A_2082] {strides = array<i32>} : memref<5x512xf32, #tpu.memory_space<vmem>>, vector<1x16xf32>,
      %get3A_2084 = vector.shape_cast %get3A_2083 : vector<1x16xf32> to vector<16xf32>
      %swap3A_2085 = arith.constant 112 : index
      %swap3A_2086 = tpu.vector_load %arg7[%swap3A_2085] {strides = array<i32>} : memref<128xf32, #tpu.memory_space<vmem>>, vector<16xf32>,
      %swap3A_2087 = vector.shape_cast %swap3A_2086 : vector<16xf32> to vector<16xf32>
      %swap3A_2088 = vector.shape_cast %get3A_2084 : vector<16xf32> to vector<16xf32>
      tpu.vector_store %arg7[%swap3A_2085], %swap3A_2088 {add = true, strides = array<i32>} : memref<128xf32, #tpu.memory_space<vmem>>, vector<16xf32>,
      %get3A_2089 = arith.constant 1 : i32
      %get3A_2090 = arith.index_cast %get3A_2089 : i32 to index
      %get3A_2091 = arith.constant 256 : index
      %get3A_2092 = tpu.vector_load %arg8[%get3A_2090, %get3A_2091] {strides = array<i32>} : memref<5x512xf32, #tpu.memory_space<vmem>>, vector<1x16xf32>,
      %get3A_2093 = vector.shape_cast %get3A_2092 : vector<1x16xf32> to vector<16xf32>
      %swap3A_2094 = arith.constant 0 : index
      %swap3A_2095 = tpu.vector_load %arg7[%swap3A_2094] {strides = array<i32>} : memref<128xf32, #tpu.memory_space<vmem>>, vector<16xf32>,
      %swap3A_2096 = vector.shape_cast %swap3A_2095 : vector<16xf32> to vector<16xf32>
      %swap3A_2097 = vector.shape_cast %get3A_2093 : vector<16xf32> to vector<16xf32>
      tpu.vector_store %arg7[%swap3A_2094], %swap3A_2097 {add = true, strides = array<i32>} : memref<128xf32, #tpu.memory_space<vmem>>, vector<16xf32>,
      %get3A_2098 = arith.constant 1 : i32
      %get3A_2099 = arith.index_cast %get3A_2098 : i32 to index
      %get3A_2100 = arith.constant 272 : index
      %get3A_2101 = tpu.vector_load %arg8[%get3A_2099, %get3A_2100] {strides = array<i32>} : memref<5x512xf32, #tpu.memory_space<vmem>>, vector<1x16xf32>,
      %get3A_2102 = vector.shape_cast %get3A_2101 : vector<1x16xf32> to vector<16xf32>
      %swap3A_2103 = arith.constant 16 : index
      %swap3A_2104 = tpu.vector_load %arg7[%swap3A_2103] {strides = array<i32>} : memref<128xf32, #tpu.memory_space<vmem>>, vector<16xf32>,
      %swap3A_2105 = vector.shape_cast %swap3A_2104 : vector<16xf32> to vector<16xf32>
      %swap3A_2106 = vector.shape_cast %get3A_2102 : vector<16xf32> to vector<16xf32>
      tpu.vector_store %arg7[%swap3A_2103], %swap3A_2106 {add = true, strides = array<i32>} : memref<128xf32, #tpu.memory_space<vmem>>, vector<16xf32>,
      %get3A_2107 = arith.constant 1 : i32
      %get3A_2108 = arith.index_cast %get3A_2107 : i32 to index
      %get3A_2109 = arith.constant 288 : index
      %get3A_2110 = tpu.vector_load %arg8[%get3A_2108, %get3A_2109] {strides = array<i32>} : memref<5x512xf32, #tpu.memory_space<vmem>>, vector<1x16xf32>,
      %get3A_2111 = vector.shape_cast %get3A_2110 : vector<1x16xf32> to vector<16xf32>
      %swap3A_2112 = arith.constant 32 : index
      %swap3A_2113 = tpu.vector_load %arg7[%swap3A_2112] {strides = array<i32>} : memref<128xf32, #tpu.memory_space<vmem>>, vector<16xf32>,
      %swap3A_2114 = vector.shape_cast %swap3A_2113 : vector<16xf32> to vector<16xf32>
      %swap3A_2115 = vector.shape_cast %get3A_2111 : vector<16xf32> to vector<16xf32>
      tpu.vector_store %arg7[%swap3A_2112], %swap3A_2115 {add = true, strides = array<i32>} : memref<128xf32, #tpu.memory_space<vmem>>, vector<16xf32>,
      %get3A_2116 = arith.constant 1 : i32
      %get3A_2117 = arith.index_cast %get3A_2116 : i32 to index
      %get3A_2118 = arith.constant 304 : index
      %get3A_2119 = tpu.vector_load %arg8[%get3A_2117, %get3A_2118] {strides = array<i32>} : memref<5x512xf32, #tpu.memory_space<vmem>>, vector<1x16xf32>,
      %get3A_2120 = vector.shape_cast %get3A_2119 : vector<1x16xf32> to vector<16xf32>
      %swap3A_2121 = arith.constant 48 : index
      %swap3A_2122 = tpu.vector_load %arg7[%swap3A_2121] {strides = array<i32>} : memref<128xf32, #tpu.memory_space<vmem>>, vector<16xf32>,
      %swap3A_2123 = vector.shape_cast %swap3A_2122 : vector<16xf32> to vector<16xf32>
      %swap3A_2124 = vector.shape_cast %get3A_2120 : vector<16xf32> to vector<16xf32>
      tpu.vector_store %arg7[%swap3A_2121], %swap3A_2124 {add = true, strides = array<i32>} : memref<128xf32, #tpu.memory_space<vmem>>, vector<16xf32>,
      %get3A_2125 = arith.constant 1 : i32
      %get3A_2126 = arith.index_cast %get3A_2125 : i32 to index
      %get3A_2127 = arith.constant 320 : index
      %get3A_2128 = tpu.vector_load %arg8[%get3A_2126, %get3A_2127] {strides = array<i32>} : memref<5x512xf32, #tpu.memory_space<vmem>>, vector<1x16xf32>,
      %get3A_2129 = vector.shape_cast %get3A_2128 : vector<1x16xf32> to vector<16xf32>
      %swap3A_2130 = arith.constant 64 : index
      %swap3A_2131 = tpu.vector_load %arg7[%swap3A_2130] {strides = array<i32>} : memref<128xf32, #tpu.memory_space<vmem>>, vector<16xf32>,
      %swap3A_2132 = vector.shape_cast %swap3A_2131 : vector<16xf32> to vector<16xf32>
      %swap3A_2133 = vector.shape_cast %get3A_2129 : vector<16xf32> to vector<16xf32>
      tpu.vector_store %arg7[%swap3A_2130], %swap3A_2133 {add = true, strides = array<i32>} : memref<128xf32, #tpu.memory_space<vmem>>, vector<16xf32>,
      %get3A_2134 = arith.constant 1 : i32
      %get3A_2135 = arith.index_cast %get3A_2134 : i32 to index
      %get3A_2136 = arith.constant 336 : index
      %get3A_2137 = tpu.vector_load %arg8[%get3A_2135, %get3A_2136] {strides = array<i32>} : memref<5x512xf32, #tpu.memory_space<vmem>>, vector<1x16xf32>,
      %get3A_2138 = vector.shape_cast %get3A_2137 : vector<1x16xf32> to vector<16xf32>
      %swap3A_2139 = arith.constant 80 : index
      %swap3A_2140 = tpu.vector_load %arg7[%swap3A_2139] {strides = array<i32>} : memref<128xf32, #tpu.memory_space<vmem>>, vector<16xf32>,
      %swap3A_2141 = vector.shape_cast %swap3A_2140 : vector<16xf32> to vector<16xf32>
      %swap3A_2142 = vector.shape_cast %get3A_2138 : vector<16xf32> to vector<16xf32>
      tpu.vector_store %arg7[%swap3A_2139], %swap3A_2142 {add = true, strides = array<i32>} : memref<128xf32, #tpu.memory_space<vmem>>, vector<16xf32>,
      %get3A_2143 = arith.constant 1 : i32
      %get3A_2144 = arith.index_cast %get3A_2143 : i32 to index
      %get3A_2145 = arith.constant 352 : index
      %get3A_2146 = tpu.vector_load %arg8[%get3A_2144, %get3A_2145] {strides = array<i32>} : memref<5x512xf32, #tpu.memory_space<vmem>>, vector<1x16xf32>,
      %get3A_2147 = vector.shape_cast %get3A_2146 : vector<1x16xf32> to vector<16xf32>
      %swap3A_2148 = arith.constant 96 : index
      %swap3A_2149 = tpu.vector_load %arg7[%swap3A_2148] {strides = array<i32>} : memref<128xf32, #tpu.memory_space<vmem>>, vector<16xf32>,
      %swap3A_2150 = vector.shape_cast %swap3A_2149 : vector<16xf32> to vector<16xf32>
      %swap3A_2151 = vector.shape_cast %get3A_2147 : vector<16xf32> to vector<16xf32>
      tpu.vector_store %arg7[%swap3A_2148], %swap3A_2151 {add = true, strides = array<i32>} : memref<128xf32, #tpu.memory_space<vmem>>, vector<16xf32>,
      %get3A_2152 = arith.constant 1 : i32
      %get3A_2153 = arith.index_cast %get3A_2152 : i32 to index
      %get3A_2154 = arith.constant 368 : index
      %get3A_2155 = tpu.vector_load %arg8[%get3A_2153, %get3A_2154] {strides = array<i32>} : memref<5x512xf32, #tpu.memory_space<vmem>>, vector<1x16xf32>,
      %get3A_2156 = vector.shape_cast %get3A_2155 : vector<1x16xf32> to vector<16xf32>
      %swap3A_2157 = arith.constant 112 : index
      %swap3A_2158 = tpu.vector_load %arg7[%swap3A_2157] {strides = array<i32>} : memref<128xf32, #tpu.memory_space<vmem>>, vector<16xf32>,
      %swap3A_2159 = vector.shape_cast %swap3A_2158 : vector<16xf32> to vector<16xf32>
      %swap3A_2160 = vector.shape_cast %get3A_2156 : vector<16xf32> to vector<16xf32>
      tpu.vector_store %arg7[%swap3A_2157], %swap3A_2160 {add = true, strides = array<i32>} : memref<128xf32, #tpu.memory_space<vmem>>, vector<16xf32>,
      %get3A_2161 = arith.constant 1 : i32
      %get3A_2162 = arith.index_cast %get3A_2161 : i32 to index
      %get3A_2163 = arith.constant 384 : index
      %get3A_2164 = tpu.vector_load %arg8[%get3A_2162, %get3A_2163] {strides = array<i32>} : memref<5x512xf32, #tpu.memory_space<vmem>>, vector<1x16xf32>,
      %get3A_2165 = vector.shape_cast %get3A_2164 : vector<1x16xf32> to vector<16xf32>
      %swap3A_2166 = arith.constant 0 : index
      %swap3A_2167 = tpu.vector_load %arg7[%swap3A_2166] {strides = array<i32>} : memref<128xf32, #tpu.memory_space<vmem>>, vector<16xf32>,
      %swap3A_2168 = vector.shape_cast %swap3A_2167 : vector<16xf32> to vector<16xf32>
      %swap3A_2169 = vector.shape_cast %get3A_2165 : vector<16xf32> to vector<16xf32>
      tpu.vector_store %arg7[%swap3A_2166], %swap3A_2169 {add = true, strides = array<i32>} : memref<128xf32, #tpu.memory_space<vmem>>, vector<16xf32>,
      %get3A_2170 = arith.constant 1 : i32
      %get3A_2171 = arith.index_cast %get3A_2170 : i32 to index
      %get3A_2172 = arith.constant 400 : index
      %get3A_2173 = tpu.vector_load %arg8[%get3A_2171, %get3A_2172] {strides = array<i32>} : memref<5x512xf32, #tpu.memory_space<vmem>>, vector<1x16xf32>,
      %get3A_2174 = vector.shape_cast %get3A_2173 : vector<1x16xf32> to vector<16xf32>
      %swap3A_2175 = arith.constant 16 : index
      %swap3A_2176 = tpu.vector_load %arg7[%swap3A_2175] {strides = array<i32>} : memref<128xf32, #tpu.memory_space<vmem>>, vector<16xf32>,
      %swap3A_2177 = vector.shape_cast %swap3A_2176 : vector<16xf32> to vector<16xf32>
      %swap3A_2178 = vector.shape_cast %get3A_2174 : vector<16xf32> to vector<16xf32>
      tpu.vector_store %arg7[%swap3A_2175], %swap3A_2178 {add = true, strides = array<i32>} : memref<128xf32, #tpu.memory_space<vmem>>, vector<16xf32>,
      %get3A_2179 = arith.constant 1 : i32
      %get3A_2180 = arith.index_cast %get3A_2179 : i32 to index
      %get3A_2181 = arith.constant 416 : index
      %get3A_2182 = tpu.vector_load %arg8[%get3A_2180, %get3A_2181] {strides = array<i32>} : memref<5x512xf32, #tpu.memory_space<vmem>>, vector<1x16xf32>,
      %get3A_2183 = vector.shape_cast %get3A_2182 : vector<1x16xf32> to vector<16xf32>
      %swap3A_2184 = arith.constant 32 : index
      %swap3A_2185 = tpu.vector_load %arg7[%swap3A_2184] {strides = array<i32>} : memref<128xf32, #tpu.memory_space<vmem>>, vector<16xf32>,
      %swap3A_2186 = vector.shape_cast %swap3A_2185 : vector<16xf32> to vector<16xf32>
      %swap3A_2187 = vector.shape_cast %get3A_2183 : vector<16xf32> to vector<16xf32>
      tpu.vector_store %arg7[%swap3A_2184], %swap3A_2187 {add = true, strides = array<i32>} : memref<128xf32, #tpu.memory_space<vmem>>, vector<16xf32>,
      %get3A_2188 = arith.constant 1 : i32
      %get3A_2189 = arith.index_cast %get3A_2188 : i32 to index
      %get3A_2190 = arith.constant 432 : index
      %get3A_2191 = tpu.vector_load %arg8[%get3A_2189, %get3A_2190] {strides = array<i32>} : memref<5x512xf32, #tpu.memory_space<vmem>>, vector<1x16xf32>,
      %get3A_2192 = vector.shape_cast %get3A_2191 : vector<1x16xf32> to vector<16xf32>
      %swap3A_2193 = arith.constant 48 : index
      %swap3A_2194 = tpu.vector_load %arg7[%swap3A_2193] {strides = array<i32>} : memref<128xf32, #tpu.memory_space<vmem>>, vector<16xf32>,
      %swap3A_2195 = vector.shape_cast %swap3A_2194 : vector<16xf32> to vector<16xf32>
      %swap3A_2196 = vector.shape_cast %get3A_2192 : vector<16xf32> to vector<16xf32>
      tpu.vector_store %arg7[%swap3A_2193], %swap3A_2196 {add = true, strides = array<i32>} : memref<128xf32, #tpu.memory_space<vmem>>, vector<16xf32>,
      %get3A_2197 = arith.constant 1 : i32
      %get3A_2198 = arith.index_cast %get3A_2197 : i32 to index
      %get3A_2199 = arith.constant 448 : index
      %get3A_2200 = tpu.vector_load %arg8[%get3A_2198, %get3A_2199] {strides = array<i32>} : memref<5x512xf32, #tpu.memory_space<vmem>>, vector<1x16xf32>,
      %get3A_2201 = vector.shape_cast %get3A_2200 : vector<1x16xf32> to vector<16xf32>
      %swap3A_2202 = arith.constant 64 : index
      %swap3A_2203 = tpu.vector_load %arg7[%swap3A_2202] {strides = array<i32>} : memref<128xf32, #tpu.memory_space<vmem>>, vector<16xf32>,
      %swap3A_2204 = vector.shape_cast %swap3A_2203 : vector<16xf32> to vector<16xf32>
      %swap3A_2205 = vector.shape_cast %get3A_2201 : vector<16xf32> to vector<16xf32>
      tpu.vector_store %arg7[%swap3A_2202], %swap3A_2205 {add = true, strides = array<i32>} : memref<128xf32, #tpu.memory_space<vmem>>, vector<16xf32>,
      %get3A_2206 = arith.constant 1 : i32
      %get3A_2207 = arith.index_cast %get3A_2206 : i32 to index
      %get3A_2208 = arith.constant 464 : index
      %get3A_2209 = tpu.vector_load %arg8[%get3A_2207, %get3A_2208] {strides = array<i32>} : memref<5x512xf32, #tpu.memory_space<vmem>>, vector<1x16xf32>,
      %get3A_2210 = vector.shape_cast %get3A_2209 : vector<1x16xf32> to vector<16xf32>
      %swap3A_2211 = arith.constant 80 : index
      %swap3A_2212 = tpu.vector_load %arg7[%swap3A_2211] {strides = array<i32>} : memref<128xf32, #tpu.memory_space<vmem>>, vector<16xf32>,
      %swap3A_2213 = vector.shape_cast %swap3A_2212 : vector<16xf32> to vector<16xf32>
      %swap3A_2214 = vector.shape_cast %get3A_2210 : vector<16xf32> to vector<16xf32>
      tpu.vector_store %arg7[%swap3A_2211], %swap3A_2214 {add = true, strides = array<i32>} : memref<128xf32, #tpu.memory_space<vmem>>, vector<16xf32>,
      %get3A_2215 = arith.constant 1 : i32
      %get3A_2216 = arith.index_cast %get3A_2215 : i32 to index
      %get3A_2217 = arith.constant 480 : index
      %get3A_2218 = tpu.vector_load %arg8[%get3A_2216, %get3A_2217] {strides = array<i32>} : memref<5x512xf32, #tpu.memory_space<vmem>>, vector<1x16xf32>,
      %get3A_2219 = vector.shape_cast %get3A_2218 : vector<1x16xf32> to vector<16xf32>
      %swap3A_2220 = arith.constant 96 : index
      %swap3A_2221 = tpu.vector_load %arg7[%swap3A_2220] {strides = array<i32>} : memref<128xf32, #tpu.memory_space<vmem>>, vector<16xf32>,
      %swap3A_2222 = vector.shape_cast %swap3A_2221 : vector<16xf32> to vector<16xf32>
      %swap3A_2223 = vector.shape_cast %get3A_2219 : vector<16xf32> to vector<16xf32>
      tpu.vector_store %arg7[%swap3A_2220], %swap3A_2223 {add = true, strides = array<i32>} : memref<128xf32, #tpu.memory_space<vmem>>, vector<16xf32>,
      %get3A_2224 = arith.constant 1 : i32
      %get3A_2225 = arith.index_cast %get3A_2224 : i32 to index
      %get3A_2226 = arith.constant 496 : index
      %get3A_2227 = tpu.vector_load %arg8[%get3A_2225, %get3A_2226] {strides = array<i32>} : memref<5x512xf32, #tpu.memory_space<vmem>>, vector<1x16xf32>,
      %get3A_2228 = vector.shape_cast %get3A_2227 : vector<1x16xf32> to vector<16xf32>
      %swap3A_2229 = arith.constant 112 : index
      %swap3A_2230 = tpu.vector_load %arg7[%swap3A_2229] {strides = array<i32>} : memref<128xf32, #tpu.memory_space<vmem>>, vector<16xf32>,
      %swap3A_2231 = vector.shape_cast %swap3A_2230 : vector<16xf32> to vector<16xf32>
      %swap3A_2232 = vector.shape_cast %get3A_2228 : vector<16xf32> to vector<16xf32>
      tpu.vector_store %arg7[%swap3A_2229], %swap3A_2232 {add = true, strides = array<i32>} : memref<128xf32, #tpu.memory_space<vmem>>, vector<16xf32>,
      %add3A_2233 = arith.constant 5 : i32
      %add3A_2234 = arith.addi %add3A_1934, %add3A_2233 : i32
      %le3A_2235 = arith.constant 49 : i32
      %le3A_2236 = arith.cmpi sle, %add3A_2234, %le3A_2235 : i32
      %convert_element_type3A_2237 = arith.extui %le3A_2236 : i1 to i32
      %cond3A_2238 = arith.constant 0 : i32
      %cond3A_2239 = arith.cmpi ne, %convert_element_type3A_2237, %cond3A_2238 : i32
      scf.if %cond3A_2239 {
        %add3A_3167 = arith.constant 5 : i32
        %add3A_3168 = arith.addi %add3A_1934, %add3A_3167 : i32
        %dma_start3A_3169 = arith.constant 1 : i32
        %dma_start3A_3170 = arith.constant 0 : i32
        %dma_start3A_3171 = tpu.memref_slice %arg8[%dma_start3A_3169, %dma_start3A_3170] : memref<5x512xf32, #tpu.memory_space<vmem>> -> memref<1x512xf32, #tpu.memory_space<vmem>>
        %dma_start3A_3172 = tpu.memref_squeeze %dma_start3A_3171 : memref<1x512xf32, #tpu.memory_space<vmem>> -> memref<512xf32, #tpu.memory_space<vmem>>
        %dma_start3A_3173 = arith.constant 0 : i32
        %dma_start3A_3174 = tpu.memref_slice %arg6[%add3A_3168, %dma_start3A_3173] : memref<50x512xi32, #tpu.memory_space<vmem>> -> memref<1x512xi32, #tpu.memory_space<vmem>>
        %dma_start3A_3175 = tpu.memref_squeeze %dma_start3A_3174 : memref<1x512xi32, #tpu.memory_space<vmem>> -> memref<512xi32, #tpu.memory_space<vmem>>
        %dma_start3A_3176 = arith.constant 0 : i32
        %dma_start3A_3177 = tpu.memref_slice %arg9[%dma_start3A_3176] : memref<1015808xf32, #tpu.memory_space<vmem_shared>> -> memref<1015808xf32, #tpu.memory_space<vmem_shared>>
        tpu.enqueue_indirect_dma source(%dma_start3A_3177 : memref<1015808xf32, #tpu.memory_space<vmem_shared>>) target(%dma_start3A_3172 : memref<512xf32, #tpu.memory_space<vmem>>) offsets(%dma_start3A_3175 : memref<512xi32, #tpu.memory_space<vmem>>) semaphore(%arg11 : memref<!tpu.dma_semaphore, #tpu.memory_space<semaphore_mem>>)
      } else {
      }
      %mul3A_2240 = arith.constant 5 : i32
      %mul3A_2241 = arith.muli %mul3A_2240, %scan3A_1624 : i32
      %add3A_2242 = arith.constant 2 : i32
      %add3A_2243 = arith.addi %mul3A_2241, %add3A_2242 : i32
      %dma_wait3A_2244 = arith.constant 0 : i32
      %dma_wait3A_2245 = arith.constant 2 : i32
      %dma_wait3A_2246 = arith.constant 0 : i32
      %dma_wait3A_2247 = tpu.memref_slice %arg8[%dma_wait3A_2245, %dma_wait3A_2246] : memref<5x512xf32, #tpu.memory_space<vmem>> -> memref<1x512xf32, #tpu.memory_space<vmem>>
      %dma_wait3A_2248 = tpu.memref_squeeze %dma_wait3A_2247 : memref<1x512xf32, #tpu.memory_space<vmem>> -> memref<512xf32, #tpu.memory_space<vmem>>
      %dma_wait3A_2249 = arith.constant 0 : i32
      %dma_wait3A_2250 = tpu.memref_slice %arg6[%dma_wait3A_2244, %dma_wait3A_2249] : memref<50x512xi32, #tpu.memory_space<vmem>> -> memref<1x512xi32, #tpu.memory_space<vmem>>
      %dma_wait3A_2251 = tpu.memref_squeeze %dma_wait3A_2250 : memref<1x512xi32, #tpu.memory_space<vmem>> -> memref<512xi32, #tpu.memory_space<vmem>>
      %dma_wait3A_2252 = arith.constant 0 : i32
      %dma_wait3A_2253 = tpu.memref_slice %arg9[%dma_wait3A_2252] : memref<1015808xf32, #tpu.memory_space<vmem_shared>> -> memref<1015808xf32, #tpu.memory_space<vmem_shared>>
      tpu.wait_indirect_dma semaphore(%arg12 : memref<!tpu.dma_semaphore, #tpu.memory_space<semaphore_mem>>) src(%dma_wait3A_2253 : memref<1015808xf32, #tpu.memory_space<vmem_shared>>) dst(%dma_wait3A_2248 : memref<512xf32, #tpu.memory_space<vmem>>)
      %get3A_2254 = arith.constant 2 : i32
      %get3A_2255 = arith.index_cast %get3A_2254 : i32 to index
      %get3A_2256 = arith.constant 0 : index
      %get3A_2257 = tpu.vector_load %arg8[%get3A_2255, %get3A_2256] {strides = array<i32>} : memref<5x512xf32, #tpu.memory_space<vmem>>, vector<1x16xf32>,
      %get3A_2258 = vector.shape_cast %get3A_2257 : vector<1x16xf32> to vector<16xf32>
      %swap3A_2259 = arith.constant 0 : index
      %swap3A_2260 = tpu.vector_load %arg7[%swap3A_2259] {strides = array<i32>} : memref<128xf32, #tpu.memory_space<vmem>>, vector<16xf32>,
      %swap3A_2261 = vector.shape_cast %swap3A_2260 : vector<16xf32> to vector<16xf32>
      %swap3A_2262 = vector.shape_cast %get3A_2258 : vector<16xf32> to vector<16xf32>
      tpu.vector_store %arg7[%swap3A_2259], %swap3A_2262 {add = true, strides = array<i32>} : memref<128xf32, #tpu.memory_space<vmem>>, vector<16xf32>,
      %get3A_2263 = arith.constant 2 : i32
      %get3A_2264 = arith.index_cast %get3A_2263 : i32 to index
      %get3A_2265 = arith.constant 16 : index
      %get3A_2266 = tpu.vector_load %arg8[%get3A_2264, %get3A_2265] {strides = array<i32>} : memref<5x512xf32, #tpu.memory_space<vmem>>, vector<1x16xf32>,
      %get3A_2267 = vector.shape_cast %get3A_2266 : vector<1x16xf32> to vector<16xf32>
      %swap3A_2268 = arith.constant 16 : index
      %swap3A_2269 = tpu.vector_load %arg7[%swap3A_2268] {strides = array<i32>} : memref<128xf32, #tpu.memory_space<vmem>>, vector<16xf32>,
      %swap3A_2270 = vector.shape_cast %swap3A_2269 : vector<16xf32> to vector<16xf32>
      %swap3A_2271 = vector.shape_cast %get3A_2267 : vector<16xf32> to vector<16xf32>
      tpu.vector_store %arg7[%swap3A_2268], %swap3A_2271 {add = true, strides = array<i32>} : memref<128xf32, #tpu.memory_space<vmem>>, vector<16xf32>,
      %get3A_2272 = arith.constant 2 : i32
      %get3A_2273 = arith.index_cast %get3A_2272 : i32 to index
      %get3A_2274 = arith.constant 32 : index
      %get3A_2275 = tpu.vector_load %arg8[%get3A_2273, %get3A_2274] {strides = array<i32>} : memref<5x512xf32, #tpu.memory_space<vmem>>, vector<1x16xf32>,
      %get3A_2276 = vector.shape_cast %get3A_2275 : vector<1x16xf32> to vector<16xf32>
      %swap3A_2277 = arith.constant 32 : index
      %swap3A_2278 = tpu.vector_load %arg7[%swap3A_2277] {strides = array<i32>} : memref<128xf32, #tpu.memory_space<vmem>>, vector<16xf32>,
      %swap3A_2279 = vector.shape_cast %swap3A_2278 : vector<16xf32> to vector<16xf32>
      %swap3A_2280 = vector.shape_cast %get3A_2276 : vector<16xf32> to vector<16xf32>
      tpu.vector_store %arg7[%swap3A_2277], %swap3A_2280 {add = true, strides = array<i32>} : memref<128xf32, #tpu.memory_space<vmem>>, vector<16xf32>,
      %get3A_2281 = arith.constant 2 : i32
      %get3A_2282 = arith.index_cast %get3A_2281 : i32 to index
      %get3A_2283 = arith.constant 48 : index
      %get3A_2284 = tpu.vector_load %arg8[%get3A_2282, %get3A_2283] {strides = array<i32>} : memref<5x512xf32, #tpu.memory_space<vmem>>, vector<1x16xf32>,
      %get3A_2285 = vector.shape_cast %get3A_2284 : vector<1x16xf32> to vector<16xf32>
      %swap3A_2286 = arith.constant 48 : index
      %swap3A_2287 = tpu.vector_load %arg7[%swap3A_2286] {strides = array<i32>} : memref<128xf32, #tpu.memory_space<vmem>>, vector<16xf32>,
      %swap3A_2288 = vector.shape_cast %swap3A_2287 : vector<16xf32> to vector<16xf32>
      %swap3A_2289 = vector.shape_cast %get3A_2285 : vector<16xf32> to vector<16xf32>
      tpu.vector_store %arg7[%swap3A_2286], %swap3A_2289 {add = true, strides = array<i32>} : memref<128xf32, #tpu.memory_space<vmem>>, vector<16xf32>,
      %get3A_2290 = arith.constant 2 : i32
      %get3A_2291 = arith.index_cast %get3A_2290 : i32 to index
      %get3A_2292 = arith.constant 64 : index
      %get3A_2293 = tpu.vector_load %arg8[%get3A_2291, %get3A_2292] {strides = array<i32>} : memref<5x512xf32, #tpu.memory_space<vmem>>, vector<1x16xf32>,
      %get3A_2294 = vector.shape_cast %get3A_2293 : vector<1x16xf32> to vector<16xf32>
      %swap3A_2295 = arith.constant 64 : index
      %swap3A_2296 = tpu.vector_load %arg7[%swap3A_2295] {strides = array<i32>} : memref<128xf32, #tpu.memory_space<vmem>>, vector<16xf32>,
      %swap3A_2297 = vector.shape_cast %swap3A_2296 : vector<16xf32> to vector<16xf32>
      %swap3A_2298 = vector.shape_cast %get3A_2294 : vector<16xf32> to vector<16xf32>
      tpu.vector_store %arg7[%swap3A_2295], %swap3A_2298 {add = true, strides = array<i32>} : memref<128xf32, #tpu.memory_space<vmem>>, vector<16xf32>,
      %get3A_2299 = arith.constant 2 : i32
      %get3A_2300 = arith.index_cast %get3A_2299 : i32 to index
      %get3A_2301 = arith.constant 80 : index
      %get3A_2302 = tpu.vector_load %arg8[%get3A_2300, %get3A_2301] {strides = array<i32>} : memref<5x512xf32, #tpu.memory_space<vmem>>, vector<1x16xf32>,
      %get3A_2303 = vector.shape_cast %get3A_2302 : vector<1x16xf32> to vector<16xf32>
      %swap3A_2304 = arith.constant 80 : index
      %swap3A_2305 = tpu.vector_load %arg7[%swap3A_2304] {strides = array<i32>} : memref<128xf32, #tpu.memory_space<vmem>>, vector<16xf32>,
      %swap3A_2306 = vector.shape_cast %swap3A_2305 : vector<16xf32> to vector<16xf32>
      %swap3A_2307 = vector.shape_cast %get3A_2303 : vector<16xf32> to vector<16xf32>
      tpu.vector_store %arg7[%swap3A_2304], %swap3A_2307 {add = true, strides = array<i32>} : memref<128xf32, #tpu.memory_space<vmem>>, vector<16xf32>,
      %get3A_2308 = arith.constant 2 : i32
      %get3A_2309 = arith.index_cast %get3A_2308 : i32 to index
      %get3A_2310 = arith.constant 96 : index
      %get3A_2311 = tpu.vector_load %arg8[%get3A_2309, %get3A_2310] {strides = array<i32>} : memref<5x512xf32, #tpu.memory_space<vmem>>, vector<1x16xf32>,
      %get3A_2312 = vector.shape_cast %get3A_2311 : vector<1x16xf32> to vector<16xf32>
      %swap3A_2313 = arith.constant 96 : index
      %swap3A_2314 = tpu.vector_load %arg7[%swap3A_2313] {strides = array<i32>} : memref<128xf32, #tpu.memory_space<vmem>>, vector<16xf32>,
      %swap3A_2315 = vector.shape_cast %swap3A_2314 : vector<16xf32> to vector<16xf32>
      %swap3A_2316 = vector.shape_cast %get3A_2312 : vector<16xf32> to vector<16xf32>
      tpu.vector_store %arg7[%swap3A_2313], %swap3A_2316 {add = true, strides = array<i32>} : memref<128xf32, #tpu.memory_space<vmem>>, vector<16xf32>,
      %get3A_2317 = arith.constant 2 : i32
      %get3A_2318 = arith.index_cast %get3A_2317 : i32 to index
      %get3A_2319 = arith.constant 112 : index
      %get3A_2320 = tpu.vector_load %arg8[%get3A_2318, %get3A_2319] {strides = array<i32>} : memref<5x512xf32, #tpu.memory_space<vmem>>, vector<1x16xf32>,
      %get3A_2321 = vector.shape_cast %get3A_2320 : vector<1x16xf32> to vector<16xf32>
      %swap3A_2322 = arith.constant 112 : index
      %swap3A_2323 = tpu.vector_load %arg7[%swap3A_2322] {strides = array<i32>} : memref<128xf32, #tpu.memory_space<vmem>>, vector<16xf32>,
      %swap3A_2324 = vector.shape_cast %swap3A_2323 : vector<16xf32> to vector<16xf32>
      %swap3A_2325 = vector.shape_cast %get3A_2321 : vector<16xf32> to vector<16xf32>
      tpu.vector_store %arg7[%swap3A_2322], %swap3A_2325 {add = true, strides = array<i32>} : memref<128xf32, #tpu.memory_space<vmem>>, vector<16xf32>,
      %get3A_2326 = arith.constant 2 : i32
      %get3A_2327 = arith.index_cast %get3A_2326 : i32 to index
      %get3A_2328 = arith.constant 128 : index
      %get3A_2329 = tpu.vector_load %arg8[%get3A_2327, %get3A_2328] {strides = array<i32>} : memref<5x512xf32, #tpu.memory_space<vmem>>, vector<1x16xf32>,
      %get3A_2330 = vector.shape_cast %get3A_2329 : vector<1x16xf32> to vector<16xf32>
      %swap3A_2331 = arith.constant 0 : index
      %swap3A_2332 = tpu.vector_load %arg7[%swap3A_2331] {strides = array<i32>} : memref<128xf32, #tpu.memory_space<vmem>>, vector<16xf32>,
      %swap3A_2333 = vector.shape_cast %swap3A_2332 : vector<16xf32> to vector<16xf32>
      %swap3A_2334 = vector.shape_cast %get3A_2330 : vector<16xf32> to vector<16xf32>
      tpu.vector_store %arg7[%swap3A_2331], %swap3A_2334 {add = true, strides = array<i32>} : memref<128xf32, #tpu.memory_space<vmem>>, vector<16xf32>,
      %get3A_2335 = arith.constant 2 : i32
      %get3A_2336 = arith.index_cast %get3A_2335 : i32 to index
      %get3A_2337 = arith.constant 144 : index
      %get3A_2338 = tpu.vector_load %arg8[%get3A_2336, %get3A_2337] {strides = array<i32>} : memref<5x512xf32, #tpu.memory_space<vmem>>, vector<1x16xf32>,
      %get3A_2339 = vector.shape_cast %get3A_2338 : vector<1x16xf32> to vector<16xf32>
      %swap3A_2340 = arith.constant 16 : index
      %swap3A_2341 = tpu.vector_load %arg7[%swap3A_2340] {strides = array<i32>} : memref<128xf32, #tpu.memory_space<vmem>>, vector<16xf32>,
      %swap3A_2342 = vector.shape_cast %swap3A_2341 : vector<16xf32> to vector<16xf32>
      %swap3A_2343 = vector.shape_cast %get3A_2339 : vector<16xf32> to vector<16xf32>
      tpu.vector_store %arg7[%swap3A_2340], %swap3A_2343 {add = true, strides = array<i32>} : memref<128xf32, #tpu.memory_space<vmem>>, vector<16xf32>,
      %get3A_2344 = arith.constant 2 : i32
      %get3A_2345 = arith.index_cast %get3A_2344 : i32 to index
      %get3A_2346 = arith.constant 160 : index
      %get3A_2347 = tpu.vector_load %arg8[%get3A_2345, %get3A_2346] {strides = array<i32>} : memref<5x512xf32, #tpu.memory_space<vmem>>, vector<1x16xf32>,
      %get3A_2348 = vector.shape_cast %get3A_2347 : vector<1x16xf32> to vector<16xf32>
      %swap3A_2349 = arith.constant 32 : index
      %swap3A_2350 = tpu.vector_load %arg7[%swap3A_2349] {strides = array<i32>} : memref<128xf32, #tpu.memory_space<vmem>>, vector<16xf32>,
      %swap3A_2351 = vector.shape_cast %swap3A_2350 : vector<16xf32> to vector<16xf32>
      %swap3A_2352 = vector.shape_cast %get3A_2348 : vector<16xf32> to vector<16xf32>
      tpu.vector_store %arg7[%swap3A_2349], %swap3A_2352 {add = true, strides = array<i32>} : memref<128xf32, #tpu.memory_space<vmem>>, vector<16xf32>,
      %get3A_2353 = arith.constant 2 : i32
      %get3A_2354 = arith.index_cast %get3A_2353 : i32 to index
      %get3A_2355 = arith.constant 176 : index
      %get3A_2356 = tpu.vector_load %arg8[%get3A_2354, %get3A_2355] {strides = array<i32>} : memref<5x512xf32, #tpu.memory_space<vmem>>, vector<1x16xf32>,
      %get3A_2357 = vector.shape_cast %get3A_2356 : vector<1x16xf32> to vector<16xf32>
      %swap3A_2358 = arith.constant 48 : index
      %swap3A_2359 = tpu.vector_load %arg7[%swap3A_2358] {strides = array<i32>} : memref<128xf32, #tpu.memory_space<vmem>>, vector<16xf32>,
      %swap3A_2360 = vector.shape_cast %swap3A_2359 : vector<16xf32> to vector<16xf32>
      %swap3A_2361 = vector.shape_cast %get3A_2357 : vector<16xf32> to vector<16xf32>
      tpu.vector_store %arg7[%swap3A_2358], %swap3A_2361 {add = true, strides = array<i32>} : memref<128xf32, #tpu.memory_space<vmem>>, vector<16xf32>,
      %get3A_2362 = arith.constant 2 : i32
      %get3A_2363 = arith.index_cast %get3A_2362 : i32 to index
      %get3A_2364 = arith.constant 192 : index
      %get3A_2365 = tpu.vector_load %arg8[%get3A_2363, %get3A_2364] {strides = array<i32>} : memref<5x512xf32, #tpu.memory_space<vmem>>, vector<1x16xf32>,
      %get3A_2366 = vector.shape_cast %get3A_2365 : vector<1x16xf32> to vector<16xf32>
      %swap3A_2367 = arith.constant 64 : index
      %swap3A_2368 = tpu.vector_load %arg7[%swap3A_2367] {strides = array<i32>} : memref<128xf32, #tpu.memory_space<vmem>>, vector<16xf32>,
      %swap3A_2369 = vector.shape_cast %swap3A_2368 : vector<16xf32> to vector<16xf32>
      %swap3A_2370 = vector.shape_cast %get3A_2366 : vector<16xf32> to vector<16xf32>
      tpu.vector_store %arg7[%swap3A_2367], %swap3A_2370 {add = true, strides = array<i32>} : memref<128xf32, #tpu.memory_space<vmem>>, vector<16xf32>,
      %get3A_2371 = arith.constant 2 : i32
      %get3A_2372 = arith.index_cast %get3A_2371 : i32 to index
      %get3A_2373 = arith.constant 208 : index
      %get3A_2374 = tpu.vector_load %arg8[%get3A_2372, %get3A_2373] {strides = array<i32>} : memref<5x512xf32, #tpu.memory_space<vmem>>, vector<1x16xf32>,
      %get3A_2375 = vector.shape_cast %get3A_2374 : vector<1x16xf32> to vector<16xf32>
      %swap3A_2376 = arith.constant 80 : index
      %swap3A_2377 = tpu.vector_load %arg7[%swap3A_2376] {strides = array<i32>} : memref<128xf32, #tpu.memory_space<vmem>>, vector<16xf32>,
      %swap3A_2378 = vector.shape_cast %swap3A_2377 : vector<16xf32> to vector<16xf32>
      %swap3A_2379 = vector.shape_cast %get3A_2375 : vector<16xf32> to vector<16xf32>
      tpu.vector_store %arg7[%swap3A_2376], %swap3A_2379 {add = true, strides = array<i32>} : memref<128xf32, #tpu.memory_space<vmem>>, vector<16xf32>,
      %get3A_2380 = arith.constant 2 : i32
      %get3A_2381 = arith.index_cast %get3A_2380 : i32 to index
      %get3A_2382 = arith.constant 224 : index
      %get3A_2383 = tpu.vector_load %arg8[%get3A_2381, %get3A_2382] {strides = array<i32>} : memref<5x512xf32, #tpu.memory_space<vmem>>, vector<1x16xf32>,
      %get3A_2384 = vector.shape_cast %get3A_2383 : vector<1x16xf32> to vector<16xf32>
      %swap3A_2385 = arith.constant 96 : index
      %swap3A_2386 = tpu.vector_load %arg7[%swap3A_2385] {strides = array<i32>} : memref<128xf32, #tpu.memory_space<vmem>>, vector<16xf32>,
      %swap3A_2387 = vector.shape_cast %swap3A_2386 : vector<16xf32> to vector<16xf32>
      %swap3A_2388 = vector.shape_cast %get3A_2384 : vector<16xf32> to vector<16xf32>
      tpu.vector_store %arg7[%swap3A_2385], %swap3A_2388 {add = true, strides = array<i32>} : memref<128xf32, #tpu.memory_space<vmem>>, vector<16xf32>,
      %get3A_2389 = arith.constant 2 : i32
      %get3A_2390 = arith.index_cast %get3A_2389 : i32 to index
      %get3A_2391 = arith.constant 240 : index
      %get3A_2392 = tpu.vector_load %arg8[%get3A_2390, %get3A_2391] {strides = array<i32>} : memref<5x512xf32, #tpu.memory_space<vmem>>, vector<1x16xf32>,
      %get3A_2393 = vector.shape_cast %get3A_2392 : vector<1x16xf32> to vector<16xf32>
      %swap3A_2394 = arith.constant 112 : index
      %swap3A_2395 = tpu.vector_load %arg7[%swap3A_2394] {strides = array<i32>} : memref<128xf32, #tpu.memory_space<vmem>>, vector<16xf32>,
      %swap3A_2396 = vector.shape_cast %swap3A_2395 : vector<16xf32> to vector<16xf32>
      %swap3A_2397 = vector.shape_cast %get3A_2393 : vector<16xf32> to vector<16xf32>
      tpu.vector_store %arg7[%swap3A_2394], %swap3A_2397 {add = true, strides = array<i32>} : memref<128xf32, #tpu.memory_space<vmem>>, vector<16xf32>,
      %get3A_2398 = arith.constant 2 : i32
      %get3A_2399 = arith.index_cast %get3A_2398 : i32 to index
      %get3A_2400 = arith.constant 256 : index
      %get3A_2401 = tpu.vector_load %arg8[%get3A_2399, %get3A_2400] {strides = array<i32>} : memref<5x512xf32, #tpu.memory_space<vmem>>, vector<1x16xf32>,
      %get3A_2402 = vector.shape_cast %get3A_2401 : vector<1x16xf32> to vector<16xf32>
      %swap3A_2403 = arith.constant 0 : index
      %swap3A_2404 = tpu.vector_load %arg7[%swap3A_2403] {strides = array<i32>} : memref<128xf32, #tpu.memory_space<vmem>>, vector<16xf32>,
      %swap3A_2405 = vector.shape_cast %swap3A_2404 : vector<16xf32> to vector<16xf32>
      %swap3A_2406 = vector.shape_cast %get3A_2402 : vector<16xf32> to vector<16xf32>
      tpu.vector_store %arg7[%swap3A_2403], %swap3A_2406 {add = true, strides = array<i32>} : memref<128xf32, #tpu.memory_space<vmem>>, vector<16xf32>,
      %get3A_2407 = arith.constant 2 : i32
      %get3A_2408 = arith.index_cast %get3A_2407 : i32 to index
      %get3A_2409 = arith.constant 272 : index
      %get3A_2410 = tpu.vector_load %arg8[%get3A_2408, %get3A_2409] {strides = array<i32>} : memref<5x512xf32, #tpu.memory_space<vmem>>, vector<1x16xf32>,
      %get3A_2411 = vector.shape_cast %get3A_2410 : vector<1x16xf32> to vector<16xf32>
      %swap3A_2412 = arith.constant 16 : index
      %swap3A_2413 = tpu.vector_load %arg7[%swap3A_2412] {strides = array<i32>} : memref<128xf32, #tpu.memory_space<vmem>>, vector<16xf32>,
      %swap3A_2414 = vector.shape_cast %swap3A_2413 : vector<16xf32> to vector<16xf32>
      %swap3A_2415 = vector.shape_cast %get3A_2411 : vector<16xf32> to vector<16xf32>
      tpu.vector_store %arg7[%swap3A_2412], %swap3A_2415 {add = true, strides = array<i32>} : memref<128xf32, #tpu.memory_space<vmem>>, vector<16xf32>,
      %get3A_2416 = arith.constant 2 : i32
      %get3A_2417 = arith.index_cast %get3A_2416 : i32 to index
      %get3A_2418 = arith.constant 288 : index
      %get3A_2419 = tpu.vector_load %arg8[%get3A_2417, %get3A_2418] {strides = array<i32>} : memref<5x512xf32, #tpu.memory_space<vmem>>, vector<1x16xf32>,
      %get3A_2420 = vector.shape_cast %get3A_2419 : vector<1x16xf32> to vector<16xf32>
      %swap3A_2421 = arith.constant 32 : index
      %swap3A_2422 = tpu.vector_load %arg7[%swap3A_2421] {strides = array<i32>} : memref<128xf32, #tpu.memory_space<vmem>>, vector<16xf32>,
      %swap3A_2423 = vector.shape_cast %swap3A_2422 : vector<16xf32> to vector<16xf32>
      %swap3A_2424 = vector.shape_cast %get3A_2420 : vector<16xf32> to vector<16xf32>
      tpu.vector_store %arg7[%swap3A_2421], %swap3A_2424 {add = true, strides = array<i32>} : memref<128xf32, #tpu.memory_space<vmem>>, vector<16xf32>,
      %get3A_2425 = arith.constant 2 : i32
      %get3A_2426 = arith.index_cast %get3A_2425 : i32 to index
      %get3A_2427 = arith.constant 304 : index
      %get3A_2428 = tpu.vector_load %arg8[%get3A_2426, %get3A_2427] {strides = array<i32>} : memref<5x512xf32, #tpu.memory_space<vmem>>, vector<1x16xf32>,
      %get3A_2429 = vector.shape_cast %get3A_2428 : vector<1x16xf32> to vector<16xf32>
      %swap3A_2430 = arith.constant 48 : index
      %swap3A_2431 = tpu.vector_load %arg7[%swap3A_2430] {strides = array<i32>} : memref<128xf32, #tpu.memory_space<vmem>>, vector<16xf32>,
      %swap3A_2432 = vector.shape_cast %swap3A_2431 : vector<16xf32> to vector<16xf32>
      %swap3A_2433 = vector.shape_cast %get3A_2429 : vector<16xf32> to vector<16xf32>
      tpu.vector_store %arg7[%swap3A_2430], %swap3A_2433 {add = true, strides = array<i32>} : memref<128xf32, #tpu.memory_space<vmem>>, vector<16xf32>,
      %get3A_2434 = arith.constant 2 : i32
      %get3A_2435 = arith.index_cast %get3A_2434 : i32 to index
      %get3A_2436 = arith.constant 320 : index
      %get3A_2437 = tpu.vector_load %arg8[%get3A_2435, %get3A_2436] {strides = array<i32>} : memref<5x512xf32, #tpu.memory_space<vmem>>, vector<1x16xf32>,
      %get3A_2438 = vector.shape_cast %get3A_2437 : vector<1x16xf32> to vector<16xf32>
      %swap3A_2439 = arith.constant 64 : index
      %swap3A_2440 = tpu.vector_load %arg7[%swap3A_2439] {strides = array<i32>} : memref<128xf32, #tpu.memory_space<vmem>>, vector<16xf32>,
      %swap3A_2441 = vector.shape_cast %swap3A_2440 : vector<16xf32> to vector<16xf32>
      %swap3A_2442 = vector.shape_cast %get3A_2438 : vector<16xf32> to vector<16xf32>
      tpu.vector_store %arg7[%swap3A_2439], %swap3A_2442 {add = true, strides = array<i32>} : memref<128xf32, #tpu.memory_space<vmem>>, vector<16xf32>,
      %get3A_2443 = arith.constant 2 : i32
      %get3A_2444 = arith.index_cast %get3A_2443 : i32 to index
      %get3A_2445 = arith.constant 336 : index
      %get3A_2446 = tpu.vector_load %arg8[%get3A_2444, %get3A_2445] {strides = array<i32>} : memref<5x512xf32, #tpu.memory_space<vmem>>, vector<1x16xf32>,
      %get3A_2447 = vector.shape_cast %get3A_2446 : vector<1x16xf32> to vector<16xf32>
      %swap3A_2448 = arith.constant 80 : index
      %swap3A_2449 = tpu.vector_load %arg7[%swap3A_2448] {strides = array<i32>} : memref<128xf32, #tpu.memory_space<vmem>>, vector<16xf32>,
      %swap3A_2450 = vector.shape_cast %swap3A_2449 : vector<16xf32> to vector<16xf32>
      %swap3A_2451 = vector.shape_cast %get3A_2447 : vector<16xf32> to vector<16xf32>
      tpu.vector_store %arg7[%swap3A_2448], %swap3A_2451 {add = true, strides = array<i32>} : memref<128xf32, #tpu.memory_space<vmem>>, vector<16xf32>,
      %get3A_2452 = arith.constant 2 : i32
      %get3A_2453 = arith.index_cast %get3A_2452 : i32 to index
      %get3A_2454 = arith.constant 352 : index
      %get3A_2455 = tpu.vector_load %arg8[%get3A_2453, %get3A_2454] {strides = array<i32>} : memref<5x512xf32, #tpu.memory_space<vmem>>, vector<1x16xf32>,
      %get3A_2456 = vector.shape_cast %get3A_2455 : vector<1x16xf32> to vector<16xf32>
      %swap3A_2457 = arith.constant 96 : index
      %swap3A_2458 = tpu.vector_load %arg7[%swap3A_2457] {strides = array<i32>} : memref<128xf32, #tpu.memory_space<vmem>>, vector<16xf32>,
      %swap3A_2459 = vector.shape_cast %swap3A_2458 : vector<16xf32> to vector<16xf32>
      %swap3A_2460 = vector.shape_cast %get3A_2456 : vector<16xf32> to vector<16xf32>
      tpu.vector_store %arg7[%swap3A_2457], %swap3A_2460 {add = true, strides = array<i32>} : memref<128xf32, #tpu.memory_space<vmem>>, vector<16xf32>,
      %get3A_2461 = arith.constant 2 : i32
      %get3A_2462 = arith.index_cast %get3A_2461 : i32 to index
      %get3A_2463 = arith.constant 368 : index
      %get3A_2464 = tpu.vector_load %arg8[%get3A_2462, %get3A_2463] {strides = array<i32>} : memref<5x512xf32, #tpu.memory_space<vmem>>, vector<1x16xf32>,
      %get3A_2465 = vector.shape_cast %get3A_2464 : vector<1x16xf32> to vector<16xf32>
      %swap3A_2466 = arith.constant 112 : index
      %swap3A_2467 = tpu.vector_load %arg7[%swap3A_2466] {strides = array<i32>} : memref<128xf32, #tpu.memory_space<vmem>>, vector<16xf32>,
      %swap3A_2468 = vector.shape_cast %swap3A_2467 : vector<16xf32> to vector<16xf32>
      %swap3A_2469 = vector.shape_cast %get3A_2465 : vector<16xf32> to vector<16xf32>
      tpu.vector_store %arg7[%swap3A_2466], %swap3A_2469 {add = true, strides = array<i32>} : memref<128xf32, #tpu.memory_space<vmem>>, vector<16xf32>,
      %get3A_2470 = arith.constant 2 : i32
      %get3A_2471 = arith.index_cast %get3A_2470 : i32 to index
      %get3A_2472 = arith.constant 384 : index
      %get3A_2473 = tpu.vector_load %arg8[%get3A_2471, %get3A_2472] {strides = array<i32>} : memref<5x512xf32, #tpu.memory_space<vmem>>, vector<1x16xf32>,
      %get3A_2474 = vector.shape_cast %get3A_2473 : vector<1x16xf32> to vector<16xf32>
      %swap3A_2475 = arith.constant 0 : index
      %swap3A_2476 = tpu.vector_load %arg7[%swap3A_2475] {strides = array<i32>} : memref<128xf32, #tpu.memory_space<vmem>>, vector<16xf32>,
      %swap3A_2477 = vector.shape_cast %swap3A_2476 : vector<16xf32> to vector<16xf32>
      %swap3A_2478 = vector.shape_cast %get3A_2474 : vector<16xf32> to vector<16xf32>
      tpu.vector_store %arg7[%swap3A_2475], %swap3A_2478 {add = true, strides = array<i32>} : memref<128xf32, #tpu.memory_space<vmem>>, vector<16xf32>,
      %get3A_2479 = arith.constant 2 : i32
      %get3A_2480 = arith.index_cast %get3A_2479 : i32 to index
      %get3A_2481 = arith.constant 400 : index
      %get3A_2482 = tpu.vector_load %arg8[%get3A_2480, %get3A_2481] {strides = array<i32>} : memref<5x512xf32, #tpu.memory_space<vmem>>, vector<1x16xf32>,
      %get3A_2483 = vector.shape_cast %get3A_2482 : vector<1x16xf32> to vector<16xf32>
      %swap3A_2484 = arith.constant 16 : index
      %swap3A_2485 = tpu.vector_load %arg7[%swap3A_2484] {strides = array<i32>} : memref<128xf32, #tpu.memory_space<vmem>>, vector<16xf32>,
      %swap3A_2486 = vector.shape_cast %swap3A_2485 : vector<16xf32> to vector<16xf32>
      %swap3A_2487 = vector.shape_cast %get3A_2483 : vector<16xf32> to vector<16xf32>
      tpu.vector_store %arg7[%swap3A_2484], %swap3A_2487 {add = true, strides = array<i32>} : memref<128xf32, #tpu.memory_space<vmem>>, vector<16xf32>,
      %get3A_2488 = arith.constant 2 : i32
      %get3A_2489 = arith.index_cast %get3A_2488 : i32 to index
      %get3A_2490 = arith.constant 416 : index
      %get3A_2491 = tpu.vector_load %arg8[%get3A_2489, %get3A_2490] {strides = array<i32>} : memref<5x512xf32, #tpu.memory_space<vmem>>, vector<1x16xf32>,
      %get3A_2492 = vector.shape_cast %get3A_2491 : vector<1x16xf32> to vector<16xf32>
      %swap3A_2493 = arith.constant 32 : index
      %swap3A_2494 = tpu.vector_load %arg7[%swap3A_2493] {strides = array<i32>} : memref<128xf32, #tpu.memory_space<vmem>>, vector<16xf32>,
      %swap3A_2495 = vector.shape_cast %swap3A_2494 : vector<16xf32> to vector<16xf32>
      %swap3A_2496 = vector.shape_cast %get3A_2492 : vector<16xf32> to vector<16xf32>
      tpu.vector_store %arg7[%swap3A_2493], %swap3A_2496 {add = true, strides = array<i32>} : memref<128xf32, #tpu.memory_space<vmem>>, vector<16xf32>,
      %get3A_2497 = arith.constant 2 : i32
      %get3A_2498 = arith.index_cast %get3A_2497 : i32 to index
      %get3A_2499 = arith.constant 432 : index
      %get3A_2500 = tpu.vector_load %arg8[%get3A_2498, %get3A_2499] {strides = array<i32>} : memref<5x512xf32, #tpu.memory_space<vmem>>, vector<1x16xf32>,
      %get3A_2501 = vector.shape_cast %get3A_2500 : vector<1x16xf32> to vector<16xf32>
      %swap3A_2502 = arith.constant 48 : index
      %swap3A_2503 = tpu.vector_load %arg7[%swap3A_2502] {strides = array<i32>} : memref<128xf32, #tpu.memory_space<vmem>>, vector<16xf32>,
      %swap3A_2504 = vector.shape_cast %swap3A_2503 : vector<16xf32> to vector<16xf32>
      %swap3A_2505 = vector.shape_cast %get3A_2501 : vector<16xf32> to vector<16xf32>
      tpu.vector_store %arg7[%swap3A_2502], %swap3A_2505 {add = true, strides = array<i32>} : memref<128xf32, #tpu.memory_space<vmem>>, vector<16xf32>,
      %get3A_2506 = arith.constant 2 : i32
      %get3A_2507 = arith.index_cast %get3A_2506 : i32 to index
      %get3A_2508 = arith.constant 448 : index
      %get3A_2509 = tpu.vector_load %arg8[%get3A_2507, %get3A_2508] {strides = array<i32>} : memref<5x512xf32, #tpu.memory_space<vmem>>, vector<1x16xf32>,
      %get3A_2510 = vector.shape_cast %get3A_2509 : vector<1x16xf32> to vector<16xf32>
      %swap3A_2511 = arith.constant 64 : index
      %swap3A_2512 = tpu.vector_load %arg7[%swap3A_2511] {strides = array<i32>} : memref<128xf32, #tpu.memory_space<vmem>>, vector<16xf32>,
      %swap3A_2513 = vector.shape_cast %swap3A_2512 : vector<16xf32> to vector<16xf32>
      %swap3A_2514 = vector.shape_cast %get3A_2510 : vector<16xf32> to vector<16xf32>
      tpu.vector_store %arg7[%swap3A_2511], %swap3A_2514 {add = true, strides = array<i32>} : memref<128xf32, #tpu.memory_space<vmem>>, vector<16xf32>,
      %get3A_2515 = arith.constant 2 : i32
      %get3A_2516 = arith.index_cast %get3A_2515 : i32 to index
      %get3A_2517 = arith.constant 464 : index
      %get3A_2518 = tpu.vector_load %arg8[%get3A_2516, %get3A_2517] {strides = array<i32>} : memref<5x512xf32, #tpu.memory_space<vmem>>, vector<1x16xf32>,
      %get3A_2519 = vector.shape_cast %get3A_2518 : vector<1x16xf32> to vector<16xf32>
      %swap3A_2520 = arith.constant 80 : index
      %swap3A_2521 = tpu.vector_load %arg7[%swap3A_2520] {strides = array<i32>} : memref<128xf32, #tpu.memory_space<vmem>>, vector<16xf32>,
      %swap3A_2522 = vector.shape_cast %swap3A_2521 : vector<16xf32> to vector<16xf32>
      %swap3A_2523 = vector.shape_cast %get3A_2519 : vector<16xf32> to vector<16xf32>
      tpu.vector_store %arg7[%swap3A_2520], %swap3A_2523 {add = true, strides = array<i32>} : memref<128xf32, #tpu.memory_space<vmem>>, vector<16xf32>,
      %get3A_2524 = arith.constant 2 : i32
      %get3A_2525 = arith.index_cast %get3A_2524 : i32 to index
      %get3A_2526 = arith.constant 480 : index
      %get3A_2527 = tpu.vector_load %arg8[%get3A_2525, %get3A_2526] {strides = array<i32>} : memref<5x512xf32, #tpu.memory_space<vmem>>, vector<1x16xf32>,
      %get3A_2528 = vector.shape_cast %get3A_2527 : vector<1x16xf32> to vector<16xf32>
      %swap3A_2529 = arith.constant 96 : index
      %swap3A_2530 = tpu.vector_load %arg7[%swap3A_2529] {strides = array<i32>} : memref<128xf32, #tpu.memory_space<vmem>>, vector<16xf32>,
      %swap3A_2531 = vector.shape_cast %swap3A_2530 : vector<16xf32> to vector<16xf32>
      %swap3A_2532 = vector.shape_cast %get3A_2528 : vector<16xf32> to vector<16xf32>
      tpu.vector_store %arg7[%swap3A_2529], %swap3A_2532 {add = true, strides = array<i32>} : memref<128xf32, #tpu.memory_space<vmem>>, vector<16xf32>,
      %get3A_2533 = arith.constant 2 : i32
      %get3A_2534 = arith.index_cast %get3A_2533 : i32 to index
      %get3A_2535 = arith.constant 496 : index
      %get3A_2536 = tpu.vector_load %arg8[%get3A_2534, %get3A_2535] {strides = array<i32>} : memref<5x512xf32, #tpu.memory_space<vmem>>, vector<1x16xf32>,
      %get3A_2537 = vector.shape_cast %get3A_2536 : vector<1x16xf32> to vector<16xf32>
      %swap3A_2538 = arith.constant 112 : index
      %swap3A_2539 = tpu.vector_load %arg7[%swap3A_2538] {strides = array<i32>} : memref<128xf32, #tpu.memory_space<vmem>>, vector<16xf32>,
      %swap3A_2540 = vector.shape_cast %swap3A_2539 : vector<16xf32> to vector<16xf32>
      %swap3A_2541 = vector.shape_cast %get3A_2537 : vector<16xf32> to vector<16xf32>
      tpu.vector_store %arg7[%swap3A_2538], %swap3A_2541 {add = true, strides = array<i32>} : memref<128xf32, #tpu.memory_space<vmem>>, vector<16xf32>,
      %add3A_2542 = arith.constant 5 : i32
      %add3A_2543 = arith.addi %add3A_2243, %add3A_2542 : i32
      %le3A_2544 = arith.constant 49 : i32
      %le3A_2545 = arith.cmpi sle, %add3A_2543, %le3A_2544 : i32
      %convert_element_type3A_2546 = arith.extui %le3A_2545 : i1 to i32
      %cond3A_2547 = arith.constant 0 : i32
      %cond3A_2548 = arith.cmpi ne, %convert_element_type3A_2546, %cond3A_2547 : i32
      scf.if %cond3A_2548 {
        %add3A_3167 = arith.constant 5 : i32
        %add3A_3168 = arith.addi %add3A_2243, %add3A_3167 : i32
        %dma_start3A_3169 = arith.constant 2 : i32
        %dma_start3A_3170 = arith.constant 0 : i32
        %dma_start3A_3171 = tpu.memref_slice %arg8[%dma_start3A_3169, %dma_start3A_3170] : memref<5x512xf32, #tpu.memory_space<vmem>> -> memref<1x512xf32, #tpu.memory_space<vmem>>
        %dma_start3A_3172 = tpu.memref_squeeze %dma_start3A_3171 : memref<1x512xf32, #tpu.memory_space<vmem>> -> memref<512xf32, #tpu.memory_space<vmem>>
        %dma_start3A_3173 = arith.constant 0 : i32
        %dma_start3A_3174 = tpu.memref_slice %arg6[%add3A_3168, %dma_start3A_3173] : memref<50x512xi32, #tpu.memory_space<vmem>> -> memref<1x512xi32, #tpu.memory_space<vmem>>
        %dma_start3A_3175 = tpu.memref_squeeze %dma_start3A_3174 : memref<1x512xi32, #tpu.memory_space<vmem>> -> memref<512xi32, #tpu.memory_space<vmem>>
        %dma_start3A_3176 = arith.constant 0 : i32
        %dma_start3A_3177 = tpu.memref_slice %arg9[%dma_start3A_3176] : memref<1015808xf32, #tpu.memory_space<vmem_shared>> -> memref<1015808xf32, #tpu.memory_space<vmem_shared>>
        tpu.enqueue_indirect_dma source(%dma_start3A_3177 : memref<1015808xf32, #tpu.memory_space<vmem_shared>>) target(%dma_start3A_3172 : memref<512xf32, #tpu.memory_space<vmem>>) offsets(%dma_start3A_3175 : memref<512xi32, #tpu.memory_space<vmem>>) semaphore(%arg12 : memref<!tpu.dma_semaphore, #tpu.memory_space<semaphore_mem>>)
      } else {
      }
      %mul3A_2549 = arith.constant 5 : i32
      %mul3A_2550 = arith.muli %mul3A_2549, %scan3A_1624 : i32
      %add3A_2551 = arith.constant 3 : i32
      %add3A_2552 = arith.addi %mul3A_2550, %add3A_2551 : i32
      %dma_wait3A_2553 = arith.constant 0 : i32
      %dma_wait3A_2554 = arith.constant 3 : i32
      %dma_wait3A_2555 = arith.constant 0 : i32
      %dma_wait3A_2556 = tpu.memref_slice %arg8[%dma_wait3A_2554, %dma_wait3A_2555] : memref<5x512xf32, #tpu.memory_space<vmem>> -> memref<1x512xf32, #tpu.memory_space<vmem>>
      %dma_wait3A_2557 = tpu.memref_squeeze %dma_wait3A_2556 : memref<1x512xf32, #tpu.memory_space<vmem>> -> memref<512xf32, #tpu.memory_space<vmem>>
      %dma_wait3A_2558 = arith.constant 0 : i32
      %dma_wait3A_2559 = tpu.memref_slice %arg6[%dma_wait3A_2553, %dma_wait3A_2558] : memref<50x512xi32, #tpu.memory_space<vmem>> -> memref<1x512xi32, #tpu.memory_space<vmem>>
      %dma_wait3A_2560 = tpu.memref_squeeze %dma_wait3A_2559 : memref<1x512xi32, #tpu.memory_space<vmem>> -> memref<512xi32, #tpu.memory_space<vmem>>
      %dma_wait3A_2561 = arith.constant 0 : i32
      %dma_wait3A_2562 = tpu.memref_slice %arg9[%dma_wait3A_2561] : memref<1015808xf32, #tpu.memory_space<vmem_shared>> -> memref<1015808xf32, #tpu.memory_space<vmem_shared>>
      tpu.wait_indirect_dma semaphore(%arg13 : memref<!tpu.dma_semaphore, #tpu.memory_space<semaphore_mem>>) src(%dma_wait3A_2562 : memref<1015808xf32, #tpu.memory_space<vmem_shared>>) dst(%dma_wait3A_2557 : memref<512xf32, #tpu.memory_space<vmem>>)
      %get3A_2563 = arith.constant 3 : i32
      %get3A_2564 = arith.index_cast %get3A_2563 : i32 to index
      %get3A_2565 = arith.constant 0 : index
      %get3A_2566 = tpu.vector_load %arg8[%get3A_2564, %get3A_2565] {strides = array<i32>} : memref<5x512xf32, #tpu.memory_space<vmem>>, vector<1x16xf32>,
      %get3A_2567 = vector.shape_cast %get3A_2566 : vector<1x16xf32> to vector<16xf32>
      %swap3A_2568 = arith.constant 0 : index
      %swap3A_2569 = tpu.vector_load %arg7[%swap3A_2568] {strides = array<i32>} : memref<128xf32, #tpu.memory_space<vmem>>, vector<16xf32>,
      %swap3A_2570 = vector.shape_cast %swap3A_2569 : vector<16xf32> to vector<16xf32>
      %swap3A_2571 = vector.shape_cast %get3A_2567 : vector<16xf32> to vector<16xf32>
      tpu.vector_store %arg7[%swap3A_2568], %swap3A_2571 {add = true, strides = array<i32>} : memref<128xf32, #tpu.memory_space<vmem>>, vector<16xf32>,
      %get3A_2572 = arith.constant 3 : i32
      %get3A_2573 = arith.index_cast %get3A_2572 : i32 to index
      %get3A_2574 = arith.constant 16 : index
      %get3A_2575 = tpu.vector_load %arg8[%get3A_2573, %get3A_2574] {strides = array<i32>} : memref<5x512xf32, #tpu.memory_space<vmem>>, vector<1x16xf32>,
      %get3A_2576 = vector.shape_cast %get3A_2575 : vector<1x16xf32> to vector<16xf32>
      %swap3A_2577 = arith.constant 16 : index
      %swap3A_2578 = tpu.vector_load %arg7[%swap3A_2577] {strides = array<i32>} : memref<128xf32, #tpu.memory_space<vmem>>, vector<16xf32>,
      %swap3A_2579 = vector.shape_cast %swap3A_2578 : vector<16xf32> to vector<16xf32>
      %swap3A_2580 = vector.shape_cast %get3A_2576 : vector<16xf32> to vector<16xf32>
      tpu.vector_store %arg7[%swap3A_2577], %swap3A_2580 {add = true, strides = array<i32>} : memref<128xf32, #tpu.memory_space<vmem>>, vector<16xf32>,
      %get3A_2581 = arith.constant 3 : i32
      %get3A_2582 = arith.index_cast %get3A_2581 : i32 to index
      %get3A_2583 = arith.constant 32 : index
      %get3A_2584 = tpu.vector_load %arg8[%get3A_2582, %get3A_2583] {strides = array<i32>} : memref<5x512xf32, #tpu.memory_space<vmem>>, vector<1x16xf32>,
      %get3A_2585 = vector.shape_cast %get3A_2584 : vector<1x16xf32> to vector<16xf32>
      %swap3A_2586 = arith.constant 32 : index
      %swap3A_2587 = tpu.vector_load %arg7[%swap3A_2586] {strides = array<i32>} : memref<128xf32, #tpu.memory_space<vmem>>, vector<16xf32>,
      %swap3A_2588 = vector.shape_cast %swap3A_2587 : vector<16xf32> to vector<16xf32>
      %swap3A_2589 = vector.shape_cast %get3A_2585 : vector<16xf32> to vector<16xf32>
      tpu.vector_store %arg7[%swap3A_2586], %swap3A_2589 {add = true, strides = array<i32>} : memref<128xf32, #tpu.memory_space<vmem>>, vector<16xf32>,
      %get3A_2590 = arith.constant 3 : i32
      %get3A_2591 = arith.index_cast %get3A_2590 : i32 to index
      %get3A_2592 = arith.constant 48 : index
      %get3A_2593 = tpu.vector_load %arg8[%get3A_2591, %get3A_2592] {strides = array<i32>} : memref<5x512xf32, #tpu.memory_space<vmem>>, vector<1x16xf32>,
      %get3A_2594 = vector.shape_cast %get3A_2593 : vector<1x16xf32> to vector<16xf32>
      %swap3A_2595 = arith.constant 48 : index
      %swap3A_2596 = tpu.vector_load %arg7[%swap3A_2595] {strides = array<i32>} : memref<128xf32, #tpu.memory_space<vmem>>, vector<16xf32>,
      %swap3A_2597 = vector.shape_cast %swap3A_2596 : vector<16xf32> to vector<16xf32>
      %swap3A_2598 = vector.shape_cast %get3A_2594 : vector<16xf32> to vector<16xf32>
      tpu.vector_store %arg7[%swap3A_2595], %swap3A_2598 {add = true, strides = array<i32>} : memref<128xf32, #tpu.memory_space<vmem>>, vector<16xf32>,
      %get3A_2599 = arith.constant 3 : i32
      %get3A_2600 = arith.index_cast %get3A_2599 : i32 to index
      %get3A_2601 = arith.constant 64 : index
      %get3A_2602 = tpu.vector_load %arg8[%get3A_2600, %get3A_2601] {strides = array<i32>} : memref<5x512xf32, #tpu.memory_space<vmem>>, vector<1x16xf32>,
      %get3A_2603 = vector.shape_cast %get3A_2602 : vector<1x16xf32> to vector<16xf32>
      %swap3A_2604 = arith.constant 64 : index
      %swap3A_2605 = tpu.vector_load %arg7[%swap3A_2604] {strides = array<i32>} : memref<128xf32, #tpu.memory_space<vmem>>, vector<16xf32>,
      %swap3A_2606 = vector.shape_cast %swap3A_2605 : vector<16xf32> to vector<16xf32>
      %swap3A_2607 = vector.shape_cast %get3A_2603 : vector<16xf32> to vector<16xf32>
      tpu.vector_store %arg7[%swap3A_2604], %swap3A_2607 {add = true, strides = array<i32>} : memref<128xf32, #tpu.memory_space<vmem>>, vector<16xf32>,
      %get3A_2608 = arith.constant 3 : i32
      %get3A_2609 = arith.index_cast %get3A_2608 : i32 to index
      %get3A_2610 = arith.constant 80 : index
      %get3A_2611 = tpu.vector_load %arg8[%get3A_2609, %get3A_2610] {strides = array<i32>} : memref<5x512xf32, #tpu.memory_space<vmem>>, vector<1x16xf32>,
      %get3A_2612 = vector.shape_cast %get3A_2611 : vector<1x16xf32> to vector<16xf32>
      %swap3A_2613 = arith.constant 80 : index
      %swap3A_2614 = tpu.vector_load %arg7[%swap3A_2613] {strides = array<i32>} : memref<128xf32, #tpu.memory_space<vmem>>, vector<16xf32>,
      %swap3A_2615 = vector.shape_cast %swap3A_2614 : vector<16xf32> to vector<16xf32>
      %swap3A_2616 = vector.shape_cast %get3A_2612 : vector<16xf32> to vector<16xf32>
      tpu.vector_store %arg7[%swap3A_2613], %swap3A_2616 {add = true, strides = array<i32>} : memref<128xf32, #tpu.memory_space<vmem>>, vector<16xf32>,
      %get3A_2617 = arith.constant 3 : i32
      %get3A_2618 = arith.index_cast %get3A_2617 : i32 to index
      %get3A_2619 = arith.constant 96 : index
      %get3A_2620 = tpu.vector_load %arg8[%get3A_2618, %get3A_2619] {strides = array<i32>} : memref<5x512xf32, #tpu.memory_space<vmem>>, vector<1x16xf32>,
      %get3A_2621 = vector.shape_cast %get3A_2620 : vector<1x16xf32> to vector<16xf32>
      %swap3A_2622 = arith.constant 96 : index
      %swap3A_2623 = tpu.vector_load %arg7[%swap3A_2622] {strides = array<i32>} : memref<128xf32, #tpu.memory_space<vmem>>, vector<16xf32>,
      %swap3A_2624 = vector.shape_cast %swap3A_2623 : vector<16xf32> to vector<16xf32>
      %swap3A_2625 = vector.shape_cast %get3A_2621 : vector<16xf32> to vector<16xf32>
      tpu.vector_store %arg7[%swap3A_2622], %swap3A_2625 {add = true, strides = array<i32>} : memref<128xf32, #tpu.memory_space<vmem>>, vector<16xf32>,
      %get3A_2626 = arith.constant 3 : i32
      %get3A_2627 = arith.index_cast %get3A_2626 : i32 to index
      %get3A_2628 = arith.constant 112 : index
      %get3A_2629 = tpu.vector_load %arg8[%get3A_2627, %get3A_2628] {strides = array<i32>} : memref<5x512xf32, #tpu.memory_space<vmem>>, vector<1x16xf32>,
      %get3A_2630 = vector.shape_cast %get3A_2629 : vector<1x16xf32> to vector<16xf32>
      %swap3A_2631 = arith.constant 112 : index
      %swap3A_2632 = tpu.vector_load %arg7[%swap3A_2631] {strides = array<i32>} : memref<128xf32, #tpu.memory_space<vmem>>, vector<16xf32>,
      %swap3A_2633 = vector.shape_cast %swap3A_2632 : vector<16xf32> to vector<16xf32>
      %swap3A_2634 = vector.shape_cast %get3A_2630 : vector<16xf32> to vector<16xf32>
      tpu.vector_store %arg7[%swap3A_2631], %swap3A_2634 {add = true, strides = array<i32>} : memref<128xf32, #tpu.memory_space<vmem>>, vector<16xf32>,
      %get3A_2635 = arith.constant 3 : i32
      %get3A_2636 = arith.index_cast %get3A_2635 : i32 to index
      %get3A_2637 = arith.constant 128 : index
      %get3A_2638 = tpu.vector_load %arg8[%get3A_2636, %get3A_2637] {strides = array<i32>} : memref<5x512xf32, #tpu.memory_space<vmem>>, vector<1x16xf32>,
      %get3A_2639 = vector.shape_cast %get3A_2638 : vector<1x16xf32> to vector<16xf32>
      %swap3A_2640 = arith.constant 0 : index
      %swap3A_2641 = tpu.vector_load %arg7[%swap3A_2640] {strides = array<i32>} : memref<128xf32, #tpu.memory_space<vmem>>, vector<16xf32>,
      %swap3A_2642 = vector.shape_cast %swap3A_2641 : vector<16xf32> to vector<16xf32>
      %swap3A_2643 = vector.shape_cast %get3A_2639 : vector<16xf32> to vector<16xf32>
      tpu.vector_store %arg7[%swap3A_2640], %swap3A_2643 {add = true, strides = array<i32>} : memref<128xf32, #tpu.memory_space<vmem>>, vector<16xf32>,
      %get3A_2644 = arith.constant 3 : i32
      %get3A_2645 = arith.index_cast %get3A_2644 : i32 to index
      %get3A_2646 = arith.constant 144 : index
      %get3A_2647 = tpu.vector_load %arg8[%get3A_2645, %get3A_2646] {strides = array<i32>} : memref<5x512xf32, #tpu.memory_space<vmem>>, vector<1x16xf32>,
      %get3A_2648 = vector.shape_cast %get3A_2647 : vector<1x16xf32> to vector<16xf32>
      %swap3A_2649 = arith.constant 16 : index
      %swap3A_2650 = tpu.vector_load %arg7[%swap3A_2649] {strides = array<i32>} : memref<128xf32, #tpu.memory_space<vmem>>, vector<16xf32>,
      %swap3A_2651 = vector.shape_cast %swap3A_2650 : vector<16xf32> to vector<16xf32>
      %swap3A_2652 = vector.shape_cast %get3A_2648 : vector<16xf32> to vector<16xf32>
      tpu.vector_store %arg7[%swap3A_2649], %swap3A_2652 {add = true, strides = array<i32>} : memref<128xf32, #tpu.memory_space<vmem>>, vector<16xf32>,
      %get3A_2653 = arith.constant 3 : i32
      %get3A_2654 = arith.index_cast %get3A_2653 : i32 to index
      %get3A_2655 = arith.constant 160 : index
      %get3A_2656 = tpu.vector_load %arg8[%get3A_2654, %get3A_2655] {strides = array<i32>} : memref<5x512xf32, #tpu.memory_space<vmem>>, vector<1x16xf32>,
      %get3A_2657 = vector.shape_cast %get3A_2656 : vector<1x16xf32> to vector<16xf32>
      %swap3A_2658 = arith.constant 32 : index
      %swap3A_2659 = tpu.vector_load %arg7[%swap3A_2658] {strides = array<i32>} : memref<128xf32, #tpu.memory_space<vmem>>, vector<16xf32>,
      %swap3A_2660 = vector.shape_cast %swap3A_2659 : vector<16xf32> to vector<16xf32>
      %swap3A_2661 = vector.shape_cast %get3A_2657 : vector<16xf32> to vector<16xf32>
      tpu.vector_store %arg7[%swap3A_2658], %swap3A_2661 {add = true, strides = array<i32>} : memref<128xf32, #tpu.memory_space<vmem>>, vector<16xf32>,
      %get3A_2662 = arith.constant 3 : i32
      %get3A_2663 = arith.index_cast %get3A_2662 : i32 to index
      %get3A_2664 = arith.constant 176 : index
      %get3A_2665 = tpu.vector_load %arg8[%get3A_2663, %get3A_2664] {strides = array<i32>} : memref<5x512xf32, #tpu.memory_space<vmem>>, vector<1x16xf32>,
      %get3A_2666 = vector.shape_cast %get3A_2665 : vector<1x16xf32> to vector<16xf32>
      %swap3A_2667 = arith.constant 48 : index
      %swap3A_2668 = tpu.vector_load %arg7[%swap3A_2667] {strides = array<i32>} : memref<128xf32, #tpu.memory_space<vmem>>, vector<16xf32>,
      %swap3A_2669 = vector.shape_cast %swap3A_2668 : vector<16xf32> to vector<16xf32>
      %swap3A_2670 = vector.shape_cast %get3A_2666 : vector<16xf32> to vector<16xf32>
      tpu.vector_store %arg7[%swap3A_2667], %swap3A_2670 {add = true, strides = array<i32>} : memref<128xf32, #tpu.memory_space<vmem>>, vector<16xf32>,
      %get3A_2671 = arith.constant 3 : i32
      %get3A_2672 = arith.index_cast %get3A_2671 : i32 to index
      %get3A_2673 = arith.constant 192 : index
      %get3A_2674 = tpu.vector_load %arg8[%get3A_2672, %get3A_2673] {strides = array<i32>} : memref<5x512xf32, #tpu.memory_space<vmem>>, vector<1x16xf32>,
      %get3A_2675 = vector.shape_cast %get3A_2674 : vector<1x16xf32> to vector<16xf32>
      %swap3A_2676 = arith.constant 64 : index
      %swap3A_2677 = tpu.vector_load %arg7[%swap3A_2676] {strides = array<i32>} : memref<128xf32, #tpu.memory_space<vmem>>, vector<16xf32>,
      %swap3A_2678 = vector.shape_cast %swap3A_2677 : vector<16xf32> to vector<16xf32>
      %swap3A_2679 = vector.shape_cast %get3A_2675 : vector<16xf32> to vector<16xf32>
      tpu.vector_store %arg7[%swap3A_2676], %swap3A_2679 {add = true, strides = array<i32>} : memref<128xf32, #tpu.memory_space<vmem>>, vector<16xf32>,
      %get3A_2680 = arith.constant 3 : i32
      %get3A_2681 = arith.index_cast %get3A_2680 : i32 to index
      %get3A_2682 = arith.constant 208 : index
      %get3A_2683 = tpu.vector_load %arg8[%get3A_2681, %get3A_2682] {strides = array<i32>} : memref<5x512xf32, #tpu.memory_space<vmem>>, vector<1x16xf32>,
      %get3A_2684 = vector.shape_cast %get3A_2683 : vector<1x16xf32> to vector<16xf32>
      %swap3A_2685 = arith.constant 80 : index
      %swap3A_2686 = tpu.vector_load %arg7[%swap3A_2685] {strides = array<i32>} : memref<128xf32, #tpu.memory_space<vmem>>, vector<16xf32>,
      %swap3A_2687 = vector.shape_cast %swap3A_2686 : vector<16xf32> to vector<16xf32>
      %swap3A_2688 = vector.shape_cast %get3A_2684 : vector<16xf32> to vector<16xf32>
      tpu.vector_store %arg7[%swap3A_2685], %swap3A_2688 {add = true, strides = array<i32>} : memref<128xf32, #tpu.memory_space<vmem>>, vector<16xf32>,
      %get3A_2689 = arith.constant 3 : i32
      %get3A_2690 = arith.index_cast %get3A_2689 : i32 to index
      %get3A_2691 = arith.constant 224 : index
      %get3A_2692 = tpu.vector_load %arg8[%get3A_2690, %get3A_2691] {strides = array<i32>} : memref<5x512xf32, #tpu.memory_space<vmem>>, vector<1x16xf32>,
      %get3A_2693 = vector.shape_cast %get3A_2692 : vector<1x16xf32> to vector<16xf32>
      %swap3A_2694 = arith.constant 96 : index
      %swap3A_2695 = tpu.vector_load %arg7[%swap3A_2694] {strides = array<i32>} : memref<128xf32, #tpu.memory_space<vmem>>, vector<16xf32>,
      %swap3A_2696 = vector.shape_cast %swap3A_2695 : vector<16xf32> to vector<16xf32>
      %swap3A_2697 = vector.shape_cast %get3A_2693 : vector<16xf32> to vector<16xf32>
      tpu.vector_store %arg7[%swap3A_2694], %swap3A_2697 {add = true, strides = array<i32>} : memref<128xf32, #tpu.memory_space<vmem>>, vector<16xf32>,
      %get3A_2698 = arith.constant 3 : i32
      %get3A_2699 = arith.index_cast %get3A_2698 : i32 to index
      %get3A_2700 = arith.constant 240 : index
      %get3A_2701 = tpu.vector_load %arg8[%get3A_2699, %get3A_2700] {strides = array<i32>} : memref<5x512xf32, #tpu.memory_space<vmem>>, vector<1x16xf32>,
      %get3A_2702 = vector.shape_cast %get3A_2701 : vector<1x16xf32> to vector<16xf32>
      %swap3A_2703 = arith.constant 112 : index
      %swap3A_2704 = tpu.vector_load %arg7[%swap3A_2703] {strides = array<i32>} : memref<128xf32, #tpu.memory_space<vmem>>, vector<16xf32>,
      %swap3A_2705 = vector.shape_cast %swap3A_2704 : vector<16xf32> to vector<16xf32>
      %swap3A_2706 = vector.shape_cast %get3A_2702 : vector<16xf32> to vector<16xf32>
      tpu.vector_store %arg7[%swap3A_2703], %swap3A_2706 {add = true, strides = array<i32>} : memref<128xf32, #tpu.memory_space<vmem>>, vector<16xf32>,
      %get3A_2707 = arith.constant 3 : i32
      %get3A_2708 = arith.index_cast %get3A_2707 : i32 to index
      %get3A_2709 = arith.constant 256 : index
      %get3A_2710 = tpu.vector_load %arg8[%get3A_2708, %get3A_2709] {strides = array<i32>} : memref<5x512xf32, #tpu.memory_space<vmem>>, vector<1x16xf32>,
      %get3A_2711 = vector.shape_cast %get3A_2710 : vector<1x16xf32> to vector<16xf32>
      %swap3A_2712 = arith.constant 0 : index
      %swap3A_2713 = tpu.vector_load %arg7[%swap3A_2712] {strides = array<i32>} : memref<128xf32, #tpu.memory_space<vmem>>, vector<16xf32>,
      %swap3A_2714 = vector.shape_cast %swap3A_2713 : vector<16xf32> to vector<16xf32>
      %swap3A_2715 = vector.shape_cast %get3A_2711 : vector<16xf32> to vector<16xf32>
      tpu.vector_store %arg7[%swap3A_2712], %swap3A_2715 {add = true, strides = array<i32>} : memref<128xf32, #tpu.memory_space<vmem>>, vector<16xf32>,
      %get3A_2716 = arith.constant 3 : i32
      %get3A_2717 = arith.index_cast %get3A_2716 : i32 to index
      %get3A_2718 = arith.constant 272 : index
      %get3A_2719 = tpu.vector_load %arg8[%get3A_2717, %get3A_2718] {strides = array<i32>} : memref<5x512xf32, #tpu.memory_space<vmem>>, vector<1x16xf32>,
      %get3A_2720 = vector.shape_cast %get3A_2719 : vector<1x16xf32> to vector<16xf32>
      %swap3A_2721 = arith.constant 16 : index
      %swap3A_2722 = tpu.vector_load %arg7[%swap3A_2721] {strides = array<i32>} : memref<128xf32, #tpu.memory_space<vmem>>, vector<16xf32>,
      %swap3A_2723 = vector.shape_cast %swap3A_2722 : vector<16xf32> to vector<16xf32>
      %swap3A_2724 = vector.shape_cast %get3A_2720 : vector<16xf32> to vector<16xf32>
      tpu.vector_store %arg7[%swap3A_2721], %swap3A_2724 {add = true, strides = array<i32>} : memref<128xf32, #tpu.memory_space<vmem>>, vector<16xf32>,
      %get3A_2725 = arith.constant 3 : i32
      %get3A_2726 = arith.index_cast %get3A_2725 : i32 to index
      %get3A_2727 = arith.constant 288 : index
      %get3A_2728 = tpu.vector_load %arg8[%get3A_2726, %get3A_2727] {strides = array<i32>} : memref<5x512xf32, #tpu.memory_space<vmem>>, vector<1x16xf32>,
      %get3A_2729 = vector.shape_cast %get3A_2728 : vector<1x16xf32> to vector<16xf32>
      %swap3A_2730 = arith.constant 32 : index
      %swap3A_2731 = tpu.vector_load %arg7[%swap3A_2730] {strides = array<i32>} : memref<128xf32, #tpu.memory_space<vmem>>, vector<16xf32>,
      %swap3A_2732 = vector.shape_cast %swap3A_2731 : vector<16xf32> to vector<16xf32>
      %swap3A_2733 = vector.shape_cast %get3A_2729 : vector<16xf32> to vector<16xf32>
      tpu.vector_store %arg7[%swap3A_2730], %swap3A_2733 {add = true, strides = array<i32>} : memref<128xf32, #tpu.memory_space<vmem>>, vector<16xf32>,
      %get3A_2734 = arith.constant 3 : i32
      %get3A_2735 = arith.index_cast %get3A_2734 : i32 to index
      %get3A_2736 = arith.constant 304 : index
      %get3A_2737 = tpu.vector_load %arg8[%get3A_2735, %get3A_2736] {strides = array<i32>} : memref<5x512xf32, #tpu.memory_space<vmem>>, vector<1x16xf32>,
      %get3A_2738 = vector.shape_cast %get3A_2737 : vector<1x16xf32> to vector<16xf32>
      %swap3A_2739 = arith.constant 48 : index
      %swap3A_2740 = tpu.vector_load %arg7[%swap3A_2739] {strides = array<i32>} : memref<128xf32, #tpu.memory_space<vmem>>, vector<16xf32>,
      %swap3A_2741 = vector.shape_cast %swap3A_2740 : vector<16xf32> to vector<16xf32>
      %swap3A_2742 = vector.shape_cast %get3A_2738 : vector<16xf32> to vector<16xf32>
      tpu.vector_store %arg7[%swap3A_2739], %swap3A_2742 {add = true, strides = array<i32>} : memref<128xf32, #tpu.memory_space<vmem>>, vector<16xf32>,
      %get3A_2743 = arith.constant 3 : i32
      %get3A_2744 = arith.index_cast %get3A_2743 : i32 to index
      %get3A_2745 = arith.constant 320 : index
      %get3A_2746 = tpu.vector_load %arg8[%get3A_2744, %get3A_2745] {strides = array<i32>} : memref<5x512xf32, #tpu.memory_space<vmem>>, vector<1x16xf32>,
      %get3A_2747 = vector.shape_cast %get3A_2746 : vector<1x16xf32> to vector<16xf32>
      %swap3A_2748 = arith.constant 64 : index
      %swap3A_2749 = tpu.vector_load %arg7[%swap3A_2748] {strides = array<i32>} : memref<128xf32, #tpu.memory_space<vmem>>, vector<16xf32>,
      %swap3A_2750 = vector.shape_cast %swap3A_2749 : vector<16xf32> to vector<16xf32>
      %swap3A_2751 = vector.shape_cast %get3A_2747 : vector<16xf32> to vector<16xf32>
      tpu.vector_store %arg7[%swap3A_2748], %swap3A_2751 {add = true, strides = array<i32>} : memref<128xf32, #tpu.memory_space<vmem>>, vector<16xf32>,
      %get3A_2752 = arith.constant 3 : i32
      %get3A_2753 = arith.index_cast %get3A_2752 : i32 to index
      %get3A_2754 = arith.constant 336 : index
      %get3A_2755 = tpu.vector_load %arg8[%get3A_2753, %get3A_2754] {strides = array<i32>} : memref<5x512xf32, #tpu.memory_space<vmem>>, vector<1x16xf32>,
      %get3A_2756 = vector.shape_cast %get3A_2755 : vector<1x16xf32> to vector<16xf32>
      %swap3A_2757 = arith.constant 80 : index
      %swap3A_2758 = tpu.vector_load %arg7[%swap3A_2757] {strides = array<i32>} : memref<128xf32, #tpu.memory_space<vmem>>, vector<16xf32>,
      %swap3A_2759 = vector.shape_cast %swap3A_2758 : vector<16xf32> to vector<16xf32>
      %swap3A_2760 = vector.shape_cast %get3A_2756 : vector<16xf32> to vector<16xf32>
      tpu.vector_store %arg7[%swap3A_2757], %swap3A_2760 {add = true, strides = array<i32>} : memref<128xf32, #tpu.memory_space<vmem>>, vector<16xf32>,
      %get3A_2761 = arith.constant 3 : i32
      %get3A_2762 = arith.index_cast %get3A_2761 : i32 to index
      %get3A_2763 = arith.constant 352 : index
      %get3A_2764 = tpu.vector_load %arg8[%get3A_2762, %get3A_2763] {strides = array<i32>} : memref<5x512xf32, #tpu.memory_space<vmem>>, vector<1x16xf32>,
      %get3A_2765 = vector.shape_cast %get3A_2764 : vector<1x16xf32> to vector<16xf32>
      %swap3A_2766 = arith.constant 96 : index
      %swap3A_2767 = tpu.vector_load %arg7[%swap3A_2766] {strides = array<i32>} : memref<128xf32, #tpu.memory_space<vmem>>, vector<16xf32>,
      %swap3A_2768 = vector.shape_cast %swap3A_2767 : vector<16xf32> to vector<16xf32>
      %swap3A_2769 = vector.shape_cast %get3A_2765 : vector<16xf32> to vector<16xf32>
      tpu.vector_store %arg7[%swap3A_2766], %swap3A_2769 {add = true, strides = array<i32>} : memref<128xf32, #tpu.memory_space<vmem>>, vector<16xf32>,
      %get3A_2770 = arith.constant 3 : i32
      %get3A_2771 = arith.index_cast %get3A_2770 : i32 to index
      %get3A_2772 = arith.constant 368 : index
      %get3A_2773 = tpu.vector_load %arg8[%get3A_2771, %get3A_2772] {strides = array<i32>} : memref<5x512xf32, #tpu.memory_space<vmem>>, vector<1x16xf32>,
      %get3A_2774 = vector.shape_cast %get3A_2773 : vector<1x16xf32> to vector<16xf32>
      %swap3A_2775 = arith.constant 112 : index
      %swap3A_2776 = tpu.vector_load %arg7[%swap3A_2775] {strides = array<i32>} : memref<128xf32, #tpu.memory_space<vmem>>, vector<16xf32>,
      %swap3A_2777 = vector.shape_cast %swap3A_2776 : vector<16xf32> to vector<16xf32>
      %swap3A_2778 = vector.shape_cast %get3A_2774 : vector<16xf32> to vector<16xf32>
      tpu.vector_store %arg7[%swap3A_2775], %swap3A_2778 {add = true, strides = array<i32>} : memref<128xf32, #tpu.memory_space<vmem>>, vector<16xf32>,
      %get3A_2779 = arith.constant 3 : i32
      %get3A_2780 = arith.index_cast %get3A_2779 : i32 to index
      %get3A_2781 = arith.constant 384 : index
      %get3A_2782 = tpu.vector_load %arg8[%get3A_2780, %get3A_2781] {strides = array<i32>} : memref<5x512xf32, #tpu.memory_space<vmem>>, vector<1x16xf32>,
      %get3A_2783 = vector.shape_cast %get3A_2782 : vector<1x16xf32> to vector<16xf32>
      %swap3A_2784 = arith.constant 0 : index
      %swap3A_2785 = tpu.vector_load %arg7[%swap3A_2784] {strides = array<i32>} : memref<128xf32, #tpu.memory_space<vmem>>, vector<16xf32>,
      %swap3A_2786 = vector.shape_cast %swap3A_2785 : vector<16xf32> to vector<16xf32>
      %swap3A_2787 = vector.shape_cast %get3A_2783 : vector<16xf32> to vector<16xf32>
      tpu.vector_store %arg7[%swap3A_2784], %swap3A_2787 {add = true, strides = array<i32>} : memref<128xf32, #tpu.memory_space<vmem>>, vector<16xf32>,
      %get3A_2788 = arith.constant 3 : i32
      %get3A_2789 = arith.index_cast %get3A_2788 : i32 to index
      %get3A_2790 = arith.constant 400 : index
      %get3A_2791 = tpu.vector_load %arg8[%get3A_2789, %get3A_2790] {strides = array<i32>} : memref<5x512xf32, #tpu.memory_space<vmem>>, vector<1x16xf32>,
      %get3A_2792 = vector.shape_cast %get3A_2791 : vector<1x16xf32> to vector<16xf32>
      %swap3A_2793 = arith.constant 16 : index
      %swap3A_2794 = tpu.vector_load %arg7[%swap3A_2793] {strides = array<i32>} : memref<128xf32, #tpu.memory_space<vmem>>, vector<16xf32>,
      %swap3A_2795 = vector.shape_cast %swap3A_2794 : vector<16xf32> to vector<16xf32>
      %swap3A_2796 = vector.shape_cast %get3A_2792 : vector<16xf32> to vector<16xf32>
      tpu.vector_store %arg7[%swap3A_2793], %swap3A_2796 {add = true, strides = array<i32>} : memref<128xf32, #tpu.memory_space<vmem>>, vector<16xf32>,
      %get3A_2797 = arith.constant 3 : i32
      %get3A_2798 = arith.index_cast %get3A_2797 : i32 to index
      %get3A_2799 = arith.constant 416 : index
      %get3A_2800 = tpu.vector_load %arg8[%get3A_2798, %get3A_2799] {strides = array<i32>} : memref<5x512xf32, #tpu.memory_space<vmem>>, vector<1x16xf32>,
      %get3A_2801 = vector.shape_cast %get3A_2800 : vector<1x16xf32> to vector<16xf32>
      %swap3A_2802 = arith.constant 32 : index
      %swap3A_2803 = tpu.vector_load %arg7[%swap3A_2802] {strides = array<i32>} : memref<128xf32, #tpu.memory_space<vmem>>, vector<16xf32>,
      %swap3A_2804 = vector.shape_cast %swap3A_2803 : vector<16xf32> to vector<16xf32>
      %swap3A_2805 = vector.shape_cast %get3A_2801 : vector<16xf32> to vector<16xf32>
      tpu.vector_store %arg7[%swap3A_2802], %swap3A_2805 {add = true, strides = array<i32>} : memref<128xf32, #tpu.memory_space<vmem>>, vector<16xf32>,
      %get3A_2806 = arith.constant 3 : i32
      %get3A_2807 = arith.index_cast %get3A_2806 : i32 to index
      %get3A_2808 = arith.constant 432 : index
      %get3A_2809 = tpu.vector_load %arg8[%get3A_2807, %get3A_2808] {strides = array<i32>} : memref<5x512xf32, #tpu.memory_space<vmem>>, vector<1x16xf32>,
      %get3A_2810 = vector.shape_cast %get3A_2809 : vector<1x16xf32> to vector<16xf32>
      %swap3A_2811 = arith.constant 48 : index
      %swap3A_2812 = tpu.vector_load %arg7[%swap3A_2811] {strides = array<i32>} : memref<128xf32, #tpu.memory_space<vmem>>, vector<16xf32>,
      %swap3A_2813 = vector.shape_cast %swap3A_2812 : vector<16xf32> to vector<16xf32>
      %swap3A_2814 = vector.shape_cast %get3A_2810 : vector<16xf32> to vector<16xf32>
      tpu.vector_store %arg7[%swap3A_2811], %swap3A_2814 {add = true, strides = array<i32>} : memref<128xf32, #tpu.memory_space<vmem>>, vector<16xf32>,
      %get3A_2815 = arith.constant 3 : i32
      %get3A_2816 = arith.index_cast %get3A_2815 : i32 to index
      %get3A_2817 = arith.constant 448 : index
      %get3A_2818 = tpu.vector_load %arg8[%get3A_2816, %get3A_2817] {strides = array<i32>} : memref<5x512xf32, #tpu.memory_space<vmem>>, vector<1x16xf32>,
      %get3A_2819 = vector.shape_cast %get3A_2818 : vector<1x16xf32> to vector<16xf32>
      %swap3A_2820 = arith.constant 64 : index
      %swap3A_2821 = tpu.vector_load %arg7[%swap3A_2820] {strides = array<i32>} : memref<128xf32, #tpu.memory_space<vmem>>, vector<16xf32>,
      %swap3A_2822 = vector.shape_cast %swap3A_2821 : vector<16xf32> to vector<16xf32>
      %swap3A_2823 = vector.shape_cast %get3A_2819 : vector<16xf32> to vector<16xf32>
      tpu.vector_store %arg7[%swap3A_2820], %swap3A_2823 {add = true, strides = array<i32>} : memref<128xf32, #tpu.memory_space<vmem>>, vector<16xf32>,
      %get3A_2824 = arith.constant 3 : i32
      %get3A_2825 = arith.index_cast %get3A_2824 : i32 to index
      %get3A_2826 = arith.constant 464 : index
      %get3A_2827 = tpu.vector_load %arg8[%get3A_2825, %get3A_2826] {strides = array<i32>} : memref<5x512xf32, #tpu.memory_space<vmem>>, vector<1x16xf32>,
      %get3A_2828 = vector.shape_cast %get3A_2827 : vector<1x16xf32> to vector<16xf32>
      %swap3A_2829 = arith.constant 80 : index
      %swap3A_2830 = tpu.vector_load %arg7[%swap3A_2829] {strides = array<i32>} : memref<128xf32, #tpu.memory_space<vmem>>, vector<16xf32>,
      %swap3A_2831 = vector.shape_cast %swap3A_2830 : vector<16xf32> to vector<16xf32>
      %swap3A_2832 = vector.shape_cast %get3A_2828 : vector<16xf32> to vector<16xf32>
      tpu.vector_store %arg7[%swap3A_2829], %swap3A_2832 {add = true, strides = array<i32>} : memref<128xf32, #tpu.memory_space<vmem>>, vector<16xf32>,
      %get3A_2833 = arith.constant 3 : i32
      %get3A_2834 = arith.index_cast %get3A_2833 : i32 to index
      %get3A_2835 = arith.constant 480 : index
      %get3A_2836 = tpu.vector_load %arg8[%get3A_2834, %get3A_2835] {strides = array<i32>} : memref<5x512xf32, #tpu.memory_space<vmem>>, vector<1x16xf32>,
      %get3A_2837 = vector.shape_cast %get3A_2836 : vector<1x16xf32> to vector<16xf32>
      %swap3A_2838 = arith.constant 96 : index
      %swap3A_2839 = tpu.vector_load %arg7[%swap3A_2838] {strides = array<i32>} : memref<128xf32, #tpu.memory_space<vmem>>, vector<16xf32>,
      %swap3A_2840 = vector.shape_cast %swap3A_2839 : vector<16xf32> to vector<16xf32>
      %swap3A_2841 = vector.shape_cast %get3A_2837 : vector<16xf32> to vector<16xf32>
      tpu.vector_store %arg7[%swap3A_2838], %swap3A_2841 {add = true, strides = array<i32>} : memref<128xf32, #tpu.memory_space<vmem>>, vector<16xf32>,
      %get3A_2842 = arith.constant 3 : i32
      %get3A_2843 = arith.index_cast %get3A_2842 : i32 to index
      %get3A_2844 = arith.constant 496 : index
      %get3A_2845 = tpu.vector_load %arg8[%get3A_2843, %get3A_2844] {strides = array<i32>} : memref<5x512xf32, #tpu.memory_space<vmem>>, vector<1x16xf32>,
      %get3A_2846 = vector.shape_cast %get3A_2845 : vector<1x16xf32> to vector<16xf32>
      %swap3A_2847 = arith.constant 112 : index
      %swap3A_2848 = tpu.vector_load %arg7[%swap3A_2847] {strides = array<i32>} : memref<128xf32, #tpu.memory_space<vmem>>, vector<16xf32>,
      %swap3A_2849 = vector.shape_cast %swap3A_2848 : vector<16xf32> to vector<16xf32>
      %swap3A_2850 = vector.shape_cast %get3A_2846 : vector<16xf32> to vector<16xf32>
      tpu.vector_store %arg7[%swap3A_2847], %swap3A_2850 {add = true, strides = array<i32>} : memref<128xf32, #tpu.memory_space<vmem>>, vector<16xf32>,
      %add3A_2851 = arith.constant 5 : i32
      %add3A_2852 = arith.addi %add3A_2552, %add3A_2851 : i32
      %le3A_2853 = arith.constant 49 : i32
      %le3A_2854 = arith.cmpi sle, %add3A_2852, %le3A_2853 : i32
      %convert_element_type3A_2855 = arith.extui %le3A_2854 : i1 to i32
      %cond3A_2856 = arith.constant 0 : i32
      %cond3A_2857 = arith.cmpi ne, %convert_element_type3A_2855, %cond3A_2856 : i32
      scf.if %cond3A_2857 {
        %add3A_3167 = arith.constant 5 : i32
        %add3A_3168 = arith.addi %add3A_2552, %add3A_3167 : i32
        %dma_start3A_3169 = arith.constant 3 : i32
        %dma_start3A_3170 = arith.constant 0 : i32
        %dma_start3A_3171 = tpu.memref_slice %arg8[%dma_start3A_3169, %dma_start3A_3170] : memref<5x512xf32, #tpu.memory_space<vmem>> -> memref<1x512xf32, #tpu.memory_space<vmem>>
        %dma_start3A_3172 = tpu.memref_squeeze %dma_start3A_3171 : memref<1x512xf32, #tpu.memory_space<vmem>> -> memref<512xf32, #tpu.memory_space<vmem>>
        %dma_start3A_3173 = arith.constant 0 : i32
        %dma_start3A_3174 = tpu.memref_slice %arg6[%add3A_3168, %dma_start3A_3173] : memref<50x512xi32, #tpu.memory_space<vmem>> -> memref<1x512xi32, #tpu.memory_space<vmem>>
        %dma_start3A_3175 = tpu.memref_squeeze %dma_start3A_3174 : memref<1x512xi32, #tpu.memory_space<vmem>> -> memref<512xi32, #tpu.memory_space<vmem>>
        %dma_start3A_3176 = arith.constant 0 : i32
        %dma_start3A_3177 = tpu.memref_slice %arg9[%dma_start3A_3176] : memref<1015808xf32, #tpu.memory_space<vmem_shared>> -> memref<1015808xf32, #tpu.memory_space<vmem_shared>>
        tpu.enqueue_indirect_dma source(%dma_start3A_3177 : memref<1015808xf32, #tpu.memory_space<vmem_shared>>) target(%dma_start3A_3172 : memref<512xf32, #tpu.memory_space<vmem>>) offsets(%dma_start3A_3175 : memref<512xi32, #tpu.memory_space<vmem>>) semaphore(%arg13 : memref<!tpu.dma_semaphore, #tpu.memory_space<semaphore_mem>>)
      } else {
      }
      %mul3A_2858 = arith.constant 5 : i32
      %mul3A_2859 = arith.muli %mul3A_2858, %scan3A_1624 : i32
      %add3A_2860 = arith.constant 4 : i32
      %add3A_2861 = arith.addi %mul3A_2859, %add3A_2860 : i32
      %dma_wait3A_2862 = arith.constant 0 : i32
      %dma_wait3A_2863 = arith.constant 4 : i32
      %dma_wait3A_2864 = arith.constant 0 : i32
      %dma_wait3A_2865 = tpu.memref_slice %arg8[%dma_wait3A_2863, %dma_wait3A_2864] : memref<5x512xf32, #tpu.memory_space<vmem>> -> memref<1x512xf32, #tpu.memory_space<vmem>>
      %dma_wait3A_2866 = tpu.memref_squeeze %dma_wait3A_2865 : memref<1x512xf32, #tpu.memory_space<vmem>> -> memref<512xf32, #tpu.memory_space<vmem>>
      %dma_wait3A_2867 = arith.constant 0 : i32
      %dma_wait3A_2868 = tpu.memref_slice %arg6[%dma_wait3A_2862, %dma_wait3A_2867] : memref<50x512xi32, #tpu.memory_space<vmem>> -> memref<1x512xi32, #tpu.memory_space<vmem>>
      %dma_wait3A_2869 = tpu.memref_squeeze %dma_wait3A_2868 : memref<1x512xi32, #tpu.memory_space<vmem>> -> memref<512xi32, #tpu.memory_space<vmem>>
      %dma_wait3A_2870 = arith.constant 0 : i32
      %dma_wait3A_2871 = tpu.memref_slice %arg9[%dma_wait3A_2870] : memref<1015808xf32, #tpu.memory_space<vmem_shared>> -> memref<1015808xf32, #tpu.memory_space<vmem_shared>>
      tpu.wait_indirect_dma semaphore(%arg14 : memref<!tpu.dma_semaphore, #tpu.memory_space<semaphore_mem>>) src(%dma_wait3A_2871 : memref<1015808xf32, #tpu.memory_space<vmem_shared>>) dst(%dma_wait3A_2866 : memref<512xf32, #tpu.memory_space<vmem>>)
      %get3A_2872 = arith.constant 4 : i32
      %get3A_2873 = arith.index_cast %get3A_2872 : i32 to index
      %get3A_2874 = arith.constant 0 : index
      %get3A_2875 = tpu.vector_load %arg8[%get3A_2873, %get3A_2874] {strides = array<i32>} : memref<5x512xf32, #tpu.memory_space<vmem>>, vector<1x16xf32>,
      %get3A_2876 = vector.shape_cast %get3A_2875 : vector<1x16xf32> to vector<16xf32>
      %swap3A_2877 = arith.constant 0 : index
      %swap3A_2878 = tpu.vector_load %arg7[%swap3A_2877] {strides = array<i32>} : memref<128xf32, #tpu.memory_space<vmem>>, vector<16xf32>,
      %swap3A_2879 = vector.shape_cast %swap3A_2878 : vector<16xf32> to vector<16xf32>
      %swap3A_2880 = vector.shape_cast %get3A_2876 : vector<16xf32> to vector<16xf32>
      tpu.vector_store %arg7[%swap3A_2877], %swap3A_2880 {add = true, strides = array<i32>} : memref<128xf32, #tpu.memory_space<vmem>>, vector<16xf32>,
      %get3A_2881 = arith.constant 4 : i32
      %get3A_2882 = arith.index_cast %get3A_2881 : i32 to index
      %get3A_2883 = arith.constant 16 : index
      %get3A_2884 = tpu.vector_load %arg8[%get3A_2882, %get3A_2883] {strides = array<i32>} : memref<5x512xf32, #tpu.memory_space<vmem>>, vector<1x16xf32>,
      %get3A_2885 = vector.shape_cast %get3A_2884 : vector<1x16xf32> to vector<16xf32>
      %swap3A_2886 = arith.constant 16 : index
      %swap3A_2887 = tpu.vector_load %arg7[%swap3A_2886] {strides = array<i32>} : memref<128xf32, #tpu.memory_space<vmem>>, vector<16xf32>,
      %swap3A_2888 = vector.shape_cast %swap3A_2887 : vector<16xf32> to vector<16xf32>
      %swap3A_2889 = vector.shape_cast %get3A_2885 : vector<16xf32> to vector<16xf32>
      tpu.vector_store %arg7[%swap3A_2886], %swap3A_2889 {add = true, strides = array<i32>} : memref<128xf32, #tpu.memory_space<vmem>>, vector<16xf32>,
      %get3A_2890 = arith.constant 4 : i32
      %get3A_2891 = arith.index_cast %get3A_2890 : i32 to index
      %get3A_2892 = arith.constant 32 : index
      %get3A_2893 = tpu.vector_load %arg8[%get3A_2891, %get3A_2892] {strides = array<i32>} : memref<5x512xf32, #tpu.memory_space<vmem>>, vector<1x16xf32>,
      %get3A_2894 = vector.shape_cast %get3A_2893 : vector<1x16xf32> to vector<16xf32>
      %swap3A_2895 = arith.constant 32 : index
      %swap3A_2896 = tpu.vector_load %arg7[%swap3A_2895] {strides = array<i32>} : memref<128xf32, #tpu.memory_space<vmem>>, vector<16xf32>,
      %swap3A_2897 = vector.shape_cast %swap3A_2896 : vector<16xf32> to vector<16xf32>
      %swap3A_2898 = vector.shape_cast %get3A_2894 : vector<16xf32> to vector<16xf32>
      tpu.vector_store %arg7[%swap3A_2895], %swap3A_2898 {add = true, strides = array<i32>} : memref<128xf32, #tpu.memory_space<vmem>>, vector<16xf32>,
      %get3A_2899 = arith.constant 4 : i32
      %get3A_2900 = arith.index_cast %get3A_2899 : i32 to index
      %get3A_2901 = arith.constant 48 : index
      %get3A_2902 = tpu.vector_load %arg8[%get3A_2900, %get3A_2901] {strides = array<i32>} : memref<5x512xf32, #tpu.memory_space<vmem>>, vector<1x16xf32>,
      %get3A_2903 = vector.shape_cast %get3A_2902 : vector<1x16xf32> to vector<16xf32>
      %swap3A_2904 = arith.constant 48 : index
      %swap3A_2905 = tpu.vector_load %arg7[%swap3A_2904] {strides = array<i32>} : memref<128xf32, #tpu.memory_space<vmem>>, vector<16xf32>,
      %swap3A_2906 = vector.shape_cast %swap3A_2905 : vector<16xf32> to vector<16xf32>
      %swap3A_2907 = vector.shape_cast %get3A_2903 : vector<16xf32> to vector<16xf32>
      tpu.vector_store %arg7[%swap3A_2904], %swap3A_2907 {add = true, strides = array<i32>} : memref<128xf32, #tpu.memory_space<vmem>>, vector<16xf32>,
      %get3A_2908 = arith.constant 4 : i32
      %get3A_2909 = arith.index_cast %get3A_2908 : i32 to index
      %get3A_2910 = arith.constant 64 : index
      %get3A_2911 = tpu.vector_load %arg8[%get3A_2909, %get3A_2910] {strides = array<i32>} : memref<5x512xf32, #tpu.memory_space<vmem>>, vector<1x16xf32>,
      %get3A_2912 = vector.shape_cast %get3A_2911 : vector<1x16xf32> to vector<16xf32>
      %swap3A_2913 = arith.constant 64 : index
      %swap3A_2914 = tpu.vector_load %arg7[%swap3A_2913] {strides = array<i32>} : memref<128xf32, #tpu.memory_space<vmem>>, vector<16xf32>,
      %swap3A_2915 = vector.shape_cast %swap3A_2914 : vector<16xf32> to vector<16xf32>
      %swap3A_2916 = vector.shape_cast %get3A_2912 : vector<16xf32> to vector<16xf32>
      tpu.vector_store %arg7[%swap3A_2913], %swap3A_2916 {add = true, strides = array<i32>} : memref<128xf32, #tpu.memory_space<vmem>>, vector<16xf32>,
      %get3A_2917 = arith.constant 4 : i32
      %get3A_2918 = arith.index_cast %get3A_2917 : i32 to index
      %get3A_2919 = arith.constant 80 : index
      %get3A_2920 = tpu.vector_load %arg8[%get3A_2918, %get3A_2919] {strides = array<i32>} : memref<5x512xf32, #tpu.memory_space<vmem>>, vector<1x16xf32>,
      %get3A_2921 = vector.shape_cast %get3A_2920 : vector<1x16xf32> to vector<16xf32>
      %swap3A_2922 = arith.constant 80 : index
      %swap3A_2923 = tpu.vector_load %arg7[%swap3A_2922] {strides = array<i32>} : memref<128xf32, #tpu.memory_space<vmem>>, vector<16xf32>,
      %swap3A_2924 = vector.shape_cast %swap3A_2923 : vector<16xf32> to vector<16xf32>
      %swap3A_2925 = vector.shape_cast %get3A_2921 : vector<16xf32> to vector<16xf32>
      tpu.vector_store %arg7[%swap3A_2922], %swap3A_2925 {add = true, strides = array<i32>} : memref<128xf32, #tpu.memory_space<vmem>>, vector<16xf32>,
      %get3A_2926 = arith.constant 4 : i32
      %get3A_2927 = arith.index_cast %get3A_2926 : i32 to index
      %get3A_2928 = arith.constant 96 : index
      %get3A_2929 = tpu.vector_load %arg8[%get3A_2927, %get3A_2928] {strides = array<i32>} : memref<5x512xf32, #tpu.memory_space<vmem>>, vector<1x16xf32>,
      %get3A_2930 = vector.shape_cast %get3A_2929 : vector<1x16xf32> to vector<16xf32>
      %swap3A_2931 = arith.constant 96 : index
      %swap3A_2932 = tpu.vector_load %arg7[%swap3A_2931] {strides = array<i32>} : memref<128xf32, #tpu.memory_space<vmem>>, vector<16xf32>,
      %swap3A_2933 = vector.shape_cast %swap3A_2932 : vector<16xf32> to vector<16xf32>
      %swap3A_2934 = vector.shape_cast %get3A_2930 : vector<16xf32> to vector<16xf32>
      tpu.vector_store %arg7[%swap3A_2931], %swap3A_2934 {add = true, strides = array<i32>} : memref<128xf32, #tpu.memory_space<vmem>>, vector<16xf32>,
      %get3A_2935 = arith.constant 4 : i32
      %get3A_2936 = arith.index_cast %get3A_2935 : i32 to index
      %get3A_2937 = arith.constant 112 : index
      %get3A_2938 = tpu.vector_load %arg8[%get3A_2936, %get3A_2937] {strides = array<i32>} : memref<5x512xf32, #tpu.memory_space<vmem>>, vector<1x16xf32>,
      %get3A_2939 = vector.shape_cast %get3A_2938 : vector<1x16xf32> to vector<16xf32>
      %swap3A_2940 = arith.constant 112 : index
      %swap3A_2941 = tpu.vector_load %arg7[%swap3A_2940] {strides = array<i32>} : memref<128xf32, #tpu.memory_space<vmem>>, vector<16xf32>,
      %swap3A_2942 = vector.shape_cast %swap3A_2941 : vector<16xf32> to vector<16xf32>
      %swap3A_2943 = vector.shape_cast %get3A_2939 : vector<16xf32> to vector<16xf32>
      tpu.vector_store %arg7[%swap3A_2940], %swap3A_2943 {add = true, strides = array<i32>} : memref<128xf32, #tpu.memory_space<vmem>>, vector<16xf32>,
      %get3A_2944 = arith.constant 4 : i32
      %get3A_2945 = arith.index_cast %get3A_2944 : i32 to index
      %get3A_2946 = arith.constant 128 : index
      %get3A_2947 = tpu.vector_load %arg8[%get3A_2945, %get3A_2946] {strides = array<i32>} : memref<5x512xf32, #tpu.memory_space<vmem>>, vector<1x16xf32>,
      %get3A_2948 = vector.shape_cast %get3A_2947 : vector<1x16xf32> to vector<16xf32>
      %swap3A_2949 = arith.constant 0 : index
      %swap3A_2950 = tpu.vector_load %arg7[%swap3A_2949] {strides = array<i32>} : memref<128xf32, #tpu.memory_space<vmem>>, vector<16xf32>,
      %swap3A_2951 = vector.shape_cast %swap3A_2950 : vector<16xf32> to vector<16xf32>
      %swap3A_2952 = vector.shape_cast %get3A_2948 : vector<16xf32> to vector<16xf32>
      tpu.vector_store %arg7[%swap3A_2949], %swap3A_2952 {add = true, strides = array<i32>} : memref<128xf32, #tpu.memory_space<vmem>>, vector<16xf32>,
      %get3A_2953 = arith.constant 4 : i32
      %get3A_2954 = arith.index_cast %get3A_2953 : i32 to index
      %get3A_2955 = arith.constant 144 : index
      %get3A_2956 = tpu.vector_load %arg8[%get3A_2954, %get3A_2955] {strides = array<i32>} : memref<5x512xf32, #tpu.memory_space<vmem>>, vector<1x16xf32>,
      %get3A_2957 = vector.shape_cast %get3A_2956 : vector<1x16xf32> to vector<16xf32>
      %swap3A_2958 = arith.constant 16 : index
      %swap3A_2959 = tpu.vector_load %arg7[%swap3A_2958] {strides = array<i32>} : memref<128xf32, #tpu.memory_space<vmem>>, vector<16xf32>,
      %swap3A_2960 = vector.shape_cast %swap3A_2959 : vector<16xf32> to vector<16xf32>
      %swap3A_2961 = vector.shape_cast %get3A_2957 : vector<16xf32> to vector<16xf32>
      tpu.vector_store %arg7[%swap3A_2958], %swap3A_2961 {add = true, strides = array<i32>} : memref<128xf32, #tpu.memory_space<vmem>>, vector<16xf32>,
      %get3A_2962 = arith.constant 4 : i32
      %get3A_2963 = arith.index_cast %get3A_2962 : i32 to index
      %get3A_2964 = arith.constant 160 : index
      %get3A_2965 = tpu.vector_load %arg8[%get3A_2963, %get3A_2964] {strides = array<i32>} : memref<5x512xf32, #tpu.memory_space<vmem>>, vector<1x16xf32>,
      %get3A_2966 = vector.shape_cast %get3A_2965 : vector<1x16xf32> to vector<16xf32>
      %swap3A_2967 = arith.constant 32 : index
      %swap3A_2968 = tpu.vector_load %arg7[%swap3A_2967] {strides = array<i32>} : memref<128xf32, #tpu.memory_space<vmem>>, vector<16xf32>,
      %swap3A_2969 = vector.shape_cast %swap3A_2968 : vector<16xf32> to vector<16xf32>
      %swap3A_2970 = vector.shape_cast %get3A_2966 : vector<16xf32> to vector<16xf32>
      tpu.vector_store %arg7[%swap3A_2967], %swap3A_2970 {add = true, strides = array<i32>} : memref<128xf32, #tpu.memory_space<vmem>>, vector<16xf32>,
      %get3A_2971 = arith.constant 4 : i32
      %get3A_2972 = arith.index_cast %get3A_2971 : i32 to index
      %get3A_2973 = arith.constant 176 : index
      %get3A_2974 = tpu.vector_load %arg8[%get3A_2972, %get3A_2973] {strides = array<i32>} : memref<5x512xf32, #tpu.memory_space<vmem>>, vector<1x16xf32>,
      %get3A_2975 = vector.shape_cast %get3A_2974 : vector<1x16xf32> to vector<16xf32>
      %swap3A_2976 = arith.constant 48 : index
      %swap3A_2977 = tpu.vector_load %arg7[%swap3A_2976] {strides = array<i32>} : memref<128xf32, #tpu.memory_space<vmem>>, vector<16xf32>,
      %swap3A_2978 = vector.shape_cast %swap3A_2977 : vector<16xf32> to vector<16xf32>
      %swap3A_2979 = vector.shape_cast %get3A_2975 : vector<16xf32> to vector<16xf32>
      tpu.vector_store %arg7[%swap3A_2976], %swap3A_2979 {add = true, strides = array<i32>} : memref<128xf32, #tpu.memory_space<vmem>>, vector<16xf32>,
      %get3A_2980 = arith.constant 4 : i32
      %get3A_2981 = arith.index_cast %get3A_2980 : i32 to index
      %get3A_2982 = arith.constant 192 : index
      %get3A_2983 = tpu.vector_load %arg8[%get3A_2981, %get3A_2982] {strides = array<i32>} : memref<5x512xf32, #tpu.memory_space<vmem>>, vector<1x16xf32>,
      %get3A_2984 = vector.shape_cast %get3A_2983 : vector<1x16xf32> to vector<16xf32>
      %swap3A_2985 = arith.constant 64 : index
      %swap3A_2986 = tpu.vector_load %arg7[%swap3A_2985] {strides = array<i32>} : memref<128xf32, #tpu.memory_space<vmem>>, vector<16xf32>,
      %swap3A_2987 = vector.shape_cast %swap3A_2986 : vector<16xf32> to vector<16xf32>
      %swap3A_2988 = vector.shape_cast %get3A_2984 : vector<16xf32> to vector<16xf32>
      tpu.vector_store %arg7[%swap3A_2985], %swap3A_2988 {add = true, strides = array<i32>} : memref<128xf32, #tpu.memory_space<vmem>>, vector<16xf32>,
      %get3A_2989 = arith.constant 4 : i32
      %get3A_2990 = arith.index_cast %get3A_2989 : i32 to index
      %get3A_2991 = arith.constant 208 : index
      %get3A_2992 = tpu.vector_load %arg8[%get3A_2990, %get3A_2991] {strides = array<i32>} : memref<5x512xf32, #tpu.memory_space<vmem>>, vector<1x16xf32>,
      %get3A_2993 = vector.shape_cast %get3A_2992 : vector<1x16xf32> to vector<16xf32>
      %swap3A_2994 = arith.constant 80 : index
      %swap3A_2995 = tpu.vector_load %arg7[%swap3A_2994] {strides = array<i32>} : memref<128xf32, #tpu.memory_space<vmem>>, vector<16xf32>,
      %swap3A_2996 = vector.shape_cast %swap3A_2995 : vector<16xf32> to vector<16xf32>
      %swap3A_2997 = vector.shape_cast %get3A_2993 : vector<16xf32> to vector<16xf32>
      tpu.vector_store %arg7[%swap3A_2994], %swap3A_2997 {add = true, strides = array<i32>} : memref<128xf32, #tpu.memory_space<vmem>>, vector<16xf32>,
      %get3A_2998 = arith.constant 4 : i32
      %get3A_2999 = arith.index_cast %get3A_2998 : i32 to index
      %get3A_3000 = arith.constant 224 : index
      %get3A_3001 = tpu.vector_load %arg8[%get3A_2999, %get3A_3000] {strides = array<i32>} : memref<5x512xf32, #tpu.memory_space<vmem>>, vector<1x16xf32>,
      %get3A_3002 = vector.shape_cast %get3A_3001 : vector<1x16xf32> to vector<16xf32>
      %swap3A_3003 = arith.constant 96 : index
      %swap3A_3004 = tpu.vector_load %arg7[%swap3A_3003] {strides = array<i32>} : memref<128xf32, #tpu.memory_space<vmem>>, vector<16xf32>,
      %swap3A_3005 = vector.shape_cast %swap3A_3004 : vector<16xf32> to vector<16xf32>
      %swap3A_3006 = vector.shape_cast %get3A_3002 : vector<16xf32> to vector<16xf32>
      tpu.vector_store %arg7[%swap3A_3003], %swap3A_3006 {add = true, strides = array<i32>} : memref<128xf32, #tpu.memory_space<vmem>>, vector<16xf32>,
      %get3A_3007 = arith.constant 4 : i32
      %get3A_3008 = arith.index_cast %get3A_3007 : i32 to index
      %get3A_3009 = arith.constant 240 : index
      %get3A_3010 = tpu.vector_load %arg8[%get3A_3008, %get3A_3009] {strides = array<i32>} : memref<5x512xf32, #tpu.memory_space<vmem>>, vector<1x16xf32>,
      %get3A_3011 = vector.shape_cast %get3A_3010 : vector<1x16xf32> to vector<16xf32>
      %swap3A_3012 = arith.constant 112 : index
      %swap3A_3013 = tpu.vector_load %arg7[%swap3A_3012] {strides = array<i32>} : memref<128xf32, #tpu.memory_space<vmem>>, vector<16xf32>,
      %swap3A_3014 = vector.shape_cast %swap3A_3013 : vector<16xf32> to vector<16xf32>
      %swap3A_3015 = vector.shape_cast %get3A_3011 : vector<16xf32> to vector<16xf32>
      tpu.vector_store %arg7[%swap3A_3012], %swap3A_3015 {add = true, strides = array<i32>} : memref<128xf32, #tpu.memory_space<vmem>>, vector<16xf32>,
      %get3A_3016 = arith.constant 4 : i32
      %get3A_3017 = arith.index_cast %get3A_3016 : i32 to index
      %get3A_3018 = arith.constant 256 : index
      %get3A_3019 = tpu.vector_load %arg8[%get3A_3017, %get3A_3018] {strides = array<i32>} : memref<5x512xf32, #tpu.memory_space<vmem>>, vector<1x16xf32>,
      %get3A_3020 = vector.shape_cast %get3A_3019 : vector<1x16xf32> to vector<16xf32>
      %swap3A_3021 = arith.constant 0 : index
      %swap3A_3022 = tpu.vector_load %arg7[%swap3A_3021] {strides = array<i32>} : memref<128xf32, #tpu.memory_space<vmem>>, vector<16xf32>,
      %swap3A_3023 = vector.shape_cast %swap3A_3022 : vector<16xf32> to vector<16xf32>
      %swap3A_3024 = vector.shape_cast %get3A_3020 : vector<16xf32> to vector<16xf32>
      tpu.vector_store %arg7[%swap3A_3021], %swap3A_3024 {add = true, strides = array<i32>} : memref<128xf32, #tpu.memory_space<vmem>>, vector<16xf32>,
      %get3A_3025 = arith.constant 4 : i32
      %get3A_3026 = arith.index_cast %get3A_3025 : i32 to index
      %get3A_3027 = arith.constant 272 : index
      %get3A_3028 = tpu.vector_load %arg8[%get3A_3026, %get3A_3027] {strides = array<i32>} : memref<5x512xf32, #tpu.memory_space<vmem>>, vector<1x16xf32>,
      %get3A_3029 = vector.shape_cast %get3A_3028 : vector<1x16xf32> to vector<16xf32>
      %swap3A_3030 = arith.constant 16 : index
      %swap3A_3031 = tpu.vector_load %arg7[%swap3A_3030] {strides = array<i32>} : memref<128xf32, #tpu.memory_space<vmem>>, vector<16xf32>,
      %swap3A_3032 = vector.shape_cast %swap3A_3031 : vector<16xf32> to vector<16xf32>
      %swap3A_3033 = vector.shape_cast %get3A_3029 : vector<16xf32> to vector<16xf32>
      tpu.vector_store %arg7[%swap3A_3030], %swap3A_3033 {add = true, strides = array<i32>} : memref<128xf32, #tpu.memory_space<vmem>>, vector<16xf32>,
      %get3A_3034 = arith.constant 4 : i32
      %get3A_3035 = arith.index_cast %get3A_3034 : i32 to index
      %get3A_3036 = arith.constant 288 : index
      %get3A_3037 = tpu.vector_load %arg8[%get3A_3035, %get3A_3036] {strides = array<i32>} : memref<5x512xf32, #tpu.memory_space<vmem>>, vector<1x16xf32>,
      %get3A_3038 = vector.shape_cast %get3A_3037 : vector<1x16xf32> to vector<16xf32>
      %swap3A_3039 = arith.constant 32 : index
      %swap3A_3040 = tpu.vector_load %arg7[%swap3A_3039] {strides = array<i32>} : memref<128xf32, #tpu.memory_space<vmem>>, vector<16xf32>,
      %swap3A_3041 = vector.shape_cast %swap3A_3040 : vector<16xf32> to vector<16xf32>
      %swap3A_3042 = vector.shape_cast %get3A_3038 : vector<16xf32> to vector<16xf32>
      tpu.vector_store %arg7[%swap3A_3039], %swap3A_3042 {add = true, strides = array<i32>} : memref<128xf32, #tpu.memory_space<vmem>>, vector<16xf32>,
      %get3A_3043 = arith.constant 4 : i32
      %get3A_3044 = arith.index_cast %get3A_3043 : i32 to index
      %get3A_3045 = arith.constant 304 : index
      %get3A_3046 = tpu.vector_load %arg8[%get3A_3044, %get3A_3045] {strides = array<i32>} : memref<5x512xf32, #tpu.memory_space<vmem>>, vector<1x16xf32>,
      %get3A_3047 = vector.shape_cast %get3A_3046 : vector<1x16xf32> to vector<16xf32>
      %swap3A_3048 = arith.constant 48 : index
      %swap3A_3049 = tpu.vector_load %arg7[%swap3A_3048] {strides = array<i32>} : memref<128xf32, #tpu.memory_space<vmem>>, vector<16xf32>,
      %swap3A_3050 = vector.shape_cast %swap3A_3049 : vector<16xf32> to vector<16xf32>
      %swap3A_3051 = vector.shape_cast %get3A_3047 : vector<16xf32> to vector<16xf32>
      tpu.vector_store %arg7[%swap3A_3048], %swap3A_3051 {add = true, strides = array<i32>} : memref<128xf32, #tpu.memory_space<vmem>>, vector<16xf32>,
      %get3A_3052 = arith.constant 4 : i32
      %get3A_3053 = arith.index_cast %get3A_3052 : i32 to index
      %get3A_3054 = arith.constant 320 : index
      %get3A_3055 = tpu.vector_load %arg8[%get3A_3053, %get3A_3054] {strides = array<i32>} : memref<5x512xf32, #tpu.memory_space<vmem>>, vector<1x16xf32>,
      %get3A_3056 = vector.shape_cast %get3A_3055 : vector<1x16xf32> to vector<16xf32>
      %swap3A_3057 = arith.constant 64 : index
      %swap3A_3058 = tpu.vector_load %arg7[%swap3A_3057] {strides = array<i32>} : memref<128xf32, #tpu.memory_space<vmem>>, vector<16xf32>,
      %swap3A_3059 = vector.shape_cast %swap3A_3058 : vector<16xf32> to vector<16xf32>
      %swap3A_3060 = vector.shape_cast %get3A_3056 : vector<16xf32> to vector<16xf32>
      tpu.vector_store %arg7[%swap3A_3057], %swap3A_3060 {add = true, strides = array<i32>} : memref<128xf32, #tpu.memory_space<vmem>>, vector<16xf32>,
      %get3A_3061 = arith.constant 4 : i32
      %get3A_3062 = arith.index_cast %get3A_3061 : i32 to index
      %get3A_3063 = arith.constant 336 : index
      %get3A_3064 = tpu.vector_load %arg8[%get3A_3062, %get3A_3063] {strides = array<i32>} : memref<5x512xf32, #tpu.memory_space<vmem>>, vector<1x16xf32>,
      %get3A_3065 = vector.shape_cast %get3A_3064 : vector<1x16xf32> to vector<16xf32>
      %swap3A_3066 = arith.constant 80 : index
      %swap3A_3067 = tpu.vector_load %arg7[%swap3A_3066] {strides = array<i32>} : memref<128xf32, #tpu.memory_space<vmem>>, vector<16xf32>,
      %swap3A_3068 = vector.shape_cast %swap3A_3067 : vector<16xf32> to vector<16xf32>
      %swap3A_3069 = vector.shape_cast %get3A_3065 : vector<16xf32> to vector<16xf32>
      tpu.vector_store %arg7[%swap3A_3066], %swap3A_3069 {add = true, strides = array<i32>} : memref<128xf32, #tpu.memory_space<vmem>>, vector<16xf32>,
      %get3A_3070 = arith.constant 4 : i32
      %get3A_3071 = arith.index_cast %get3A_3070 : i32 to index
      %get3A_3072 = arith.constant 352 : index
      %get3A_3073 = tpu.vector_load %arg8[%get3A_3071, %get3A_3072] {strides = array<i32>} : memref<5x512xf32, #tpu.memory_space<vmem>>, vector<1x16xf32>,
      %get3A_3074 = vector.shape_cast %get3A_3073 : vector<1x16xf32> to vector<16xf32>
      %swap3A_3075 = arith.constant 96 : index
      %swap3A_3076 = tpu.vector_load %arg7[%swap3A_3075] {strides = array<i32>} : memref<128xf32, #tpu.memory_space<vmem>>, vector<16xf32>,
      %swap3A_3077 = vector.shape_cast %swap3A_3076 : vector<16xf32> to vector<16xf32>
      %swap3A_3078 = vector.shape_cast %get3A_3074 : vector<16xf32> to vector<16xf32>
      tpu.vector_store %arg7[%swap3A_3075], %swap3A_3078 {add = true, strides = array<i32>} : memref<128xf32, #tpu.memory_space<vmem>>, vector<16xf32>,
      %get3A_3079 = arith.constant 4 : i32
      %get3A_3080 = arith.index_cast %get3A_3079 : i32 to index
      %get3A_3081 = arith.constant 368 : index
      %get3A_3082 = tpu.vector_load %arg8[%get3A_3080, %get3A_3081] {strides = array<i32>} : memref<5x512xf32, #tpu.memory_space<vmem>>, vector<1x16xf32>,
      %get3A_3083 = vector.shape_cast %get3A_3082 : vector<1x16xf32> to vector<16xf32>
      %swap3A_3084 = arith.constant 112 : index
      %swap3A_3085 = tpu.vector_load %arg7[%swap3A_3084] {strides = array<i32>} : memref<128xf32, #tpu.memory_space<vmem>>, vector<16xf32>,
      %swap3A_3086 = vector.shape_cast %swap3A_3085 : vector<16xf32> to vector<16xf32>
      %swap3A_3087 = vector.shape_cast %get3A_3083 : vector<16xf32> to vector<16xf32>
      tpu.vector_store %arg7[%swap3A_3084], %swap3A_3087 {add = true, strides = array<i32>} : memref<128xf32, #tpu.memory_space<vmem>>, vector<16xf32>,
      %get3A_3088 = arith.constant 4 : i32
      %get3A_3089 = arith.index_cast %get3A_3088 : i32 to index
      %get3A_3090 = arith.constant 384 : index
      %get3A_3091 = tpu.vector_load %arg8[%get3A_3089, %get3A_3090] {strides = array<i32>} : memref<5x512xf32, #tpu.memory_space<vmem>>, vector<1x16xf32>,
      %get3A_3092 = vector.shape_cast %get3A_3091 : vector<1x16xf32> to vector<16xf32>
      %swap3A_3093 = arith.constant 0 : index
      %swap3A_3094 = tpu.vector_load %arg7[%swap3A_3093] {strides = array<i32>} : memref<128xf32, #tpu.memory_space<vmem>>, vector<16xf32>,
      %swap3A_3095 = vector.shape_cast %swap3A_3094 : vector<16xf32> to vector<16xf32>
      %swap3A_3096 = vector.shape_cast %get3A_3092 : vector<16xf32> to vector<16xf32>
      tpu.vector_store %arg7[%swap3A_3093], %swap3A_3096 {add = true, strides = array<i32>} : memref<128xf32, #tpu.memory_space<vmem>>, vector<16xf32>,
      %get3A_3097 = arith.constant 4 : i32
      %get3A_3098 = arith.index_cast %get3A_3097 : i32 to index
      %get3A_3099 = arith.constant 400 : index
      %get3A_3100 = tpu.vector_load %arg8[%get3A_3098, %get3A_3099] {strides = array<i32>} : memref<5x512xf32, #tpu.memory_space<vmem>>, vector<1x16xf32>,
      %get3A_3101 = vector.shape_cast %get3A_3100 : vector<1x16xf32> to vector<16xf32>
      %swap3A_3102 = arith.constant 16 : index
      %swap3A_3103 = tpu.vector_load %arg7[%swap3A_3102] {strides = array<i32>} : memref<128xf32, #tpu.memory_space<vmem>>, vector<16xf32>,
      %swap3A_3104 = vector.shape_cast %swap3A_3103 : vector<16xf32> to vector<16xf32>
      %swap3A_3105 = vector.shape_cast %get3A_3101 : vector<16xf32> to vector<16xf32>
      tpu.vector_store %arg7[%swap3A_3102], %swap3A_3105 {add = true, strides = array<i32>} : memref<128xf32, #tpu.memory_space<vmem>>, vector<16xf32>,
      %get3A_3106 = arith.constant 4 : i32
      %get3A_3107 = arith.index_cast %get3A_3106 : i32 to index
      %get3A_3108 = arith.constant 416 : index
      %get3A_3109 = tpu.vector_load %arg8[%get3A_3107, %get3A_3108] {strides = array<i32>} : memref<5x512xf32, #tpu.memory_space<vmem>>, vector<1x16xf32>,
      %get3A_3110 = vector.shape_cast %get3A_3109 : vector<1x16xf32> to vector<16xf32>
      %swap3A_3111 = arith.constant 32 : index
      %swap3A_3112 = tpu.vector_load %arg7[%swap3A_3111] {strides = array<i32>} : memref<128xf32, #tpu.memory_space<vmem>>, vector<16xf32>,
      %swap3A_3113 = vector.shape_cast %swap3A_3112 : vector<16xf32> to vector<16xf32>
      %swap3A_3114 = vector.shape_cast %get3A_3110 : vector<16xf32> to vector<16xf32>
      tpu.vector_store %arg7[%swap3A_3111], %swap3A_3114 {add = true, strides = array<i32>} : memref<128xf32, #tpu.memory_space<vmem>>, vector<16xf32>,
      %get3A_3115 = arith.constant 4 : i32
      %get3A_3116 = arith.index_cast %get3A_3115 : i32 to index
      %get3A_3117 = arith.constant 432 : index
      %get3A_3118 = tpu.vector_load %arg8[%get3A_3116, %get3A_3117] {strides = array<i32>} : memref<5x512xf32, #tpu.memory_space<vmem>>, vector<1x16xf32>,
      %get3A_3119 = vector.shape_cast %get3A_3118 : vector<1x16xf32> to vector<16xf32>
      %swap3A_3120 = arith.constant 48 : index
      %swap3A_3121 = tpu.vector_load %arg7[%swap3A_3120] {strides = array<i32>} : memref<128xf32, #tpu.memory_space<vmem>>, vector<16xf32>,
      %swap3A_3122 = vector.shape_cast %swap3A_3121 : vector<16xf32> to vector<16xf32>
      %swap3A_3123 = vector.shape_cast %get3A_3119 : vector<16xf32> to vector<16xf32>
      tpu.vector_store %arg7[%swap3A_3120], %swap3A_3123 {add = true, strides = array<i32>} : memref<128xf32, #tpu.memory_space<vmem>>, vector<16xf32>,
      %get3A_3124 = arith.constant 4 : i32
      %get3A_3125 = arith.index_cast %get3A_3124 : i32 to index
      %get3A_3126 = arith.constant 448 : index
      %get3A_3127 = tpu.vector_load %arg8[%get3A_3125, %get3A_3126] {strides = array<i32>} : memref<5x512xf32, #tpu.memory_space<vmem>>, vector<1x16xf32>,
      %get3A_3128 = vector.shape_cast %get3A_3127 : vector<1x16xf32> to vector<16xf32>
      %swap3A_3129 = arith.constant 64 : index
      %swap3A_3130 = tpu.vector_load %arg7[%swap3A_3129] {strides = array<i32>} : memref<128xf32, #tpu.memory_space<vmem>>, vector<16xf32>,
      %swap3A_3131 = vector.shape_cast %swap3A_3130 : vector<16xf32> to vector<16xf32>
      %swap3A_3132 = vector.shape_cast %get3A_3128 : vector<16xf32> to vector<16xf32>
      tpu.vector_store %arg7[%swap3A_3129], %swap3A_3132 {add = true, strides = array<i32>} : memref<128xf32, #tpu.memory_space<vmem>>, vector<16xf32>,
      %get3A_3133 = arith.constant 4 : i32
      %get3A_3134 = arith.index_cast %get3A_3133 : i32 to index
      %get3A_3135 = arith.constant 464 : index
      %get3A_3136 = tpu.vector_load %arg8[%get3A_3134, %get3A_3135] {strides = array<i32>} : memref<5x512xf32, #tpu.memory_space<vmem>>, vector<1x16xf32>,
      %get3A_3137 = vector.shape_cast %get3A_3136 : vector<1x16xf32> to vector<16xf32>
      %swap3A_3138 = arith.constant 80 : index
      %swap3A_3139 = tpu.vector_load %arg7[%swap3A_3138] {strides = array<i32>} : memref<128xf32, #tpu.memory_space<vmem>>, vector<16xf32>,
      %swap3A_3140 = vector.shape_cast %swap3A_3139 : vector<16xf32> to vector<16xf32>
      %swap3A_3141 = vector.shape_cast %get3A_3137 : vector<16xf32> to vector<16xf32>
      tpu.vector_store %arg7[%swap3A_3138], %swap3A_3141 {add = true, strides = array<i32>} : memref<128xf32, #tpu.memory_space<vmem>>, vector<16xf32>,
      %get3A_3142 = arith.constant 4 : i32
      %get3A_3143 = arith.index_cast %get3A_3142 : i32 to index
      %get3A_3144 = arith.constant 480 : index
      %get3A_3145 = tpu.vector_load %arg8[%get3A_3143, %get3A_3144] {strides = array<i32>} : memref<5x512xf32, #tpu.memory_space<vmem>>, vector<1x16xf32>,
      %get3A_3146 = vector.shape_cast %get3A_3145 : vector<1x16xf32> to vector<16xf32>
      %swap3A_3147 = arith.constant 96 : index
      %swap3A_3148 = tpu.vector_load %arg7[%swap3A_3147] {strides = array<i32>} : memref<128xf32, #tpu.memory_space<vmem>>, vector<16xf32>,
      %swap3A_3149 = vector.shape_cast %swap3A_3148 : vector<16xf32> to vector<16xf32>
      %swap3A_3150 = vector.shape_cast %get3A_3146 : vector<16xf32> to vector<16xf32>
      tpu.vector_store %arg7[%swap3A_3147], %swap3A_3150 {add = true, strides = array<i32>} : memref<128xf32, #tpu.memory_space<vmem>>, vector<16xf32>,
      %get3A_3151 = arith.constant 4 : i32
      %get3A_3152 = arith.index_cast %get3A_3151 : i32 to index
      %get3A_3153 = arith.constant 496 : index
      %get3A_3154 = tpu.vector_load %arg8[%get3A_3152, %get3A_3153] {strides = array<i32>} : memref<5x512xf32, #tpu.memory_space<vmem>>, vector<1x16xf32>,
      %get3A_3155 = vector.shape_cast %get3A_3154 : vector<1x16xf32> to vector<16xf32>
      %swap3A_3156 = arith.constant 112 : index
      %swap3A_3157 = tpu.vector_load %arg7[%swap3A_3156] {strides = array<i32>} : memref<128xf32, #tpu.memory_space<vmem>>, vector<16xf32>,
      %swap3A_3158 = vector.shape_cast %swap3A_3157 : vector<16xf32> to vector<16xf32>
      %swap3A_3159 = vector.shape_cast %get3A_3155 : vector<16xf32> to vector<16xf32>
      tpu.vector_store %arg7[%swap3A_3156], %swap3A_3159 {add = true, strides = array<i32>} : memref<128xf32, #tpu.memory_space<vmem>>, vector<16xf32>,
      %add3A_3160 = arith.constant 5 : i32
      %add3A_3161 = arith.addi %add3A_2861, %add3A_3160 : i32
      %le3A_3162 = arith.constant 49 : i32
      %le3A_3163 = arith.cmpi sle, %add3A_3161, %le3A_3162 : i32
      %convert_element_type3A_3164 = arith.extui %le3A_3163 : i1 to i32
      %cond3A_3165 = arith.constant 0 : i32
      %cond3A_3166 = arith.cmpi ne, %convert_element_type3A_3164, %cond3A_3165 : i32
      scf.if %cond3A_3166 {
        %add3A_3167 = arith.constant 5 : i32
        %add3A_3168 = arith.addi %add3A_2861, %add3A_3167 : i32
        %dma_start3A_3169 = arith.constant 4 : i32
        %dma_start3A_3170 = arith.constant 0 : i32
        %dma_start3A_3171 = tpu.memref_slice %arg8[%dma_start3A_3169, %dma_start3A_3170] : memref<5x512xf32, #tpu.memory_space<vmem>> -> memref<1x512xf32, #tpu.memory_space<vmem>>
        %dma_start3A_3172 = tpu.memref_squeeze %dma_start3A_3171 : memref<1x512xf32, #tpu.memory_space<vmem>> -> memref<512xf32, #tpu.memory_space<vmem>>
        %dma_start3A_3173 = arith.constant 0 : i32
        %dma_start3A_3174 = tpu.memref_slice %arg6[%add3A_3168, %dma_start3A_3173] : memref<50x512xi32, #tpu.memory_space<vmem>> -> memref<1x512xi32, #tpu.memory_space<vmem>>
        %dma_start3A_3175 = tpu.memref_squeeze %dma_start3A_3174 : memref<1x512xi32, #tpu.memory_space<vmem>> -> memref<512xi32, #tpu.memory_space<vmem>>
        %dma_start3A_3176 = arith.constant 0 : i32
        %dma_start3A_3177 = tpu.memref_slice %arg9[%dma_start3A_3176] : memref<1015808xf32, #tpu.memory_space<vmem_shared>> -> memref<1015808xf32, #tpu.memory_space<vmem_shared>>
        tpu.enqueue_indirect_dma source(%dma_start3A_3177 : memref<1015808xf32, #tpu.memory_space<vmem_shared>>) target(%dma_start3A_3172 : memref<512xf32, #tpu.memory_space<vmem>>) offsets(%dma_start3A_3175 : memref<512xi32, #tpu.memory_space<vmem>>) semaphore(%arg14 : memref<!tpu.dma_semaphore, #tpu.memory_space<semaphore_mem>>)
      } else {
      }
    }
    %scan3A_134 = arith.constant 9 : i32
    %dma_wait3A_135 = arith.constant 0 : i32
    %dma_wait3A_136 = arith.constant 0 : i32
    %dma_wait3A_137 = arith.constant 0 : i32
    %dma_wait3A_138 = tpu.memref_slice %arg8[%dma_wait3A_136, %dma_wait3A_137] : memref<5x512xf32, #tpu.memory_space<vmem>> -> memref<1x512xf32, #tpu.memory_space<vmem>>
    %dma_wait3A_139 = tpu.memref_squeeze %dma_wait3A_138 : memref<1x512xf32, #tpu.memory_space<vmem>> -> memref<512xf32, #tpu.memory_space<vmem>>
    %dma_wait3A_140 = arith.constant 0 : i32
    %dma_wait3A_141 = tpu.memref_slice %arg6[%dma_wait3A_135, %dma_wait3A_140] : memref<50x512xi32, #tpu.memory_space<vmem>> -> memref<1x512xi32, #tpu.memory_space<vmem>>
    %dma_wait3A_142 = tpu.memref_squeeze %dma_wait3A_141 : memref<1x512xi32, #tpu.memory_space<vmem>> -> memref<512xi32, #tpu.memory_space<vmem>>
    %dma_wait3A_143 = arith.constant 0 : i32
    %dma_wait3A_144 = tpu.memref_slice %arg9[%dma_wait3A_143] : memref<1015808xf32, #tpu.memory_space<vmem_shared>> -> memref<1015808xf32, #tpu.memory_space<vmem_shared>>
    tpu.wait_indirect_dma semaphore(%arg10 : memref<!tpu.dma_semaphore, #tpu.memory_space<semaphore_mem>>) src(%dma_wait3A_144 : memref<1015808xf32, #tpu.memory_space<vmem_shared>>) dst(%dma_wait3A_139 : memref<512xf32, #tpu.memory_space<vmem>>)
    %get3A = arith.constant 0 : i32
    %get3A_145 = arith.index_cast %get3A : i32 to index
    %get3A_146 = arith.constant 0 : index
    %get3A_147 = tpu.vector_load %arg8[%get3A_145, %get3A_146] {strides = array<i32>} : memref<5x512xf32, #tpu.memory_space<vmem>>, vector<1x16xf32>,
    %get3A_148 = vector.shape_cast %get3A_147 : vector<1x16xf32> to vector<16xf32>
    %swap3A_149 = arith.constant 0 : index
    %swap3A_150 = tpu.vector_load %arg7[%swap3A_149] {strides = array<i32>} : memref<128xf32, #tpu.memory_space<vmem>>, vector<16xf32>,
    %swap3A_151 = vector.shape_cast %swap3A_150 : vector<16xf32> to vector<16xf32>
    %swap3A_152 = vector.shape_cast %get3A_148 : vector<16xf32> to vector<16xf32>
    tpu.vector_store %arg7[%swap3A_149], %swap3A_152 {add = true, strides = array<i32>} : memref<128xf32, #tpu.memory_space<vmem>>, vector<16xf32>,
    %get3A_153 = arith.constant 0 : i32
    %get3A_154 = arith.index_cast %get3A_153 : i32 to index
    %get3A_155 = arith.constant 16 : index
    %get3A_156 = tpu.vector_load %arg8[%get3A_154, %get3A_155] {strides = array<i32>} : memref<5x512xf32, #tpu.memory_space<vmem>>, vector<1x16xf32>,
    %get3A_157 = vector.shape_cast %get3A_156 : vector<1x16xf32> to vector<16xf32>
    %swap3A_158 = arith.constant 16 : index
    %swap3A_159 = tpu.vector_load %arg7[%swap3A_158] {strides = array<i32>} : memref<128xf32, #tpu.memory_space<vmem>>, vector<16xf32>,
    %swap3A_160 = vector.shape_cast %swap3A_159 : vector<16xf32> to vector<16xf32>
    %swap3A_161 = vector.shape_cast %get3A_157 : vector<16xf32> to vector<16xf32>
    tpu.vector_store %arg7[%swap3A_158], %swap3A_161 {add = true, strides = array<i32>} : memref<128xf32, #tpu.memory_space<vmem>>, vector<16xf32>,
    %get3A_162 = arith.constant 0 : i32
    %get3A_163 = arith.index_cast %get3A_162 : i32 to index
    %get3A_164 = arith.constant 32 : index
    %get3A_165 = tpu.vector_load %arg8[%get3A_163, %get3A_164] {strides = array<i32>} : memref<5x512xf32, #tpu.memory_space<vmem>>, vector<1x16xf32>,
    %get3A_166 = vector.shape_cast %get3A_165 : vector<1x16xf32> to vector<16xf32>
    %swap3A_167 = arith.constant 32 : index
    %swap3A_168 = tpu.vector_load %arg7[%swap3A_167] {strides = array<i32>} : memref<128xf32, #tpu.memory_space<vmem>>, vector<16xf32>,
    %swap3A_169 = vector.shape_cast %swap3A_168 : vector<16xf32> to vector<16xf32>
    %swap3A_170 = vector.shape_cast %get3A_166 : vector<16xf32> to vector<16xf32>
    tpu.vector_store %arg7[%swap3A_167], %swap3A_170 {add = true, strides = array<i32>} : memref<128xf32, #tpu.memory_space<vmem>>, vector<16xf32>,
    %get3A_171 = arith.constant 0 : i32
    %get3A_172 = arith.index_cast %get3A_171 : i32 to index
    %get3A_173 = arith.constant 48 : index
    %get3A_174 = tpu.vector_load %arg8[%get3A_172, %get3A_173] {strides = array<i32>} : memref<5x512xf32, #tpu.memory_space<vmem>>, vector<1x16xf32>,
    %get3A_175 = vector.shape_cast %get3A_174 : vector<1x16xf32> to vector<16xf32>
    %swap3A_176 = arith.constant 48 : index
    %swap3A_177 = tpu.vector_load %arg7[%swap3A_176] {strides = array<i32>} : memref<128xf32, #tpu.memory_space<vmem>>, vector<16xf32>,
    %swap3A_178 = vector.shape_cast %swap3A_177 : vector<16xf32> to vector<16xf32>
    %swap3A_179 = vector.shape_cast %get3A_175 : vector<16xf32> to vector<16xf32>
    tpu.vector_store %arg7[%swap3A_176], %swap3A_179 {add = true, strides = array<i32>} : memref<128xf32, #tpu.memory_space<vmem>>, vector<16xf32>,
    %get3A_180 = arith.constant 0 : i32
    %get3A_181 = arith.index_cast %get3A_180 : i32 to index
    %get3A_182 = arith.constant 64 : index
    %get3A_183 = tpu.vector_load %arg8[%get3A_181, %get3A_182] {strides = array<i32>} : memref<5x512xf32, #tpu.memory_space<vmem>>, vector<1x16xf32>,
    %get3A_184 = vector.shape_cast %get3A_183 : vector<1x16xf32> to vector<16xf32>
    %swap3A_185 = arith.constant 64 : index
    %swap3A_186 = tpu.vector_load %arg7[%swap3A_185] {strides = array<i32>} : memref<128xf32, #tpu.memory_space<vmem>>, vector<16xf32>,
    %swap3A_187 = vector.shape_cast %swap3A_186 : vector<16xf32> to vector<16xf32>
    %swap3A_188 = vector.shape_cast %get3A_184 : vector<16xf32> to vector<16xf32>
    tpu.vector_store %arg7[%swap3A_185], %swap3A_188 {add = true, strides = array<i32>} : memref<128xf32, #tpu.memory_space<vmem>>, vector<16xf32>,
    %get3A_189 = arith.constant 0 : i32
    %get3A_190 = arith.index_cast %get3A_189 : i32 to index
    %get3A_191 = arith.constant 80 : index
    %get3A_192 = tpu.vector_load %arg8[%get3A_190, %get3A_191] {strides = array<i32>} : memref<5x512xf32, #tpu.memory_space<vmem>>, vector<1x16xf32>,
    %get3A_193 = vector.shape_cast %get3A_192 : vector<1x16xf32> to vector<16xf32>
    %swap3A_194 = arith.constant 80 : index
    %swap3A_195 = tpu.vector_load %arg7[%swap3A_194] {strides = array<i32>} : memref<128xf32, #tpu.memory_space<vmem>>, vector<16xf32>,
    %swap3A_196 = vector.shape_cast %swap3A_195 : vector<16xf32> to vector<16xf32>
    %swap3A_197 = vector.shape_cast %get3A_193 : vector<16xf32> to vector<16xf32>
    tpu.vector_store %arg7[%swap3A_194], %swap3A_197 {add = true, strides = array<i32>} : memref<128xf32, #tpu.memory_space<vmem>>, vector<16xf32>,
    %get3A_198 = arith.constant 0 : i32
    %get3A_199 = arith.index_cast %get3A_198 : i32 to index
    %get3A_200 = arith.constant 96 : index
    %get3A_201 = tpu.vector_load %arg8[%get3A_199, %get3A_200] {strides = array<i32>} : memref<5x512xf32, #tpu.memory_space<vmem>>, vector<1x16xf32>,
    %get3A_202 = vector.shape_cast %get3A_201 : vector<1x16xf32> to vector<16xf32>
    %swap3A_203 = arith.constant 96 : index
    %swap3A_204 = tpu.vector_load %arg7[%swap3A_203] {strides = array<i32>} : memref<128xf32, #tpu.memory_space<vmem>>, vector<16xf32>,
    %swap3A_205 = vector.shape_cast %swap3A_204 : vector<16xf32> to vector<16xf32>
    %swap3A_206 = vector.shape_cast %get3A_202 : vector<16xf32> to vector<16xf32>
    tpu.vector_store %arg7[%swap3A_203], %swap3A_206 {add = true, strides = array<i32>} : memref<128xf32, #tpu.memory_space<vmem>>, vector<16xf32>,
    %get3A_207 = arith.constant 0 : i32
    %get3A_208 = arith.index_cast %get3A_207 : i32 to index
    %get3A_209 = arith.constant 112 : index
    %get3A_210 = tpu.vector_load %arg8[%get3A_208, %get3A_209] {strides = array<i32>} : memref<5x512xf32, #tpu.memory_space<vmem>>, vector<1x16xf32>,
    %get3A_211 = vector.shape_cast %get3A_210 : vector<1x16xf32> to vector<16xf32>
    %swap3A_212 = arith.constant 112 : index
    %swap3A_213 = tpu.vector_load %arg7[%swap3A_212] {strides = array<i32>} : memref<128xf32, #tpu.memory_space<vmem>>, vector<16xf32>,
    %swap3A_214 = vector.shape_cast %swap3A_213 : vector<16xf32> to vector<16xf32>
    %swap3A_215 = vector.shape_cast %get3A_211 : vector<16xf32> to vector<16xf32>
    tpu.vector_store %arg7[%swap3A_212], %swap3A_215 {add = true, strides = array<i32>} : memref<128xf32, #tpu.memory_space<vmem>>, vector<16xf32>,
    %get3A_216 = arith.constant 0 : i32
    %get3A_217 = arith.index_cast %get3A_216 : i32 to index
    %get3A_218 = arith.constant 128 : index
    %get3A_219 = tpu.vector_load %arg8[%get3A_217, %get3A_218] {strides = array<i32>} : memref<5x512xf32, #tpu.memory_space<vmem>>, vector<1x16xf32>,
    %get3A_220 = vector.shape_cast %get3A_219 : vector<1x16xf32> to vector<16xf32>
    %swap3A_221 = arith.constant 0 : index
    %swap3A_222 = tpu.vector_load %arg7[%swap3A_221] {strides = array<i32>} : memref<128xf32, #tpu.memory_space<vmem>>, vector<16xf32>,
    %swap3A_223 = vector.shape_cast %swap3A_222 : vector<16xf32> to vector<16xf32>
    %swap3A_224 = vector.shape_cast %get3A_220 : vector<16xf32> to vector<16xf32>
    tpu.vector_store %arg7[%swap3A_221], %swap3A_224 {add = true, strides = array<i32>} : memref<128xf32, #tpu.memory_space<vmem>>, vector<16xf32>,
    %get3A_225 = arith.constant 0 : i32
    %get3A_226 = arith.index_cast %get3A_225 : i32 to index
    %get3A_227 = arith.constant 144 : index
    %get3A_228 = tpu.vector_load %arg8[%get3A_226, %get3A_227] {strides = array<i32>} : memref<5x512xf32, #tpu.memory_space<vmem>>, vector<1x16xf32>,
    %get3A_229 = vector.shape_cast %get3A_228 : vector<1x16xf32> to vector<16xf32>
    %swap3A_230 = arith.constant 16 : index
    %swap3A_231 = tpu.vector_load %arg7[%swap3A_230] {strides = array<i32>} : memref<128xf32, #tpu.memory_space<vmem>>, vector<16xf32>,
    %swap3A_232 = vector.shape_cast %swap3A_231 : vector<16xf32> to vector<16xf32>
    %swap3A_233 = vector.shape_cast %get3A_229 : vector<16xf32> to vector<16xf32>
    tpu.vector_store %arg7[%swap3A_230], %swap3A_233 {add = true, strides = array<i32>} : memref<128xf32, #tpu.memory_space<vmem>>, vector<16xf32>,
    %get3A_234 = arith.constant 0 : i32
    %get3A_235 = arith.index_cast %get3A_234 : i32 to index
    %get3A_236 = arith.constant 160 : index
    %get3A_237 = tpu.vector_load %arg8[%get3A_235, %get3A_236] {strides = array<i32>} : memref<5x512xf32, #tpu.memory_space<vmem>>, vector<1x16xf32>,
    %get3A_238 = vector.shape_cast %get3A_237 : vector<1x16xf32> to vector<16xf32>
    %swap3A_239 = arith.constant 32 : index
    %swap3A_240 = tpu.vector_load %arg7[%swap3A_239] {strides = array<i32>} : memref<128xf32, #tpu.memory_space<vmem>>, vector<16xf32>,
    %swap3A_241 = vector.shape_cast %swap3A_240 : vector<16xf32> to vector<16xf32>
    %swap3A_242 = vector.shape_cast %get3A_238 : vector<16xf32> to vector<16xf32>
    tpu.vector_store %arg7[%swap3A_239], %swap3A_242 {add = true, strides = array<i32>} : memref<128xf32, #tpu.memory_space<vmem>>, vector<16xf32>,
    %get3A_243 = arith.constant 0 : i32
    %get3A_244 = arith.index_cast %get3A_243 : i32 to index
    %get3A_245 = arith.constant 176 : index
    %get3A_246 = tpu.vector_load %arg8[%get3A_244, %get3A_245] {strides = array<i32>} : memref<5x512xf32, #tpu.memory_space<vmem>>, vector<1x16xf32>,
    %get3A_247 = vector.shape_cast %get3A_246 : vector<1x16xf32> to vector<16xf32>
    %swap3A_248 = arith.constant 48 : index
    %swap3A_249 = tpu.vector_load %arg7[%swap3A_248] {strides = array<i32>} : memref<128xf32, #tpu.memory_space<vmem>>, vector<16xf32>,
    %swap3A_250 = vector.shape_cast %swap3A_249 : vector<16xf32> to vector<16xf32>
    %swap3A_251 = vector.shape_cast %get3A_247 : vector<16xf32> to vector<16xf32>
    tpu.vector_store %arg7[%swap3A_248], %swap3A_251 {add = true, strides = array<i32>} : memref<128xf32, #tpu.memory_space<vmem>>, vector<16xf32>,
    %get3A_252 = arith.constant 0 : i32
    %get3A_253 = arith.index_cast %get3A_252 : i32 to index
    %get3A_254 = arith.constant 192 : index
    %get3A_255 = tpu.vector_load %arg8[%get3A_253, %get3A_254] {strides = array<i32>} : memref<5x512xf32, #tpu.memory_space<vmem>>, vector<1x16xf32>,
    %get3A_256 = vector.shape_cast %get3A_255 : vector<1x16xf32> to vector<16xf32>
    %swap3A_257 = arith.constant 64 : index
    %swap3A_258 = tpu.vector_load %arg7[%swap3A_257] {strides = array<i32>} : memref<128xf32, #tpu.memory_space<vmem>>, vector<16xf32>,
    %swap3A_259 = vector.shape_cast %swap3A_258 : vector<16xf32> to vector<16xf32>
    %swap3A_260 = vector.shape_cast %get3A_256 : vector<16xf32> to vector<16xf32>
    tpu.vector_store %arg7[%swap3A_257], %swap3A_260 {add = true, strides = array<i32>} : memref<128xf32, #tpu.memory_space<vmem>>, vector<16xf32>,
    %get3A_261 = arith.constant 0 : i32
    %get3A_262 = arith.index_cast %get3A_261 : i32 to index
    %get3A_263 = arith.constant 208 : index
    %get3A_264 = tpu.vector_load %arg8[%get3A_262, %get3A_263] {strides = array<i32>} : memref<5x512xf32, #tpu.memory_space<vmem>>, vector<1x16xf32>,
    %get3A_265 = vector.shape_cast %get3A_264 : vector<1x16xf32> to vector<16xf32>
    %swap3A_266 = arith.constant 80 : index
    %swap3A_267 = tpu.vector_load %arg7[%swap3A_266] {strides = array<i32>} : memref<128xf32, #tpu.memory_space<vmem>>, vector<16xf32>,
    %swap3A_268 = vector.shape_cast %swap3A_267 : vector<16xf32> to vector<16xf32>
    %swap3A_269 = vector.shape_cast %get3A_265 : vector<16xf32> to vector<16xf32>
    tpu.vector_store %arg7[%swap3A_266], %swap3A_269 {add = true, strides = array<i32>} : memref<128xf32, #tpu.memory_space<vmem>>, vector<16xf32>,
    %get3A_270 = arith.constant 0 : i32
    %get3A_271 = arith.index_cast %get3A_270 : i32 to index
    %get3A_272 = arith.constant 224 : index
    %get3A_273 = tpu.vector_load %arg8[%get3A_271, %get3A_272] {strides = array<i32>} : memref<5x512xf32, #tpu.memory_space<vmem>>, vector<1x16xf32>,
    %get3A_274 = vector.shape_cast %get3A_273 : vector<1x16xf32> to vector<16xf32>
    %swap3A_275 = arith.constant 96 : index
    %swap3A_276 = tpu.vector_load %arg7[%swap3A_275] {strides = array<i32>} : memref<128xf32, #tpu.memory_space<vmem>>, vector<16xf32>,
    %swap3A_277 = vector.shape_cast %swap3A_276 : vector<16xf32> to vector<16xf32>
    %swap3A_278 = vector.shape_cast %get3A_274 : vector<16xf32> to vector<16xf32>
    tpu.vector_store %arg7[%swap3A_275], %swap3A_278 {add = true, strides = array<i32>} : memref<128xf32, #tpu.memory_space<vmem>>, vector<16xf32>,
    %get3A_279 = arith.constant 0 : i32
    %get3A_280 = arith.index_cast %get3A_279 : i32 to index
    %get3A_281 = arith.constant 240 : index
    %get3A_282 = tpu.vector_load %arg8[%get3A_280, %get3A_281] {strides = array<i32>} : memref<5x512xf32, #tpu.memory_space<vmem>>, vector<1x16xf32>,
    %get3A_283 = vector.shape_cast %get3A_282 : vector<1x16xf32> to vector<16xf32>
    %swap3A_284 = arith.constant 112 : index
    %swap3A_285 = tpu.vector_load %arg7[%swap3A_284] {strides = array<i32>} : memref<128xf32, #tpu.memory_space<vmem>>, vector<16xf32>,
    %swap3A_286 = vector.shape_cast %swap3A_285 : vector<16xf32> to vector<16xf32>
    %swap3A_287 = vector.shape_cast %get3A_283 : vector<16xf32> to vector<16xf32>
    tpu.vector_store %arg7[%swap3A_284], %swap3A_287 {add = true, strides = array<i32>} : memref<128xf32, #tpu.memory_space<vmem>>, vector<16xf32>,
    %get3A_288 = arith.constant 0 : i32
    %get3A_289 = arith.index_cast %get3A_288 : i32 to index
    %get3A_290 = arith.constant 256 : index
    %get3A_291 = tpu.vector_load %arg8[%get3A_289, %get3A_290] {strides = array<i32>} : memref<5x512xf32, #tpu.memory_space<vmem>>, vector<1x16xf32>,
    %get3A_292 = vector.shape_cast %get3A_291 : vector<1x16xf32> to vector<16xf32>
    %swap3A_293 = arith.constant 0 : index
    %swap3A_294 = tpu.vector_load %arg7[%swap3A_293] {strides = array<i32>} : memref<128xf32, #tpu.memory_space<vmem>>, vector<16xf32>,
    %swap3A_295 = vector.shape_cast %swap3A_294 : vector<16xf32> to vector<16xf32>
    %swap3A_296 = vector.shape_cast %get3A_292 : vector<16xf32> to vector<16xf32>
    tpu.vector_store %arg7[%swap3A_293], %swap3A_296 {add = true, strides = array<i32>} : memref<128xf32, #tpu.memory_space<vmem>>, vector<16xf32>,
    %get3A_297 = arith.constant 0 : i32
    %get3A_298 = arith.index_cast %get3A_297 : i32 to index
    %get3A_299 = arith.constant 272 : index
    %get3A_300 = tpu.vector_load %arg8[%get3A_298, %get3A_299] {strides = array<i32>} : memref<5x512xf32, #tpu.memory_space<vmem>>, vector<1x16xf32>,
    %get3A_301 = vector.shape_cast %get3A_300 : vector<1x16xf32> to vector<16xf32>
    %swap3A_302 = arith.constant 16 : index
    %swap3A_303 = tpu.vector_load %arg7[%swap3A_302] {strides = array<i32>} : memref<128xf32, #tpu.memory_space<vmem>>, vector<16xf32>,
    %swap3A_304 = vector.shape_cast %swap3A_303 : vector<16xf32> to vector<16xf32>
    %swap3A_305 = vector.shape_cast %get3A_301 : vector<16xf32> to vector<16xf32>
    tpu.vector_store %arg7[%swap3A_302], %swap3A_305 {add = true, strides = array<i32>} : memref<128xf32, #tpu.memory_space<vmem>>, vector<16xf32>,
    %get3A_306 = arith.constant 0 : i32
    %get3A_307 = arith.index_cast %get3A_306 : i32 to index
    %get3A_308 = arith.constant 288 : index
    %get3A_309 = tpu.vector_load %arg8[%get3A_307, %get3A_308] {strides = array<i32>} : memref<5x512xf32, #tpu.memory_space<vmem>>, vector<1x16xf32>,
    %get3A_310 = vector.shape_cast %get3A_309 : vector<1x16xf32> to vector<16xf32>
    %swap3A_311 = arith.constant 32 : index
    %swap3A_312 = tpu.vector_load %arg7[%swap3A_311] {strides = array<i32>} : memref<128xf32, #tpu.memory_space<vmem>>, vector<16xf32>,
    %swap3A_313 = vector.shape_cast %swap3A_312 : vector<16xf32> to vector<16xf32>
    %swap3A_314 = vector.shape_cast %get3A_310 : vector<16xf32> to vector<16xf32>
    tpu.vector_store %arg7[%swap3A_311], %swap3A_314 {add = true, strides = array<i32>} : memref<128xf32, #tpu.memory_space<vmem>>, vector<16xf32>,
    %get3A_315 = arith.constant 0 : i32
    %get3A_316 = arith.index_cast %get3A_315 : i32 to index
    %get3A_317 = arith.constant 304 : index
    %get3A_318 = tpu.vector_load %arg8[%get3A_316, %get3A_317] {strides = array<i32>} : memref<5x512xf32, #tpu.memory_space<vmem>>, vector<1x16xf32>,
    %get3A_319 = vector.shape_cast %get3A_318 : vector<1x16xf32> to vector<16xf32>
    %swap3A_320 = arith.constant 48 : index
    %swap3A_321 = tpu.vector_load %arg7[%swap3A_320] {strides = array<i32>} : memref<128xf32, #tpu.memory_space<vmem>>, vector<16xf32>,
    %swap3A_322 = vector.shape_cast %swap3A_321 : vector<16xf32> to vector<16xf32>
    %swap3A_323 = vector.shape_cast %get3A_319 : vector<16xf32> to vector<16xf32>
    tpu.vector_store %arg7[%swap3A_320], %swap3A_323 {add = true, strides = array<i32>} : memref<128xf32, #tpu.memory_space<vmem>>, vector<16xf32>,
    %get3A_324 = arith.constant 0 : i32
    %get3A_325 = arith.index_cast %get3A_324 : i32 to index
    %get3A_326 = arith.constant 320 : index
    %get3A_327 = tpu.vector_load %arg8[%get3A_325, %get3A_326] {strides = array<i32>} : memref<5x512xf32, #tpu.memory_space<vmem>>, vector<1x16xf32>,
    %get3A_328 = vector.shape_cast %get3A_327 : vector<1x16xf32> to vector<16xf32>
    %swap3A_329 = arith.constant 64 : index
    %swap3A_330 = tpu.vector_load %arg7[%swap3A_329] {strides = array<i32>} : memref<128xf32, #tpu.memory_space<vmem>>, vector<16xf32>,
    %swap3A_331 = vector.shape_cast %swap3A_330 : vector<16xf32> to vector<16xf32>
    %swap3A_332 = vector.shape_cast %get3A_328 : vector<16xf32> to vector<16xf32>
    tpu.vector_store %arg7[%swap3A_329], %swap3A_332 {add = true, strides = array<i32>} : memref<128xf32, #tpu.memory_space<vmem>>, vector<16xf32>,
    %get3A_333 = arith.constant 0 : i32
    %get3A_334 = arith.index_cast %get3A_333 : i32 to index
    %get3A_335 = arith.constant 336 : index
    %get3A_336 = tpu.vector_load %arg8[%get3A_334, %get3A_335] {strides = array<i32>} : memref<5x512xf32, #tpu.memory_space<vmem>>, vector<1x16xf32>,
    %get3A_337 = vector.shape_cast %get3A_336 : vector<1x16xf32> to vector<16xf32>
    %swap3A_338 = arith.constant 80 : index
    %swap3A_339 = tpu.vector_load %arg7[%swap3A_338] {strides = array<i32>} : memref<128xf32, #tpu.memory_space<vmem>>, vector<16xf32>,
    %swap3A_340 = vector.shape_cast %swap3A_339 : vector<16xf32> to vector<16xf32>
    %swap3A_341 = vector.shape_cast %get3A_337 : vector<16xf32> to vector<16xf32>
    tpu.vector_store %arg7[%swap3A_338], %swap3A_341 {add = true, strides = array<i32>} : memref<128xf32, #tpu.memory_space<vmem>>, vector<16xf32>,
    %get3A_342 = arith.constant 0 : i32
    %get3A_343 = arith.index_cast %get3A_342 : i32 to index
    %get3A_344 = arith.constant 352 : index
    %get3A_345 = tpu.vector_load %arg8[%get3A_343, %get3A_344] {strides = array<i32>} : memref<5x512xf32, #tpu.memory_space<vmem>>, vector<1x16xf32>,
    %get3A_346 = vector.shape_cast %get3A_345 : vector<1x16xf32> to vector<16xf32>
    %swap3A_347 = arith.constant 96 : index
    %swap3A_348 = tpu.vector_load %arg7[%swap3A_347] {strides = array<i32>} : memref<128xf32, #tpu.memory_space<vmem>>, vector<16xf32>,
    %swap3A_349 = vector.shape_cast %swap3A_348 : vector<16xf32> to vector<16xf32>
    %swap3A_350 = vector.shape_cast %get3A_346 : vector<16xf32> to vector<16xf32>
    tpu.vector_store %arg7[%swap3A_347], %swap3A_350 {add = true, strides = array<i32>} : memref<128xf32, #tpu.memory_space<vmem>>, vector<16xf32>,
    %get3A_351 = arith.constant 0 : i32
    %get3A_352 = arith.index_cast %get3A_351 : i32 to index
    %get3A_353 = arith.constant 368 : index
    %get3A_354 = tpu.vector_load %arg8[%get3A_352, %get3A_353] {strides = array<i32>} : memref<5x512xf32, #tpu.memory_space<vmem>>, vector<1x16xf32>,
    %get3A_355 = vector.shape_cast %get3A_354 : vector<1x16xf32> to vector<16xf32>
    %swap3A_356 = arith.constant 112 : index
    %swap3A_357 = tpu.vector_load %arg7[%swap3A_356] {strides = array<i32>} : memref<128xf32, #tpu.memory_space<vmem>>, vector<16xf32>,
    %swap3A_358 = vector.shape_cast %swap3A_357 : vector<16xf32> to vector<16xf32>
    %swap3A_359 = vector.shape_cast %get3A_355 : vector<16xf32> to vector<16xf32>
    tpu.vector_store %arg7[%swap3A_356], %swap3A_359 {add = true, strides = array<i32>} : memref<128xf32, #tpu.memory_space<vmem>>, vector<16xf32>,
    %get3A_360 = arith.constant 0 : i32
    %get3A_361 = arith.index_cast %get3A_360 : i32 to index
    %get3A_362 = arith.constant 384 : index
    %get3A_363 = tpu.vector_load %arg8[%get3A_361, %get3A_362] {strides = array<i32>} : memref<5x512xf32, #tpu.memory_space<vmem>>, vector<1x16xf32>,
    %get3A_364 = vector.shape_cast %get3A_363 : vector<1x16xf32> to vector<16xf32>
    %swap3A_365 = arith.constant 0 : index
    %swap3A_366 = tpu.vector_load %arg7[%swap3A_365] {strides = array<i32>} : memref<128xf32, #tpu.memory_space<vmem>>, vector<16xf32>,
    %swap3A_367 = vector.shape_cast %swap3A_366 : vector<16xf32> to vector<16xf32>
    %swap3A_368 = vector.shape_cast %get3A_364 : vector<16xf32> to vector<16xf32>
    tpu.vector_store %arg7[%swap3A_365], %swap3A_368 {add = true, strides = array<i32>} : memref<128xf32, #tpu.memory_space<vmem>>, vector<16xf32>,
    %get3A_369 = arith.constant 0 : i32
    %get3A_370 = arith.index_cast %get3A_369 : i32 to index
    %get3A_371 = arith.constant 400 : index
    %get3A_372 = tpu.vector_load %arg8[%get3A_370, %get3A_371] {strides = array<i32>} : memref<5x512xf32, #tpu.memory_space<vmem>>, vector<1x16xf32>,
    %get3A_373 = vector.shape_cast %get3A_372 : vector<1x16xf32> to vector<16xf32>
    %swap3A_374 = arith.constant 16 : index
    %swap3A_375 = tpu.vector_load %arg7[%swap3A_374] {strides = array<i32>} : memref<128xf32, #tpu.memory_space<vmem>>, vector<16xf32>,
    %swap3A_376 = vector.shape_cast %swap3A_375 : vector<16xf32> to vector<16xf32>
    %swap3A_377 = vector.shape_cast %get3A_373 : vector<16xf32> to vector<16xf32>
    tpu.vector_store %arg7[%swap3A_374], %swap3A_377 {add = true, strides = array<i32>} : memref<128xf32, #tpu.memory_space<vmem>>, vector<16xf32>,
    %get3A_378 = arith.constant 0 : i32
    %get3A_379 = arith.index_cast %get3A_378 : i32 to index
    %get3A_380 = arith.constant 416 : index
    %get3A_381 = tpu.vector_load %arg8[%get3A_379, %get3A_380] {strides = array<i32>} : memref<5x512xf32, #tpu.memory_space<vmem>>, vector<1x16xf32>,
    %get3A_382 = vector.shape_cast %get3A_381 : vector<1x16xf32> to vector<16xf32>
    %swap3A_383 = arith.constant 32 : index
    %swap3A_384 = tpu.vector_load %arg7[%swap3A_383] {strides = array<i32>} : memref<128xf32, #tpu.memory_space<vmem>>, vector<16xf32>,
    %swap3A_385 = vector.shape_cast %swap3A_384 : vector<16xf32> to vector<16xf32>
    %swap3A_386 = vector.shape_cast %get3A_382 : vector<16xf32> to vector<16xf32>
    tpu.vector_store %arg7[%swap3A_383], %swap3A_386 {add = true, strides = array<i32>} : memref<128xf32, #tpu.memory_space<vmem>>, vector<16xf32>,
    %get3A_387 = arith.constant 0 : i32
    %get3A_388 = arith.index_cast %get3A_387 : i32 to index
    %get3A_389 = arith.constant 432 : index
    %get3A_390 = tpu.vector_load %arg8[%get3A_388, %get3A_389] {strides = array<i32>} : memref<5x512xf32, #tpu.memory_space<vmem>>, vector<1x16xf32>,
    %get3A_391 = vector.shape_cast %get3A_390 : vector<1x16xf32> to vector<16xf32>
    %swap3A_392 = arith.constant 48 : index
    %swap3A_393 = tpu.vector_load %arg7[%swap3A_392] {strides = array<i32>} : memref<128xf32, #tpu.memory_space<vmem>>, vector<16xf32>,
    %swap3A_394 = vector.shape_cast %swap3A_393 : vector<16xf32> to vector<16xf32>
    %swap3A_395 = vector.shape_cast %get3A_391 : vector<16xf32> to vector<16xf32>
    tpu.vector_store %arg7[%swap3A_392], %swap3A_395 {add = true, strides = array<i32>} : memref<128xf32, #tpu.memory_space<vmem>>, vector<16xf32>,
    %get3A_396 = arith.constant 0 : i32
    %get3A_397 = arith.index_cast %get3A_396 : i32 to index
    %get3A_398 = arith.constant 448 : index
    %get3A_399 = tpu.vector_load %arg8[%get3A_397, %get3A_398] {strides = array<i32>} : memref<5x512xf32, #tpu.memory_space<vmem>>, vector<1x16xf32>,
    %get3A_400 = vector.shape_cast %get3A_399 : vector<1x16xf32> to vector<16xf32>
    %swap3A_401 = arith.constant 64 : index
    %swap3A_402 = tpu.vector_load %arg7[%swap3A_401] {strides = array<i32>} : memref<128xf32, #tpu.memory_space<vmem>>, vector<16xf32>,
    %swap3A_403 = vector.shape_cast %swap3A_402 : vector<16xf32> to vector<16xf32>
    %swap3A_404 = vector.shape_cast %get3A_400 : vector<16xf32> to vector<16xf32>
    tpu.vector_store %arg7[%swap3A_401], %swap3A_404 {add = true, strides = array<i32>} : memref<128xf32, #tpu.memory_space<vmem>>, vector<16xf32>,
    %get3A_405 = arith.constant 0 : i32
    %get3A_406 = arith.index_cast %get3A_405 : i32 to index
    %get3A_407 = arith.constant 464 : index
    %get3A_408 = tpu.vector_load %arg8[%get3A_406, %get3A_407] {strides = array<i32>} : memref<5x512xf32, #tpu.memory_space<vmem>>, vector<1x16xf32>,
    %get3A_409 = vector.shape_cast %get3A_408 : vector<1x16xf32> to vector<16xf32>
    %swap3A_410 = arith.constant 80 : index
    %swap3A_411 = tpu.vector_load %arg7[%swap3A_410] {strides = array<i32>} : memref<128xf32, #tpu.memory_space<vmem>>, vector<16xf32>,
    %swap3A_412 = vector.shape_cast %swap3A_411 : vector<16xf32> to vector<16xf32>
    %swap3A_413 = vector.shape_cast %get3A_409 : vector<16xf32> to vector<16xf32>
    tpu.vector_store %arg7[%swap3A_410], %swap3A_413 {add = true, strides = array<i32>} : memref<128xf32, #tpu.memory_space<vmem>>, vector<16xf32>,
    %get3A_414 = arith.constant 0 : i32
    %get3A_415 = arith.index_cast %get3A_414 : i32 to index
    %get3A_416 = arith.constant 480 : index
    %get3A_417 = tpu.vector_load %arg8[%get3A_415, %get3A_416] {strides = array<i32>} : memref<5x512xf32, #tpu.memory_space<vmem>>, vector<1x16xf32>,
    %get3A_418 = vector.shape_cast %get3A_417 : vector<1x16xf32> to vector<16xf32>
    %swap3A_419 = arith.constant 96 : index
    %swap3A_420 = tpu.vector_load %arg7[%swap3A_419] {strides = array<i32>} : memref<128xf32, #tpu.memory_space<vmem>>, vector<16xf32>,
    %swap3A_421 = vector.shape_cast %swap3A_420 : vector<16xf32> to vector<16xf32>
    %swap3A_422 = vector.shape_cast %get3A_418 : vector<16xf32> to vector<16xf32>
    tpu.vector_store %arg7[%swap3A_419], %swap3A_422 {add = true, strides = array<i32>} : memref<128xf32, #tpu.memory_space<vmem>>, vector<16xf32>,
    %get3A_423 = arith.constant 0 : i32
    %get3A_424 = arith.index_cast %get3A_423 : i32 to index
    %get3A_425 = arith.constant 496 : index
    %get3A_426 = tpu.vector_load %arg8[%get3A_424, %get3A_425] {strides = array<i32>} : memref<5x512xf32, #tpu.memory_space<vmem>>, vector<1x16xf32>,
    %get3A_427 = vector.shape_cast %get3A_426 : vector<1x16xf32> to vector<16xf32>
    %swap3A_428 = arith.constant 112 : index
    %swap3A_429 = tpu.vector_load %arg7[%swap3A_428] {strides = array<i32>} : memref<128xf32, #tpu.memory_space<vmem>>, vector<16xf32>,
    %swap3A_430 = vector.shape_cast %swap3A_429 : vector<16xf32> to vector<16xf32>
    %swap3A_431 = vector.shape_cast %get3A_427 : vector<16xf32> to vector<16xf32>
    tpu.vector_store %arg7[%swap3A_428], %swap3A_431 {add = true, strides = array<i32>} : memref<128xf32, #tpu.memory_space<vmem>>, vector<16xf32>,
    %dma_wait3A_432 = arith.constant 0 : i32
    %dma_wait3A_433 = arith.constant 1 : i32
    %dma_wait3A_434 = arith.constant 0 : i32
    %dma_wait3A_435 = tpu.memref_slice %arg8[%dma_wait3A_433, %dma_wait3A_434] : memref<5x512xf32, #tpu.memory_space<vmem>> -> memref<1x512xf32, #tpu.memory_space<vmem>>
    %dma_wait3A_436 = tpu.memref_squeeze %dma_wait3A_435 : memref<1x512xf32, #tpu.memory_space<vmem>> -> memref<512xf32, #tpu.memory_space<vmem>>
    %dma_wait3A_437 = arith.constant 0 : i32
    %dma_wait3A_438 = tpu.memref_slice %arg6[%dma_wait3A_432, %dma_wait3A_437] : memref<50x512xi32, #tpu.memory_space<vmem>> -> memref<1x512xi32, #tpu.memory_space<vmem>>
    %dma_wait3A_439 = tpu.memref_squeeze %dma_wait3A_438 : memref<1x512xi32, #tpu.memory_space<vmem>> -> memref<512xi32, #tpu.memory_space<vmem>>
    %dma_wait3A_440 = arith.constant 0 : i32
    %dma_wait3A_441 = tpu.memref_slice %arg9[%dma_wait3A_440] : memref<1015808xf32, #tpu.memory_space<vmem_shared>> -> memref<1015808xf32, #tpu.memory_space<vmem_shared>>
    tpu.wait_indirect_dma semaphore(%arg11 : memref<!tpu.dma_semaphore, #tpu.memory_space<semaphore_mem>>) src(%dma_wait3A_441 : memref<1015808xf32, #tpu.memory_space<vmem_shared>>) dst(%dma_wait3A_436 : memref<512xf32, #tpu.memory_space<vmem>>)
    %get3A_442 = arith.constant 1 : i32
    %get3A_443 = arith.index_cast %get3A_442 : i32 to index
    %get3A_444 = arith.constant 0 : index
    %get3A_445 = tpu.vector_load %arg8[%get3A_443, %get3A_444] {strides = array<i32>} : memref<5x512xf32, #tpu.memory_space<vmem>>, vector<1x16xf32>,
    %get3A_446 = vector.shape_cast %get3A_445 : vector<1x16xf32> to vector<16xf32>
    %swap3A_447 = arith.constant 0 : index
    %swap3A_448 = tpu.vector_load %arg7[%swap3A_447] {strides = array<i32>} : memref<128xf32, #tpu.memory_space<vmem>>, vector<16xf32>,
    %swap3A_449 = vector.shape_cast %swap3A_448 : vector<16xf32> to vector<16xf32>
    %swap3A_450 = vector.shape_cast %get3A_446 : vector<16xf32> to vector<16xf32>
    tpu.vector_store %arg7[%swap3A_447], %swap3A_450 {add = true, strides = array<i32>} : memref<128xf32, #tpu.memory_space<vmem>>, vector<16xf32>,
    %get3A_451 = arith.constant 1 : i32
    %get3A_452 = arith.index_cast %get3A_451 : i32 to index
    %get3A_453 = arith.constant 16 : index
    %get3A_454 = tpu.vector_load %arg8[%get3A_452, %get3A_453] {strides = array<i32>} : memref<5x512xf32, #tpu.memory_space<vmem>>, vector<1x16xf32>,
    %get3A_455 = vector.shape_cast %get3A_454 : vector<1x16xf32> to vector<16xf32>
    %swap3A_456 = arith.constant 16 : index
    %swap3A_457 = tpu.vector_load %arg7[%swap3A_456] {strides = array<i32>} : memref<128xf32, #tpu.memory_space<vmem>>, vector<16xf32>,
    %swap3A_458 = vector.shape_cast %swap3A_457 : vector<16xf32> to vector<16xf32>
    %swap3A_459 = vector.shape_cast %get3A_455 : vector<16xf32> to vector<16xf32>
    tpu.vector_store %arg7[%swap3A_456], %swap3A_459 {add = true, strides = array<i32>} : memref<128xf32, #tpu.memory_space<vmem>>, vector<16xf32>,
    %get3A_460 = arith.constant 1 : i32
    %get3A_461 = arith.index_cast %get3A_460 : i32 to index
    %get3A_462 = arith.constant 32 : index
    %get3A_463 = tpu.vector_load %arg8[%get3A_461, %get3A_462] {strides = array<i32>} : memref<5x512xf32, #tpu.memory_space<vmem>>, vector<1x16xf32>,
    %get3A_464 = vector.shape_cast %get3A_463 : vector<1x16xf32> to vector<16xf32>
    %swap3A_465 = arith.constant 32 : index
    %swap3A_466 = tpu.vector_load %arg7[%swap3A_465] {strides = array<i32>} : memref<128xf32, #tpu.memory_space<vmem>>, vector<16xf32>,
    %swap3A_467 = vector.shape_cast %swap3A_466 : vector<16xf32> to vector<16xf32>
    %swap3A_468 = vector.shape_cast %get3A_464 : vector<16xf32> to vector<16xf32>
    tpu.vector_store %arg7[%swap3A_465], %swap3A_468 {add = true, strides = array<i32>} : memref<128xf32, #tpu.memory_space<vmem>>, vector<16xf32>,
    %get3A_469 = arith.constant 1 : i32
    %get3A_470 = arith.index_cast %get3A_469 : i32 to index
    %get3A_471 = arith.constant 48 : index
    %get3A_472 = tpu.vector_load %arg8[%get3A_470, %get3A_471] {strides = array<i32>} : memref<5x512xf32, #tpu.memory_space<vmem>>, vector<1x16xf32>,
    %get3A_473 = vector.shape_cast %get3A_472 : vector<1x16xf32> to vector<16xf32>
    %swap3A_474 = arith.constant 48 : index
    %swap3A_475 = tpu.vector_load %arg7[%swap3A_474] {strides = array<i32>} : memref<128xf32, #tpu.memory_space<vmem>>, vector<16xf32>,
    %swap3A_476 = vector.shape_cast %swap3A_475 : vector<16xf32> to vector<16xf32>
    %swap3A_477 = vector.shape_cast %get3A_473 : vector<16xf32> to vector<16xf32>
    tpu.vector_store %arg7[%swap3A_474], %swap3A_477 {add = true, strides = array<i32>} : memref<128xf32, #tpu.memory_space<vmem>>, vector<16xf32>,
    %get3A_478 = arith.constant 1 : i32
    %get3A_479 = arith.index_cast %get3A_478 : i32 to index
    %get3A_480 = arith.constant 64 : index
    %get3A_481 = tpu.vector_load %arg8[%get3A_479, %get3A_480] {strides = array<i32>} : memref<5x512xf32, #tpu.memory_space<vmem>>, vector<1x16xf32>,
    %get3A_482 = vector.shape_cast %get3A_481 : vector<1x16xf32> to vector<16xf32>
    %swap3A_483 = arith.constant 64 : index
    %swap3A_484 = tpu.vector_load %arg7[%swap3A_483] {strides = array<i32>} : memref<128xf32, #tpu.memory_space<vmem>>, vector<16xf32>,
    %swap3A_485 = vector.shape_cast %swap3A_484 : vector<16xf32> to vector<16xf32>
    %swap3A_486 = vector.shape_cast %get3A_482 : vector<16xf32> to vector<16xf32>
    tpu.vector_store %arg7[%swap3A_483], %swap3A_486 {add = true, strides = array<i32>} : memref<128xf32, #tpu.memory_space<vmem>>, vector<16xf32>,
    %get3A_487 = arith.constant 1 : i32
    %get3A_488 = arith.index_cast %get3A_487 : i32 to index
    %get3A_489 = arith.constant 80 : index
    %get3A_490 = tpu.vector_load %arg8[%get3A_488, %get3A_489] {strides = array<i32>} : memref<5x512xf32, #tpu.memory_space<vmem>>, vector<1x16xf32>,
    %get3A_491 = vector.shape_cast %get3A_490 : vector<1x16xf32> to vector<16xf32>
    %swap3A_492 = arith.constant 80 : index
    %swap3A_493 = tpu.vector_load %arg7[%swap3A_492] {strides = array<i32>} : memref<128xf32, #tpu.memory_space<vmem>>, vector<16xf32>,
    %swap3A_494 = vector.shape_cast %swap3A_493 : vector<16xf32> to vector<16xf32>
    %swap3A_495 = vector.shape_cast %get3A_491 : vector<16xf32> to vector<16xf32>
    tpu.vector_store %arg7[%swap3A_492], %swap3A_495 {add = true, strides = array<i32>} : memref<128xf32, #tpu.memory_space<vmem>>, vector<16xf32>,
    %get3A_496 = arith.constant 1 : i32
    %get3A_497 = arith.index_cast %get3A_496 : i32 to index
    %get3A_498 = arith.constant 96 : index
    %get3A_499 = tpu.vector_load %arg8[%get3A_497, %get3A_498] {strides = array<i32>} : memref<5x512xf32, #tpu.memory_space<vmem>>, vector<1x16xf32>,
    %get3A_500 = vector.shape_cast %get3A_499 : vector<1x16xf32> to vector<16xf32>
    %swap3A_501 = arith.constant 96 : index
    %swap3A_502 = tpu.vector_load %arg7[%swap3A_501] {strides = array<i32>} : memref<128xf32, #tpu.memory_space<vmem>>, vector<16xf32>,
    %swap3A_503 = vector.shape_cast %swap3A_502 : vector<16xf32> to vector<16xf32>
    %swap3A_504 = vector.shape_cast %get3A_500 : vector<16xf32> to vector<16xf32>
    tpu.vector_store %arg7[%swap3A_501], %swap3A_504 {add = true, strides = array<i32>} : memref<128xf32, #tpu.memory_space<vmem>>, vector<16xf32>,
    %get3A_505 = arith.constant 1 : i32
    %get3A_506 = arith.index_cast %get3A_505 : i32 to index
    %get3A_507 = arith.constant 112 : index
    %get3A_508 = tpu.vector_load %arg8[%get3A_506, %get3A_507] {strides = array<i32>} : memref<5x512xf32, #tpu.memory_space<vmem>>, vector<1x16xf32>,
    %get3A_509 = vector.shape_cast %get3A_508 : vector<1x16xf32> to vector<16xf32>
    %swap3A_510 = arith.constant 112 : index
    %swap3A_511 = tpu.vector_load %arg7[%swap3A_510] {strides = array<i32>} : memref<128xf32, #tpu.memory_space<vmem>>, vector<16xf32>,
    %swap3A_512 = vector.shape_cast %swap3A_511 : vector<16xf32> to vector<16xf32>
    %swap3A_513 = vector.shape_cast %get3A_509 : vector<16xf32> to vector<16xf32>
    tpu.vector_store %arg7[%swap3A_510], %swap3A_513 {add = true, strides = array<i32>} : memref<128xf32, #tpu.memory_space<vmem>>, vector<16xf32>,
    %get3A_514 = arith.constant 1 : i32
    %get3A_515 = arith.index_cast %get3A_514 : i32 to index
    %get3A_516 = arith.constant 128 : index
    %get3A_517 = tpu.vector_load %arg8[%get3A_515, %get3A_516] {strides = array<i32>} : memref<5x512xf32, #tpu.memory_space<vmem>>, vector<1x16xf32>,
    %get3A_518 = vector.shape_cast %get3A_517 : vector<1x16xf32> to vector<16xf32>
    %swap3A_519 = arith.constant 0 : index
    %swap3A_520 = tpu.vector_load %arg7[%swap3A_519] {strides = array<i32>} : memref<128xf32, #tpu.memory_space<vmem>>, vector<16xf32>,
    %swap3A_521 = vector.shape_cast %swap3A_520 : vector<16xf32> to vector<16xf32>
    %swap3A_522 = vector.shape_cast %get3A_518 : vector<16xf32> to vector<16xf32>
    tpu.vector_store %arg7[%swap3A_519], %swap3A_522 {add = true, strides = array<i32>} : memref<128xf32, #tpu.memory_space<vmem>>, vector<16xf32>,
    %get3A_523 = arith.constant 1 : i32
    %get3A_524 = arith.index_cast %get3A_523 : i32 to index
    %get3A_525 = arith.constant 144 : index
    %get3A_526 = tpu.vector_load %arg8[%get3A_524, %get3A_525] {strides = array<i32>} : memref<5x512xf32, #tpu.memory_space<vmem>>, vector<1x16xf32>,
    %get3A_527 = vector.shape_cast %get3A_526 : vector<1x16xf32> to vector<16xf32>
    %swap3A_528 = arith.constant 16 : index
    %swap3A_529 = tpu.vector_load %arg7[%swap3A_528] {strides = array<i32>} : memref<128xf32, #tpu.memory_space<vmem>>, vector<16xf32>,
    %swap3A_530 = vector.shape_cast %swap3A_529 : vector<16xf32> to vector<16xf32>
    %swap3A_531 = vector.shape_cast %get3A_527 : vector<16xf32> to vector<16xf32>
    tpu.vector_store %arg7[%swap3A_528], %swap3A_531 {add = true, strides = array<i32>} : memref<128xf32, #tpu.memory_space<vmem>>, vector<16xf32>,
    %get3A_532 = arith.constant 1 : i32
    %get3A_533 = arith.index_cast %get3A_532 : i32 to index
    %get3A_534 = arith.constant 160 : index
    %get3A_535 = tpu.vector_load %arg8[%get3A_533, %get3A_534] {strides = array<i32>} : memref<5x512xf32, #tpu.memory_space<vmem>>, vector<1x16xf32>,
    %get3A_536 = vector.shape_cast %get3A_535 : vector<1x16xf32> to vector<16xf32>
    %swap3A_537 = arith.constant 32 : index
    %swap3A_538 = tpu.vector_load %arg7[%swap3A_537] {strides = array<i32>} : memref<128xf32, #tpu.memory_space<vmem>>, vector<16xf32>,
    %swap3A_539 = vector.shape_cast %swap3A_538 : vector<16xf32> to vector<16xf32>
    %swap3A_540 = vector.shape_cast %get3A_536 : vector<16xf32> to vector<16xf32>
    tpu.vector_store %arg7[%swap3A_537], %swap3A_540 {add = true, strides = array<i32>} : memref<128xf32, #tpu.memory_space<vmem>>, vector<16xf32>,
    %get3A_541 = arith.constant 1 : i32
    %get3A_542 = arith.index_cast %get3A_541 : i32 to index
    %get3A_543 = arith.constant 176 : index
    %get3A_544 = tpu.vector_load %arg8[%get3A_542, %get3A_543] {strides = array<i32>} : memref<5x512xf32, #tpu.memory_space<vmem>>, vector<1x16xf32>,
    %get3A_545 = vector.shape_cast %get3A_544 : vector<1x16xf32> to vector<16xf32>
    %swap3A_546 = arith.constant 48 : index
    %swap3A_547 = tpu.vector_load %arg7[%swap3A_546] {strides = array<i32>} : memref<128xf32, #tpu.memory_space<vmem>>, vector<16xf32>,
    %swap3A_548 = vector.shape_cast %swap3A_547 : vector<16xf32> to vector<16xf32>
    %swap3A_549 = vector.shape_cast %get3A_545 : vector<16xf32> to vector<16xf32>
    tpu.vector_store %arg7[%swap3A_546], %swap3A_549 {add = true, strides = array<i32>} : memref<128xf32, #tpu.memory_space<vmem>>, vector<16xf32>,
    %get3A_550 = arith.constant 1 : i32
    %get3A_551 = arith.index_cast %get3A_550 : i32 to index
    %get3A_552 = arith.constant 192 : index
    %get3A_553 = tpu.vector_load %arg8[%get3A_551, %get3A_552] {strides = array<i32>} : memref<5x512xf32, #tpu.memory_space<vmem>>, vector<1x16xf32>,
    %get3A_554 = vector.shape_cast %get3A_553 : vector<1x16xf32> to vector<16xf32>
    %swap3A_555 = arith.constant 64 : index
    %swap3A_556 = tpu.vector_load %arg7[%swap3A_555] {strides = array<i32>} : memref<128xf32, #tpu.memory_space<vmem>>, vector<16xf32>,
    %swap3A_557 = vector.shape_cast %swap3A_556 : vector<16xf32> to vector<16xf32>
    %swap3A_558 = vector.shape_cast %get3A_554 : vector<16xf32> to vector<16xf32>
    tpu.vector_store %arg7[%swap3A_555], %swap3A_558 {add = true, strides = array<i32>} : memref<128xf32, #tpu.memory_space<vmem>>, vector<16xf32>,
    %get3A_559 = arith.constant 1 : i32
    %get3A_560 = arith.index_cast %get3A_559 : i32 to index
    %get3A_561 = arith.constant 208 : index
    %get3A_562 = tpu.vector_load %arg8[%get3A_560, %get3A_561] {strides = array<i32>} : memref<5x512xf32, #tpu.memory_space<vmem>>, vector<1x16xf32>,
    %get3A_563 = vector.shape_cast %get3A_562 : vector<1x16xf32> to vector<16xf32>
    %swap3A_564 = arith.constant 80 : index
    %swap3A_565 = tpu.vector_load %arg7[%swap3A_564] {strides = array<i32>} : memref<128xf32, #tpu.memory_space<vmem>>, vector<16xf32>,
    %swap3A_566 = vector.shape_cast %swap3A_565 : vector<16xf32> to vector<16xf32>
    %swap3A_567 = vector.shape_cast %get3A_563 : vector<16xf32> to vector<16xf32>
    tpu.vector_store %arg7[%swap3A_564], %swap3A_567 {add = true, strides = array<i32>} : memref<128xf32, #tpu.memory_space<vmem>>, vector<16xf32>,
    %get3A_568 = arith.constant 1 : i32
    %get3A_569 = arith.index_cast %get3A_568 : i32 to index
    %get3A_570 = arith.constant 224 : index
    %get3A_571 = tpu.vector_load %arg8[%get3A_569, %get3A_570] {strides = array<i32>} : memref<5x512xf32, #tpu.memory_space<vmem>>, vector<1x16xf32>,
    %get3A_572 = vector.shape_cast %get3A_571 : vector<1x16xf32> to vector<16xf32>
    %swap3A_573 = arith.constant 96 : index
    %swap3A_574 = tpu.vector_load %arg7[%swap3A_573] {strides = array<i32>} : memref<128xf32, #tpu.memory_space<vmem>>, vector<16xf32>,
    %swap3A_575 = vector.shape_cast %swap3A_574 : vector<16xf32> to vector<16xf32>
    %swap3A_576 = vector.shape_cast %get3A_572 : vector<16xf32> to vector<16xf32>
    tpu.vector_store %arg7[%swap3A_573], %swap3A_576 {add = true, strides = array<i32>} : memref<128xf32, #tpu.memory_space<vmem>>, vector<16xf32>,
    %get3A_577 = arith.constant 1 : i32
    %get3A_578 = arith.index_cast %get3A_577 : i32 to index
    %get3A_579 = arith.constant 240 : index
    %get3A_580 = tpu.vector_load %arg8[%get3A_578, %get3A_579] {strides = array<i32>} : memref<5x512xf32, #tpu.memory_space<vmem>>, vector<1x16xf32>,
    %get3A_581 = vector.shape_cast %get3A_580 : vector<1x16xf32> to vector<16xf32>
    %swap3A_582 = arith.constant 112 : index
    %swap3A_583 = tpu.vector_load %arg7[%swap3A_582] {strides = array<i32>} : memref<128xf32, #tpu.memory_space<vmem>>, vector<16xf32>,
    %swap3A_584 = vector.shape_cast %swap3A_583 : vector<16xf32> to vector<16xf32>
    %swap3A_585 = vector.shape_cast %get3A_581 : vector<16xf32> to vector<16xf32>
    tpu.vector_store %arg7[%swap3A_582], %swap3A_585 {add = true, strides = array<i32>} : memref<128xf32, #tpu.memory_space<vmem>>, vector<16xf32>,
    %get3A_586 = arith.constant 1 : i32
    %get3A_587 = arith.index_cast %get3A_586 : i32 to index
    %get3A_588 = arith.constant 256 : index
    %get3A_589 = tpu.vector_load %arg8[%get3A_587, %get3A_588] {strides = array<i32>} : memref<5x512xf32, #tpu.memory_space<vmem>>, vector<1x16xf32>,
    %get3A_590 = vector.shape_cast %get3A_589 : vector<1x16xf32> to vector<16xf32>
    %swap3A_591 = arith.constant 0 : index
    %swap3A_592 = tpu.vector_load %arg7[%swap3A_591] {strides = array<i32>} : memref<128xf32, #tpu.memory_space<vmem>>, vector<16xf32>,
    %swap3A_593 = vector.shape_cast %swap3A_592 : vector<16xf32> to vector<16xf32>
    %swap3A_594 = vector.shape_cast %get3A_590 : vector<16xf32> to vector<16xf32>
    tpu.vector_store %arg7[%swap3A_591], %swap3A_594 {add = true, strides = array<i32>} : memref<128xf32, #tpu.memory_space<vmem>>, vector<16xf32>,
    %get3A_595 = arith.constant 1 : i32
    %get3A_596 = arith.index_cast %get3A_595 : i32 to index
    %get3A_597 = arith.constant 272 : index
    %get3A_598 = tpu.vector_load %arg8[%get3A_596, %get3A_597] {strides = array<i32>} : memref<5x512xf32, #tpu.memory_space<vmem>>, vector<1x16xf32>,
    %get3A_599 = vector.shape_cast %get3A_598 : vector<1x16xf32> to vector<16xf32>
    %swap3A_600 = arith.constant 16 : index
    %swap3A_601 = tpu.vector_load %arg7[%swap3A_600] {strides = array<i32>} : memref<128xf32, #tpu.memory_space<vmem>>, vector<16xf32>,
    %swap3A_602 = vector.shape_cast %swap3A_601 : vector<16xf32> to vector<16xf32>
    %swap3A_603 = vector.shape_cast %get3A_599 : vector<16xf32> to vector<16xf32>
    tpu.vector_store %arg7[%swap3A_600], %swap3A_603 {add = true, strides = array<i32>} : memref<128xf32, #tpu.memory_space<vmem>>, vector<16xf32>,
    %get3A_604 = arith.constant 1 : i32
    %get3A_605 = arith.index_cast %get3A_604 : i32 to index
    %get3A_606 = arith.constant 288 : index
    %get3A_607 = tpu.vector_load %arg8[%get3A_605, %get3A_606] {strides = array<i32>} : memref<5x512xf32, #tpu.memory_space<vmem>>, vector<1x16xf32>,
    %get3A_608 = vector.shape_cast %get3A_607 : vector<1x16xf32> to vector<16xf32>
    %swap3A_609 = arith.constant 32 : index
    %swap3A_610 = tpu.vector_load %arg7[%swap3A_609] {strides = array<i32>} : memref<128xf32, #tpu.memory_space<vmem>>, vector<16xf32>,
    %swap3A_611 = vector.shape_cast %swap3A_610 : vector<16xf32> to vector<16xf32>
    %swap3A_612 = vector.shape_cast %get3A_608 : vector<16xf32> to vector<16xf32>
    tpu.vector_store %arg7[%swap3A_609], %swap3A_612 {add = true, strides = array<i32>} : memref<128xf32, #tpu.memory_space<vmem>>, vector<16xf32>,
    %get3A_613 = arith.constant 1 : i32
    %get3A_614 = arith.index_cast %get3A_613 : i32 to index
    %get3A_615 = arith.constant 304 : index
    %get3A_616 = tpu.vector_load %arg8[%get3A_614, %get3A_615] {strides = array<i32>} : memref<5x512xf32, #tpu.memory_space<vmem>>, vector<1x16xf32>,
    %get3A_617 = vector.shape_cast %get3A_616 : vector<1x16xf32> to vector<16xf32>
    %swap3A_618 = arith.constant 48 : index
    %swap3A_619 = tpu.vector_load %arg7[%swap3A_618] {strides = array<i32>} : memref<128xf32, #tpu.memory_space<vmem>>, vector<16xf32>,
    %swap3A_620 = vector.shape_cast %swap3A_619 : vector<16xf32> to vector<16xf32>
    %swap3A_621 = vector.shape_cast %get3A_617 : vector<16xf32> to vector<16xf32>
    tpu.vector_store %arg7[%swap3A_618], %swap3A_621 {add = true, strides = array<i32>} : memref<128xf32, #tpu.memory_space<vmem>>, vector<16xf32>,
    %get3A_622 = arith.constant 1 : i32
    %get3A_623 = arith.index_cast %get3A_622 : i32 to index
    %get3A_624 = arith.constant 320 : index
    %get3A_625 = tpu.vector_load %arg8[%get3A_623, %get3A_624] {strides = array<i32>} : memref<5x512xf32, #tpu.memory_space<vmem>>, vector<1x16xf32>,
    %get3A_626 = vector.shape_cast %get3A_625 : vector<1x16xf32> to vector<16xf32>
    %swap3A_627 = arith.constant 64 : index
    %swap3A_628 = tpu.vector_load %arg7[%swap3A_627] {strides = array<i32>} : memref<128xf32, #tpu.memory_space<vmem>>, vector<16xf32>,
    %swap3A_629 = vector.shape_cast %swap3A_628 : vector<16xf32> to vector<16xf32>
    %swap3A_630 = vector.shape_cast %get3A_626 : vector<16xf32> to vector<16xf32>
    tpu.vector_store %arg7[%swap3A_627], %swap3A_630 {add = true, strides = array<i32>} : memref<128xf32, #tpu.memory_space<vmem>>, vector<16xf32>,
    %get3A_631 = arith.constant 1 : i32
    %get3A_632 = arith.index_cast %get3A_631 : i32 to index
    %get3A_633 = arith.constant 336 : index
    %get3A_634 = tpu.vector_load %arg8[%get3A_632, %get3A_633] {strides = array<i32>} : memref<5x512xf32, #tpu.memory_space<vmem>>, vector<1x16xf32>,
    %get3A_635 = vector.shape_cast %get3A_634 : vector<1x16xf32> to vector<16xf32>
    %swap3A_636 = arith.constant 80 : index
    %swap3A_637 = tpu.vector_load %arg7[%swap3A_636] {strides = array<i32>} : memref<128xf32, #tpu.memory_space<vmem>>, vector<16xf32>,
    %swap3A_638 = vector.shape_cast %swap3A_637 : vector<16xf32> to vector<16xf32>
    %swap3A_639 = vector.shape_cast %get3A_635 : vector<16xf32> to vector<16xf32>
    tpu.vector_store %arg7[%swap3A_636], %swap3A_639 {add = true, strides = array<i32>} : memref<128xf32, #tpu.memory_space<vmem>>, vector<16xf32>,
    %get3A_640 = arith.constant 1 : i32
    %get3A_641 = arith.index_cast %get3A_640 : i32 to index
    %get3A_642 = arith.constant 352 : index
    %get3A_643 = tpu.vector_load %arg8[%get3A_641, %get3A_642] {strides = array<i32>} : memref<5x512xf32, #tpu.memory_space<vmem>>, vector<1x16xf32>,
    %get3A_644 = vector.shape_cast %get3A_643 : vector<1x16xf32> to vector<16xf32>
    %swap3A_645 = arith.constant 96 : index
    %swap3A_646 = tpu.vector_load %arg7[%swap3A_645] {strides = array<i32>} : memref<128xf32, #tpu.memory_space<vmem>>, vector<16xf32>,
    %swap3A_647 = vector.shape_cast %swap3A_646 : vector<16xf32> to vector<16xf32>
    %swap3A_648 = vector.shape_cast %get3A_644 : vector<16xf32> to vector<16xf32>
    tpu.vector_store %arg7[%swap3A_645], %swap3A_648 {add = true, strides = array<i32>} : memref<128xf32, #tpu.memory_space<vmem>>, vector<16xf32>,
    %get3A_649 = arith.constant 1 : i32
    %get3A_650 = arith.index_cast %get3A_649 : i32 to index
    %get3A_651 = arith.constant 368 : index
    %get3A_652 = tpu.vector_load %arg8[%get3A_650, %get3A_651] {strides = array<i32>} : memref<5x512xf32, #tpu.memory_space<vmem>>, vector<1x16xf32>,
    %get3A_653 = vector.shape_cast %get3A_652 : vector<1x16xf32> to vector<16xf32>
    %swap3A_654 = arith.constant 112 : index
    %swap3A_655 = tpu.vector_load %arg7[%swap3A_654] {strides = array<i32>} : memref<128xf32, #tpu.memory_space<vmem>>, vector<16xf32>,
    %swap3A_656 = vector.shape_cast %swap3A_655 : vector<16xf32> to vector<16xf32>
    %swap3A_657 = vector.shape_cast %get3A_653 : vector<16xf32> to vector<16xf32>
    tpu.vector_store %arg7[%swap3A_654], %swap3A_657 {add = true, strides = array<i32>} : memref<128xf32, #tpu.memory_space<vmem>>, vector<16xf32>,
    %get3A_658 = arith.constant 1 : i32
    %get3A_659 = arith.index_cast %get3A_658 : i32 to index
    %get3A_660 = arith.constant 384 : index
    %get3A_661 = tpu.vector_load %arg8[%get3A_659, %get3A_660] {strides = array<i32>} : memref<5x512xf32, #tpu.memory_space<vmem>>, vector<1x16xf32>,
    %get3A_662 = vector.shape_cast %get3A_661 : vector<1x16xf32> to vector<16xf32>
    %swap3A_663 = arith.constant 0 : index
    %swap3A_664 = tpu.vector_load %arg7[%swap3A_663] {strides = array<i32>} : memref<128xf32, #tpu.memory_space<vmem>>, vector<16xf32>,
    %swap3A_665 = vector.shape_cast %swap3A_664 : vector<16xf32> to vector<16xf32>
    %swap3A_666 = vector.shape_cast %get3A_662 : vector<16xf32> to vector<16xf32>
    tpu.vector_store %arg7[%swap3A_663], %swap3A_666 {add = true, strides = array<i32>} : memref<128xf32, #tpu.memory_space<vmem>>, vector<16xf32>,
    %get3A_667 = arith.constant 1 : i32
    %get3A_668 = arith.index_cast %get3A_667 : i32 to index
    %get3A_669 = arith.constant 400 : index
    %get3A_670 = tpu.vector_load %arg8[%get3A_668, %get3A_669] {strides = array<i32>} : memref<5x512xf32, #tpu.memory_space<vmem>>, vector<1x16xf32>,
    %get3A_671 = vector.shape_cast %get3A_670 : vector<1x16xf32> to vector<16xf32>
    %swap3A_672 = arith.constant 16 : index
    %swap3A_673 = tpu.vector_load %arg7[%swap3A_672] {strides = array<i32>} : memref<128xf32, #tpu.memory_space<vmem>>, vector<16xf32>,
    %swap3A_674 = vector.shape_cast %swap3A_673 : vector<16xf32> to vector<16xf32>
    %swap3A_675 = vector.shape_cast %get3A_671 : vector<16xf32> to vector<16xf32>
    tpu.vector_store %arg7[%swap3A_672], %swap3A_675 {add = true, strides = array<i32>} : memref<128xf32, #tpu.memory_space<vmem>>, vector<16xf32>,
    %get3A_676 = arith.constant 1 : i32
    %get3A_677 = arith.index_cast %get3A_676 : i32 to index
    %get3A_678 = arith.constant 416 : index
    %get3A_679 = tpu.vector_load %arg8[%get3A_677, %get3A_678] {strides = array<i32>} : memref<5x512xf32, #tpu.memory_space<vmem>>, vector<1x16xf32>,
    %get3A_680 = vector.shape_cast %get3A_679 : vector<1x16xf32> to vector<16xf32>
    %swap3A_681 = arith.constant 32 : index
    %swap3A_682 = tpu.vector_load %arg7[%swap3A_681] {strides = array<i32>} : memref<128xf32, #tpu.memory_space<vmem>>, vector<16xf32>,
    %swap3A_683 = vector.shape_cast %swap3A_682 : vector<16xf32> to vector<16xf32>
    %swap3A_684 = vector.shape_cast %get3A_680 : vector<16xf32> to vector<16xf32>
    tpu.vector_store %arg7[%swap3A_681], %swap3A_684 {add = true, strides = array<i32>} : memref<128xf32, #tpu.memory_space<vmem>>, vector<16xf32>,
    %get3A_685 = arith.constant 1 : i32
    %get3A_686 = arith.index_cast %get3A_685 : i32 to index
    %get3A_687 = arith.constant 432 : index
    %get3A_688 = tpu.vector_load %arg8[%get3A_686, %get3A_687] {strides = array<i32>} : memref<5x512xf32, #tpu.memory_space<vmem>>, vector<1x16xf32>,
    %get3A_689 = vector.shape_cast %get3A_688 : vector<1x16xf32> to vector<16xf32>
    %swap3A_690 = arith.constant 48 : index
    %swap3A_691 = tpu.vector_load %arg7[%swap3A_690] {strides = array<i32>} : memref<128xf32, #tpu.memory_space<vmem>>, vector<16xf32>,
    %swap3A_692 = vector.shape_cast %swap3A_691 : vector<16xf32> to vector<16xf32>
    %swap3A_693 = vector.shape_cast %get3A_689 : vector<16xf32> to vector<16xf32>
    tpu.vector_store %arg7[%swap3A_690], %swap3A_693 {add = true, strides = array<i32>} : memref<128xf32, #tpu.memory_space<vmem>>, vector<16xf32>,
    %get3A_694 = arith.constant 1 : i32
    %get3A_695 = arith.index_cast %get3A_694 : i32 to index
    %get3A_696 = arith.constant 448 : index
    %get3A_697 = tpu.vector_load %arg8[%get3A_695, %get3A_696] {strides = array<i32>} : memref<5x512xf32, #tpu.memory_space<vmem>>, vector<1x16xf32>,
    %get3A_698 = vector.shape_cast %get3A_697 : vector<1x16xf32> to vector<16xf32>
    %swap3A_699 = arith.constant 64 : index
    %swap3A_700 = tpu.vector_load %arg7[%swap3A_699] {strides = array<i32>} : memref<128xf32, #tpu.memory_space<vmem>>, vector<16xf32>,
    %swap3A_701 = vector.shape_cast %swap3A_700 : vector<16xf32> to vector<16xf32>
    %swap3A_702 = vector.shape_cast %get3A_698 : vector<16xf32> to vector<16xf32>
    tpu.vector_store %arg7[%swap3A_699], %swap3A_702 {add = true, strides = array<i32>} : memref<128xf32, #tpu.memory_space<vmem>>, vector<16xf32>,
    %get3A_703 = arith.constant 1 : i32
    %get3A_704 = arith.index_cast %get3A_703 : i32 to index
    %get3A_705 = arith.constant 464 : index
    %get3A_706 = tpu.vector_load %arg8[%get3A_704, %get3A_705] {strides = array<i32>} : memref<5x512xf32, #tpu.memory_space<vmem>>, vector<1x16xf32>,
    %get3A_707 = vector.shape_cast %get3A_706 : vector<1x16xf32> to vector<16xf32>
    %swap3A_708 = arith.constant 80 : index
    %swap3A_709 = tpu.vector_load %arg7[%swap3A_708] {strides = array<i32>} : memref<128xf32, #tpu.memory_space<vmem>>, vector<16xf32>,
    %swap3A_710 = vector.shape_cast %swap3A_709 : vector<16xf32> to vector<16xf32>
    %swap3A_711 = vector.shape_cast %get3A_707 : vector<16xf32> to vector<16xf32>
    tpu.vector_store %arg7[%swap3A_708], %swap3A_711 {add = true, strides = array<i32>} : memref<128xf32, #tpu.memory_space<vmem>>, vector<16xf32>,
    %get3A_712 = arith.constant 1 : i32
    %get3A_713 = arith.index_cast %get3A_712 : i32 to index
    %get3A_714 = arith.constant 480 : index
    %get3A_715 = tpu.vector_load %arg8[%get3A_713, %get3A_714] {strides = array<i32>} : memref<5x512xf32, #tpu.memory_space<vmem>>, vector<1x16xf32>,
    %get3A_716 = vector.shape_cast %get3A_715 : vector<1x16xf32> to vector<16xf32>
    %swap3A_717 = arith.constant 96 : index
    %swap3A_718 = tpu.vector_load %arg7[%swap3A_717] {strides = array<i32>} : memref<128xf32, #tpu.memory_space<vmem>>, vector<16xf32>,
    %swap3A_719 = vector.shape_cast %swap3A_718 : vector<16xf32> to vector<16xf32>
    %swap3A_720 = vector.shape_cast %get3A_716 : vector<16xf32> to vector<16xf32>
    tpu.vector_store %arg7[%swap3A_717], %swap3A_720 {add = true, strides = array<i32>} : memref<128xf32, #tpu.memory_space<vmem>>, vector<16xf32>,
    %get3A_721 = arith.constant 1 : i32
    %get3A_722 = arith.index_cast %get3A_721 : i32 to index
    %get3A_723 = arith.constant 496 : index
    %get3A_724 = tpu.vector_load %arg8[%get3A_722, %get3A_723] {strides = array<i32>} : memref<5x512xf32, #tpu.memory_space<vmem>>, vector<1x16xf32>,
    %get3A_725 = vector.shape_cast %get3A_724 : vector<1x16xf32> to vector<16xf32>
    %swap3A_726 = arith.constant 112 : index
    %swap3A_727 = tpu.vector_load %arg7[%swap3A_726] {strides = array<i32>} : memref<128xf32, #tpu.memory_space<vmem>>, vector<16xf32>,
    %swap3A_728 = vector.shape_cast %swap3A_727 : vector<16xf32> to vector<16xf32>
    %swap3A_729 = vector.shape_cast %get3A_725 : vector<16xf32> to vector<16xf32>
    tpu.vector_store %arg7[%swap3A_726], %swap3A_729 {add = true, strides = array<i32>} : memref<128xf32, #tpu.memory_space<vmem>>, vector<16xf32>,
    %dma_wait3A_730 = arith.constant 0 : i32
    %dma_wait3A_731 = arith.constant 2 : i32
    %dma_wait3A_732 = arith.constant 0 : i32
    %dma_wait3A_733 = tpu.memref_slice %arg8[%dma_wait3A_731, %dma_wait3A_732] : memref<5x512xf32, #tpu.memory_space<vmem>> -> memref<1x512xf32, #tpu.memory_space<vmem>>
    %dma_wait3A_734 = tpu.memref_squeeze %dma_wait3A_733 : memref<1x512xf32, #tpu.memory_space<vmem>> -> memref<512xf32, #tpu.memory_space<vmem>>
    %dma_wait3A_735 = arith.constant 0 : i32
    %dma_wait3A_736 = tpu.memref_slice %arg6[%dma_wait3A_730, %dma_wait3A_735] : memref<50x512xi32, #tpu.memory_space<vmem>> -> memref<1x512xi32, #tpu.memory_space<vmem>>
    %dma_wait3A_737 = tpu.memref_squeeze %dma_wait3A_736 : memref<1x512xi32, #tpu.memory_space<vmem>> -> memref<512xi32, #tpu.memory_space<vmem>>
    %dma_wait3A_738 = arith.constant 0 : i32
    %dma_wait3A_739 = tpu.memref_slice %arg9[%dma_wait3A_738] : memref<1015808xf32, #tpu.memory_space<vmem_shared>> -> memref<1015808xf32, #tpu.memory_space<vmem_shared>>
    tpu.wait_indirect_dma semaphore(%arg12 : memref<!tpu.dma_semaphore, #tpu.memory_space<semaphore_mem>>) src(%dma_wait3A_739 : memref<1015808xf32, #tpu.memory_space<vmem_shared>>) dst(%dma_wait3A_734 : memref<512xf32, #tpu.memory_space<vmem>>)
    %get3A_740 = arith.constant 2 : i32
    %get3A_741 = arith.index_cast %get3A_740 : i32 to index
    %get3A_742 = arith.constant 0 : index
    %get3A_743 = tpu.vector_load %arg8[%get3A_741, %get3A_742] {strides = array<i32>} : memref<5x512xf32, #tpu.memory_space<vmem>>, vector<1x16xf32>,
    %get3A_744 = vector.shape_cast %get3A_743 : vector<1x16xf32> to vector<16xf32>
    %swap3A_745 = arith.constant 0 : index
    %swap3A_746 = tpu.vector_load %arg7[%swap3A_745] {strides = array<i32>} : memref<128xf32, #tpu.memory_space<vmem>>, vector<16xf32>,
    %swap3A_747 = vector.shape_cast %swap3A_746 : vector<16xf32> to vector<16xf32>
    %swap3A_748 = vector.shape_cast %get3A_744 : vector<16xf32> to vector<16xf32>
    tpu.vector_store %arg7[%swap3A_745], %swap3A_748 {add = true, strides = array<i32>} : memref<128xf32, #tpu.memory_space<vmem>>, vector<16xf32>,
    %get3A_749 = arith.constant 2 : i32
    %get3A_750 = arith.index_cast %get3A_749 : i32 to index
    %get3A_751 = arith.constant 16 : index
    %get3A_752 = tpu.vector_load %arg8[%get3A_750, %get3A_751] {strides = array<i32>} : memref<5x512xf32, #tpu.memory_space<vmem>>, vector<1x16xf32>,
    %get3A_753 = vector.shape_cast %get3A_752 : vector<1x16xf32> to vector<16xf32>
    %swap3A_754 = arith.constant 16 : index
    %swap3A_755 = tpu.vector_load %arg7[%swap3A_754] {strides = array<i32>} : memref<128xf32, #tpu.memory_space<vmem>>, vector<16xf32>,
    %swap3A_756 = vector.shape_cast %swap3A_755 : vector<16xf32> to vector<16xf32>
    %swap3A_757 = vector.shape_cast %get3A_753 : vector<16xf32> to vector<16xf32>
    tpu.vector_store %arg7[%swap3A_754], %swap3A_757 {add = true, strides = array<i32>} : memref<128xf32, #tpu.memory_space<vmem>>, vector<16xf32>,
    %get3A_758 = arith.constant 2 : i32
    %get3A_759 = arith.index_cast %get3A_758 : i32 to index
    %get3A_760 = arith.constant 32 : index
    %get3A_761 = tpu.vector_load %arg8[%get3A_759, %get3A_760] {strides = array<i32>} : memref<5x512xf32, #tpu.memory_space<vmem>>, vector<1x16xf32>,
    %get3A_762 = vector.shape_cast %get3A_761 : vector<1x16xf32> to vector<16xf32>
    %swap3A_763 = arith.constant 32 : index
    %swap3A_764 = tpu.vector_load %arg7[%swap3A_763] {strides = array<i32>} : memref<128xf32, #tpu.memory_space<vmem>>, vector<16xf32>,
    %swap3A_765 = vector.shape_cast %swap3A_764 : vector<16xf32> to vector<16xf32>
    %swap3A_766 = vector.shape_cast %get3A_762 : vector<16xf32> to vector<16xf32>
    tpu.vector_store %arg7[%swap3A_763], %swap3A_766 {add = true, strides = array<i32>} : memref<128xf32, #tpu.memory_space<vmem>>, vector<16xf32>,
    %get3A_767 = arith.constant 2 : i32
    %get3A_768 = arith.index_cast %get3A_767 : i32 to index
    %get3A_769 = arith.constant 48 : index
    %get3A_770 = tpu.vector_load %arg8[%get3A_768, %get3A_769] {strides = array<i32>} : memref<5x512xf32, #tpu.memory_space<vmem>>, vector<1x16xf32>,
    %get3A_771 = vector.shape_cast %get3A_770 : vector<1x16xf32> to vector<16xf32>
    %swap3A_772 = arith.constant 48 : index
    %swap3A_773 = tpu.vector_load %arg7[%swap3A_772] {strides = array<i32>} : memref<128xf32, #tpu.memory_space<vmem>>, vector<16xf32>,
    %swap3A_774 = vector.shape_cast %swap3A_773 : vector<16xf32> to vector<16xf32>
    %swap3A_775 = vector.shape_cast %get3A_771 : vector<16xf32> to vector<16xf32>
    tpu.vector_store %arg7[%swap3A_772], %swap3A_775 {add = true, strides = array<i32>} : memref<128xf32, #tpu.memory_space<vmem>>, vector<16xf32>,
    %get3A_776 = arith.constant 2 : i32
    %get3A_777 = arith.index_cast %get3A_776 : i32 to index
    %get3A_778 = arith.constant 64 : index
    %get3A_779 = tpu.vector_load %arg8[%get3A_777, %get3A_778] {strides = array<i32>} : memref<5x512xf32, #tpu.memory_space<vmem>>, vector<1x16xf32>,
    %get3A_780 = vector.shape_cast %get3A_779 : vector<1x16xf32> to vector<16xf32>
    %swap3A_781 = arith.constant 64 : index
    %swap3A_782 = tpu.vector_load %arg7[%swap3A_781] {strides = array<i32>} : memref<128xf32, #tpu.memory_space<vmem>>, vector<16xf32>,
    %swap3A_783 = vector.shape_cast %swap3A_782 : vector<16xf32> to vector<16xf32>
    %swap3A_784 = vector.shape_cast %get3A_780 : vector<16xf32> to vector<16xf32>
    tpu.vector_store %arg7[%swap3A_781], %swap3A_784 {add = true, strides = array<i32>} : memref<128xf32, #tpu.memory_space<vmem>>, vector<16xf32>,
    %get3A_785 = arith.constant 2 : i32
    %get3A_786 = arith.index_cast %get3A_785 : i32 to index
    %get3A_787 = arith.constant 80 : index
    %get3A_788 = tpu.vector_load %arg8[%get3A_786, %get3A_787] {strides = array<i32>} : memref<5x512xf32, #tpu.memory_space<vmem>>, vector<1x16xf32>,
    %get3A_789 = vector.shape_cast %get3A_788 : vector<1x16xf32> to vector<16xf32>
    %swap3A_790 = arith.constant 80 : index
    %swap3A_791 = tpu.vector_load %arg7[%swap3A_790] {strides = array<i32>} : memref<128xf32, #tpu.memory_space<vmem>>, vector<16xf32>,
    %swap3A_792 = vector.shape_cast %swap3A_791 : vector<16xf32> to vector<16xf32>
    %swap3A_793 = vector.shape_cast %get3A_789 : vector<16xf32> to vector<16xf32>
    tpu.vector_store %arg7[%swap3A_790], %swap3A_793 {add = true, strides = array<i32>} : memref<128xf32, #tpu.memory_space<vmem>>, vector<16xf32>,
    %get3A_794 = arith.constant 2 : i32
    %get3A_795 = arith.index_cast %get3A_794 : i32 to index
    %get3A_796 = arith.constant 96 : index
    %get3A_797 = tpu.vector_load %arg8[%get3A_795, %get3A_796] {strides = array<i32>} : memref<5x512xf32, #tpu.memory_space<vmem>>, vector<1x16xf32>,
    %get3A_798 = vector.shape_cast %get3A_797 : vector<1x16xf32> to vector<16xf32>
    %swap3A_799 = arith.constant 96 : index
    %swap3A_800 = tpu.vector_load %arg7[%swap3A_799] {strides = array<i32>} : memref<128xf32, #tpu.memory_space<vmem>>, vector<16xf32>,
    %swap3A_801 = vector.shape_cast %swap3A_800 : vector<16xf32> to vector<16xf32>
    %swap3A_802 = vector.shape_cast %get3A_798 : vector<16xf32> to vector<16xf32>
    tpu.vector_store %arg7[%swap3A_799], %swap3A_802 {add = true, strides = array<i32>} : memref<128xf32, #tpu.memory_space<vmem>>, vector<16xf32>,
    %get3A_803 = arith.constant 2 : i32
    %get3A_804 = arith.index_cast %get3A_803 : i32 to index
    %get3A_805 = arith.constant 112 : index
    %get3A_806 = tpu.vector_load %arg8[%get3A_804, %get3A_805] {strides = array<i32>} : memref<5x512xf32, #tpu.memory_space<vmem>>, vector<1x16xf32>,
    %get3A_807 = vector.shape_cast %get3A_806 : vector<1x16xf32> to vector<16xf32>
    %swap3A_808 = arith.constant 112 : index
    %swap3A_809 = tpu.vector_load %arg7[%swap3A_808] {strides = array<i32>} : memref<128xf32, #tpu.memory_space<vmem>>, vector<16xf32>,
    %swap3A_810 = vector.shape_cast %swap3A_809 : vector<16xf32> to vector<16xf32>
    %swap3A_811 = vector.shape_cast %get3A_807 : vector<16xf32> to vector<16xf32>
    tpu.vector_store %arg7[%swap3A_808], %swap3A_811 {add = true, strides = array<i32>} : memref<128xf32, #tpu.memory_space<vmem>>, vector<16xf32>,
    %get3A_812 = arith.constant 2 : i32
    %get3A_813 = arith.index_cast %get3A_812 : i32 to index
    %get3A_814 = arith.constant 128 : index
    %get3A_815 = tpu.vector_load %arg8[%get3A_813, %get3A_814] {strides = array<i32>} : memref<5x512xf32, #tpu.memory_space<vmem>>, vector<1x16xf32>,
    %get3A_816 = vector.shape_cast %get3A_815 : vector<1x16xf32> to vector<16xf32>
    %swap3A_817 = arith.constant 0 : index
    %swap3A_818 = tpu.vector_load %arg7[%swap3A_817] {strides = array<i32>} : memref<128xf32, #tpu.memory_space<vmem>>, vector<16xf32>,
    %swap3A_819 = vector.shape_cast %swap3A_818 : vector<16xf32> to vector<16xf32>
    %swap3A_820 = vector.shape_cast %get3A_816 : vector<16xf32> to vector<16xf32>
    tpu.vector_store %arg7[%swap3A_817], %swap3A_820 {add = true, strides = array<i32>} : memref<128xf32, #tpu.memory_space<vmem>>, vector<16xf32>,
    %get3A_821 = arith.constant 2 : i32
    %get3A_822 = arith.index_cast %get3A_821 : i32 to index
    %get3A_823 = arith.constant 144 : index
    %get3A_824 = tpu.vector_load %arg8[%get3A_822, %get3A_823] {strides = array<i32>} : memref<5x512xf32, #tpu.memory_space<vmem>>, vector<1x16xf32>,
    %get3A_825 = vector.shape_cast %get3A_824 : vector<1x16xf32> to vector<16xf32>
    %swap3A_826 = arith.constant 16 : index
    %swap3A_827 = tpu.vector_load %arg7[%swap3A_826] {strides = array<i32>} : memref<128xf32, #tpu.memory_space<vmem>>, vector<16xf32>,
    %swap3A_828 = vector.shape_cast %swap3A_827 : vector<16xf32> to vector<16xf32>
    %swap3A_829 = vector.shape_cast %get3A_825 : vector<16xf32> to vector<16xf32>
    tpu.vector_store %arg7[%swap3A_826], %swap3A_829 {add = true, strides = array<i32>} : memref<128xf32, #tpu.memory_space<vmem>>, vector<16xf32>,
    %get3A_830 = arith.constant 2 : i32
    %get3A_831 = arith.index_cast %get3A_830 : i32 to index
    %get3A_832 = arith.constant 160 : index
    %get3A_833 = tpu.vector_load %arg8[%get3A_831, %get3A_832] {strides = array<i32>} : memref<5x512xf32, #tpu.memory_space<vmem>>, vector<1x16xf32>,
    %get3A_834 = vector.shape_cast %get3A_833 : vector<1x16xf32> to vector<16xf32>
    %swap3A_835 = arith.constant 32 : index
    %swap3A_836 = tpu.vector_load %arg7[%swap3A_835] {strides = array<i32>} : memref<128xf32, #tpu.memory_space<vmem>>, vector<16xf32>,
    %swap3A_837 = vector.shape_cast %swap3A_836 : vector<16xf32> to vector<16xf32>
    %swap3A_838 = vector.shape_cast %get3A_834 : vector<16xf32> to vector<16xf32>
    tpu.vector_store %arg7[%swap3A_835], %swap3A_838 {add = true, strides = array<i32>} : memref<128xf32, #tpu.memory_space<vmem>>, vector<16xf32>,
    %get3A_839 = arith.constant 2 : i32
    %get3A_840 = arith.index_cast %get3A_839 : i32 to index
    %get3A_841 = arith.constant 176 : index
    %get3A_842 = tpu.vector_load %arg8[%get3A_840, %get3A_841] {strides = array<i32>} : memref<5x512xf32, #tpu.memory_space<vmem>>, vector<1x16xf32>,
    %get3A_843 = vector.shape_cast %get3A_842 : vector<1x16xf32> to vector<16xf32>
    %swap3A_844 = arith.constant 48 : index
    %swap3A_845 = tpu.vector_load %arg7[%swap3A_844] {strides = array<i32>} : memref<128xf32, #tpu.memory_space<vmem>>, vector<16xf32>,
    %swap3A_846 = vector.shape_cast %swap3A_845 : vector<16xf32> to vector<16xf32>
    %swap3A_847 = vector.shape_cast %get3A_843 : vector<16xf32> to vector<16xf32>
    tpu.vector_store %arg7[%swap3A_844], %swap3A_847 {add = true, strides = array<i32>} : memref<128xf32, #tpu.memory_space<vmem>>, vector<16xf32>,
    %get3A_848 = arith.constant 2 : i32
    %get3A_849 = arith.index_cast %get3A_848 : i32 to index
    %get3A_850 = arith.constant 192 : index
    %get3A_851 = tpu.vector_load %arg8[%get3A_849, %get3A_850] {strides = array<i32>} : memref<5x512xf32, #tpu.memory_space<vmem>>, vector<1x16xf32>,
    %get3A_852 = vector.shape_cast %get3A_851 : vector<1x16xf32> to vector<16xf32>
    %swap3A_853 = arith.constant 64 : index
    %swap3A_854 = tpu.vector_load %arg7[%swap3A_853] {strides = array<i32>} : memref<128xf32, #tpu.memory_space<vmem>>, vector<16xf32>,
    %swap3A_855 = vector.shape_cast %swap3A_854 : vector<16xf32> to vector<16xf32>
    %swap3A_856 = vector.shape_cast %get3A_852 : vector<16xf32> to vector<16xf32>
    tpu.vector_store %arg7[%swap3A_853], %swap3A_856 {add = true, strides = array<i32>} : memref<128xf32, #tpu.memory_space<vmem>>, vector<16xf32>,
    %get3A_857 = arith.constant 2 : i32
    %get3A_858 = arith.index_cast %get3A_857 : i32 to index
    %get3A_859 = arith.constant 208 : index
    %get3A_860 = tpu.vector_load %arg8[%get3A_858, %get3A_859] {strides = array<i32>} : memref<5x512xf32, #tpu.memory_space<vmem>>, vector<1x16xf32>,
    %get3A_861 = vector.shape_cast %get3A_860 : vector<1x16xf32> to vector<16xf32>
    %swap3A_862 = arith.constant 80 : index
    %swap3A_863 = tpu.vector_load %arg7[%swap3A_862] {strides = array<i32>} : memref<128xf32, #tpu.memory_space<vmem>>, vector<16xf32>,
    %swap3A_864 = vector.shape_cast %swap3A_863 : vector<16xf32> to vector<16xf32>
    %swap3A_865 = vector.shape_cast %get3A_861 : vector<16xf32> to vector<16xf32>
    tpu.vector_store %arg7[%swap3A_862], %swap3A_865 {add = true, strides = array<i32>} : memref<128xf32, #tpu.memory_space<vmem>>, vector<16xf32>,
    %get3A_866 = arith.constant 2 : i32
    %get3A_867 = arith.index_cast %get3A_866 : i32 to index
    %get3A_868 = arith.constant 224 : index
    %get3A_869 = tpu.vector_load %arg8[%get3A_867, %get3A_868] {strides = array<i32>} : memref<5x512xf32, #tpu.memory_space<vmem>>, vector<1x16xf32>,
    %get3A_870 = vector.shape_cast %get3A_869 : vector<1x16xf32> to vector<16xf32>
    %swap3A_871 = arith.constant 96 : index
    %swap3A_872 = tpu.vector_load %arg7[%swap3A_871] {strides = array<i32>} : memref<128xf32, #tpu.memory_space<vmem>>, vector<16xf32>,
    %swap3A_873 = vector.shape_cast %swap3A_872 : vector<16xf32> to vector<16xf32>
    %swap3A_874 = vector.shape_cast %get3A_870 : vector<16xf32> to vector<16xf32>
    tpu.vector_store %arg7[%swap3A_871], %swap3A_874 {add = true, strides = array<i32>} : memref<128xf32, #tpu.memory_space<vmem>>, vector<16xf32>,
    %get3A_875 = arith.constant 2 : i32
    %get3A_876 = arith.index_cast %get3A_875 : i32 to index
    %get3A_877 = arith.constant 240 : index
    %get3A_878 = tpu.vector_load %arg8[%get3A_876, %get3A_877] {strides = array<i32>} : memref<5x512xf32, #tpu.memory_space<vmem>>, vector<1x16xf32>,
    %get3A_879 = vector.shape_cast %get3A_878 : vector<1x16xf32> to vector<16xf32>
    %swap3A_880 = arith.constant 112 : index
    %swap3A_881 = tpu.vector_load %arg7[%swap3A_880] {strides = array<i32>} : memref<128xf32, #tpu.memory_space<vmem>>, vector<16xf32>,
    %swap3A_882 = vector.shape_cast %swap3A_881 : vector<16xf32> to vector<16xf32>
    %swap3A_883 = vector.shape_cast %get3A_879 : vector<16xf32> to vector<16xf32>
    tpu.vector_store %arg7[%swap3A_880], %swap3A_883 {add = true, strides = array<i32>} : memref<128xf32, #tpu.memory_space<vmem>>, vector<16xf32>,
    %get3A_884 = arith.constant 2 : i32
    %get3A_885 = arith.index_cast %get3A_884 : i32 to index
    %get3A_886 = arith.constant 256 : index
    %get3A_887 = tpu.vector_load %arg8[%get3A_885, %get3A_886] {strides = array<i32>} : memref<5x512xf32, #tpu.memory_space<vmem>>, vector<1x16xf32>,
    %get3A_888 = vector.shape_cast %get3A_887 : vector<1x16xf32> to vector<16xf32>
    %swap3A_889 = arith.constant 0 : index
    %swap3A_890 = tpu.vector_load %arg7[%swap3A_889] {strides = array<i32>} : memref<128xf32, #tpu.memory_space<vmem>>, vector<16xf32>,
    %swap3A_891 = vector.shape_cast %swap3A_890 : vector<16xf32> to vector<16xf32>
    %swap3A_892 = vector.shape_cast %get3A_888 : vector<16xf32> to vector<16xf32>
    tpu.vector_store %arg7[%swap3A_889], %swap3A_892 {add = true, strides = array<i32>} : memref<128xf32, #tpu.memory_space<vmem>>, vector<16xf32>,
    %get3A_893 = arith.constant 2 : i32
    %get3A_894 = arith.index_cast %get3A_893 : i32 to index
    %get3A_895 = arith.constant 272 : index
    %get3A_896 = tpu.vector_load %arg8[%get3A_894, %get3A_895] {strides = array<i32>} : memref<5x512xf32, #tpu.memory_space<vmem>>, vector<1x16xf32>,
    %get3A_897 = vector.shape_cast %get3A_896 : vector<1x16xf32> to vector<16xf32>
    %swap3A_898 = arith.constant 16 : index
    %swap3A_899 = tpu.vector_load %arg7[%swap3A_898] {strides = array<i32>} : memref<128xf32, #tpu.memory_space<vmem>>, vector<16xf32>,
    %swap3A_900 = vector.shape_cast %swap3A_899 : vector<16xf32> to vector<16xf32>
    %swap3A_901 = vector.shape_cast %get3A_897 : vector<16xf32> to vector<16xf32>
    tpu.vector_store %arg7[%swap3A_898], %swap3A_901 {add = true, strides = array<i32>} : memref<128xf32, #tpu.memory_space<vmem>>, vector<16xf32>,
    %get3A_902 = arith.constant 2 : i32
    %get3A_903 = arith.index_cast %get3A_902 : i32 to index
    %get3A_904 = arith.constant 288 : index
    %get3A_905 = tpu.vector_load %arg8[%get3A_903, %get3A_904] {strides = array<i32>} : memref<5x512xf32, #tpu.memory_space<vmem>>, vector<1x16xf32>,
    %get3A_906 = vector.shape_cast %get3A_905 : vector<1x16xf32> to vector<16xf32>
    %swap3A_907 = arith.constant 32 : index
    %swap3A_908 = tpu.vector_load %arg7[%swap3A_907] {strides = array<i32>} : memref<128xf32, #tpu.memory_space<vmem>>, vector<16xf32>,
    %swap3A_909 = vector.shape_cast %swap3A_908 : vector<16xf32> to vector<16xf32>
    %swap3A_910 = vector.shape_cast %get3A_906 : vector<16xf32> to vector<16xf32>
    tpu.vector_store %arg7[%swap3A_907], %swap3A_910 {add = true, strides = array<i32>} : memref<128xf32, #tpu.memory_space<vmem>>, vector<16xf32>,
    %get3A_911 = arith.constant 2 : i32
    %get3A_912 = arith.index_cast %get3A_911 : i32 to index
    %get3A_913 = arith.constant 304 : index
    %get3A_914 = tpu.vector_load %arg8[%get3A_912, %get3A_913] {strides = array<i32>} : memref<5x512xf32, #tpu.memory_space<vmem>>, vector<1x16xf32>,
    %get3A_915 = vector.shape_cast %get3A_914 : vector<1x16xf32> to vector<16xf32>
    %swap3A_916 = arith.constant 48 : index
    %swap3A_917 = tpu.vector_load %arg7[%swap3A_916] {strides = array<i32>} : memref<128xf32, #tpu.memory_space<vmem>>, vector<16xf32>,
    %swap3A_918 = vector.shape_cast %swap3A_917 : vector<16xf32> to vector<16xf32>
    %swap3A_919 = vector.shape_cast %get3A_915 : vector<16xf32> to vector<16xf32>
    tpu.vector_store %arg7[%swap3A_916], %swap3A_919 {add = true, strides = array<i32>} : memref<128xf32, #tpu.memory_space<vmem>>, vector<16xf32>,
    %get3A_920 = arith.constant 2 : i32
    %get3A_921 = arith.index_cast %get3A_920 : i32 to index
    %get3A_922 = arith.constant 320 : index
    %get3A_923 = tpu.vector_load %arg8[%get3A_921, %get3A_922] {strides = array<i32>} : memref<5x512xf32, #tpu.memory_space<vmem>>, vector<1x16xf32>,
    %get3A_924 = vector.shape_cast %get3A_923 : vector<1x16xf32> to vector<16xf32>
    %swap3A_925 = arith.constant 64 : index
    %swap3A_926 = tpu.vector_load %arg7[%swap3A_925] {strides = array<i32>} : memref<128xf32, #tpu.memory_space<vmem>>, vector<16xf32>,
    %swap3A_927 = vector.shape_cast %swap3A_926 : vector<16xf32> to vector<16xf32>
    %swap3A_928 = vector.shape_cast %get3A_924 : vector<16xf32> to vector<16xf32>
    tpu.vector_store %arg7[%swap3A_925], %swap3A_928 {add = true, strides = array<i32>} : memref<128xf32, #tpu.memory_space<vmem>>, vector<16xf32>,
    %get3A_929 = arith.constant 2 : i32
    %get3A_930 = arith.index_cast %get3A_929 : i32 to index
    %get3A_931 = arith.constant 336 : index
    %get3A_932 = tpu.vector_load %arg8[%get3A_930, %get3A_931] {strides = array<i32>} : memref<5x512xf32, #tpu.memory_space<vmem>>, vector<1x16xf32>,
    %get3A_933 = vector.shape_cast %get3A_932 : vector<1x16xf32> to vector<16xf32>
    %swap3A_934 = arith.constant 80 : index
    %swap3A_935 = tpu.vector_load %arg7[%swap3A_934] {strides = array<i32>} : memref<128xf32, #tpu.memory_space<vmem>>, vector<16xf32>,
    %swap3A_936 = vector.shape_cast %swap3A_935 : vector<16xf32> to vector<16xf32>
    %swap3A_937 = vector.shape_cast %get3A_933 : vector<16xf32> to vector<16xf32>
    tpu.vector_store %arg7[%swap3A_934], %swap3A_937 {add = true, strides = array<i32>} : memref<128xf32, #tpu.memory_space<vmem>>, vector<16xf32>,
    %get3A_938 = arith.constant 2 : i32
    %get3A_939 = arith.index_cast %get3A_938 : i32 to index
    %get3A_940 = arith.constant 352 : index
    %get3A_941 = tpu.vector_load %arg8[%get3A_939, %get3A_940] {strides = array<i32>} : memref<5x512xf32, #tpu.memory_space<vmem>>, vector<1x16xf32>,
    %get3A_942 = vector.shape_cast %get3A_941 : vector<1x16xf32> to vector<16xf32>
    %swap3A_943 = arith.constant 96 : index
    %swap3A_944 = tpu.vector_load %arg7[%swap3A_943] {strides = array<i32>} : memref<128xf32, #tpu.memory_space<vmem>>, vector<16xf32>,
    %swap3A_945 = vector.shape_cast %swap3A_944 : vector<16xf32> to vector<16xf32>
    %swap3A_946 = vector.shape_cast %get3A_942 : vector<16xf32> to vector<16xf32>
    tpu.vector_store %arg7[%swap3A_943], %swap3A_946 {add = true, strides = array<i32>} : memref<128xf32, #tpu.memory_space<vmem>>, vector<16xf32>,
    %get3A_947 = arith.constant 2 : i32
    %get3A_948 = arith.index_cast %get3A_947 : i32 to index
    %get3A_949 = arith.constant 368 : index
    %get3A_950 = tpu.vector_load %arg8[%get3A_948, %get3A_949] {strides = array<i32>} : memref<5x512xf32, #tpu.memory_space<vmem>>, vector<1x16xf32>,
    %get3A_951 = vector.shape_cast %get3A_950 : vector<1x16xf32> to vector<16xf32>
    %swap3A_952 = arith.constant 112 : index
    %swap3A_953 = tpu.vector_load %arg7[%swap3A_952] {strides = array<i32>} : memref<128xf32, #tpu.memory_space<vmem>>, vector<16xf32>,
    %swap3A_954 = vector.shape_cast %swap3A_953 : vector<16xf32> to vector<16xf32>
    %swap3A_955 = vector.shape_cast %get3A_951 : vector<16xf32> to vector<16xf32>
    tpu.vector_store %arg7[%swap3A_952], %swap3A_955 {add = true, strides = array<i32>} : memref<128xf32, #tpu.memory_space<vmem>>, vector<16xf32>,
    %get3A_956 = arith.constant 2 : i32
    %get3A_957 = arith.index_cast %get3A_956 : i32 to index
    %get3A_958 = arith.constant 384 : index
    %get3A_959 = tpu.vector_load %arg8[%get3A_957, %get3A_958] {strides = array<i32>} : memref<5x512xf32, #tpu.memory_space<vmem>>, vector<1x16xf32>,
    %get3A_960 = vector.shape_cast %get3A_959 : vector<1x16xf32> to vector<16xf32>
    %swap3A_961 = arith.constant 0 : index
    %swap3A_962 = tpu.vector_load %arg7[%swap3A_961] {strides = array<i32>} : memref<128xf32, #tpu.memory_space<vmem>>, vector<16xf32>,
    %swap3A_963 = vector.shape_cast %swap3A_962 : vector<16xf32> to vector<16xf32>
    %swap3A_964 = vector.shape_cast %get3A_960 : vector<16xf32> to vector<16xf32>
    tpu.vector_store %arg7[%swap3A_961], %swap3A_964 {add = true, strides = array<i32>} : memref<128xf32, #tpu.memory_space<vmem>>, vector<16xf32>,
    %get3A_965 = arith.constant 2 : i32
    %get3A_966 = arith.index_cast %get3A_965 : i32 to index
    %get3A_967 = arith.constant 400 : index
    %get3A_968 = tpu.vector_load %arg8[%get3A_966, %get3A_967] {strides = array<i32>} : memref<5x512xf32, #tpu.memory_space<vmem>>, vector<1x16xf32>,
    %get3A_969 = vector.shape_cast %get3A_968 : vector<1x16xf32> to vector<16xf32>
    %swap3A_970 = arith.constant 16 : index
    %swap3A_971 = tpu.vector_load %arg7[%swap3A_970] {strides = array<i32>} : memref<128xf32, #tpu.memory_space<vmem>>, vector<16xf32>,
    %swap3A_972 = vector.shape_cast %swap3A_971 : vector<16xf32> to vector<16xf32>
    %swap3A_973 = vector.shape_cast %get3A_969 : vector<16xf32> to vector<16xf32>
    tpu.vector_store %arg7[%swap3A_970], %swap3A_973 {add = true, strides = array<i32>} : memref<128xf32, #tpu.memory_space<vmem>>, vector<16xf32>,
    %get3A_974 = arith.constant 2 : i32
    %get3A_975 = arith.index_cast %get3A_974 : i32 to index
    %get3A_976 = arith.constant 416 : index
    %get3A_977 = tpu.vector_load %arg8[%get3A_975, %get3A_976] {strides = array<i32>} : memref<5x512xf32, #tpu.memory_space<vmem>>, vector<1x16xf32>,
    %get3A_978 = vector.shape_cast %get3A_977 : vector<1x16xf32> to vector<16xf32>
    %swap3A_979 = arith.constant 32 : index
    %swap3A_980 = tpu.vector_load %arg7[%swap3A_979] {strides = array<i32>} : memref<128xf32, #tpu.memory_space<vmem>>, vector<16xf32>,
    %swap3A_981 = vector.shape_cast %swap3A_980 : vector<16xf32> to vector<16xf32>
    %swap3A_982 = vector.shape_cast %get3A_978 : vector<16xf32> to vector<16xf32>
    tpu.vector_store %arg7[%swap3A_979], %swap3A_982 {add = true, strides = array<i32>} : memref<128xf32, #tpu.memory_space<vmem>>, vector<16xf32>,
    %get3A_983 = arith.constant 2 : i32
    %get3A_984 = arith.index_cast %get3A_983 : i32 to index
    %get3A_985 = arith.constant 432 : index
    %get3A_986 = tpu.vector_load %arg8[%get3A_984, %get3A_985] {strides = array<i32>} : memref<5x512xf32, #tpu.memory_space<vmem>>, vector<1x16xf32>,
    %get3A_987 = vector.shape_cast %get3A_986 : vector<1x16xf32> to vector<16xf32>
    %swap3A_988 = arith.constant 48 : index
    %swap3A_989 = tpu.vector_load %arg7[%swap3A_988] {strides = array<i32>} : memref<128xf32, #tpu.memory_space<vmem>>, vector<16xf32>,
    %swap3A_990 = vector.shape_cast %swap3A_989 : vector<16xf32> to vector<16xf32>
    %swap3A_991 = vector.shape_cast %get3A_987 : vector<16xf32> to vector<16xf32>
    tpu.vector_store %arg7[%swap3A_988], %swap3A_991 {add = true, strides = array<i32>} : memref<128xf32, #tpu.memory_space<vmem>>, vector<16xf32>,
    %get3A_992 = arith.constant 2 : i32
    %get3A_993 = arith.index_cast %get3A_992 : i32 to index
    %get3A_994 = arith.constant 448 : index
    %get3A_995 = tpu.vector_load %arg8[%get3A_993, %get3A_994] {strides = array<i32>} : memref<5x512xf32, #tpu.memory_space<vmem>>, vector<1x16xf32>,
    %get3A_996 = vector.shape_cast %get3A_995 : vector<1x16xf32> to vector<16xf32>
    %swap3A_997 = arith.constant 64 : index
    %swap3A_998 = tpu.vector_load %arg7[%swap3A_997] {strides = array<i32>} : memref<128xf32, #tpu.memory_space<vmem>>, vector<16xf32>,
    %swap3A_999 = vector.shape_cast %swap3A_998 : vector<16xf32> to vector<16xf32>
    %swap3A_1000 = vector.shape_cast %get3A_996 : vector<16xf32> to vector<16xf32>
    tpu.vector_store %arg7[%swap3A_997], %swap3A_1000 {add = true, strides = array<i32>} : memref<128xf32, #tpu.memory_space<vmem>>, vector<16xf32>,
    %get3A_1001 = arith.constant 2 : i32
    %get3A_1002 = arith.index_cast %get3A_1001 : i32 to index
    %get3A_1003 = arith.constant 464 : index
    %get3A_1004 = tpu.vector_load %arg8[%get3A_1002, %get3A_1003] {strides = array<i32>} : memref<5x512xf32, #tpu.memory_space<vmem>>, vector<1x16xf32>,
    %get3A_1005 = vector.shape_cast %get3A_1004 : vector<1x16xf32> to vector<16xf32>
    %swap3A_1006 = arith.constant 80 : index
    %swap3A_1007 = tpu.vector_load %arg7[%swap3A_1006] {strides = array<i32>} : memref<128xf32, #tpu.memory_space<vmem>>, vector<16xf32>,
    %swap3A_1008 = vector.shape_cast %swap3A_1007 : vector<16xf32> to vector<16xf32>
    %swap3A_1009 = vector.shape_cast %get3A_1005 : vector<16xf32> to vector<16xf32>
    tpu.vector_store %arg7[%swap3A_1006], %swap3A_1009 {add = true, strides = array<i32>} : memref<128xf32, #tpu.memory_space<vmem>>, vector<16xf32>,
    %get3A_1010 = arith.constant 2 : i32
    %get3A_1011 = arith.index_cast %get3A_1010 : i32 to index
    %get3A_1012 = arith.constant 480 : index
    %get3A_1013 = tpu.vector_load %arg8[%get3A_1011, %get3A_1012] {strides = array<i32>} : memref<5x512xf32, #tpu.memory_space<vmem>>, vector<1x16xf32>,
    %get3A_1014 = vector.shape_cast %get3A_1013 : vector<1x16xf32> to vector<16xf32>
    %swap3A_1015 = arith.constant 96 : index
    %swap3A_1016 = tpu.vector_load %arg7[%swap3A_1015] {strides = array<i32>} : memref<128xf32, #tpu.memory_space<vmem>>, vector<16xf32>,
    %swap3A_1017 = vector.shape_cast %swap3A_1016 : vector<16xf32> to vector<16xf32>
    %swap3A_1018 = vector.shape_cast %get3A_1014 : vector<16xf32> to vector<16xf32>
    tpu.vector_store %arg7[%swap3A_1015], %swap3A_1018 {add = true, strides = array<i32>} : memref<128xf32, #tpu.memory_space<vmem>>, vector<16xf32>,
    %get3A_1019 = arith.constant 2 : i32
    %get3A_1020 = arith.index_cast %get3A_1019 : i32 to index
    %get3A_1021 = arith.constant 496 : index
    %get3A_1022 = tpu.vector_load %arg8[%get3A_1020, %get3A_1021] {strides = array<i32>} : memref<5x512xf32, #tpu.memory_space<vmem>>, vector<1x16xf32>,
    %get3A_1023 = vector.shape_cast %get3A_1022 : vector<1x16xf32> to vector<16xf32>
    %swap3A_1024 = arith.constant 112 : index
    %swap3A_1025 = tpu.vector_load %arg7[%swap3A_1024] {strides = array<i32>} : memref<128xf32, #tpu.memory_space<vmem>>, vector<16xf32>,
    %swap3A_1026 = vector.shape_cast %swap3A_1025 : vector<16xf32> to vector<16xf32>
    %swap3A_1027 = vector.shape_cast %get3A_1023 : vector<16xf32> to vector<16xf32>
    tpu.vector_store %arg7[%swap3A_1024], %swap3A_1027 {add = true, strides = array<i32>} : memref<128xf32, #tpu.memory_space<vmem>>, vector<16xf32>,
    %dma_wait3A_1028 = arith.constant 0 : i32
    %dma_wait3A_1029 = arith.constant 3 : i32
    %dma_wait3A_1030 = arith.constant 0 : i32
    %dma_wait3A_1031 = tpu.memref_slice %arg8[%dma_wait3A_1029, %dma_wait3A_1030] : memref<5x512xf32, #tpu.memory_space<vmem>> -> memref<1x512xf32, #tpu.memory_space<vmem>>
    %dma_wait3A_1032 = tpu.memref_squeeze %dma_wait3A_1031 : memref<1x512xf32, #tpu.memory_space<vmem>> -> memref<512xf32, #tpu.memory_space<vmem>>
    %dma_wait3A_1033 = arith.constant 0 : i32
    %dma_wait3A_1034 = tpu.memref_slice %arg6[%dma_wait3A_1028, %dma_wait3A_1033] : memref<50x512xi32, #tpu.memory_space<vmem>> -> memref<1x512xi32, #tpu.memory_space<vmem>>
    %dma_wait3A_1035 = tpu.memref_squeeze %dma_wait3A_1034 : memref<1x512xi32, #tpu.memory_space<vmem>> -> memref<512xi32, #tpu.memory_space<vmem>>
    %dma_wait3A_1036 = arith.constant 0 : i32
    %dma_wait3A_1037 = tpu.memref_slice %arg9[%dma_wait3A_1036] : memref<1015808xf32, #tpu.memory_space<vmem_shared>> -> memref<1015808xf32, #tpu.memory_space<vmem_shared>>
    tpu.wait_indirect_dma semaphore(%arg13 : memref<!tpu.dma_semaphore, #tpu.memory_space<semaphore_mem>>) src(%dma_wait3A_1037 : memref<1015808xf32, #tpu.memory_space<vmem_shared>>) dst(%dma_wait3A_1032 : memref<512xf32, #tpu.memory_space<vmem>>)
    %get3A_1038 = arith.constant 3 : i32
    %get3A_1039 = arith.index_cast %get3A_1038 : i32 to index
    %get3A_1040 = arith.constant 0 : index
    %get3A_1041 = tpu.vector_load %arg8[%get3A_1039, %get3A_1040] {strides = array<i32>} : memref<5x512xf32, #tpu.memory_space<vmem>>, vector<1x16xf32>,
    %get3A_1042 = vector.shape_cast %get3A_1041 : vector<1x16xf32> to vector<16xf32>
    %swap3A_1043 = arith.constant 0 : index
    %swap3A_1044 = tpu.vector_load %arg7[%swap3A_1043] {strides = array<i32>} : memref<128xf32, #tpu.memory_space<vmem>>, vector<16xf32>,
    %swap3A_1045 = vector.shape_cast %swap3A_1044 : vector<16xf32> to vector<16xf32>
    %swap3A_1046 = vector.shape_cast %get3A_1042 : vector<16xf32> to vector<16xf32>
    tpu.vector_store %arg7[%swap3A_1043], %swap3A_1046 {add = true, strides = array<i32>} : memref<128xf32, #tpu.memory_space<vmem>>, vector<16xf32>,
    %get3A_1047 = arith.constant 3 : i32
    %get3A_1048 = arith.index_cast %get3A_1047 : i32 to index
    %get3A_1049 = arith.constant 16 : index
    %get3A_1050 = tpu.vector_load %arg8[%get3A_1048, %get3A_1049] {strides = array<i32>} : memref<5x512xf32, #tpu.memory_space<vmem>>, vector<1x16xf32>,
    %get3A_1051 = vector.shape_cast %get3A_1050 : vector<1x16xf32> to vector<16xf32>
    %swap3A_1052 = arith.constant 16 : index
    %swap3A_1053 = tpu.vector_load %arg7[%swap3A_1052] {strides = array<i32>} : memref<128xf32, #tpu.memory_space<vmem>>, vector<16xf32>,
    %swap3A_1054 = vector.shape_cast %swap3A_1053 : vector<16xf32> to vector<16xf32>
    %swap3A_1055 = vector.shape_cast %get3A_1051 : vector<16xf32> to vector<16xf32>
    tpu.vector_store %arg7[%swap3A_1052], %swap3A_1055 {add = true, strides = array<i32>} : memref<128xf32, #tpu.memory_space<vmem>>, vector<16xf32>,
    %get3A_1056 = arith.constant 3 : i32
    %get3A_1057 = arith.index_cast %get3A_1056 : i32 to index
    %get3A_1058 = arith.constant 32 : index
    %get3A_1059 = tpu.vector_load %arg8[%get3A_1057, %get3A_1058] {strides = array<i32>} : memref<5x512xf32, #tpu.memory_space<vmem>>, vector<1x16xf32>,
    %get3A_1060 = vector.shape_cast %get3A_1059 : vector<1x16xf32> to vector<16xf32>
    %swap3A_1061 = arith.constant 32 : index
    %swap3A_1062 = tpu.vector_load %arg7[%swap3A_1061] {strides = array<i32>} : memref<128xf32, #tpu.memory_space<vmem>>, vector<16xf32>,
    %swap3A_1063 = vector.shape_cast %swap3A_1062 : vector<16xf32> to vector<16xf32>
    %swap3A_1064 = vector.shape_cast %get3A_1060 : vector<16xf32> to vector<16xf32>
    tpu.vector_store %arg7[%swap3A_1061], %swap3A_1064 {add = true, strides = array<i32>} : memref<128xf32, #tpu.memory_space<vmem>>, vector<16xf32>,
    %get3A_1065 = arith.constant 3 : i32
    %get3A_1066 = arith.index_cast %get3A_1065 : i32 to index
    %get3A_1067 = arith.constant 48 : index
    %get3A_1068 = tpu.vector_load %arg8[%get3A_1066, %get3A_1067] {strides = array<i32>} : memref<5x512xf32, #tpu.memory_space<vmem>>, vector<1x16xf32>,
    %get3A_1069 = vector.shape_cast %get3A_1068 : vector<1x16xf32> to vector<16xf32>
    %swap3A_1070 = arith.constant 48 : index
    %swap3A_1071 = tpu.vector_load %arg7[%swap3A_1070] {strides = array<i32>} : memref<128xf32, #tpu.memory_space<vmem>>, vector<16xf32>,
    %swap3A_1072 = vector.shape_cast %swap3A_1071 : vector<16xf32> to vector<16xf32>
    %swap3A_1073 = vector.shape_cast %get3A_1069 : vector<16xf32> to vector<16xf32>
    tpu.vector_store %arg7[%swap3A_1070], %swap3A_1073 {add = true, strides = array<i32>} : memref<128xf32, #tpu.memory_space<vmem>>, vector<16xf32>,
    %get3A_1074 = arith.constant 3 : i32
    %get3A_1075 = arith.index_cast %get3A_1074 : i32 to index
    %get3A_1076 = arith.constant 64 : index
    %get3A_1077 = tpu.vector_load %arg8[%get3A_1075, %get3A_1076] {strides = array<i32>} : memref<5x512xf32, #tpu.memory_space<vmem>>, vector<1x16xf32>,
    %get3A_1078 = vector.shape_cast %get3A_1077 : vector<1x16xf32> to vector<16xf32>
    %swap3A_1079 = arith.constant 64 : index
    %swap3A_1080 = tpu.vector_load %arg7[%swap3A_1079] {strides = array<i32>} : memref<128xf32, #tpu.memory_space<vmem>>, vector<16xf32>,
    %swap3A_1081 = vector.shape_cast %swap3A_1080 : vector<16xf32> to vector<16xf32>
    %swap3A_1082 = vector.shape_cast %get3A_1078 : vector<16xf32> to vector<16xf32>
    tpu.vector_store %arg7[%swap3A_1079], %swap3A_1082 {add = true, strides = array<i32>} : memref<128xf32, #tpu.memory_space<vmem>>, vector<16xf32>,
    %get3A_1083 = arith.constant 3 : i32
    %get3A_1084 = arith.index_cast %get3A_1083 : i32 to index
    %get3A_1085 = arith.constant 80 : index
    %get3A_1086 = tpu.vector_load %arg8[%get3A_1084, %get3A_1085] {strides = array<i32>} : memref<5x512xf32, #tpu.memory_space<vmem>>, vector<1x16xf32>,
    %get3A_1087 = vector.shape_cast %get3A_1086 : vector<1x16xf32> to vector<16xf32>
    %swap3A_1088 = arith.constant 80 : index
    %swap3A_1089 = tpu.vector_load %arg7[%swap3A_1088] {strides = array<i32>} : memref<128xf32, #tpu.memory_space<vmem>>, vector<16xf32>,
    %swap3A_1090 = vector.shape_cast %swap3A_1089 : vector<16xf32> to vector<16xf32>
    %swap3A_1091 = vector.shape_cast %get3A_1087 : vector<16xf32> to vector<16xf32>
    tpu.vector_store %arg7[%swap3A_1088], %swap3A_1091 {add = true, strides = array<i32>} : memref<128xf32, #tpu.memory_space<vmem>>, vector<16xf32>,
    %get3A_1092 = arith.constant 3 : i32
    %get3A_1093 = arith.index_cast %get3A_1092 : i32 to index
    %get3A_1094 = arith.constant 96 : index
    %get3A_1095 = tpu.vector_load %arg8[%get3A_1093, %get3A_1094] {strides = array<i32>} : memref<5x512xf32, #tpu.memory_space<vmem>>, vector<1x16xf32>,
    %get3A_1096 = vector.shape_cast %get3A_1095 : vector<1x16xf32> to vector<16xf32>
    %swap3A_1097 = arith.constant 96 : index
    %swap3A_1098 = tpu.vector_load %arg7[%swap3A_1097] {strides = array<i32>} : memref<128xf32, #tpu.memory_space<vmem>>, vector<16xf32>,
    %swap3A_1099 = vector.shape_cast %swap3A_1098 : vector<16xf32> to vector<16xf32>
    %swap3A_1100 = vector.shape_cast %get3A_1096 : vector<16xf32> to vector<16xf32>
    tpu.vector_store %arg7[%swap3A_1097], %swap3A_1100 {add = true, strides = array<i32>} : memref<128xf32, #tpu.memory_space<vmem>>, vector<16xf32>,
    %get3A_1101 = arith.constant 3 : i32
    %get3A_1102 = arith.index_cast %get3A_1101 : i32 to index
    %get3A_1103 = arith.constant 112 : index
    %get3A_1104 = tpu.vector_load %arg8[%get3A_1102, %get3A_1103] {strides = array<i32>} : memref<5x512xf32, #tpu.memory_space<vmem>>, vector<1x16xf32>,
    %get3A_1105 = vector.shape_cast %get3A_1104 : vector<1x16xf32> to vector<16xf32>
    %swap3A_1106 = arith.constant 112 : index
    %swap3A_1107 = tpu.vector_load %arg7[%swap3A_1106] {strides = array<i32>} : memref<128xf32, #tpu.memory_space<vmem>>, vector<16xf32>,
    %swap3A_1108 = vector.shape_cast %swap3A_1107 : vector<16xf32> to vector<16xf32>
    %swap3A_1109 = vector.shape_cast %get3A_1105 : vector<16xf32> to vector<16xf32>
    tpu.vector_store %arg7[%swap3A_1106], %swap3A_1109 {add = true, strides = array<i32>} : memref<128xf32, #tpu.memory_space<vmem>>, vector<16xf32>,
    %get3A_1110 = arith.constant 3 : i32
    %get3A_1111 = arith.index_cast %get3A_1110 : i32 to index
    %get3A_1112 = arith.constant 128 : index
    %get3A_1113 = tpu.vector_load %arg8[%get3A_1111, %get3A_1112] {strides = array<i32>} : memref<5x512xf32, #tpu.memory_space<vmem>>, vector<1x16xf32>,
    %get3A_1114 = vector.shape_cast %get3A_1113 : vector<1x16xf32> to vector<16xf32>
    %swap3A_1115 = arith.constant 0 : index
    %swap3A_1116 = tpu.vector_load %arg7[%swap3A_1115] {strides = array<i32>} : memref<128xf32, #tpu.memory_space<vmem>>, vector<16xf32>,
    %swap3A_1117 = vector.shape_cast %swap3A_1116 : vector<16xf32> to vector<16xf32>
    %swap3A_1118 = vector.shape_cast %get3A_1114 : vector<16xf32> to vector<16xf32>
    tpu.vector_store %arg7[%swap3A_1115], %swap3A_1118 {add = true, strides = array<i32>} : memref<128xf32, #tpu.memory_space<vmem>>, vector<16xf32>,
    %get3A_1119 = arith.constant 3 : i32
    %get3A_1120 = arith.index_cast %get3A_1119 : i32 to index
    %get3A_1121 = arith.constant 144 : index
    %get3A_1122 = tpu.vector_load %arg8[%get3A_1120, %get3A_1121] {strides = array<i32>} : memref<5x512xf32, #tpu.memory_space<vmem>>, vector<1x16xf32>,
    %get3A_1123 = vector.shape_cast %get3A_1122 : vector<1x16xf32> to vector<16xf32>
    %swap3A_1124 = arith.constant 16 : index
    %swap3A_1125 = tpu.vector_load %arg7[%swap3A_1124] {strides = array<i32>} : memref<128xf32, #tpu.memory_space<vmem>>, vector<16xf32>,
    %swap3A_1126 = vector.shape_cast %swap3A_1125 : vector<16xf32> to vector<16xf32>
    %swap3A_1127 = vector.shape_cast %get3A_1123 : vector<16xf32> to vector<16xf32>
    tpu.vector_store %arg7[%swap3A_1124], %swap3A_1127 {add = true, strides = array<i32>} : memref<128xf32, #tpu.memory_space<vmem>>, vector<16xf32>,
    %get3A_1128 = arith.constant 3 : i32
    %get3A_1129 = arith.index_cast %get3A_1128 : i32 to index
    %get3A_1130 = arith.constant 160 : index
    %get3A_1131 = tpu.vector_load %arg8[%get3A_1129, %get3A_1130] {strides = array<i32>} : memref<5x512xf32, #tpu.memory_space<vmem>>, vector<1x16xf32>,
    %get3A_1132 = vector.shape_cast %get3A_1131 : vector<1x16xf32> to vector<16xf32>
    %swap3A_1133 = arith.constant 32 : index
    %swap3A_1134 = tpu.vector_load %arg7[%swap3A_1133] {strides = array<i32>} : memref<128xf32, #tpu.memory_space<vmem>>, vector<16xf32>,
    %swap3A_1135 = vector.shape_cast %swap3A_1134 : vector<16xf32> to vector<16xf32>
    %swap3A_1136 = vector.shape_cast %get3A_1132 : vector<16xf32> to vector<16xf32>
    tpu.vector_store %arg7[%swap3A_1133], %swap3A_1136 {add = true, strides = array<i32>} : memref<128xf32, #tpu.memory_space<vmem>>, vector<16xf32>,
    %get3A_1137 = arith.constant 3 : i32
    %get3A_1138 = arith.index_cast %get3A_1137 : i32 to index
    %get3A_1139 = arith.constant 176 : index
    %get3A_1140 = tpu.vector_load %arg8[%get3A_1138, %get3A_1139] {strides = array<i32>} : memref<5x512xf32, #tpu.memory_space<vmem>>, vector<1x16xf32>,
    %get3A_1141 = vector.shape_cast %get3A_1140 : vector<1x16xf32> to vector<16xf32>
    %swap3A_1142 = arith.constant 48 : index
    %swap3A_1143 = tpu.vector_load %arg7[%swap3A_1142] {strides = array<i32>} : memref<128xf32, #tpu.memory_space<vmem>>, vector<16xf32>,
    %swap3A_1144 = vector.shape_cast %swap3A_1143 : vector<16xf32> to vector<16xf32>
    %swap3A_1145 = vector.shape_cast %get3A_1141 : vector<16xf32> to vector<16xf32>
    tpu.vector_store %arg7[%swap3A_1142], %swap3A_1145 {add = true, strides = array<i32>} : memref<128xf32, #tpu.memory_space<vmem>>, vector<16xf32>,
    %get3A_1146 = arith.constant 3 : i32
    %get3A_1147 = arith.index_cast %get3A_1146 : i32 to index
    %get3A_1148 = arith.constant 192 : index
    %get3A_1149 = tpu.vector_load %arg8[%get3A_1147, %get3A_1148] {strides = array<i32>} : memref<5x512xf32, #tpu.memory_space<vmem>>, vector<1x16xf32>,
    %get3A_1150 = vector.shape_cast %get3A_1149 : vector<1x16xf32> to vector<16xf32>
    %swap3A_1151 = arith.constant 64 : index
    %swap3A_1152 = tpu.vector_load %arg7[%swap3A_1151] {strides = array<i32>} : memref<128xf32, #tpu.memory_space<vmem>>, vector<16xf32>,
    %swap3A_1153 = vector.shape_cast %swap3A_1152 : vector<16xf32> to vector<16xf32>
    %swap3A_1154 = vector.shape_cast %get3A_1150 : vector<16xf32> to vector<16xf32>
    tpu.vector_store %arg7[%swap3A_1151], %swap3A_1154 {add = true, strides = array<i32>} : memref<128xf32, #tpu.memory_space<vmem>>, vector<16xf32>,
    %get3A_1155 = arith.constant 3 : i32
    %get3A_1156 = arith.index_cast %get3A_1155 : i32 to index
    %get3A_1157 = arith.constant 208 : index
    %get3A_1158 = tpu.vector_load %arg8[%get3A_1156, %get3A_1157] {strides = array<i32>} : memref<5x512xf32, #tpu.memory_space<vmem>>, vector<1x16xf32>,
    %get3A_1159 = vector.shape_cast %get3A_1158 : vector<1x16xf32> to vector<16xf32>
    %swap3A_1160 = arith.constant 80 : index
    %swap3A_1161 = tpu.vector_load %arg7[%swap3A_1160] {strides = array<i32>} : memref<128xf32, #tpu.memory_space<vmem>>, vector<16xf32>,
    %swap3A_1162 = vector.shape_cast %swap3A_1161 : vector<16xf32> to vector<16xf32>
    %swap3A_1163 = vector.shape_cast %get3A_1159 : vector<16xf32> to vector<16xf32>
    tpu.vector_store %arg7[%swap3A_1160], %swap3A_1163 {add = true, strides = array<i32>} : memref<128xf32, #tpu.memory_space<vmem>>, vector<16xf32>,
    %get3A_1164 = arith.constant 3 : i32
    %get3A_1165 = arith.index_cast %get3A_1164 : i32 to index
    %get3A_1166 = arith.constant 224 : index
    %get3A_1167 = tpu.vector_load %arg8[%get3A_1165, %get3A_1166] {strides = array<i32>} : memref<5x512xf32, #tpu.memory_space<vmem>>, vector<1x16xf32>,
    %get3A_1168 = vector.shape_cast %get3A_1167 : vector<1x16xf32> to vector<16xf32>
    %swap3A_1169 = arith.constant 96 : index
    %swap3A_1170 = tpu.vector_load %arg7[%swap3A_1169] {strides = array<i32>} : memref<128xf32, #tpu.memory_space<vmem>>, vector<16xf32>,
    %swap3A_1171 = vector.shape_cast %swap3A_1170 : vector<16xf32> to vector<16xf32>
    %swap3A_1172 = vector.shape_cast %get3A_1168 : vector<16xf32> to vector<16xf32>
    tpu.vector_store %arg7[%swap3A_1169], %swap3A_1172 {add = true, strides = array<i32>} : memref<128xf32, #tpu.memory_space<vmem>>, vector<16xf32>,
    %get3A_1173 = arith.constant 3 : i32
    %get3A_1174 = arith.index_cast %get3A_1173 : i32 to index
    %get3A_1175 = arith.constant 240 : index
    %get3A_1176 = tpu.vector_load %arg8[%get3A_1174, %get3A_1175] {strides = array<i32>} : memref<5x512xf32, #tpu.memory_space<vmem>>, vector<1x16xf32>,
    %get3A_1177 = vector.shape_cast %get3A_1176 : vector<1x16xf32> to vector<16xf32>
    %swap3A_1178 = arith.constant 112 : index
    %swap3A_1179 = tpu.vector_load %arg7[%swap3A_1178] {strides = array<i32>} : memref<128xf32, #tpu.memory_space<vmem>>, vector<16xf32>,
    %swap3A_1180 = vector.shape_cast %swap3A_1179 : vector<16xf32> to vector<16xf32>
    %swap3A_1181 = vector.shape_cast %get3A_1177 : vector<16xf32> to vector<16xf32>
    tpu.vector_store %arg7[%swap3A_1178], %swap3A_1181 {add = true, strides = array<i32>} : memref<128xf32, #tpu.memory_space<vmem>>, vector<16xf32>,
    %get3A_1182 = arith.constant 3 : i32
    %get3A_1183 = arith.index_cast %get3A_1182 : i32 to index
    %get3A_1184 = arith.constant 256 : index
    %get3A_1185 = tpu.vector_load %arg8[%get3A_1183, %get3A_1184] {strides = array<i32>} : memref<5x512xf32, #tpu.memory_space<vmem>>, vector<1x16xf32>,
    %get3A_1186 = vector.shape_cast %get3A_1185 : vector<1x16xf32> to vector<16xf32>
    %swap3A_1187 = arith.constant 0 : index
    %swap3A_1188 = tpu.vector_load %arg7[%swap3A_1187] {strides = array<i32>} : memref<128xf32, #tpu.memory_space<vmem>>, vector<16xf32>,
    %swap3A_1189 = vector.shape_cast %swap3A_1188 : vector<16xf32> to vector<16xf32>
    %swap3A_1190 = vector.shape_cast %get3A_1186 : vector<16xf32> to vector<16xf32>
    tpu.vector_store %arg7[%swap3A_1187], %swap3A_1190 {add = true, strides = array<i32>} : memref<128xf32, #tpu.memory_space<vmem>>, vector<16xf32>,
    %get3A_1191 = arith.constant 3 : i32
    %get3A_1192 = arith.index_cast %get3A_1191 : i32 to index
    %get3A_1193 = arith.constant 272 : index
    %get3A_1194 = tpu.vector_load %arg8[%get3A_1192, %get3A_1193] {strides = array<i32>} : memref<5x512xf32, #tpu.memory_space<vmem>>, vector<1x16xf32>,
    %get3A_1195 = vector.shape_cast %get3A_1194 : vector<1x16xf32> to vector<16xf32>
    %swap3A_1196 = arith.constant 16 : index
    %swap3A_1197 = tpu.vector_load %arg7[%swap3A_1196] {strides = array<i32>} : memref<128xf32, #tpu.memory_space<vmem>>, vector<16xf32>,
    %swap3A_1198 = vector.shape_cast %swap3A_1197 : vector<16xf32> to vector<16xf32>
    %swap3A_1199 = vector.shape_cast %get3A_1195 : vector<16xf32> to vector<16xf32>
    tpu.vector_store %arg7[%swap3A_1196], %swap3A_1199 {add = true, strides = array<i32>} : memref<128xf32, #tpu.memory_space<vmem>>, vector<16xf32>,
    %get3A_1200 = arith.constant 3 : i32
    %get3A_1201 = arith.index_cast %get3A_1200 : i32 to index
    %get3A_1202 = arith.constant 288 : index
    %get3A_1203 = tpu.vector_load %arg8[%get3A_1201, %get3A_1202] {strides = array<i32>} : memref<5x512xf32, #tpu.memory_space<vmem>>, vector<1x16xf32>,
    %get3A_1204 = vector.shape_cast %get3A_1203 : vector<1x16xf32> to vector<16xf32>
    %swap3A_1205 = arith.constant 32 : index
    %swap3A_1206 = tpu.vector_load %arg7[%swap3A_1205] {strides = array<i32>} : memref<128xf32, #tpu.memory_space<vmem>>, vector<16xf32>,
    %swap3A_1207 = vector.shape_cast %swap3A_1206 : vector<16xf32> to vector<16xf32>
    %swap3A_1208 = vector.shape_cast %get3A_1204 : vector<16xf32> to vector<16xf32>
    tpu.vector_store %arg7[%swap3A_1205], %swap3A_1208 {add = true, strides = array<i32>} : memref<128xf32, #tpu.memory_space<vmem>>, vector<16xf32>,
    %get3A_1209 = arith.constant 3 : i32
    %get3A_1210 = arith.index_cast %get3A_1209 : i32 to index
    %get3A_1211 = arith.constant 304 : index
    %get3A_1212 = tpu.vector_load %arg8[%get3A_1210, %get3A_1211] {strides = array<i32>} : memref<5x512xf32, #tpu.memory_space<vmem>>, vector<1x16xf32>,
    %get3A_1213 = vector.shape_cast %get3A_1212 : vector<1x16xf32> to vector<16xf32>
    %swap3A_1214 = arith.constant 48 : index
    %swap3A_1215 = tpu.vector_load %arg7[%swap3A_1214] {strides = array<i32>} : memref<128xf32, #tpu.memory_space<vmem>>, vector<16xf32>,
    %swap3A_1216 = vector.shape_cast %swap3A_1215 : vector<16xf32> to vector<16xf32>
    %swap3A_1217 = vector.shape_cast %get3A_1213 : vector<16xf32> to vector<16xf32>
    tpu.vector_store %arg7[%swap3A_1214], %swap3A_1217 {add = true, strides = array<i32>} : memref<128xf32, #tpu.memory_space<vmem>>, vector<16xf32>,
    %get3A_1218 = arith.constant 3 : i32
    %get3A_1219 = arith.index_cast %get3A_1218 : i32 to index
    %get3A_1220 = arith.constant 320 : index
    %get3A_1221 = tpu.vector_load %arg8[%get3A_1219, %get3A_1220] {strides = array<i32>} : memref<5x512xf32, #tpu.memory_space<vmem>>, vector<1x16xf32>,
    %get3A_1222 = vector.shape_cast %get3A_1221 : vector<1x16xf32> to vector<16xf32>
    %swap3A_1223 = arith.constant 64 : index
    %swap3A_1224 = tpu.vector_load %arg7[%swap3A_1223] {strides = array<i32>} : memref<128xf32, #tpu.memory_space<vmem>>, vector<16xf32>,
    %swap3A_1225 = vector.shape_cast %swap3A_1224 : vector<16xf32> to vector<16xf32>
    %swap3A_1226 = vector.shape_cast %get3A_1222 : vector<16xf32> to vector<16xf32>
    tpu.vector_store %arg7[%swap3A_1223], %swap3A_1226 {add = true, strides = array<i32>} : memref<128xf32, #tpu.memory_space<vmem>>, vector<16xf32>,
    %get3A_1227 = arith.constant 3 : i32
    %get3A_1228 = arith.index_cast %get3A_1227 : i32 to index
    %get3A_1229 = arith.constant 336 : index
    %get3A_1230 = tpu.vector_load %arg8[%get3A_1228, %get3A_1229] {strides = array<i32>} : memref<5x512xf32, #tpu.memory_space<vmem>>, vector<1x16xf32>,
    %get3A_1231 = vector.shape_cast %get3A_1230 : vector<1x16xf32> to vector<16xf32>
    %swap3A_1232 = arith.constant 80 : index
    %swap3A_1233 = tpu.vector_load %arg7[%swap3A_1232] {strides = array<i32>} : memref<128xf32, #tpu.memory_space<vmem>>, vector<16xf32>,
    %swap3A_1234 = vector.shape_cast %swap3A_1233 : vector<16xf32> to vector<16xf32>
    %swap3A_1235 = vector.shape_cast %get3A_1231 : vector<16xf32> to vector<16xf32>
    tpu.vector_store %arg7[%swap3A_1232], %swap3A_1235 {add = true, strides = array<i32>} : memref<128xf32, #tpu.memory_space<vmem>>, vector<16xf32>,
    %get3A_1236 = arith.constant 3 : i32
    %get3A_1237 = arith.index_cast %get3A_1236 : i32 to index
    %get3A_1238 = arith.constant 352 : index
    %get3A_1239 = tpu.vector_load %arg8[%get3A_1237, %get3A_1238] {strides = array<i32>} : memref<5x512xf32, #tpu.memory_space<vmem>>, vector<1x16xf32>,
    %get3A_1240 = vector.shape_cast %get3A_1239 : vector<1x16xf32> to vector<16xf32>
    %swap3A_1241 = arith.constant 96 : index
    %swap3A_1242 = tpu.vector_load %arg7[%swap3A_1241] {strides = array<i32>} : memref<128xf32, #tpu.memory_space<vmem>>, vector<16xf32>,
    %swap3A_1243 = vector.shape_cast %swap3A_1242 : vector<16xf32> to vector<16xf32>
    %swap3A_1244 = vector.shape_cast %get3A_1240 : vector<16xf32> to vector<16xf32>
    tpu.vector_store %arg7[%swap3A_1241], %swap3A_1244 {add = true, strides = array<i32>} : memref<128xf32, #tpu.memory_space<vmem>>, vector<16xf32>,
    %get3A_1245 = arith.constant 3 : i32
    %get3A_1246 = arith.index_cast %get3A_1245 : i32 to index
    %get3A_1247 = arith.constant 368 : index
    %get3A_1248 = tpu.vector_load %arg8[%get3A_1246, %get3A_1247] {strides = array<i32>} : memref<5x512xf32, #tpu.memory_space<vmem>>, vector<1x16xf32>,
    %get3A_1249 = vector.shape_cast %get3A_1248 : vector<1x16xf32> to vector<16xf32>
    %swap3A_1250 = arith.constant 112 : index
    %swap3A_1251 = tpu.vector_load %arg7[%swap3A_1250] {strides = array<i32>} : memref<128xf32, #tpu.memory_space<vmem>>, vector<16xf32>,
    %swap3A_1252 = vector.shape_cast %swap3A_1251 : vector<16xf32> to vector<16xf32>
    %swap3A_1253 = vector.shape_cast %get3A_1249 : vector<16xf32> to vector<16xf32>
    tpu.vector_store %arg7[%swap3A_1250], %swap3A_1253 {add = true, strides = array<i32>} : memref<128xf32, #tpu.memory_space<vmem>>, vector<16xf32>,
    %get3A_1254 = arith.constant 3 : i32
    %get3A_1255 = arith.index_cast %get3A_1254 : i32 to index
    %get3A_1256 = arith.constant 384 : index
    %get3A_1257 = tpu.vector_load %arg8[%get3A_1255, %get3A_1256] {strides = array<i32>} : memref<5x512xf32, #tpu.memory_space<vmem>>, vector<1x16xf32>,
    %get3A_1258 = vector.shape_cast %get3A_1257 : vector<1x16xf32> to vector<16xf32>
    %swap3A_1259 = arith.constant 0 : index
    %swap3A_1260 = tpu.vector_load %arg7[%swap3A_1259] {strides = array<i32>} : memref<128xf32, #tpu.memory_space<vmem>>, vector<16xf32>,
    %swap3A_1261 = vector.shape_cast %swap3A_1260 : vector<16xf32> to vector<16xf32>
    %swap3A_1262 = vector.shape_cast %get3A_1258 : vector<16xf32> to vector<16xf32>
    tpu.vector_store %arg7[%swap3A_1259], %swap3A_1262 {add = true, strides = array<i32>} : memref<128xf32, #tpu.memory_space<vmem>>, vector<16xf32>,
    %get3A_1263 = arith.constant 3 : i32
    %get3A_1264 = arith.index_cast %get3A_1263 : i32 to index
    %get3A_1265 = arith.constant 400 : index
    %get3A_1266 = tpu.vector_load %arg8[%get3A_1264, %get3A_1265] {strides = array<i32>} : memref<5x512xf32, #tpu.memory_space<vmem>>, vector<1x16xf32>,
    %get3A_1267 = vector.shape_cast %get3A_1266 : vector<1x16xf32> to vector<16xf32>
    %swap3A_1268 = arith.constant 16 : index
    %swap3A_1269 = tpu.vector_load %arg7[%swap3A_1268] {strides = array<i32>} : memref<128xf32, #tpu.memory_space<vmem>>, vector<16xf32>,
    %swap3A_1270 = vector.shape_cast %swap3A_1269 : vector<16xf32> to vector<16xf32>
    %swap3A_1271 = vector.shape_cast %get3A_1267 : vector<16xf32> to vector<16xf32>
    tpu.vector_store %arg7[%swap3A_1268], %swap3A_1271 {add = true, strides = array<i32>} : memref<128xf32, #tpu.memory_space<vmem>>, vector<16xf32>,
    %get3A_1272 = arith.constant 3 : i32
    %get3A_1273 = arith.index_cast %get3A_1272 : i32 to index
    %get3A_1274 = arith.constant 416 : index
    %get3A_1275 = tpu.vector_load %arg8[%get3A_1273, %get3A_1274] {strides = array<i32>} : memref<5x512xf32, #tpu.memory_space<vmem>>, vector<1x16xf32>,
    %get3A_1276 = vector.shape_cast %get3A_1275 : vector<1x16xf32> to vector<16xf32>
    %swap3A_1277 = arith.constant 32 : index
    %swap3A_1278 = tpu.vector_load %arg7[%swap3A_1277] {strides = array<i32>} : memref<128xf32, #tpu.memory_space<vmem>>, vector<16xf32>,
    %swap3A_1279 = vector.shape_cast %swap3A_1278 : vector<16xf32> to vector<16xf32>
    %swap3A_1280 = vector.shape_cast %get3A_1276 : vector<16xf32> to vector<16xf32>
    tpu.vector_store %arg7[%swap3A_1277], %swap3A_1280 {add = true, strides = array<i32>} : memref<128xf32, #tpu.memory_space<vmem>>, vector<16xf32>,
    %get3A_1281 = arith.constant 3 : i32
    %get3A_1282 = arith.index_cast %get3A_1281 : i32 to index
    %get3A_1283 = arith.constant 432 : index
    %get3A_1284 = tpu.vector_load %arg8[%get3A_1282, %get3A_1283] {strides = array<i32>} : memref<5x512xf32, #tpu.memory_space<vmem>>, vector<1x16xf32>,
    %get3A_1285 = vector.shape_cast %get3A_1284 : vector<1x16xf32> to vector<16xf32>
    %swap3A_1286 = arith.constant 48 : index
    %swap3A_1287 = tpu.vector_load %arg7[%swap3A_1286] {strides = array<i32>} : memref<128xf32, #tpu.memory_space<vmem>>, vector<16xf32>,
    %swap3A_1288 = vector.shape_cast %swap3A_1287 : vector<16xf32> to vector<16xf32>
    %swap3A_1289 = vector.shape_cast %get3A_1285 : vector<16xf32> to vector<16xf32>
    tpu.vector_store %arg7[%swap3A_1286], %swap3A_1289 {add = true, strides = array<i32>} : memref<128xf32, #tpu.memory_space<vmem>>, vector<16xf32>,
    %get3A_1290 = arith.constant 3 : i32
    %get3A_1291 = arith.index_cast %get3A_1290 : i32 to index
    %get3A_1292 = arith.constant 448 : index
    %get3A_1293 = tpu.vector_load %arg8[%get3A_1291, %get3A_1292] {strides = array<i32>} : memref<5x512xf32, #tpu.memory_space<vmem>>, vector<1x16xf32>,
    %get3A_1294 = vector.shape_cast %get3A_1293 : vector<1x16xf32> to vector<16xf32>
    %swap3A_1295 = arith.constant 64 : index
    %swap3A_1296 = tpu.vector_load %arg7[%swap3A_1295] {strides = array<i32>} : memref<128xf32, #tpu.memory_space<vmem>>, vector<16xf32>,
    %swap3A_1297 = vector.shape_cast %swap3A_1296 : vector<16xf32> to vector<16xf32>
    %swap3A_1298 = vector.shape_cast %get3A_1294 : vector<16xf32> to vector<16xf32>
    tpu.vector_store %arg7[%swap3A_1295], %swap3A_1298 {add = true, strides = array<i32>} : memref<128xf32, #tpu.memory_space<vmem>>, vector<16xf32>,
    %get3A_1299 = arith.constant 3 : i32
    %get3A_1300 = arith.index_cast %get3A_1299 : i32 to index
    %get3A_1301 = arith.constant 464 : index
    %get3A_1302 = tpu.vector_load %arg8[%get3A_1300, %get3A_1301] {strides = array<i32>} : memref<5x512xf32, #tpu.memory_space<vmem>>, vector<1x16xf32>,
    %get3A_1303 = vector.shape_cast %get3A_1302 : vector<1x16xf32> to vector<16xf32>
    %swap3A_1304 = arith.constant 80 : index
    %swap3A_1305 = tpu.vector_load %arg7[%swap3A_1304] {strides = array<i32>} : memref<128xf32, #tpu.memory_space<vmem>>, vector<16xf32>,
    %swap3A_1306 = vector.shape_cast %swap3A_1305 : vector<16xf32> to vector<16xf32>
    %swap3A_1307 = vector.shape_cast %get3A_1303 : vector<16xf32> to vector<16xf32>
    tpu.vector_store %arg7[%swap3A_1304], %swap3A_1307 {add = true, strides = array<i32>} : memref<128xf32, #tpu.memory_space<vmem>>, vector<16xf32>,
    %get3A_1308 = arith.constant 3 : i32
    %get3A_1309 = arith.index_cast %get3A_1308 : i32 to index
    %get3A_1310 = arith.constant 480 : index
    %get3A_1311 = tpu.vector_load %arg8[%get3A_1309, %get3A_1310] {strides = array<i32>} : memref<5x512xf32, #tpu.memory_space<vmem>>, vector<1x16xf32>,
    %get3A_1312 = vector.shape_cast %get3A_1311 : vector<1x16xf32> to vector<16xf32>
    %swap3A_1313 = arith.constant 96 : index
    %swap3A_1314 = tpu.vector_load %arg7[%swap3A_1313] {strides = array<i32>} : memref<128xf32, #tpu.memory_space<vmem>>, vector<16xf32>,
    %swap3A_1315 = vector.shape_cast %swap3A_1314 : vector<16xf32> to vector<16xf32>
    %swap3A_1316 = vector.shape_cast %get3A_1312 : vector<16xf32> to vector<16xf32>
    tpu.vector_store %arg7[%swap3A_1313], %swap3A_1316 {add = true, strides = array<i32>} : memref<128xf32, #tpu.memory_space<vmem>>, vector<16xf32>,
    %get3A_1317 = arith.constant 3 : i32
    %get3A_1318 = arith.index_cast %get3A_1317 : i32 to index
    %get3A_1319 = arith.constant 496 : index
    %get3A_1320 = tpu.vector_load %arg8[%get3A_1318, %get3A_1319] {strides = array<i32>} : memref<5x512xf32, #tpu.memory_space<vmem>>, vector<1x16xf32>,
    %get3A_1321 = vector.shape_cast %get3A_1320 : vector<1x16xf32> to vector<16xf32>
    %swap3A_1322 = arith.constant 112 : index
    %swap3A_1323 = tpu.vector_load %arg7[%swap3A_1322] {strides = array<i32>} : memref<128xf32, #tpu.memory_space<vmem>>, vector<16xf32>,
    %swap3A_1324 = vector.shape_cast %swap3A_1323 : vector<16xf32> to vector<16xf32>
    %swap3A_1325 = vector.shape_cast %get3A_1321 : vector<16xf32> to vector<16xf32>
    tpu.vector_store %arg7[%swap3A_1322], %swap3A_1325 {add = true, strides = array<i32>} : memref<128xf32, #tpu.memory_space<vmem>>, vector<16xf32>,
    %dma_wait3A_1326 = arith.constant 0 : i32
    %dma_wait3A_1327 = arith.constant 4 : i32
    %dma_wait3A_1328 = arith.constant 0 : i32
    %dma_wait3A_1329 = tpu.memref_slice %arg8[%dma_wait3A_1327, %dma_wait3A_1328] : memref<5x512xf32, #tpu.memory_space<vmem>> -> memref<1x512xf32, #tpu.memory_space<vmem>>
    %dma_wait3A_1330 = tpu.memref_squeeze %dma_wait3A_1329 : memref<1x512xf32, #tpu.memory_space<vmem>> -> memref<512xf32, #tpu.memory_space<vmem>>
    %dma_wait3A_1331 = arith.constant 0 : i32
    %dma_wait3A_1332 = tpu.memref_slice %arg6[%dma_wait3A_1326, %dma_wait3A_1331] : memref<50x512xi32, #tpu.memory_space<vmem>> -> memref<1x512xi32, #tpu.memory_space<vmem>>
    %dma_wait3A_1333 = tpu.memref_squeeze %dma_wait3A_1332 : memref<1x512xi32, #tpu.memory_space<vmem>> -> memref<512xi32, #tpu.memory_space<vmem>>
    %dma_wait3A_1334 = arith.constant 0 : i32
    %dma_wait3A_1335 = tpu.memref_slice %arg9[%dma_wait3A_1334] : memref<1015808xf32, #tpu.memory_space<vmem_shared>> -> memref<1015808xf32, #tpu.memory_space<vmem_shared>>
    tpu.wait_indirect_dma semaphore(%arg14 : memref<!tpu.dma_semaphore, #tpu.memory_space<semaphore_mem>>) src(%dma_wait3A_1335 : memref<1015808xf32, #tpu.memory_space<vmem_shared>>) dst(%dma_wait3A_1330 : memref<512xf32, #tpu.memory_space<vmem>>)
    %get3A_1336 = arith.constant 4 : i32
    %get3A_1337 = arith.index_cast %get3A_1336 : i32 to index
    %get3A_1338 = arith.constant 0 : index
    %get3A_1339 = tpu.vector_load %arg8[%get3A_1337, %get3A_1338] {strides = array<i32>} : memref<5x512xf32, #tpu.memory_space<vmem>>, vector<1x16xf32>,
    %get3A_1340 = vector.shape_cast %get3A_1339 : vector<1x16xf32> to vector<16xf32>
    %swap3A_1341 = arith.constant 0 : index
    %swap3A_1342 = tpu.vector_load %arg7[%swap3A_1341] {strides = array<i32>} : memref<128xf32, #tpu.memory_space<vmem>>, vector<16xf32>,
    %swap3A_1343 = vector.shape_cast %swap3A_1342 : vector<16xf32> to vector<16xf32>
    %swap3A_1344 = vector.shape_cast %get3A_1340 : vector<16xf32> to vector<16xf32>
    tpu.vector_store %arg7[%swap3A_1341], %swap3A_1344 {add = true, strides = array<i32>} : memref<128xf32, #tpu.memory_space<vmem>>, vector<16xf32>,
    %get3A_1345 = arith.constant 4 : i32
    %get3A_1346 = arith.index_cast %get3A_1345 : i32 to index
    %get3A_1347 = arith.constant 16 : index
    %get3A_1348 = tpu.vector_load %arg8[%get3A_1346, %get3A_1347] {strides = array<i32>} : memref<5x512xf32, #tpu.memory_space<vmem>>, vector<1x16xf32>,
    %get3A_1349 = vector.shape_cast %get3A_1348 : vector<1x16xf32> to vector<16xf32>
    %swap3A_1350 = arith.constant 16 : index
    %swap3A_1351 = tpu.vector_load %arg7[%swap3A_1350] {strides = array<i32>} : memref<128xf32, #tpu.memory_space<vmem>>, vector<16xf32>,
    %swap3A_1352 = vector.shape_cast %swap3A_1351 : vector<16xf32> to vector<16xf32>
    %swap3A_1353 = vector.shape_cast %get3A_1349 : vector<16xf32> to vector<16xf32>
    tpu.vector_store %arg7[%swap3A_1350], %swap3A_1353 {add = true, strides = array<i32>} : memref<128xf32, #tpu.memory_space<vmem>>, vector<16xf32>,
    %get3A_1354 = arith.constant 4 : i32
    %get3A_1355 = arith.index_cast %get3A_1354 : i32 to index
    %get3A_1356 = arith.constant 32 : index
    %get3A_1357 = tpu.vector_load %arg8[%get3A_1355, %get3A_1356] {strides = array<i32>} : memref<5x512xf32, #tpu.memory_space<vmem>>, vector<1x16xf32>,
    %get3A_1358 = vector.shape_cast %get3A_1357 : vector<1x16xf32> to vector<16xf32>
    %swap3A_1359 = arith.constant 32 : index
    %swap3A_1360 = tpu.vector_load %arg7[%swap3A_1359] {strides = array<i32>} : memref<128xf32, #tpu.memory_space<vmem>>, vector<16xf32>,
    %swap3A_1361 = vector.shape_cast %swap3A_1360 : vector<16xf32> to vector<16xf32>
    %swap3A_1362 = vector.shape_cast %get3A_1358 : vector<16xf32> to vector<16xf32>
    tpu.vector_store %arg7[%swap3A_1359], %swap3A_1362 {add = true, strides = array<i32>} : memref<128xf32, #tpu.memory_space<vmem>>, vector<16xf32>,
    %get3A_1363 = arith.constant 4 : i32
    %get3A_1364 = arith.index_cast %get3A_1363 : i32 to index
    %get3A_1365 = arith.constant 48 : index
    %get3A_1366 = tpu.vector_load %arg8[%get3A_1364, %get3A_1365] {strides = array<i32>} : memref<5x512xf32, #tpu.memory_space<vmem>>, vector<1x16xf32>,
    %get3A_1367 = vector.shape_cast %get3A_1366 : vector<1x16xf32> to vector<16xf32>
    %swap3A_1368 = arith.constant 48 : index
    %swap3A_1369 = tpu.vector_load %arg7[%swap3A_1368] {strides = array<i32>} : memref<128xf32, #tpu.memory_space<vmem>>, vector<16xf32>,
    %swap3A_1370 = vector.shape_cast %swap3A_1369 : vector<16xf32> to vector<16xf32>
    %swap3A_1371 = vector.shape_cast %get3A_1367 : vector<16xf32> to vector<16xf32>
    tpu.vector_store %arg7[%swap3A_1368], %swap3A_1371 {add = true, strides = array<i32>} : memref<128xf32, #tpu.memory_space<vmem>>, vector<16xf32>,
    %get3A_1372 = arith.constant 4 : i32
    %get3A_1373 = arith.index_cast %get3A_1372 : i32 to index
    %get3A_1374 = arith.constant 64 : index
    %get3A_1375 = tpu.vector_load %arg8[%get3A_1373, %get3A_1374] {strides = array<i32>} : memref<5x512xf32, #tpu.memory_space<vmem>>, vector<1x16xf32>,
    %get3A_1376 = vector.shape_cast %get3A_1375 : vector<1x16xf32> to vector<16xf32>
    %swap3A_1377 = arith.constant 64 : index
    %swap3A_1378 = tpu.vector_load %arg7[%swap3A_1377] {strides = array<i32>} : memref<128xf32, #tpu.memory_space<vmem>>, vector<16xf32>,
    %swap3A_1379 = vector.shape_cast %swap3A_1378 : vector<16xf32> to vector<16xf32>
    %swap3A_1380 = vector.shape_cast %get3A_1376 : vector<16xf32> to vector<16xf32>
    tpu.vector_store %arg7[%swap3A_1377], %swap3A_1380 {add = true, strides = array<i32>} : memref<128xf32, #tpu.memory_space<vmem>>, vector<16xf32>,
    %get3A_1381 = arith.constant 4 : i32
    %get3A_1382 = arith.index_cast %get3A_1381 : i32 to index
    %get3A_1383 = arith.constant 80 : index
    %get3A_1384 = tpu.vector_load %arg8[%get3A_1382, %get3A_1383] {strides = array<i32>} : memref<5x512xf32, #tpu.memory_space<vmem>>, vector<1x16xf32>,
    %get3A_1385 = vector.shape_cast %get3A_1384 : vector<1x16xf32> to vector<16xf32>
    %swap3A_1386 = arith.constant 80 : index
    %swap3A_1387 = tpu.vector_load %arg7[%swap3A_1386] {strides = array<i32>} : memref<128xf32, #tpu.memory_space<vmem>>, vector<16xf32>,
    %swap3A_1388 = vector.shape_cast %swap3A_1387 : vector<16xf32> to vector<16xf32>
    %swap3A_1389 = vector.shape_cast %get3A_1385 : vector<16xf32> to vector<16xf32>
    tpu.vector_store %arg7[%swap3A_1386], %swap3A_1389 {add = true, strides = array<i32>} : memref<128xf32, #tpu.memory_space<vmem>>, vector<16xf32>,
    %get3A_1390 = arith.constant 4 : i32
    %get3A_1391 = arith.index_cast %get3A_1390 : i32 to index
    %get3A_1392 = arith.constant 96 : index
    %get3A_1393 = tpu.vector_load %arg8[%get3A_1391, %get3A_1392] {strides = array<i32>} : memref<5x512xf32, #tpu.memory_space<vmem>>, vector<1x16xf32>,
    %get3A_1394 = vector.shape_cast %get3A_1393 : vector<1x16xf32> to vector<16xf32>
    %swap3A_1395 = arith.constant 96 : index
    %swap3A_1396 = tpu.vector_load %arg7[%swap3A_1395] {strides = array<i32>} : memref<128xf32, #tpu.memory_space<vmem>>, vector<16xf32>,
    %swap3A_1397 = vector.shape_cast %swap3A_1396 : vector<16xf32> to vector<16xf32>
    %swap3A_1398 = vector.shape_cast %get3A_1394 : vector<16xf32> to vector<16xf32>
    tpu.vector_store %arg7[%swap3A_1395], %swap3A_1398 {add = true, strides = array<i32>} : memref<128xf32, #tpu.memory_space<vmem>>, vector<16xf32>,
    %get3A_1399 = arith.constant 4 : i32
    %get3A_1400 = arith.index_cast %get3A_1399 : i32 to index
    %get3A_1401 = arith.constant 112 : index
    %get3A_1402 = tpu.vector_load %arg8[%get3A_1400, %get3A_1401] {strides = array<i32>} : memref<5x512xf32, #tpu.memory_space<vmem>>, vector<1x16xf32>,
    %get3A_1403 = vector.shape_cast %get3A_1402 : vector<1x16xf32> to vector<16xf32>
    %swap3A_1404 = arith.constant 112 : index
    %swap3A_1405 = tpu.vector_load %arg7[%swap3A_1404] {strides = array<i32>} : memref<128xf32, #tpu.memory_space<vmem>>, vector<16xf32>,
    %swap3A_1406 = vector.shape_cast %swap3A_1405 : vector<16xf32> to vector<16xf32>
    %swap3A_1407 = vector.shape_cast %get3A_1403 : vector<16xf32> to vector<16xf32>
    tpu.vector_store %arg7[%swap3A_1404], %swap3A_1407 {add = true, strides = array<i32>} : memref<128xf32, #tpu.memory_space<vmem>>, vector<16xf32>,
    %get3A_1408 = arith.constant 4 : i32
    %get3A_1409 = arith.index_cast %get3A_1408 : i32 to index
    %get3A_1410 = arith.constant 128 : index
    %get3A_1411 = tpu.vector_load %arg8[%get3A_1409, %get3A_1410] {strides = array<i32>} : memref<5x512xf32, #tpu.memory_space<vmem>>, vector<1x16xf32>,
    %get3A_1412 = vector.shape_cast %get3A_1411 : vector<1x16xf32> to vector<16xf32>
    %swap3A_1413 = arith.constant 0 : index
    %swap3A_1414 = tpu.vector_load %arg7[%swap3A_1413] {strides = array<i32>} : memref<128xf32, #tpu.memory_space<vmem>>, vector<16xf32>,
    %swap3A_1415 = vector.shape_cast %swap3A_1414 : vector<16xf32> to vector<16xf32>
    %swap3A_1416 = vector.shape_cast %get3A_1412 : vector<16xf32> to vector<16xf32>
    tpu.vector_store %arg7[%swap3A_1413], %swap3A_1416 {add = true, strides = array<i32>} : memref<128xf32, #tpu.memory_space<vmem>>, vector<16xf32>,
    %get3A_1417 = arith.constant 4 : i32
    %get3A_1418 = arith.index_cast %get3A_1417 : i32 to index
    %get3A_1419 = arith.constant 144 : index
    %get3A_1420 = tpu.vector_load %arg8[%get3A_1418, %get3A_1419] {strides = array<i32>} : memref<5x512xf32, #tpu.memory_space<vmem>>, vector<1x16xf32>,
    %get3A_1421 = vector.shape_cast %get3A_1420 : vector<1x16xf32> to vector<16xf32>
    %swap3A_1422 = arith.constant 16 : index
    %swap3A_1423 = tpu.vector_load %arg7[%swap3A_1422] {strides = array<i32>} : memref<128xf32, #tpu.memory_space<vmem>>, vector<16xf32>,
    %swap3A_1424 = vector.shape_cast %swap3A_1423 : vector<16xf32> to vector<16xf32>
    %swap3A_1425 = vector.shape_cast %get3A_1421 : vector<16xf32> to vector<16xf32>
    tpu.vector_store %arg7[%swap3A_1422], %swap3A_1425 {add = true, strides = array<i32>} : memref<128xf32, #tpu.memory_space<vmem>>, vector<16xf32>,
    %get3A_1426 = arith.constant 4 : i32
    %get3A_1427 = arith.index_cast %get3A_1426 : i32 to index
    %get3A_1428 = arith.constant 160 : index
    %get3A_1429 = tpu.vector_load %arg8[%get3A_1427, %get3A_1428] {strides = array<i32>} : memref<5x512xf32, #tpu.memory_space<vmem>>, vector<1x16xf32>,
    %get3A_1430 = vector.shape_cast %get3A_1429 : vector<1x16xf32> to vector<16xf32>
    %swap3A_1431 = arith.constant 32 : index
    %swap3A_1432 = tpu.vector_load %arg7[%swap3A_1431] {strides = array<i32>} : memref<128xf32, #tpu.memory_space<vmem>>, vector<16xf32>,
    %swap3A_1433 = vector.shape_cast %swap3A_1432 : vector<16xf32> to vector<16xf32>
    %swap3A_1434 = vector.shape_cast %get3A_1430 : vector<16xf32> to vector<16xf32>
    tpu.vector_store %arg7[%swap3A_1431], %swap3A_1434 {add = true, strides = array<i32>} : memref<128xf32, #tpu.memory_space<vmem>>, vector<16xf32>,
    %get3A_1435 = arith.constant 4 : i32
    %get3A_1436 = arith.index_cast %get3A_1435 : i32 to index
    %get3A_1437 = arith.constant 176 : index
    %get3A_1438 = tpu.vector_load %arg8[%get3A_1436, %get3A_1437] {strides = array<i32>} : memref<5x512xf32, #tpu.memory_space<vmem>>, vector<1x16xf32>,
    %get3A_1439 = vector.shape_cast %get3A_1438 : vector<1x16xf32> to vector<16xf32>
    %swap3A_1440 = arith.constant 48 : index
    %swap3A_1441 = tpu.vector_load %arg7[%swap3A_1440] {strides = array<i32>} : memref<128xf32, #tpu.memory_space<vmem>>, vector<16xf32>,
    %swap3A_1442 = vector.shape_cast %swap3A_1441 : vector<16xf32> to vector<16xf32>
    %swap3A_1443 = vector.shape_cast %get3A_1439 : vector<16xf32> to vector<16xf32>
    tpu.vector_store %arg7[%swap3A_1440], %swap3A_1443 {add = true, strides = array<i32>} : memref<128xf32, #tpu.memory_space<vmem>>, vector<16xf32>,
    %get3A_1444 = arith.constant 4 : i32
    %get3A_1445 = arith.index_cast %get3A_1444 : i32 to index
    %get3A_1446 = arith.constant 192 : index
    %get3A_1447 = tpu.vector_load %arg8[%get3A_1445, %get3A_1446] {strides = array<i32>} : memref<5x512xf32, #tpu.memory_space<vmem>>, vector<1x16xf32>,
    %get3A_1448 = vector.shape_cast %get3A_1447 : vector<1x16xf32> to vector<16xf32>
    %swap3A_1449 = arith.constant 64 : index
    %swap3A_1450 = tpu.vector_load %arg7[%swap3A_1449] {strides = array<i32>} : memref<128xf32, #tpu.memory_space<vmem>>, vector<16xf32>,
    %swap3A_1451 = vector.shape_cast %swap3A_1450 : vector<16xf32> to vector<16xf32>
    %swap3A_1452 = vector.shape_cast %get3A_1448 : vector<16xf32> to vector<16xf32>
    tpu.vector_store %arg7[%swap3A_1449], %swap3A_1452 {add = true, strides = array<i32>} : memref<128xf32, #tpu.memory_space<vmem>>, vector<16xf32>,
    %get3A_1453 = arith.constant 4 : i32
    %get3A_1454 = arith.index_cast %get3A_1453 : i32 to index
    %get3A_1455 = arith.constant 208 : index
    %get3A_1456 = tpu.vector_load %arg8[%get3A_1454, %get3A_1455] {strides = array<i32>} : memref<5x512xf32, #tpu.memory_space<vmem>>, vector<1x16xf32>,
    %get3A_1457 = vector.shape_cast %get3A_1456 : vector<1x16xf32> to vector<16xf32>
    %swap3A_1458 = arith.constant 80 : index
    %swap3A_1459 = tpu.vector_load %arg7[%swap3A_1458] {strides = array<i32>} : memref<128xf32, #tpu.memory_space<vmem>>, vector<16xf32>,
    %swap3A_1460 = vector.shape_cast %swap3A_1459 : vector<16xf32> to vector<16xf32>
    %swap3A_1461 = vector.shape_cast %get3A_1457 : vector<16xf32> to vector<16xf32>
    tpu.vector_store %arg7[%swap3A_1458], %swap3A_1461 {add = true, strides = array<i32>} : memref<128xf32, #tpu.memory_space<vmem>>, vector<16xf32>,
    %get3A_1462 = arith.constant 4 : i32
    %get3A_1463 = arith.index_cast %get3A_1462 : i32 to index
    %get3A_1464 = arith.constant 224 : index
    %get3A_1465 = tpu.vector_load %arg8[%get3A_1463, %get3A_1464] {strides = array<i32>} : memref<5x512xf32, #tpu.memory_space<vmem>>, vector<1x16xf32>,
    %get3A_1466 = vector.shape_cast %get3A_1465 : vector<1x16xf32> to vector<16xf32>
    %swap3A_1467 = arith.constant 96 : index
    %swap3A_1468 = tpu.vector_load %arg7[%swap3A_1467] {strides = array<i32>} : memref<128xf32, #tpu.memory_space<vmem>>, vector<16xf32>,
    %swap3A_1469 = vector.shape_cast %swap3A_1468 : vector<16xf32> to vector<16xf32>
    %swap3A_1470 = vector.shape_cast %get3A_1466 : vector<16xf32> to vector<16xf32>
    tpu.vector_store %arg7[%swap3A_1467], %swap3A_1470 {add = true, strides = array<i32>} : memref<128xf32, #tpu.memory_space<vmem>>, vector<16xf32>,
    %get3A_1471 = arith.constant 4 : i32
    %get3A_1472 = arith.index_cast %get3A_1471 : i32 to index
    %get3A_1473 = arith.constant 240 : index
    %get3A_1474 = tpu.vector_load %arg8[%get3A_1472, %get3A_1473] {strides = array<i32>} : memref<5x512xf32, #tpu.memory_space<vmem>>, vector<1x16xf32>,
    %get3A_1475 = vector.shape_cast %get3A_1474 : vector<1x16xf32> to vector<16xf32>
    %swap3A_1476 = arith.constant 112 : index
    %swap3A_1477 = tpu.vector_load %arg7[%swap3A_1476] {strides = array<i32>} : memref<128xf32, #tpu.memory_space<vmem>>, vector<16xf32>,
    %swap3A_1478 = vector.shape_cast %swap3A_1477 : vector<16xf32> to vector<16xf32>
    %swap3A_1479 = vector.shape_cast %get3A_1475 : vector<16xf32> to vector<16xf32>
    tpu.vector_store %arg7[%swap3A_1476], %swap3A_1479 {add = true, strides = array<i32>} : memref<128xf32, #tpu.memory_space<vmem>>, vector<16xf32>,
    %get3A_1480 = arith.constant 4 : i32
    %get3A_1481 = arith.index_cast %get3A_1480 : i32 to index
    %get3A_1482 = arith.constant 256 : index
    %get3A_1483 = tpu.vector_load %arg8[%get3A_1481, %get3A_1482] {strides = array<i32>} : memref<5x512xf32, #tpu.memory_space<vmem>>, vector<1x16xf32>,
    %get3A_1484 = vector.shape_cast %get3A_1483 : vector<1x16xf32> to vector<16xf32>
    %swap3A_1485 = arith.constant 0 : index
    %swap3A_1486 = tpu.vector_load %arg7[%swap3A_1485] {strides = array<i32>} : memref<128xf32, #tpu.memory_space<vmem>>, vector<16xf32>,
    %swap3A_1487 = vector.shape_cast %swap3A_1486 : vector<16xf32> to vector<16xf32>
    %swap3A_1488 = vector.shape_cast %get3A_1484 : vector<16xf32> to vector<16xf32>
    tpu.vector_store %arg7[%swap3A_1485], %swap3A_1488 {add = true, strides = array<i32>} : memref<128xf32, #tpu.memory_space<vmem>>, vector<16xf32>,
    %get3A_1489 = arith.constant 4 : i32
    %get3A_1490 = arith.index_cast %get3A_1489 : i32 to index
    %get3A_1491 = arith.constant 272 : index
    %get3A_1492 = tpu.vector_load %arg8[%get3A_1490, %get3A_1491] {strides = array<i32>} : memref<5x512xf32, #tpu.memory_space<vmem>>, vector<1x16xf32>,
    %get3A_1493 = vector.shape_cast %get3A_1492 : vector<1x16xf32> to vector<16xf32>
    %swap3A_1494 = arith.constant 16 : index
    %swap3A_1495 = tpu.vector_load %arg7[%swap3A_1494] {strides = array<i32>} : memref<128xf32, #tpu.memory_space<vmem>>, vector<16xf32>,
    %swap3A_1496 = vector.shape_cast %swap3A_1495 : vector<16xf32> to vector<16xf32>
    %swap3A_1497 = vector.shape_cast %get3A_1493 : vector<16xf32> to vector<16xf32>
    tpu.vector_store %arg7[%swap3A_1494], %swap3A_1497 {add = true, strides = array<i32>} : memref<128xf32, #tpu.memory_space<vmem>>, vector<16xf32>,
    %get3A_1498 = arith.constant 4 : i32
    %get3A_1499 = arith.index_cast %get3A_1498 : i32 to index
    %get3A_1500 = arith.constant 288 : index
    %get3A_1501 = tpu.vector_load %arg8[%get3A_1499, %get3A_1500] {strides = array<i32>} : memref<5x512xf32, #tpu.memory_space<vmem>>, vector<1x16xf32>,
    %get3A_1502 = vector.shape_cast %get3A_1501 : vector<1x16xf32> to vector<16xf32>
    %swap3A_1503 = arith.constant 32 : index
    %swap3A_1504 = tpu.vector_load %arg7[%swap3A_1503] {strides = array<i32>} : memref<128xf32, #tpu.memory_space<vmem>>, vector<16xf32>,
    %swap3A_1505 = vector.shape_cast %swap3A_1504 : vector<16xf32> to vector<16xf32>
    %swap3A_1506 = vector.shape_cast %get3A_1502 : vector<16xf32> to vector<16xf32>
    tpu.vector_store %arg7[%swap3A_1503], %swap3A_1506 {add = true, strides = array<i32>} : memref<128xf32, #tpu.memory_space<vmem>>, vector<16xf32>,
    %get3A_1507 = arith.constant 4 : i32
    %get3A_1508 = arith.index_cast %get3A_1507 : i32 to index
    %get3A_1509 = arith.constant 304 : index
    %get3A_1510 = tpu.vector_load %arg8[%get3A_1508, %get3A_1509] {strides = array<i32>} : memref<5x512xf32, #tpu.memory_space<vmem>>, vector<1x16xf32>,
    %get3A_1511 = vector.shape_cast %get3A_1510 : vector<1x16xf32> to vector<16xf32>
    %swap3A_1512 = arith.constant 48 : index
    %swap3A_1513 = tpu.vector_load %arg7[%swap3A_1512] {strides = array<i32>} : memref<128xf32, #tpu.memory_space<vmem>>, vector<16xf32>,
    %swap3A_1514 = vector.shape_cast %swap3A_1513 : vector<16xf32> to vector<16xf32>
    %swap3A_1515 = vector.shape_cast %get3A_1511 : vector<16xf32> to vector<16xf32>
    tpu.vector_store %arg7[%swap3A_1512], %swap3A_1515 {add = true, strides = array<i32>} : memref<128xf32, #tpu.memory_space<vmem>>, vector<16xf32>,
    %get3A_1516 = arith.constant 4 : i32
    %get3A_1517 = arith.index_cast %get3A_1516 : i32 to index
    %get3A_1518 = arith.constant 320 : index
    %get3A_1519 = tpu.vector_load %arg8[%get3A_1517, %get3A_1518] {strides = array<i32>} : memref<5x512xf32, #tpu.memory_space<vmem>>, vector<1x16xf32>,
    %get3A_1520 = vector.shape_cast %get3A_1519 : vector<1x16xf32> to vector<16xf32>
    %swap3A_1521 = arith.constant 64 : index
    %swap3A_1522 = tpu.vector_load %arg7[%swap3A_1521] {strides = array<i32>} : memref<128xf32, #tpu.memory_space<vmem>>, vector<16xf32>,
    %swap3A_1523 = vector.shape_cast %swap3A_1522 : vector<16xf32> to vector<16xf32>
    %swap3A_1524 = vector.shape_cast %get3A_1520 : vector<16xf32> to vector<16xf32>
    tpu.vector_store %arg7[%swap3A_1521], %swap3A_1524 {add = true, strides = array<i32>} : memref<128xf32, #tpu.memory_space<vmem>>, vector<16xf32>,
    %get3A_1525 = arith.constant 4 : i32
    %get3A_1526 = arith.index_cast %get3A_1525 : i32 to index
    %get3A_1527 = arith.constant 336 : index
    %get3A_1528 = tpu.vector_load %arg8[%get3A_1526, %get3A_1527] {strides = array<i32>} : memref<5x512xf32, #tpu.memory_space<vmem>>, vector<1x16xf32>,
    %get3A_1529 = vector.shape_cast %get3A_1528 : vector<1x16xf32> to vector<16xf32>
    %swap3A_1530 = arith.constant 80 : index
    %swap3A_1531 = tpu.vector_load %arg7[%swap3A_1530] {strides = array<i32>} : memref<128xf32, #tpu.memory_space<vmem>>, vector<16xf32>,
    %swap3A_1532 = vector.shape_cast %swap3A_1531 : vector<16xf32> to vector<16xf32>
    %swap3A_1533 = vector.shape_cast %get3A_1529 : vector<16xf32> to vector<16xf32>
    tpu.vector_store %arg7[%swap3A_1530], %swap3A_1533 {add = true, strides = array<i32>} : memref<128xf32, #tpu.memory_space<vmem>>, vector<16xf32>,
    %get3A_1534 = arith.constant 4 : i32
    %get3A_1535 = arith.index_cast %get3A_1534 : i32 to index
    %get3A_1536 = arith.constant 352 : index
    %get3A_1537 = tpu.vector_load %arg8[%get3A_1535, %get3A_1536] {strides = array<i32>} : memref<5x512xf32, #tpu.memory_space<vmem>>, vector<1x16xf32>,
    %get3A_1538 = vector.shape_cast %get3A_1537 : vector<1x16xf32> to vector<16xf32>
    %swap3A_1539 = arith.constant 96 : index
    %swap3A_1540 = tpu.vector_load %arg7[%swap3A_1539] {strides = array<i32>} : memref<128xf32, #tpu.memory_space<vmem>>, vector<16xf32>,
    %swap3A_1541 = vector.shape_cast %swap3A_1540 : vector<16xf32> to vector<16xf32>
    %swap3A_1542 = vector.shape_cast %get3A_1538 : vector<16xf32> to vector<16xf32>
    tpu.vector_store %arg7[%swap3A_1539], %swap3A_1542 {add = true, strides = array<i32>} : memref<128xf32, #tpu.memory_space<vmem>>, vector<16xf32>,
    %get3A_1543 = arith.constant 4 : i32
    %get3A_1544 = arith.index_cast %get3A_1543 : i32 to index
    %get3A_1545 = arith.constant 368 : index
    %get3A_1546 = tpu.vector_load %arg8[%get3A_1544, %get3A_1545] {strides = array<i32>} : memref<5x512xf32, #tpu.memory_space<vmem>>, vector<1x16xf32>,
    %get3A_1547 = vector.shape_cast %get3A_1546 : vector<1x16xf32> to vector<16xf32>
    %swap3A_1548 = arith.constant 112 : index
    %swap3A_1549 = tpu.vector_load %arg7[%swap3A_1548] {strides = array<i32>} : memref<128xf32, #tpu.memory_space<vmem>>, vector<16xf32>,
    %swap3A_1550 = vector.shape_cast %swap3A_1549 : vector<16xf32> to vector<16xf32>
    %swap3A_1551 = vector.shape_cast %get3A_1547 : vector<16xf32> to vector<16xf32>
    tpu.vector_store %arg7[%swap3A_1548], %swap3A_1551 {add = true, strides = array<i32>} : memref<128xf32, #tpu.memory_space<vmem>>, vector<16xf32>,
    %get3A_1552 = arith.constant 4 : i32
    %get3A_1553 = arith.index_cast %get3A_1552 : i32 to index
    %get3A_1554 = arith.constant 384 : index
    %get3A_1555 = tpu.vector_load %arg8[%get3A_1553, %get3A_1554] {strides = array<i32>} : memref<5x512xf32, #tpu.memory_space<vmem>>, vector<1x16xf32>,
    %get3A_1556 = vector.shape_cast %get3A_1555 : vector<1x16xf32> to vector<16xf32>
    %swap3A_1557 = arith.constant 0 : index
    %swap3A_1558 = tpu.vector_load %arg7[%swap3A_1557] {strides = array<i32>} : memref<128xf32, #tpu.memory_space<vmem>>, vector<16xf32>,
    %swap3A_1559 = vector.shape_cast %swap3A_1558 : vector<16xf32> to vector<16xf32>
    %swap3A_1560 = vector.shape_cast %get3A_1556 : vector<16xf32> to vector<16xf32>
    tpu.vector_store %arg7[%swap3A_1557], %swap3A_1560 {add = true, strides = array<i32>} : memref<128xf32, #tpu.memory_space<vmem>>, vector<16xf32>,
    %get3A_1561 = arith.constant 4 : i32
    %get3A_1562 = arith.index_cast %get3A_1561 : i32 to index
    %get3A_1563 = arith.constant 400 : index
    %get3A_1564 = tpu.vector_load %arg8[%get3A_1562, %get3A_1563] {strides = array<i32>} : memref<5x512xf32, #tpu.memory_space<vmem>>, vector<1x16xf32>,
    %get3A_1565 = vector.shape_cast %get3A_1564 : vector<1x16xf32> to vector<16xf32>
    %swap3A_1566 = arith.constant 16 : index
    %swap3A_1567 = tpu.vector_load %arg7[%swap3A_1566] {strides = array<i32>} : memref<128xf32, #tpu.memory_space<vmem>>, vector<16xf32>,
    %swap3A_1568 = vector.shape_cast %swap3A_1567 : vector<16xf32> to vector<16xf32>
    %swap3A_1569 = vector.shape_cast %get3A_1565 : vector<16xf32> to vector<16xf32>
    tpu.vector_store %arg7[%swap3A_1566], %swap3A_1569 {add = true, strides = array<i32>} : memref<128xf32, #tpu.memory_space<vmem>>, vector<16xf32>,
    %get3A_1570 = arith.constant 4 : i32
    %get3A_1571 = arith.index_cast %get3A_1570 : i32 to index
    %get3A_1572 = arith.constant 416 : index
    %get3A_1573 = tpu.vector_load %arg8[%get3A_1571, %get3A_1572] {strides = array<i32>} : memref<5x512xf32, #tpu.memory_space<vmem>>, vector<1x16xf32>,
    %get3A_1574 = vector.shape_cast %get3A_1573 : vector<1x16xf32> to vector<16xf32>
    %swap3A_1575 = arith.constant 32 : index
    %swap3A_1576 = tpu.vector_load %arg7[%swap3A_1575] {strides = array<i32>} : memref<128xf32, #tpu.memory_space<vmem>>, vector<16xf32>,
    %swap3A_1577 = vector.shape_cast %swap3A_1576 : vector<16xf32> to vector<16xf32>
    %swap3A_1578 = vector.shape_cast %get3A_1574 : vector<16xf32> to vector<16xf32>
    tpu.vector_store %arg7[%swap3A_1575], %swap3A_1578 {add = true, strides = array<i32>} : memref<128xf32, #tpu.memory_space<vmem>>, vector<16xf32>,
    %get3A_1579 = arith.constant 4 : i32
    %get3A_1580 = arith.index_cast %get3A_1579 : i32 to index
    %get3A_1581 = arith.constant 432 : index
    %get3A_1582 = tpu.vector_load %arg8[%get3A_1580, %get3A_1581] {strides = array<i32>} : memref<5x512xf32, #tpu.memory_space<vmem>>, vector<1x16xf32>,
    %get3A_1583 = vector.shape_cast %get3A_1582 : vector<1x16xf32> to vector<16xf32>
    %swap3A_1584 = arith.constant 48 : index
    %swap3A_1585 = tpu.vector_load %arg7[%swap3A_1584] {strides = array<i32>} : memref<128xf32, #tpu.memory_space<vmem>>, vector<16xf32>,
    %swap3A_1586 = vector.shape_cast %swap3A_1585 : vector<16xf32> to vector<16xf32>
    %swap3A_1587 = vector.shape_cast %get3A_1583 : vector<16xf32> to vector<16xf32>
    tpu.vector_store %arg7[%swap3A_1584], %swap3A_1587 {add = true, strides = array<i32>} : memref<128xf32, #tpu.memory_space<vmem>>, vector<16xf32>,
    %get3A_1588 = arith.constant 4 : i32
    %get3A_1589 = arith.index_cast %get3A_1588 : i32 to index
    %get3A_1590 = arith.constant 448 : index
    %get3A_1591 = tpu.vector_load %arg8[%get3A_1589, %get3A_1590] {strides = array<i32>} : memref<5x512xf32, #tpu.memory_space<vmem>>, vector<1x16xf32>,
    %get3A_1592 = vector.shape_cast %get3A_1591 : vector<1x16xf32> to vector<16xf32>
    %swap3A_1593 = arith.constant 64 : index
    %swap3A_1594 = tpu.vector_load %arg7[%swap3A_1593] {strides = array<i32>} : memref<128xf32, #tpu.memory_space<vmem>>, vector<16xf32>,
    %swap3A_1595 = vector.shape_cast %swap3A_1594 : vector<16xf32> to vector<16xf32>
    %swap3A_1596 = vector.shape_cast %get3A_1592 : vector<16xf32> to vector<16xf32>
    tpu.vector_store %arg7[%swap3A_1593], %swap3A_1596 {add = true, strides = array<i32>} : memref<128xf32, #tpu.memory_space<vmem>>, vector<16xf32>,
    %get3A_1597 = arith.constant 4 : i32
    %get3A_1598 = arith.index_cast %get3A_1597 : i32 to index
    %get3A_1599 = arith.constant 464 : index
    %get3A_1600 = tpu.vector_load %arg8[%get3A_1598, %get3A_1599] {strides = array<i32>} : memref<5x512xf32, #tpu.memory_space<vmem>>, vector<1x16xf32>,
    %get3A_1601 = vector.shape_cast %get3A_1600 : vector<1x16xf32> to vector<16xf32>
    %swap3A_1602 = arith.constant 80 : index
    %swap3A_1603 = tpu.vector_load %arg7[%swap3A_1602] {strides = array<i32>} : memref<128xf32, #tpu.memory_space<vmem>>, vector<16xf32>,
    %swap3A_1604 = vector.shape_cast %swap3A_1603 : vector<16xf32> to vector<16xf32>
    %swap3A_1605 = vector.shape_cast %get3A_1601 : vector<16xf32> to vector<16xf32>
    tpu.vector_store %arg7[%swap3A_1602], %swap3A_1605 {add = true, strides = array<i32>} : memref<128xf32, #tpu.memory_space<vmem>>, vector<16xf32>,
    %get3A_1606 = arith.constant 4 : i32
    %get3A_1607 = arith.index_cast %get3A_1606 : i32 to index
    %get3A_1608 = arith.constant 480 : index
    %get3A_1609 = tpu.vector_load %arg8[%get3A_1607, %get3A_1608] {strides = array<i32>} : memref<5x512xf32, #tpu.memory_space<vmem>>, vector<1x16xf32>,
    %get3A_1610 = vector.shape_cast %get3A_1609 : vector<1x16xf32> to vector<16xf32>
    %swap3A_1611 = arith.constant 96 : index
    %swap3A_1612 = tpu.vector_load %arg7[%swap3A_1611] {strides = array<i32>} : memref<128xf32, #tpu.memory_space<vmem>>, vector<16xf32>,
    %swap3A_1613 = vector.shape_cast %swap3A_1612 : vector<16xf32> to vector<16xf32>
    %swap3A_1614 = vector.shape_cast %get3A_1610 : vector<16xf32> to vector<16xf32>
    tpu.vector_store %arg7[%swap3A_1611], %swap3A_1614 {add = true, strides = array<i32>} : memref<128xf32, #tpu.memory_space<vmem>>, vector<16xf32>,
    %get3A_1615 = arith.constant 4 : i32
    %get3A_1616 = arith.index_cast %get3A_1615 : i32 to index
    %get3A_1617 = arith.constant 496 : index
    %get3A_1618 = tpu.vector_load %arg8[%get3A_1616, %get3A_1617] {strides = array<i32>} : memref<5x512xf32, #tpu.memory_space<vmem>>, vector<1x16xf32>,
    %get3A_1619 = vector.shape_cast %get3A_1618 : vector<1x16xf32> to vector<16xf32>
    %swap3A_1620 = arith.constant 112 : index
    %swap3A_1621 = tpu.vector_load %arg7[%swap3A_1620] {strides = array<i32>} : memref<128xf32, #tpu.memory_space<vmem>>, vector<16xf32>,
    %swap3A_1622 = vector.shape_cast %swap3A_1621 : vector<16xf32> to vector<16xf32>
    %swap3A_1623 = vector.shape_cast %get3A_1619 : vector<16xf32> to vector<16xf32>
    tpu.vector_store %arg7[%swap3A_1620], %swap3A_1623 {add = true, strides = array<i32>} : memref<128xf32, #tpu.memory_space<vmem>>, vector<16xf32>,
    "tpu.region"() ({
      %run_scoped3A = tpu.sem_alloc : memref<!tpu.dma_semaphore, #tpu.memory_space<semaphore_mem>>
      %dma_start3A_1624 = tpu.memref_slice %arg5[%mul3A_2] : memref<4096xf32, #tpu.memory_space<hbm>> -> memref<128xf32, #tpu.memory_space<hbm>>
      %dma_start3A_1625 = tpu.memref_slice %arg5[%mul3A_2] : memref<4096xf32, #tpu.memory_space<hbm>> -> memref<128xf32, #tpu.memory_space<hbm>>
      tpu.enqueue_dma source(%arg7 : memref<128xf32, #tpu.memory_space<vmem>>) target(%dma_start3A_1625 : memref<128xf32, #tpu.memory_space<hbm>>) target_semaphore(%run_scoped3A : memref<!tpu.dma_semaphore, #tpu.memory_space<semaphore_mem>>)
      %dma_wait3A_1626 = tpu.memref_slice %arg5[%mul3A_2] : memref<4096xf32, #tpu.memory_space<hbm>> -> memref<128xf32, #tpu.memory_space<hbm>>
      %dma_wait3A_1627 = tpu.memref_slice %arg5[%mul3A_2] : memref<4096xf32, #tpu.memory_space<hbm>> -> memref<128xf32, #tpu.memory_space<hbm>>
      tpu.wait_dma2 semaphore(%run_scoped3A : memref<!tpu.dma_semaphore, #tpu.memory_space<semaphore_mem>>) src(%arg7 : memref<128xf32, #tpu.memory_space<vmem>>) dst(%dma_wait3A_1627 : memref<128xf32, #tpu.memory_space<hbm>>)
      tpu.yield
    }) : () -> ()
    return
  }
}

module attributes {stable_mosaic.version = 14 : i64} {
  func.func @body(%arg0: i32, %arg1: memref<64x16384xf32, #tpu.memory_space<vmem>>, %arg2: memref<64x16384xf32, #tpu.memory_space<vmem>>, %arg3: memref<1x64xf32, #tpu.memory_space<vmem>>, %arg4: memref<1x1xf32, #tpu.memory_space<vmem>>, %arg5: memref<1x16384xf32, #tpu.memory_space<vmem>>, %arg6: memref<1x16384xf32, #tpu.memory_space<vmem>>) attributes {dimension_semantics = [#tpu.dimension_semantics<arbitrary>], iteration_bounds = array<i64: 31>, scalar_prefetch = 0 : i64, scratch_operands = 0 : i64, tpu.core_type = #tpu.core_type<tc>, window_params = [{transform_indices = @transform_0, window_bounds = array<i64: 64, 16384>}, {transform_indices = @transform_1, window_bounds = array<i64: 64, 16384>}, {pipeline_mode = #tpu.pipeline_mode<synchronous>, transform_indices = @transform_2, window_bounds = array<i64: 1, 64>}, {pipeline_mode = #tpu.pipeline_mode<synchronous>, transform_indices = @transform_3, window_bounds = array<i64: 1, 1>}, {transform_indices = @transform_4, window_bounds = array<i64: 1, 16384>}, {transform_indices = @transform_5, window_bounds = array<i64: 1, 16384>}]} {
    %get3A = arith.constant 0 : index
    %get3A_0 = arith.constant 0 : index
    %get3A_1 = vector.load %arg4[%get3A, %get3A_0] : memref<1x1xf32, #tpu.memory_space<vmem>>, vector<1x1xf32>
    %mul3A = arith.constant 5.000000e-03 : f32
    %mul3A_2 = vector.broadcast %mul3A : f32 to vector<1x1xf32>
    %mul3A_3 = arith.mulf %get3A_1, %mul3A_2 : vector<1x1xf32>
    %get3A_4 = arith.constant 0 : index
    %get3A_5 = arith.constant 0 : index
    %get3A_6 = vector.load %arg3[%get3A_4, %get3A_5] : memref<1x64xf32, #tpu.memory_space<vmem>>, vector<1x64xf32>
    %get3A_7 = arith.constant 0 : index
    %get3A_8 = arith.constant 0 : index
    %get3A_9 = vector.load %arg1[%get3A_7, %get3A_8] : memref<64x16384xf32, #tpu.memory_space<vmem>>, vector<64x16384xf32>
    %dot_general3A = arith.constant dense<0.000000e+00> : vector<1x16384xf32>
    %dot_general3A_10 = tpu.matmul %get3A_6, %get3A_9, %dot_general3A {dimension_numbers = #tpu.dot_dimension_numbers<[1], [0], [0], [1], [0, 0, 1, 1], [], []>, transpose_lhs_hint = false} : vector<1x64xf32>, vector<64x16384xf32>, vector<1x16384xf32> -> vector<1x16384xf32>
    %mul3A_11 = arith.constant 5.000000e-03 : f32
    %mul3A_12 = vector.broadcast %mul3A_11 : f32 to vector<1x16384xf32>
    %mul3A_13 = arith.mulf %dot_general3A_10, %mul3A_12 : vector<1x16384xf32>
    %add3A = vector.broadcast %mul3A_3 : vector<1x1xf32> to vector<1x16384xf32>
    %add3A_14 = arith.addf %mul3A_13, %add3A : vector<1x16384xf32>
    %swap3A = arith.constant 0 : index
    %swap3A_15 = arith.constant 0 : index
    %swap3A_16 = vector.load %arg5[%swap3A, %swap3A_15] : memref<1x16384xf32, #tpu.memory_space<vmem>>, vector<1x16384xf32>
    tpu.vector_store %arg5[%swap3A, %swap3A_15], %add3A_14 {strides = array<i32>} : memref<1x16384xf32, #tpu.memory_space<vmem>>, vector<1x16384xf32>,
    %get3A_17 = arith.constant 0 : index
    %get3A_18 = arith.constant 0 : index
    %get3A_19 = vector.load %arg3[%get3A_17, %get3A_18] : memref<1x64xf32, #tpu.memory_space<vmem>>, vector<1x64xf32>
    %get3A_20 = arith.constant 0 : index
    %get3A_21 = arith.constant 0 : index
    %get3A_22 = vector.load %arg2[%get3A_20, %get3A_21] : memref<64x16384xf32, #tpu.memory_space<vmem>>, vector<64x16384xf32>
    %dot_general3A_23 = arith.constant dense<0.000000e+00> : vector<1x16384xf32>
    %dot_general3A_24 = tpu.matmul %get3A_19, %get3A_22, %dot_general3A_23 {dimension_numbers = #tpu.dot_dimension_numbers<[1], [0], [0], [1], [0, 0, 1, 1], [], []>, transpose_lhs_hint = false} : vector<1x64xf32>, vector<64x16384xf32>, vector<1x16384xf32> -> vector<1x16384xf32>
    %mul3A_25 = arith.constant 5.000000e-03 : f32
    %mul3A_26 = vector.broadcast %mul3A_25 : f32 to vector<1x16384xf32>
    %mul3A_27 = arith.mulf %dot_general3A_24, %mul3A_26 : vector<1x16384xf32>
    %add3A_28 = vector.broadcast %mul3A_3 : vector<1x1xf32> to vector<1x16384xf32>
    %add3A_29 = arith.addf %mul3A_27, %add3A_28 : vector<1x16384xf32>
    %swap3A_30 = arith.constant 0 : index
    %swap3A_31 = arith.constant 0 : index
    %swap3A_32 = vector.load %arg6[%swap3A_30, %swap3A_31] : memref<1x16384xf32, #tpu.memory_space<vmem>>, vector<1x16384xf32>
    tpu.vector_store %arg6[%swap3A_30, %swap3A_31], %add3A_29 {strides = array<i32>} : memref<1x16384xf32, #tpu.memory_space<vmem>>, vector<1x16384xf32>,
    return
  }
  func.func @transform_0(%arg0: i32) -> (i32, i32) {
    %c0_i32 = arith.constant 0 : i32
    %c0_i32_0 = arith.constant 0 : i32
    return %c0_i32, %arg0 : i32, i32
  }
  func.func @transform_1(%arg0: i32) -> (i32, i32) {
    %add3A = arith.constant 31 : i32
    %add3A_0 = arith.addi %arg0, %add3A : i32
    %c0_i32 = arith.constant 0 : i32
    %c0_i32_1 = arith.constant 0 : i32
    return %c0_i32, %add3A_0 : i32, i32
  }
  func.func @transform_2(%arg0: i32) -> (i32, i32) {
    %c0_i32 = arith.constant 0 : i32
    %c0_i32_0 = arith.constant 0 : i32
    %c0_i32_1 = arith.constant 0 : i32
    return %c0_i32, %c0_i32_0 : i32, i32
  }
  func.func @transform_3(%arg0: i32) -> (i32, i32) {
    %c0_i32 = arith.constant 0 : i32
    %c0_i32_0 = arith.constant 0 : i32
    %c0_i32_1 = arith.constant 0 : i32
    return %c0_i32, %c0_i32_0 : i32, i32
  }
  func.func @transform_4(%arg0: i32) -> (i32, i32) {
    %c0_i32 = arith.constant 0 : i32
    %c0_i32_0 = arith.constant 0 : i32
    return %c0_i32, %arg0 : i32, i32
  }
  func.func @transform_5(%arg0: i32) -> (i32, i32) {
    %c0_i32 = arith.constant 0 : i32
    %c0_i32_0 = arith.constant 0 : i32
    return %c0_i32, %arg0 : i32, i32
  }
}

</mosaic_0001>

<sc_bundles>
// kernel: kernel.4.cloned.1.call-start
scs
__scs_entry_jumppad:
0x0: {  	(pc) =	sbr.rel $0x88, $3  }
0x1: {  	(tag) =	ssettag $0x0;
	lr =	simm.s32 $0x1  }
0x2: {  	[smem:$0x3F9D] =	sst lr;
	_ =	strace $0xD0000000  }
0x3: {  	_ = 	snop  }
0x4: {  	_ = 	snop  }
0x5: {  	_ = 	snop  }
0x6: {  	_ = 	snop  }
0x7: {  	_ = 	snop  }
__scs_overlays_trampoline_lowered:
0x8: {  	[smem:$0x3FAC] =	sst s0  }
0x9: {  	[smem:$0x3FAD] =	sst s1  }
0xa: {  	[smem:$0x3FAE] =	sst s2  }
0xb: {  	[smem:$0x3FAF] =	sst s3  }
0xc: {  	[smem:$0x3FB0] =	sst s4  }
0xd: {  	[smem:$0x3FB1] =	sst s5  }
0xe: {  	[smem:$0x3FB2] =	sst s6  }
0xf: {  	[smem:$0x3FB3] =	sst s7  }
0x10: {  	[smem:$0x3FB4] =	sst s8  }
0x11: {  	[smem:$0x3FB5] =	sst s9;
	s0 =	simm.s32 @!p0 $0x0  }
0x12: {  	s1 =	sld [smem:$0x3F9B];
	s0 =	simm.s32 @p0 $0x1  }
0x13: {  	[smem:$0x3FB6] =	sst s0;
	s0 =	simm.s32 @!p1 $0x0  }
0x14: {  	s2 =	sld [smem:$0x3F9A];
	s0 =	simm.s32 @p1 $0x1  }
0x15: {  	[smem:$0x3FB7] =	sst s0;
	s0 =	simm.s32 @!p2 $0x0  }
0x16: {  	s3 =	sld [smem:$0x3FDB];
	s0 =	simm.s32 @p2 $0x1  }
0x17: {  	s4 =	simm.s32 $0x1BF5;
	[smem:$0x3FB9] =	sst s0  }
0x18: {  	s0 =	sld [smem:$0x3F9C];
	_ =	swait.ge [sflag:s4], $0x0  }
0x19: {  	s7 =	sld [smem:$0x3F9D]  }
0x1a: {  	s8 =	sadd.s32 $0xFFFFE003, lr  }
0x1b: {  	s9 =	sadd.s32 $0xFFFFFEF7, lr;
	s5 =	simm.s32 $0xFFFFFFFF;
	p2 =	slt.u32 s8, $0xFFFFF086  }
0x1c: {  	p1 =	slt.u32 s9, $0xF7A;
	s5 =	simm.s32 @!p2 $0x0  }
0x1d: {  	s5 =	simm.s32 @p1 $0x1;
	p0 =	seq.s32 s7, s2  }
0x1e: {  	s7 =	smul.u32 @!p0 $0xF7A, s2;
	p2 =	seq.s32 @!p0 s5, $0x0  }
0x1f: {  	s9 =	smul.u32 $0xF7A, s1;
	s8 =	simm.s32 @!p0 $0x1BF5;
	p2 =	por !p2, p0  }
0x20: {  	[sflag:s8] =	ssyncset.s32 @!p0 $0xFFFFF086;
	s6 =	sadd.s32 @!p0 s3, s7;
	s7 =	simm.s32 @!p0 $0x108  }
0x21: {  	s3 =	sadd.s32 s3, s9;
	s6 =	sadd.s32 @!p0 $0x88, s6;
	s7 =	simm.s32 @p2 $0x1082  }
0x22: {  	[simem:s7], [sflag:s8] =	dma.local @!p0 [hbm:s6], $0xF7A  }
0x23: {  	s9 =	sor.u32 $0xD0000000, s2;
	s6 =	simm.s32 $0x108;
	_ =	swait.ge @!p0 [sflag:s8], $0x0  }
0x24: {  	s3 =	sadd.s32 $0x88, s3;
	s6 =	simm.s32 @!p1 $0x1082;
	[sflag:s4] =	ssyncset.s32 $0xFFFFF086  }
0x25: {  	[simem:s6], [sflag:s4] =	dma.local [hbm:s3], $0xF7A  }
0x26: {  	[smem:$0x3F9D] =	sst s1;
	(tag) =	ssettag s2;
	_ =	strace s9  }
0x27: {  	s1 =	sld [smem:$0x3FAD]  }
0x28: {  	s2 =	sld [smem:$0x3FAE]  }
0x29: {  	s4 =	sld [smem:$0x3FB0]  }
0x2a: {  	p0 =	seq.s32 s5, $0x0;
	s5 =	sld [smem:$0x3FB1]  }
0x2b: {  	s6 =	sld [smem:$0x3FB2]  }
0x2c: {  	s7 =	sld [smem:$0x3FB3]  }
0x2d: {  	s3 =	simm.s32 $0x108;
	s8 =	sld [smem:$0x3FB4]  }
0x2e: {  	s3 =	simm.s32 @!p0 $0x1082;
	s9 =	sld [smem:$0x3FB5]  }
0x2f: {  	lr =	sadd.s32 s0, s3;
	s0 =	sld [smem:$0x3FAC]  }
0x30: {  	s3 =	sld [smem:$0x3FAF]  }
0x31: {  	[smem:$0x3FB8] =	sst s10  }
0x32: {  	s10 =	sld [smem:$0x3FB6];
	_ =	sdelay $0x3  }
0x33: {  	p0 =	seq.s32 s10, $0x1;
	s10 =	sld [smem:$0x3FB8];
	_ =	sdelay $0x3  }
0x34: {  	[smem:$0x3FB8] =	sst s10  }
0x35: {  	s10 =	sld [smem:$0x3FB7];
	_ =	sdelay $0x3  }
0x36: {  	p1 =	seq.s32 s10, $0x1;
	s10 =	sld [smem:$0x3FB8];
	_ =	sdelay $0x3  }
0x37: {  	[smem:$0x3FB8] =	sst s10  }
0x38: {  	s10 =	sld [smem:$0x3FB9]  }
0x39: {  	_ = 	snop;
	(pc) =	sbr.ind lr, $3  }
0x3a: {  	_ = 	snop  }
0x3b: {  	_ = 	snop  }
0x3c: {  	p2 =	seq.s32 s10, $0x1;
	s10 =	sld [smem:$0x3FB8]  }
0x3d: {  	_ =	shalt  }
0x3e: {  	_ =	shalt  }
0x3f: {  	_ =	shalt  }
0x40: {  	_ =	shalt  }
0x41: {  	_ =	shalt  }
0x42: {  	_ =	shalt  }
0x43: {  	_ =	shalt  }
0x44: {  	_ =	shalt  }
0x45: {  	_ =	shalt  }
0x46: {  	_ =	shalt  }
0x47: {  	_ =	shalt  }
0x48: {  	_ =	shalt  }
0x49: {  	_ =	shalt  }
0x4a: {  	_ =	shalt  }
0x4b: {  	_ =	shalt  }
0x4c: {  	_ =	shalt  }
0x4d: {  	_ =	shalt  }
0x4e: {  	_ =	shalt  }
0x4f: {  	_ =	shalt  }
0x50: {  	_ =	shalt  }
0x51: {  	_ =	shalt  }
0x52: {  	_ =	shalt  }
0x53: {  	_ =	shalt  }
0x54: {  	_ =	shalt  }
0x55: {  	_ =	shalt  }
0x56: {  	_ =	shalt  }
0x57: {  	_ =	shalt  }
0x58: {  	_ =	shalt  }
0x59: {  	_ =	shalt  }
0x5a: {  	_ =	shalt  }
0x5b: {  	_ =	shalt  }
0x5c: {  	_ =	shalt  }
0x5d: {  	_ =	shalt  }
0x5e: {  	_ =	shalt  }
0x5f: {  	_ =	shalt  }
0x60: {  	_ =	shalt  }
0x61: {  	_ =	shalt  }
0x62: {  	_ =	shalt  }
0x63: {  	_ =	shalt  }
0x64: {  	_ =	shalt  }
0x65: {  	_ =	shalt  }
0x66: {  	_ =	shalt  }
0x67: {  	_ =	shalt  }
0x68: {  	_ =	shalt  }
0x69: {  	_ =	shalt  }
0x6a: {  	_ =	shalt  }
0x6b: {  	_ =	shalt  }
0x6c: {  	_ =	shalt  }
0x6d: {  	_ =	shalt  }
0x6e: {  	_ =	shalt  }
0x6f: {  	_ =	shalt  }
0x70: {  	_ =	shalt  }
0x71: {  	_ =	shalt  }
0x72: {  	_ =	shalt  }
0x73: {  	_ =	shalt  }
0x74: {  	_ =	shalt  }
0x75: {  	_ =	shalt  }
0x76: {  	_ =	shalt  }
0x77: {  	_ =	shalt  }
0x78: {  	_ =	shalt  }
0x79: {  	_ =	shalt  }
0x7a: {  	_ =	shalt  }
0x7b: {  	_ =	shalt  }
0x7c: {  	_ =	shalt  }
0x7d: {  	_ =	shalt  }
0x7e: {  	_ =	shalt  }
0x7f: {  	_ =	shalt  }
0x80: {  	_ =	shalt  }
0x81: {  	_ =	shalt  }
0x82: {  	_ =	shalt  }
0x83: {  	_ =	shalt  }
0x84: {  	_ =	shalt  }
0x85: {  	_ =	shalt  }
0x86: {  	_ =	shalt  }
0x87: {  	_ =	shalt  }
.Lfunc_end0:
.L_simem_size_0:
called_computation_lowered:
.L_overlay_start_0:
0x88: {  	s2 =	sld [smem:$0x3FD9]  }
0x89: {  	s3 =	sld [smem:$0x3FFE];
	_ =	sdelay $0x1  }
0x8a: {  	s1 =	srdreg.scid  }
0x8b: {  	s0 =	sand.u32 $0x1, s1  }
0x8c: {  	s17 =	sshll.u32 s0, $0xA;
	s2 =	sadd.s32 s3, s2  }
0x8d: {  	s2 =	sadd.s32 s2, s17  }
0x8e: {  	[smem:$0x3FC4] =	sst s2  }
0x8f: {  	_ = 	snop  }
0x90: {  	s2 =	sld [smem:$0x3FD0];
	(tm) =	ssettm $0x1  }
0x91: {  	s18 =	sld [smem:$0x3FFB];
	_ =	sdelay $0x3  }
0x92: {  	_ =	strace s18  }
0x93: {  	s3 =	sld [smem:$0x3FFC];
	_ =	sdelay $0x3  }
0x94: {  	_ =	strace s3  }
0x95: {  	s3 =	sld [smem:$0x3FFD];
	_ =	sdelay $0x3  }
0x96: {  	_ =	strace s3  }
0x97: {  	_ =	strace $0x8FFFFFFF  }
0x98: {  	s19 =	sld [smem:$0x3FDB];
	_ =	sdelay $0x1  }
0x99: {  	s4 =	simm.s32 $_scs_section_size  }
0x9a: {  	s5 =	simm.s32 $_size__tile_overlayer_lowered;
	s6 =	simm.s32 $_tile_overlayer_lowered  }
0x9b: {  	s22 =	simm.s32 $0x1BFF;
	s21 =	sshll.u32 s6, $0x1;
	s3 =	sadd.s32 s4, s19  }
0x9c: {  	s7 =	simm.s32 $0x0;
	s20 =	sshll.u32 s5, $0x1;
	s5 =	sadd.s32 s21, s3  }
0x9d: {  	[timem:s7], [sflag:s22] =	dma.local [hbm:s5], s20  }
0x9e: {  	_ =	swait.ge [sflag:s22], s20  }
0x9f: {  	s4 =	ssub.s32 $0x0, s20;
	[sflag:s22] =	ssyncset.done $0x0  }
0xa0: {  	[sflag:s22] =	ssyncadd.s32 s4;
	_ =	sdelay $0x1  }
0xa1: {  	s23 =	simm.s32 $0x1B8B  }
0xa2: {  	_ =	swait.ge [sflag:s23], $0x1  }
0xa3: {  	[sflag:s23] =	ssyncset.done $0x0  }
0xa4: {  	s25 =	simm.s32 $0x1B8E;
	s24 =	sld [smem:$0x3FFE];
	[sflag:s23] =	ssyncadd.s32 $0xFFFFFFFF  }
0xa5: {  	s26 =	simm.s32 $execute0_lowered;
	[smem:$0x3FD2] =	sst s25  }
0xa6: {  	s5 =	sshll.u32 s26, $0x1;
	_ =	strace $0x80000046;
	[dreg:$0x1] =	wrdreg $0xFFFFFFFF  }
0xa7: {  	s28 =	simm.s32 $_size_execute0_lowered;
	s3 =	sadd.s32 s3, s5;
	[dreg:$0x0] =	wrdreg $0x0  }
0xa8: {  	s5 =	sshll.u32 s28, $0x1;
	[dreg:$0x2] =	wrdreg s3  }
0xa9: {  	[dreg:$0x3] =	wrdreg s5  }
0xaa: {  	[dreg:$0x4] =	wrdreg $0xC0  }
0xab: {  	_ =	task [dreg:s7], $0x5FFFF  }
0xac: {  	[dreg:$0x1] =	wrdreg $0xFFFFFFFF  }
0xad: {  	[dreg:$0x0] =	wrdreg $0x60  }
0xae: {  	[dreg:$0x2] =	wrdreg s24  }
0xaf: {  	[dreg:$0x3] =	wrdreg s2  }
0xb0: {  	[dreg:$0x4] =	wrdreg $0x6E800  }
0xb1: {  	[dreg:$0x5] =	wrdreg $0x9  }
0xb2: {  	_ =	task.clear_ibuf [dreg:s7], $0x6FFFF;
	_ =	strace $0x90000046  }
0xb3: {  	s29 =	simm.s32 $0x9;
	_ =	strace $0x80000048  }
0xb4: {  	_ =	swait.ge [sflag:s29], $0x1  }
0xb5: {  	[sflag:s29] =	ssyncadd.s32 $0xFFFFFFFF  }
0xb6: {  	_ =	strace $0x90000048  }
0xb7: {  	_ =	sfence  }
0xb8: {  	s30 =	sld [smem:$0x0];
	_ =	sdelay $0x2  }
0xb9: {  	s31 =	sshll.u32 s1, $0xD;
	s1 =	sshrl.u32 s1, $0x2  }
0xba: {  	s3 =	sand.u32 $0x4000, s31;
	s1 =	sadd.s32 s1, s30  }
0xbb: {  	s0 =	sor.u32 s3, s0;
	s1 =	sshll.u32 s1, $0x11  }
0xbc: {  	s0 =	sor.u32 s1, s0  }
0xbd: {  	s0 =	sadd.s32 $0x8F2B, s0  }
0xbe: {  	[sflag:s0] =	ssyncadd.remote.s32 $0x1  }
0xbf: {  	_ =	sfence.sel $0xFFFF  }
0xc0: {  	[dreg:$0x0] =	wrdreg $0xFFFFFFFF;
	(pc) =	sbr.abs _section_cstart, $3  }
0xc1: {  	[dreg:$0x1] =	wrdreg $0xFFFFFFFF  }
0xc2: {  	_ =	task.clear_ibuf [dreg:s7], $0x2FFFF;
	_ =	strace $0x9FFFFFFF  }
0xc3: {  	(tm) =	ssettm $0x7FFFFFFF  }
tec
execute0_lowered:
.L_overlay_start_1:
0x0: {  	(tag) =	ssettag $0x1  }
0x1: {  	s0 =	rddreg [dreg:$0x0]  }
0x2: {  	s1 =	rddreg [dreg:$0x1]  }
0x3: {  	s2 =	rddreg [dreg:$0x2]  }
0x4: {  	s3 =	simm.s32 $0x0;
	s10 =	stileid.u32;
	s4 =	srdreg.scid  }
0x5: {  	s13 =	simm.s32 $0x1;
	s14 =	simm.s32 $0x2;
	s15 =	simm.s32 $0x3  }
0x6: {  	s16 =	simm.s32 $0x200;
	s17 =	simm.s32 $0x6480;
	s18 =	simm.s32 $0x6680  }
0x7: {  	s20 =	simm.s32 $0x6880;
	s22 =	simm.s32 $0x6A80;
	s24 =	simm.s32 $0x6C80  }
0x8: {  	s28 =	simm.s32 $0x6420;
	s29 =	simm.s32 $0x6430;
	s30 =	simm.s32 $0x6440  }
0x9: {  	s31 =	simm.s32 $0x6450;
	s19 =	simm.s32 $0x4;
	s21 =	simm.s32 $0x5  }
0xa: {  	s23 =	simm.s32 $0x6;
	s5 =	smul.u32 $0x7C00, s10;
	s4 =	sand.u32 $0x1, s4  }
0xb: {  	s6 =	sshll.u32 s10, $0x1;
	[smem:$0x7FF] =	sst s3;
	s11 =	sshll.u32 s10, $0x6  }
0xc: {  	s6 =	sor.u32 s4, s6;
	s4 =	ssub.s32 $0x2, s4;
	_ =	strace $0x80000047  }
0xd: {  	s26 =	sor.u32 $0x1C01, s11;
	s11 =	sor.u32 $0x1C02, s11;
	s7 =	sshrl.u32 s5, $0x3  }
0xe: {  	s8 =	smul.u32 $0xC80, s6;
	s9 =	sshrl.u32 s4, $0x1;
	s5 =	sadd.s32 s5, s2  }
0xf: {  	[dreg:$0x5] =	wrdreg s26;
	s6 =	sshll.u32 s6, $0x4;
	s26 =	simm.s32 $0x6410  }
0x10: {  	s7 =	sadd.s32 s7, s0;
	s4 =	ssub.s32 s4, s9;
	s12 =	sadd.s32 $0x7C000, s5  }
0x11: {  	s10 =	sshrl.u32 s5, $0x3;
	s0 =	sadd.s32 s8, s0;
	s25 =	sadd.s32 $0x19E00, s7  }
0x12: {  	s7 =	sadd.s32 $0x29600, s7;
	s8 =	sadd.s32 s1, s6;
	s9 =	smax.u32 s4, $0x1  }
0x13: {  	s12 =	sshrl.u32 s12, $0x3;
	s1 =	simm.s32 $0x6470;
	[dreg:$0x4] =	wrdreg s25  }
0x14: {  	s4 =	simm.s32 $0x0;
	[dreg:$0x6] =	wrdreg s7;
	s0 =	sadd.s32 $0xE00, s0  }
0x15: {  	v0 =	vimm.f32 $0.0e+00;
	s25 =	simm.s32 $0x6400;
	[dreg:$0x7] =	wrdreg s0;
	s0 =	simm.s32 $0x6460  }
.LBB2_1:
0x16: {  	s5 =	rddreg [dreg:$0x4]  }
0x17: {  	s6 =	rddreg [dreg:$0x5]  }
0x18: {  	[spmem:s10], [sflag:s6] =	dma.local [hbm:s5], $0xF80  }
0x19: {  	s5 =	rddreg [dreg:$0x6]  }
0x1a: {  	[spmem:s12], [sflag:s11] =	dma.local [hbm:s5], $0xF80  }
0x1b: {  	s5 =	rddreg [dreg:$0x7]  }
0x1c: {  	[tilespmem:s3], [sflag:$0x3] =	stream.linear.gather [hbm4b:s5+s3], $0x6400, $0x38;
	[tilespmem:$0x16680] =	vst v63  }
0x1d: {  	_ =	swait.ge [sflag:s13], $0xF80  }
0x1e: {  	[sflag:s13] =	ssyncset.done $0x0  }
0x1f: {  	[sflag:s13] =	ssyncadd.s32 $0xFFFFF080  }
0x20: {  	_ =	swait.ge [sflag:s14], $0xF80  }
0x21: {  	[sflag:s14] =	ssyncset.done $0x0  }
0x22: {  	[sflag:s14] =	ssyncadd.s32 $0xFFFFF080  }
0x23: {  	_ =	swait.ge [sflag:s15], $0x6400  }
0x24: {  	[sflag:s15] =	ssyncset.done $0x0  }
0x25: {  	[sflag:s15] =	ssyncadd.s32 $0xFFFF9C00  }
0x26: {  	[bflag:$0x0] =	sbarrier.arrive $0xFFFF  }
0x27: {  	[tilespmem:$0x6400] =	vst v0  }
0x28: {  	[tilespmem:$0x6410] =	vst v0  }
0x29: {  	[tilespmem:$0x6420] =	vst v0  }
0x2a: {  	[tilespmem:$0x6430] =	vst v0  }
0x2b: {  	[tilespmem:$0x6440] =	vst v0  }
0x2c: {  	[tilespmem:$0x6450] =	vst v0  }
0x2d: {  	[tilespmem:$0x6460] =	vst v0  }
0x2e: {  	[tilespmem:$0x6470] =	vst v0  }
0x2f: {  	[tilespmem:s17], [sflag:$0x1] =	stream.indirect.gather [spmem:s2], $0x1, s3, s16, $0xb8;
	[tilespmem:$0x16680] =	vst v63  }
0x30: {  	_ = 	snop  }
0x31: {  	[tilespmem:s18], [sflag:$0x2] =	stream.indirect.gather [spmem:s2], $0x1, s16, s16, $0xb8;
	[tilespmem:$0x16680] =	vst v63  }
0x32: {  	s7 =	simm.s32 $0x400  }
0x33: {  	[tilespmem:s20], [sflag:$0x3] =	stream.indirect.gather [spmem:s2], $0x1, s7, s16, $0xb8;
	[tilespmem:$0x16680] =	vst v63  }
0x34: {  	s6 =	simm.s32 $0x600  }
0x35: {  	[tilespmem:s22], [sflag:$0x4] =	stream.indirect.gather [spmem:s2], $0x1, s6, s16, $0xb8;
	[tilespmem:$0x16680] =	vst v63  }
0x36: {  	s5 =	simm.s32 $0xFFFE9800;
	s7 =	simm.s32 $0x800  }
0x37: {  	[tilespmem:s24], [sflag:$0x5] =	stream.indirect.gather [spmem:s2], $0x1, s7, s16, $0xb8;
	[tilespmem:$0x16680] =	vst v63  }
.LBB2_2:
0x38: {  	_ =	swait.ge [sflag:s13], $0x200  }
0x39: {  	[sflag:s13] =	ssyncset.done $0x0  }
0x3a: {  	[sflag:s13] =	ssyncadd.s32 $0xFFFFFE00  }
0x3b: {  	v1 =	vld [tilespmem:$0x6480];
	_ =	sdelay $0x4  }
0x3c: {  	[tilespmem:s25+$0x0] =	vst.add.f32.msk $0xffff, v1  }
0x3d: {  	v1 =	vld [tilespmem:$0x6490];
	_ =	sdelay $0x4  }
0x3e: {  	[tilespmem:s26+$0x0] =	vst.add.f32.msk $0xffff, v1  }
0x3f: {  	v1 =	vld [tilespmem:$0x64A0];
	_ =	sdelay $0x4  }
0x40: {  	[tilespmem:s28+$0x0] =	vst.add.f32.msk $0xffff, v1  }
0x41: {  	v1 =	vld [tilespmem:$0x64B0];
	_ =	sdelay $0x4  }
0x42: {  	[tilespmem:s29+$0x0] =	vst.add.f32.msk $0xffff, v1  }
0x43: {  	v1 =	vld [tilespmem:$0x64C0];
	_ =	sdelay $0x4  }
0x44: {  	[tilespmem:s30+$0x0] =	vst.add.f32.msk $0xffff, v1  }
0x45: {  	v1 =	vld [tilespmem:$0x64D0];
	_ =	sdelay $0x4  }
0x46: {  	[tilespmem:s31+$0x0] =	vst.add.f32.msk $0xffff, v1  }
0x47: {  	v1 =	vld [tilespmem:$0x64E0];
	_ =	sdelay $0x4  }
0x48: {  	[tilespmem:s0+$0x0] =	vst.add.f32.msk $0xffff, v1  }
0x49: {  	v1 =	vld [tilespmem:$0x64F0];
	_ =	sdelay $0x4  }
0x4a: {  	[tilespmem:s1+$0x0] =	vst.add.f32.msk $0xffff, v1  }
0x4b: {  	v1 =	vld [tilespmem:$0x6500];
	_ =	sdelay $0x4  }
0x4c: {  	[tilespmem:s25+$0x0] =	vst.add.f32.msk $0xffff, v1  }
0x4d: {  	v1 =	vld [tilespmem:$0x6510];
	_ =	sdelay $0x4  }
0x4e: {  	[tilespmem:s26+$0x0] =	vst.add.f32.msk $0xffff, v1  }
0x4f: {  	v1 =	vld [tilespmem:$0x6520];
	_ =	sdelay $0x4  }
0x50: {  	[tilespmem:s28+$0x0] =	vst.add.f32.msk $0xffff, v1  }
0x51: {  	v1 =	vld [tilespmem:$0x6530];
	_ =	sdelay $0x4  }
0x52: {  	[tilespmem:s29+$0x0] =	vst.add.f32.msk $0xffff, v1  }
0x53: {  	v1 =	vld [tilespmem:$0x6540];
	_ =	sdelay $0x4  }
0x54: {  	[tilespmem:s30+$0x0] =	vst.add.f32.msk $0xffff, v1  }
0x55: {  	v1 =	vld [tilespmem:$0x6550];
	_ =	sdelay $0x4  }
0x56: {  	[tilespmem:s31+$0x0] =	vst.add.f32.msk $0xffff, v1  }
0x57: {  	v1 =	vld [tilespmem:$0x6560];
	_ =	sdelay $0x4  }
0x58: {  	[tilespmem:s0+$0x0] =	vst.add.f32.msk $0xffff, v1  }
0x59: {  	v1 =	vld [tilespmem:$0x6570];
	_ =	sdelay $0x4  }
0x5a: {  	[tilespmem:s1+$0x0] =	vst.add.f32.msk $0xffff, v1  }
0x5b: {  	v1 =	vld [tilespmem:$0x6580];
	_ =	sdelay $0x4  }
0x5c: {  	[tilespmem:s25+$0x0] =	vst.add.f32.msk $0xffff, v1  }
0x5d: {  	v1 =	vld [tilespmem:$0x6590];
	_ =	sdelay $0x4  }
0x5e: {  	[tilespmem:s26+$0x0] =	vst.add.f32.msk $0xffff, v1  }
0x5f: {  	v1 =	vld [tilespmem:$0x65A0];
	_ =	sdelay $0x4  }
0x60: {  	[tilespmem:s28+$0x0] =	vst.add.f32.msk $0xffff, v1  }
0x61: {  	v1 =	vld [tilespmem:$0x65B0];
	_ =	sdelay $0x4  }
0x62: {  	[tilespmem:s29+$0x0] =	vst.add.f32.msk $0xffff, v1  }
0x63: {  	v1 =	vld [tilespmem:$0x65C0];
	_ =	sdelay $0x4  }
0x64: {  	[tilespmem:s30+$0x0] =	vst.add.f32.msk $0xffff, v1  }
0x65: {  	v1 =	vld [tilespmem:$0x65D0];
	_ =	sdelay $0x4  }
0x66: {  	[tilespmem:s31+$0x0] =	vst.add.f32.msk $0xffff, v1  }
0x67: {  	v1 =	vld [tilespmem:$0x65E0];
	_ =	sdelay $0x4  }
0x68: {  	[tilespmem:s0+$0x0] =	vst.add.f32.msk $0xffff, v1  }
0x69: {  	v1 =	vld [tilespmem:$0x65F0];
	_ =	sdelay $0x4  }
0x6a: {  	[tilespmem:s1+$0x0] =	vst.add.f32.msk $0xffff, v1  }
0x6b: {  	v1 =	vld [tilespmem:$0x6600];
	_ =	sdelay $0x4  }
0x6c: {  	[tilespmem:s25+$0x0] =	vst.add.f32.msk $0xffff, v1  }
0x6d: {  	v1 =	vld [tilespmem:$0x6610];
	_ =	sdelay $0x4  }
0x6e: {  	[tilespmem:s26+$0x0] =	vst.add.f32.msk $0xffff, v1  }
0x6f: {  	v1 =	vld [tilespmem:$0x6620];
	_ =	sdelay $0x4  }
0x70: {  	[tilespmem:s28+$0x0] =	vst.add.f32.msk $0xffff, v1  }
0x71: {  	v1 =	vld [tilespmem:$0x6630];
	_ =	sdelay $0x4  }
0x72: {  	[tilespmem:s29+$0x0] =	vst.add.f32.msk $0xffff, v1  }
0x73: {  	v1 =	vld [tilespmem:$0x6640];
	_ =	sdelay $0x4  }
0x74: {  	[tilespmem:s30+$0x0] =	vst.add.f32.msk $0xffff, v1  }
0x75: {  	v1 =	vld [tilespmem:$0x6650];
	_ =	sdelay $0x4  }
0x76: {  	[tilespmem:s31+$0x0] =	vst.add.f32.msk $0xffff, v1  }
0x77: {  	v1 =	vld [tilespmem:$0x6660];
	_ =	sdelay $0x4  }
0x78: {  	[tilespmem:s0+$0x0] =	vst.add.f32.msk $0xffff, v1  }
0x79: {  	v1 =	vld [tilespmem:$0x6670];
	_ =	sdelay $0x3  }
0x7a: {  	s6 =	sshra.s32 s5, $0x2  }
0x7b: {  	s7 =	sadd.s32 $0x6400, s6;
	[tilespmem:s1+$0x0] =	vst.add.f32.msk $0xffff, v1  }
0x7c: {  	[tilespmem:s17], [sflag:$0x1] =	stream.indirect.gather [spmem:s2], $0x1, s7, s16, $0xb8;
	[tilespmem:$0x16680] =	vst v63  }
0x7d: {  	_ =	swait.ge [sflag:s14], $0x200  }
0x7e: {  	[sflag:s14] =	ssyncset.done $0x0  }
0x7f: {  	[sflag:s14] =	ssyncadd.s32 $0xFFFFFE00  }
0x80: {  	v1 =	vld [tilespmem:$0x6680];
	_ =	sdelay $0x4  }
0x81: {  	[tilespmem:s25+$0x0] =	vst.add.f32.msk $0xffff, v1  }
0x82: {  	v1 =	vld [tilespmem:$0x6690];
	_ =	sdelay $0x4  }
0x83: {  	[tilespmem:s26+$0x0] =	vst.add.f32.msk $0xffff, v1  }
0x84: {  	v1 =	vld [tilespmem:$0x66A0];
	_ =	sdelay $0x4  }
0x85: {  	[tilespmem:s28+$0x0] =	vst.add.f32.msk $0xffff, v1  }
0x86: {  	v1 =	vld [tilespmem:$0x66B0];
	_ =	sdelay $0x4  }
0x87: {  	[tilespmem:s29+$0x0] =	vst.add.f32.msk $0xffff, v1  }
0x88: {  	v1 =	vld [tilespmem:$0x66C0];
	_ =	sdelay $0x4  }
0x89: {  	[tilespmem:s30+$0x0] =	vst.add.f32.msk $0xffff, v1  }
0x8a: {  	v1 =	vld [tilespmem:$0x66D0];
	_ =	sdelay $0x4  }
0x8b: {  	[tilespmem:s31+$0x0] =	vst.add.f32.msk $0xffff, v1  }
0x8c: {  	v1 =	vld [tilespmem:$0x66E0];
	_ =	sdelay $0x4  }
0x8d: {  	[tilespmem:s0+$0x0] =	vst.add.f32.msk $0xffff, v1  }
0x8e: {  	v1 =	vld [tilespmem:$0x66F0];
	_ =	sdelay $0x4  }
0x8f: {  	[tilespmem:s1+$0x0] =	vst.add.f32.msk $0xffff, v1  }
0x90: {  	v1 =	vld [tilespmem:$0x6700];
	_ =	sdelay $0x4  }
0x91: {  	[tilespmem:s25+$0x0] =	vst.add.f32.msk $0xffff, v1  }
0x92: {  	v1 =	vld [tilespmem:$0x6710];
	_ =	sdelay $0x4  }
0x93: {  	[tilespmem:s26+$0x0] =	vst.add.f32.msk $0xffff, v1  }
0x94: {  	v1 =	vld [tilespmem:$0x6720];
	_ =	sdelay $0x4  }
0x95: {  	[tilespmem:s28+$0x0] =	vst.add.f32.msk $0xffff, v1  }
0x96: {  	v1 =	vld [tilespmem:$0x6730];
	_ =	sdelay $0x4  }
0x97: {  	[tilespmem:s29+$0x0] =	vst.add.f32.msk $0xffff, v1  }
0x98: {  	v1 =	vld [tilespmem:$0x6740];
	_ =	sdelay $0x4  }
0x99: {  	[tilespmem:s30+$0x0] =	vst.add.f32.msk $0xffff, v1  }
0x9a: {  	v1 =	vld [tilespmem:$0x6750];
	_ =	sdelay $0x4  }
0x9b: {  	[tilespmem:s31+$0x0] =	vst.add.f32.msk $0xffff, v1  }
0x9c: {  	v1 =	vld [tilespmem:$0x6760];
	_ =	sdelay $0x4  }
0x9d: {  	[tilespmem:s0+$0x0] =	vst.add.f32.msk $0xffff, v1  }
0x9e: {  	v1 =	vld [tilespmem:$0x6770];
	_ =	sdelay $0x4  }
0x9f: {  	[tilespmem:s1+$0x0] =	vst.add.f32.msk $0xffff, v1  }
0xa0: {  	v1 =	vld [tilespmem:$0x6780];
	_ =	sdelay $0x4  }
0xa1: {  	[tilespmem:s25+$0x0] =	vst.add.f32.msk $0xffff, v1  }
0xa2: {  	v1 =	vld [tilespmem:$0x6790];
	_ =	sdelay $0x4  }
0xa3: {  	[tilespmem:s26+$0x0] =	vst.add.f32.msk $0xffff, v1  }
0xa4: {  	v1 =	vld [tilespmem:$0x67A0];
	_ =	sdelay $0x4  }
0xa5: {  	[tilespmem:s28+$0x0] =	vst.add.f32.msk $0xffff, v1  }
0xa6: {  	v1 =	vld [tilespmem:$0x67B0];
	_ =	sdelay $0x4  }
0xa7: {  	[tilespmem:s29+$0x0] =	vst.add.f32.msk $0xffff, v1  }
0xa8: {  	v1 =	vld [tilespmem:$0x67C0];
	_ =	sdelay $0x4  }
0xa9: {  	[tilespmem:s30+$0x0] =	vst.add.f32.msk $0xffff, v1  }
0xaa: {  	v1 =	vld [tilespmem:$0x67D0];
	_ =	sdelay $0x4  }
0xab: {  	[tilespmem:s31+$0x0] =	vst.add.f32.msk $0xffff, v1  }
0xac: {  	v1 =	vld [tilespmem:$0x67E0];
	_ =	sdelay $0x4  }
0xad: {  	[tilespmem:s0+$0x0] =	vst.add.f32.msk $0xffff, v1  }
0xae: {  	v1 =	vld [tilespmem:$0x67F0];
	_ =	sdelay $0x4  }
0xaf: {  	[tilespmem:s1+$0x0] =	vst.add.f32.msk $0xffff, v1  }
0xb0: {  	v1 =	vld [tilespmem:$0x6800];
	_ =	sdelay $0x4  }
0xb1: {  	[tilespmem:s25+$0x0] =	vst.add.f32.msk $0xffff, v1  }
0xb2: {  	v1 =	vld [tilespmem:$0x6810];
	_ =	sdelay $0x4  }
0xb3: {  	[tilespmem:s26+$0x0] =	vst.add.f32.msk $0xffff, v1  }
0xb4: {  	v1 =	vld [tilespmem:$0x6820];
	_ =	sdelay $0x4  }
0xb5: {  	[tilespmem:s28+$0x0] =	vst.add.f32.msk $0xffff, v1  }
0xb6: {  	v1 =	vld [tilespmem:$0x6830];
	_ =	sdelay $0x4  }
0xb7: {  	[tilespmem:s29+$0x0] =	vst.add.f32.msk $0xffff, v1  }
0xb8: {  	v1 =	vld [tilespmem:$0x6840];
	_ =	sdelay $0x4  }
0xb9: {  	[tilespmem:s30+$0x0] =	vst.add.f32.msk $0xffff, v1  }
0xba: {  	v1 =	vld [tilespmem:$0x6850];
	_ =	sdelay $0x4  }
0xbb: {  	[tilespmem:s31+$0x0] =	vst.add.f32.msk $0xffff, v1  }
0xbc: {  	v1 =	vld [tilespmem:$0x6860];
	_ =	sdelay $0x4  }
0xbd: {  	[tilespmem:s0+$0x0] =	vst.add.f32.msk $0xffff, v1  }
0xbe: {  	v1 =	vld [tilespmem:$0x6870];
	_ =	sdelay $0x4  }
0xbf: {  	s7 =	sadd.s32 $0x6600, s6;
	[tilespmem:s1+$0x0] =	vst.add.f32.msk $0xffff, v1  }
0xc0: {  	[tilespmem:s18], [sflag:$0x2] =	stream.indirect.gather [spmem:s2], $0x1, s7, s16, $0xb8;
	[tilespmem:$0x16680] =	vst v63  }
0xc1: {  	_ =	swait.ge [sflag:s15], $0x200  }
0xc2: {  	[sflag:s15] =	ssyncset.done $0x0  }
0xc3: {  	[sflag:s15] =	ssyncadd.s32 $0xFFFFFE00  }
0xc4: {  	v1 =	vld [tilespmem:$0x6880];
	_ =	sdelay $0x4  }
0xc5: {  	[tilespmem:s25+$0x0] =	vst.add.f32.msk $0xffff, v1  }
0xc6: {  	v1 =	vld [tilespmem:$0x6890];
	_ =	sdelay $0x4  }
0xc7: {  	[tilespmem:s26+$0x0] =	vst.add.f32.msk $0xffff, v1  }
0xc8: {  	v1 =	vld [tilespmem:$0x68A0];
	_ =	sdelay $0x4  }
0xc9: {  	[tilespmem:s28+$0x0] =	vst.add.f32.msk $0xffff, v1  }
0xca: {  	v1 =	vld [tilespmem:$0x68B0];
	_ =	sdelay $0x4  }
0xcb: {  	[tilespmem:s29+$0x0] =	vst.add.f32.msk $0xffff, v1  }
0xcc: {  	v1 =	vld [tilespmem:$0x68C0];
	_ =	sdelay $0x4  }
0xcd: {  	[tilespmem:s30+$0x0] =	vst.add.f32.msk $0xffff, v1  }
0xce: {  	v1 =	vld [tilespmem:$0x68D0];
	_ =	sdelay $0x4  }
0xcf: {  	[tilespmem:s31+$0x0] =	vst.add.f32.msk $0xffff, v1  }
0xd0: {  	v1 =	vld [tilespmem:$0x68E0];
	_ =	sdelay $0x4  }
0xd1: {  	[tilespmem:s0+$0x0] =	vst.add.f32.msk $0xffff, v1  }
0xd2: {  	v1 =	vld [tilespmem:$0x68F0];
	_ =	sdelay $0x4  }
0xd3: {  	[tilespmem:s1+$0x0] =	vst.add.f32.msk $0xffff, v1  }
0xd4: {  	v1 =	vld [tilespmem:$0x6900];
	_ =	sdelay $0x4  }
0xd5: {  	[tilespmem:s25+$0x0] =	vst.add.f32.msk $0xffff, v1  }
0xd6: {  	v1 =	vld [tilespmem:$0x6910];
	_ =	sdelay $0x4  }
0xd7: {  	[tilespmem:s26+$0x0] =	vst.add.f32.msk $0xffff, v1  }
0xd8: {  	v1 =	vld [tilespmem:$0x6920];
	_ =	sdelay $0x4  }
0xd9: {  	[tilespmem:s28+$0x0] =	vst.add.f32.msk $0xffff, v1  }
0xda: {  	v1 =	vld [tilespmem:$0x6930];
	_ =	sdelay $0x4  }
0xdb: {  	[tilespmem:s29+$0x0] =	vst.add.f32.msk $0xffff, v1  }
0xdc: {  	v1 =	vld [tilespmem:$0x6940];
	_ =	sdelay $0x4  }
0xdd: {  	[tilespmem:s30+$0x0] =	vst.add.f32.msk $0xffff, v1  }
0xde: {  	v1 =	vld [tilespmem:$0x6950];
	_ =	sdelay $0x4  }
0xdf: {  	[tilespmem:s31+$0x0] =	vst.add.f32.msk $0xffff, v1  }
0xe0: {  	v1 =	vld [tilespmem:$0x6960];
	_ =	sdelay $0x4  }
0xe1: {  	[tilespmem:s0+$0x0] =	vst.add.f32.msk $0xffff, v1  }
0xe2: {  	v1 =	vld [tilespmem:$0x6970];
	_ =	sdelay $0x4  }
0xe3: {  	[tilespmem:s1+$0x0] =	vst.add.f32.msk $0xffff, v1  }
0xe4: {  	v1 =	vld [tilespmem:$0x6980];
	_ =	sdelay $0x4  }
0xe5: {  	[tilespmem:s25+$0x0] =	vst.add.f32.msk $0xffff, v1  }
0xe6: {  	v1 =	vld [tilespmem:$0x6990];
	_ =	sdelay $0x4  }
0xe7: {  	[tilespmem:s26+$0x0] =	vst.add.f32.msk $0xffff, v1  }
0xe8: {  	v1 =	vld [tilespmem:$0x69A0];
	_ =	sdelay $0x4  }
0xe9: {  	[tilespmem:s28+$0x0] =	vst.add.f32.msk $0xffff, v1  }
0xea: {  	v1 =	vld [tilespmem:$0x69B0];
	_ =	sdelay $0x4  }
0xeb: {  	[tilespmem:s29+$0x0] =	vst.add.f32.msk $0xffff, v1  }
0xec: {  	v1 =	vld [tilespmem:$0x69C0];
	_ =	sdelay $0x4  }
0xed: {  	[tilespmem:s30+$0x0] =	vst.add.f32.msk $0xffff, v1  }
0xee: {  	v1 =	vld [tilespmem:$0x69D0];
	_ =	sdelay $0x4  }
0xef: {  	[tilespmem:s31+$0x0] =	vst.add.f32.msk $0xffff, v1  }
0xf0: {  	v1 =	vld [tilespmem:$0x69E0];
	_ =	sdelay $0x4  }
0xf1: {  	[tilespmem:s0+$0x0] =	vst.add.f32.msk $0xffff, v1  }
0xf2: {  	v1 =	vld [tilespmem:$0x69F0];
	_ =	sdelay $0x4  }
0xf3: {  	[tilespmem:s1+$0x0] =	vst.add.f32.msk $0xffff, v1  }
0xf4: {  	v1 =	vld [tilespmem:$0x6A00];
	_ =	sdelay $0x4  }
0xf5: {  	[tilespmem:s25+$0x0] =	vst.add.f32.msk $0xffff, v1  }
0xf6: {  	v1 =	vld [tilespmem:$0x6A10];
	_ =	sdelay $0x4  }
0xf7: {  	[tilespmem:s26+$0x0] =	vst.add.f32.msk $0xffff, v1  }
0xf8: {  	v1 =	vld [tilespmem:$0x6A20];
	_ =	sdelay $0x4  }
0xf9: {  	[tilespmem:s28+$0x0] =	vst.add.f32.msk $0xffff, v1  }
0xfa: {  	v1 =	vld [tilespmem:$0x6A30];
	_ =	sdelay $0x4  }
0xfb: {  	[tilespmem:s29+$0x0] =	vst.add.f32.msk $0xffff, v1  }
0xfc: {  	v1 =	vld [tilespmem:$0x6A40];
	_ =	sdelay $0x4  }
0xfd: {  	[tilespmem:s30+$0x0] =	vst.add.f32.msk $0xffff, v1  }
0xfe: {  	v1 =	vld [tilespmem:$0x6A50];
	_ =	sdelay $0x4  }
0xff: {  	[tilespmem:s31+$0x0] =	vst.add.f32.msk $0xffff, v1  }
0x100: {  	v1 =	vld [tilespmem:$0x6A60];
	_ =	sdelay $0x4  }
0x101: {  	[tilespmem:s0+$0x0] =	vst.add.f32.msk $0xffff, v1  }
0x102: {  	v1 =	vld [tilespmem:$0x6A70];
	_ =	sdelay $0x4  }
0x103: {  	s7 =	sadd.s32 $0x6800, s6;
	[tilespmem:s1+$0x0] =	vst.add.f32.msk $0xffff, v1  }
0x104: {  	[tilespmem:s20], [sflag:$0x3] =	stream.indirect.gather [spmem:s2], $0x1, s7, s16, $0xb8;
	[tilespmem:$0x16680] =	vst v63  }
0x105: {  	_ =	swait.ge [sflag:s19], $0x200  }
0x106: {  	[sflag:s19] =	ssyncset.done $0x0  }
0x107: {  	[sflag:s19] =	ssyncadd.s32 $0xFFFFFE00  }
0x108: {  	v1 =	vld [tilespmem:$0x6A80];
	_ =	sdelay $0x4  }
0x109: {  	[tilespmem:s25+$0x0] =	vst.add.f32.msk $0xffff, v1  }
0x10a: {  	v1 =	vld [tilespmem:$0x6A90];
	_ =	sdelay $0x4  }
0x10b: {  	[tilespmem:s26+$0x0] =	vst.add.f32.msk $0xffff, v1  }
0x10c: {  	v1 =	vld [tilespmem:$0x6AA0];
	_ =	sdelay $0x4  }
0x10d: {  	[tilespmem:s28+$0x0] =	vst.add.f32.msk $0xffff, v1  }
0x10e: {  	v1 =	vld [tilespmem:$0x6AB0];
	_ =	sdelay $0x4  }
0x10f: {  	[tilespmem:s29+$0x0] =	vst.add.f32.msk $0xffff, v1  }
0x110: {  	v1 =	vld [tilespmem:$0x6AC0];
	_ =	sdelay $0x4  }
0x111: {  	[tilespmem:s30+$0x0] =	vst.add.f32.msk $0xffff, v1  }
0x112: {  	v1 =	vld [tilespmem:$0x6AD0];
	_ =	sdelay $0x4  }
0x113: {  	[tilespmem:s31+$0x0] =	vst.add.f32.msk $0xffff, v1  }
0x114: {  	v1 =	vld [tilespmem:$0x6AE0];
	_ =	sdelay $0x4  }
0x115: {  	[tilespmem:s0+$0x0] =	vst.add.f32.msk $0xffff, v1  }
0x116: {  	v1 =	vld [tilespmem:$0x6AF0];
	_ =	sdelay $0x4  }
0x117: {  	[tilespmem:s1+$0x0] =	vst.add.f32.msk $0xffff, v1  }
0x118: {  	v1 =	vld [tilespmem:$0x6B00];
	_ =	sdelay $0x4  }
0x119: {  	[tilespmem:s25+$0x0] =	vst.add.f32.msk $0xffff, v1  }
0x11a: {  	v1 =	vld [tilespmem:$0x6B10];
	_ =	sdelay $0x4  }
0x11b: {  	[tilespmem:s26+$0x0] =	vst.add.f32.msk $0xffff, v1  }
0x11c: {  	v1 =	vld [tilespmem:$0x6B20];
	_ =	sdelay $0x4  }
0x11d: {  	[tilespmem:s28+$0x0] =	vst.add.f32.msk $0xffff, v1  }
0x11e: {  	v1 =	vld [tilespmem:$0x6B30];
	_ =	sdelay $0x4  }
0x11f: {  	[tilespmem:s29+$0x0] =	vst.add.f32.msk $0xffff, v1  }
0x120: {  	v1 =	vld [tilespmem:$0x6B40];
	_ =	sdelay $0x4  }
0x121: {  	[tilespmem:s30+$0x0] =	vst.add.f32.msk $0xffff, v1  }
0x122: {  	v1 =	vld [tilespmem:$0x6B50];
	_ =	sdelay $0x4  }
0x123: {  	[tilespmem:s31+$0x0] =	vst.add.f32.msk $0xffff, v1  }
0x124: {  	v1 =	vld [tilespmem:$0x6B60];
	_ =	sdelay $0x4  }
0x125: {  	[tilespmem:s0+$0x0] =	vst.add.f32.msk $0xffff, v1  }
0x126: {  	v1 =	vld [tilespmem:$0x6B70];
	_ =	sdelay $0x4  }
0x127: {  	[tilespmem:s1+$0x0] =	vst.add.f32.msk $0xffff, v1  }
0x128: {  	v1 =	vld [tilespmem:$0x6B80];
	_ =	sdelay $0x4  }
0x129: {  	[tilespmem:s25+$0x0] =	vst.add.f32.msk $0xffff, v1  }
0x12a: {  	v1 =	vld [tilespmem:$0x6B90];
	_ =	sdelay $0x4  }
0x12b: {  	[tilespmem:s26+$0x0] =	vst.add.f32.msk $0xffff, v1  }
0x12c: {  	v1 =	vld [tilespmem:$0x6BA0];
	_ =	sdelay $0x4  }
0x12d: {  	[tilespmem:s28+$0x0] =	vst.add.f32.msk $0xffff, v1  }
0x12e: {  	v1 =	vld [tilespmem:$0x6BB0];
	_ =	sdelay $0x4  }
0x12f: {  	[tilespmem:s29+$0x0] =	vst.add.f32.msk $0xffff, v1  }
0x130: {  	v1 =	vld [tilespmem:$0x6BC0];
	_ =	sdelay $0x4  }
0x131: {  	[tilespmem:s30+$0x0] =	vst.add.f32.msk $0xffff, v1  }
0x132: {  	v1 =	vld [tilespmem:$0x6BD0];
	_ =	sdelay $0x4  }
0x133: {  	[tilespmem:s31+$0x0] =	vst.add.f32.msk $0xffff, v1  }
0x134: {  	v1 =	vld [tilespmem:$0x6BE0];
	_ =	sdelay $0x4  }
0x135: {  	[tilespmem:s0+$0x0] =	vst.add.f32.msk $0xffff, v1  }
0x136: {  	v1 =	vld [tilespmem:$0x6BF0];
	_ =	sdelay $0x4  }
0x137: {  	[tilespmem:s1+$0x0] =	vst.add.f32.msk $0xffff, v1  }
0x138: {  	v1 =	vld [tilespmem:$0x6C00];
	_ =	sdelay $0x4  }
0x139: {  	[tilespmem:s25+$0x0] =	vst.add.f32.msk $0xffff, v1  }
0x13a: {  	v1 =	vld [tilespmem:$0x6C10];
	_ =	sdelay $0x4  }
0x13b: {  	[tilespmem:s26+$0x0] =	vst.add.f32.msk $0xffff, v1  }
0x13c: {  	v1 =	vld [tilespmem:$0x6C20];
	_ =	sdelay $0x4  }
0x13d: {  	[tilespmem:s28+$0x0] =	vst.add.f32.msk $0xffff, v1  }
0x13e: {  	v1 =	vld [tilespmem:$0x6C30];
	_ =	sdelay $0x4  }
0x13f: {  	[tilespmem:s29+$0x0] =	vst.add.f32.msk $0xffff, v1  }
0x140: {  	v1 =	vld [tilespmem:$0x6C40];
	_ =	sdelay $0x4  }
0x141: {  	[tilespmem:s30+$0x0] =	vst.add.f32.msk $0xffff, v1  }
0x142: {  	v1 =	vld [tilespmem:$0x6C50];
	_ =	sdelay $0x4  }
0x143: {  	[tilespmem:s31+$0x0] =	vst.add.f32.msk $0xffff, v1  }
0x144: {  	v1 =	vld [tilespmem:$0x6C60];
	_ =	sdelay $0x4  }
0x145: {  	[tilespmem:s0+$0x0] =	vst.add.f32.msk $0xffff, v1  }
0x146: {  	v1 =	vld [tilespmem:$0x6C70];
	_ =	sdelay $0x4  }
0x147: {  	s7 =	sadd.s32 $0x6A00, s6;
	[tilespmem:s1+$0x0] =	vst.add.f32.msk $0xffff, v1  }
0x148: {  	[tilespmem:s22], [sflag:$0x4] =	stream.indirect.gather [spmem:s2], $0x1, s7, s16, $0xb8;
	[tilespmem:$0x16680] =	vst v63  }
0x149: {  	_ =	swait.ge [sflag:s21], $0x200  }
0x14a: {  	[sflag:s21] =	ssyncset.done $0x0  }
0x14b: {  	[sflag:s21] =	ssyncadd.s32 $0xFFFFFE00  }
0x14c: {  	v1 =	vld [tilespmem:$0x6C80];
	_ =	sdelay $0x4  }
0x14d: {  	[tilespmem:s25+$0x0] =	vst.add.f32.msk $0xffff, v1  }
0x14e: {  	v1 =	vld [tilespmem:$0x6C90];
	_ =	sdelay $0x4  }
0x14f: {  	[tilespmem:s26+$0x0] =	vst.add.f32.msk $0xffff, v1  }
0x150: {  	v1 =	vld [tilespmem:$0x6CA0];
	_ =	sdelay $0x4  }
0x151: {  	[tilespmem:s28+$0x0] =	vst.add.f32.msk $0xffff, v1  }
0x152: {  	v1 =	vld [tilespmem:$0x6CB0];
	_ =	sdelay $0x4  }
0x153: {  	[tilespmem:s29+$0x0] =	vst.add.f32.msk $0xffff, v1  }
0x154: {  	v1 =	vld [tilespmem:$0x6CC0];
	_ =	sdelay $0x4  }
0x155: {  	[tilespmem:s30+$0x0] =	vst.add.f32.msk $0xffff, v1  }
0x156: {  	v1 =	vld [tilespmem:$0x6CD0];
	_ =	sdelay $0x4  }
0x157: {  	[tilespmem:s31+$0x0] =	vst.add.f32.msk $0xffff, v1  }
0x158: {  	v1 =	vld [tilespmem:$0x6CE0];
	_ =	sdelay $0x4  }
0x159: {  	[tilespmem:s0+$0x0] =	vst.add.f32.msk $0xffff, v1  }
0x15a: {  	v1 =	vld [tilespmem:$0x6CF0];
	_ =	sdelay $0x4  }
0x15b: {  	[tilespmem:s1+$0x0] =	vst.add.f32.msk $0xffff, v1  }
0x15c: {  	v1 =	vld [tilespmem:$0x6D00];
	_ =	sdelay $0x4  }
0x15d: {  	[tilespmem:s25+$0x0] =	vst.add.f32.msk $0xffff, v1  }
0x15e: {  	v1 =	vld [tilespmem:$0x6D10];
	_ =	sdelay $0x4  }
0x15f: {  	[tilespmem:s26+$0x0] =	vst.add.f32.msk $0xffff, v1  }
0x160: {  	v1 =	vld [tilespmem:$0x6D20];
	_ =	sdelay $0x4  }
0x161: {  	[tilespmem:s28+$0x0] =	vst.add.f32.msk $0xffff, v1  }
0x162: {  	v1 =	vld [tilespmem:$0x6D30];
	_ =	sdelay $0x4  }
0x163: {  	[tilespmem:s29+$0x0] =	vst.add.f32.msk $0xffff, v1  }
0x164: {  	v1 =	vld [tilespmem:$0x6D40];
	_ =	sdelay $0x4  }
0x165: {  	[tilespmem:s30+$0x0] =	vst.add.f32.msk $0xffff, v1  }
0x166: {  	v1 =	vld [tilespmem:$0x6D50];
	_ =	sdelay $0x4  }
0x167: {  	[tilespmem:s31+$0x0] =	vst.add.f32.msk $0xffff, v1  }
0x168: {  	v1 =	vld [tilespmem:$0x6D60];
	_ =	sdelay $0x4  }
0x169: {  	[tilespmem:s0+$0x0] =	vst.add.f32.msk $0xffff, v1  }
0x16a: {  	v1 =	vld [tilespmem:$0x6D70];
	_ =	sdelay $0x4  }
0x16b: {  	[tilespmem:s1+$0x0] =	vst.add.f32.msk $0xffff, v1  }
0x16c: {  	v1 =	vld [tilespmem:$0x6D80];
	_ =	sdelay $0x4  }
0x16d: {  	[tilespmem:s25+$0x0] =	vst.add.f32.msk $0xffff, v1  }
0x16e: {  	v1 =	vld [tilespmem:$0x6D90];
	_ =	sdelay $0x4  }
0x16f: {  	[tilespmem:s26+$0x0] =	vst.add.f32.msk $0xffff, v1  }
0x170: {  	v1 =	vld [tilespmem:$0x6DA0];
	_ =	sdelay $0x4  }
0x171: {  	[tilespmem:s28+$0x0] =	vst.add.f32.msk $0xffff, v1  }
0x172: {  	v1 =	vld [tilespmem:$0x6DB0];
	_ =	sdelay $0x4  }
0x173: {  	[tilespmem:s29+$0x0] =	vst.add.f32.msk $0xffff, v1  }
0x174: {  	v1 =	vld [tilespmem:$0x6DC0];
	_ =	sdelay $0x4  }
0x175: {  	[tilespmem:s30+$0x0] =	vst.add.f32.msk $0xffff, v1  }
0x176: {  	v1 =	vld [tilespmem:$0x6DD0];
	_ =	sdelay $0x4  }
0x177: {  	[tilespmem:s31+$0x0] =	vst.add.f32.msk $0xffff, v1  }
0x178: {  	v1 =	vld [tilespmem:$0x6DE0];
	_ =	sdelay $0x4  }
0x179: {  	[tilespmem:s0+$0x0] =	vst.add.f32.msk $0xffff, v1  }
0x17a: {  	v1 =	vld [tilespmem:$0x6DF0];
	_ =	sdelay $0x4  }
0x17b: {  	[tilespmem:s1+$0x0] =	vst.add.f32.msk $0xffff, v1  }
0x17c: {  	v1 =	vld [tilespmem:$0x6E00];
	_ =	sdelay $0x4  }
0x17d: {  	[tilespmem:s25+$0x0] =	vst.add.f32.msk $0xffff, v1  }
0x17e: {  	v1 =	vld [tilespmem:$0x6E10];
	_ =	sdelay $0x4  }
0x17f: {  	[tilespmem:s26+$0x0] =	vst.add.f32.msk $0xffff, v1  }
0x180: {  	v1 =	vld [tilespmem:$0x6E20];
	_ =	sdelay $0x4  }
0x181: {  	[tilespmem:s28+$0x0] =	vst.add.f32.msk $0xffff, v1  }
0x182: {  	v1 =	vld [tilespmem:$0x6E30];
	_ =	sdelay $0x4  }
0x183: {  	[tilespmem:s29+$0x0] =	vst.add.f32.msk $0xffff, v1  }
0x184: {  	v1 =	vld [tilespmem:$0x6E40];
	_ =	sdelay $0x4  }
0x185: {  	[tilespmem:s30+$0x0] =	vst.add.f32.msk $0xffff, v1  }
0x186: {  	v1 =	vld [tilespmem:$0x6E50];
	_ =	sdelay $0x4  }
0x187: {  	[tilespmem:s31+$0x0] =	vst.add.f32.msk $0xffff, v1  }
0x188: {  	v1 =	vld [tilespmem:$0x6E60];
	_ =	sdelay $0x4  }
0x189: {  	[tilespmem:s0+$0x0] =	vst.add.f32.msk $0xffff, v1  }
0x18a: {  	v1 =	vld [tilespmem:$0x6E70]  }
0x18b: {  	p0 =	sne.s32 s5, $0xFFFFD800  }
.Ltmp0:
0x18c: {  	_ = 	snop;
	(pc) =	sbr.rel @p0 .LBB2_2-.Ltmp0, $3  }
0x18d: {  	_ =	sdelay $0x1  }
0x18e: {  	s5 =	sadd.s32 $0x2800, s5;
	s6 =	sadd.s32 $0x6C00, s6;
	[tilespmem:s1+$0x0] =	vst.add.f32.msk $0xffff, v1  }
0x18f: {  	[tilespmem:s24], [sflag:$0x5] =	stream.indirect.gather [spmem:s2], $0x1, s6, s16, $0xb8;
	[tilespmem:$0x16680] =	vst v63  }
0x190: {  	_ =	swait.ge [sflag:s13], $0x200  }
0x191: {  	[sflag:s13] =	ssyncset.done $0x0  }
0x192: {  	[sflag:s13] =	ssyncadd.s32 $0xFFFFFE00  }
0x193: {  	v1 =	vld [tilespmem:$0x6480];
	_ =	sdelay $0x4  }
0x194: {  	[tilespmem:s25+$0x0] =	vst.add.f32.msk $0xffff, v1  }
0x195: {  	v1 =	vld [tilespmem:$0x6490];
	_ =	sdelay $0x4  }
0x196: {  	[tilespmem:s26+$0x0] =	vst.add.f32.msk $0xffff, v1  }
0x197: {  	v1 =	vld [tilespmem:$0x64A0];
	_ =	sdelay $0x4  }
0x198: {  	[tilespmem:s28+$0x0] =	vst.add.f32.msk $0xffff, v1  }
0x199: {  	v1 =	vld [tilespmem:$0x64B0];
	_ =	sdelay $0x4  }
0x19a: {  	[tilespmem:s29+$0x0] =	vst.add.f32.msk $0xffff, v1  }
0x19b: {  	v1 =	vld [tilespmem:$0x64C0];
	_ =	sdelay $0x4  }
0x19c: {  	[tilespmem:s30+$0x0] =	vst.add.f32.msk $0xffff, v1  }
0x19d: {  	v1 =	vld [tilespmem:$0x64D0];
	_ =	sdelay $0x4  }
0x19e: {  	[tilespmem:s31+$0x0] =	vst.add.f32.msk $0xffff, v1  }
0x19f: {  	v1 =	vld [tilespmem:$0x64E0];
	_ =	sdelay $0x4  }
0x1a0: {  	[tilespmem:s0+$0x0] =	vst.add.f32.msk $0xffff, v1  }
0x1a1: {  	v1 =	vld [tilespmem:$0x64F0];
	_ =	sdelay $0x4  }
0x1a2: {  	[tilespmem:s1+$0x0] =	vst.add.f32.msk $0xffff, v1  }
0x1a3: {  	v1 =	vld [tilespmem:$0x6500];
	_ =	sdelay $0x4  }
0x1a4: {  	[tilespmem:s25+$0x0] =	vst.add.f32.msk $0xffff, v1  }
0x1a5: {  	v1 =	vld [tilespmem:$0x6510];
	_ =	sdelay $0x4  }
0x1a6: {  	[tilespmem:s26+$0x0] =	vst.add.f32.msk $0xffff, v1  }
0x1a7: {  	v1 =	vld [tilespmem:$0x6520];
	_ =	sdelay $0x4  }
0x1a8: {  	[tilespmem:s28+$0x0] =	vst.add.f32.msk $0xffff, v1  }
0x1a9: {  	v1 =	vld [tilespmem:$0x6530];
	_ =	sdelay $0x4  }
0x1aa: {  	[tilespmem:s29+$0x0] =	vst.add.f32.msk $0xffff, v1  }
0x1ab: {  	v1 =	vld [tilespmem:$0x6540];
	_ =	sdelay $0x4  }
0x1ac: {  	[tilespmem:s30+$0x0] =	vst.add.f32.msk $0xffff, v1  }
0x1ad: {  	v1 =	vld [tilespmem:$0x6550];
	_ =	sdelay $0x4  }
0x1ae: {  	[tilespmem:s31+$0x0] =	vst.add.f32.msk $0xffff, v1  }
0x1af: {  	v1 =	vld [tilespmem:$0x6560];
	_ =	sdelay $0x4  }
0x1b0: {  	[tilespmem:s0+$0x0] =	vst.add.f32.msk $0xffff, v1  }
0x1b1: {  	v1 =	vld [tilespmem:$0x6570];
	_ =	sdelay $0x4  }
0x1b2: {  	[tilespmem:s1+$0x0] =	vst.add.f32.msk $0xffff, v1  }
0x1b3: {  	v1 =	vld [tilespmem:$0x6580];
	_ =	sdelay $0x4  }
0x1b4: {  	[tilespmem:s25+$0x0] =	vst.add.f32.msk $0xffff, v1  }
0x1b5: {  	v1 =	vld [tilespmem:$0x6590];
	_ =	sdelay $0x4  }
0x1b6: {  	[tilespmem:s26+$0x0] =	vst.add.f32.msk $0xffff, v1  }
0x1b7: {  	v1 =	vld [tilespmem:$0x65A0];
	_ =	sdelay $0x4  }
0x1b8: {  	[tilespmem:s28+$0x0] =	vst.add.f32.msk $0xffff, v1  }
0x1b9: {  	v1 =	vld [tilespmem:$0x65B0];
	_ =	sdelay $0x4  }
0x1ba: {  	[tilespmem:s29+$0x0] =	vst.add.f32.msk $0xffff, v1  }
0x1bb: {  	v1 =	vld [tilespmem:$0x65C0];
	_ =	sdelay $0x4  }
0x1bc: {  	[tilespmem:s30+$0x0] =	vst.add.f32.msk $0xffff, v1  }
0x1bd: {  	v1 =	vld [tilespmem:$0x65D0];
	_ =	sdelay $0x4  }
0x1be: {  	[tilespmem:s31+$0x0] =	vst.add.f32.msk $0xffff, v1  }
0x1bf: {  	v1 =	vld [tilespmem:$0x65E0];
	_ =	sdelay $0x4  }
0x1c0: {  	[tilespmem:s0+$0x0] =	vst.add.f32.msk $0xffff, v1  }
0x1c1: {  	v1 =	vld [tilespmem:$0x65F0];
	_ =	sdelay $0x4  }
0x1c2: {  	[tilespmem:s1+$0x0] =	vst.add.f32.msk $0xffff, v1  }
0x1c3: {  	v1 =	vld [tilespmem:$0x6600];
	_ =	sdelay $0x4  }
0x1c4: {  	[tilespmem:s25+$0x0] =	vst.add.f32.msk $0xffff, v1  }
0x1c5: {  	v1 =	vld [tilespmem:$0x6610];
	_ =	sdelay $0x4  }
0x1c6: {  	[tilespmem:s26+$0x0] =	vst.add.f32.msk $0xffff, v1  }
0x1c7: {  	v1 =	vld [tilespmem:$0x6620];
	_ =	sdelay $0x4  }
0x1c8: {  	[tilespmem:s28+$0x0] =	vst.add.f32.msk $0xffff, v1  }
0x1c9: {  	v1 =	vld [tilespmem:$0x6630];
	_ =	sdelay $0x4  }
0x1ca: {  	[tilespmem:s29+$0x0] =	vst.add.f32.msk $0xffff, v1  }
0x1cb: {  	v1 =	vld [tilespmem:$0x6640];
	_ =	sdelay $0x4  }
0x1cc: {  	[tilespmem:s30+$0x0] =	vst.add.f32.msk $0xffff, v1  }
0x1cd: {  	v1 =	vld [tilespmem:$0x6650];
	_ =	sdelay $0x4  }
0x1ce: {  	[tilespmem:s31+$0x0] =	vst.add.f32.msk $0xffff, v1  }
0x1cf: {  	v1 =	vld [tilespmem:$0x6660];
	_ =	sdelay $0x4  }
0x1d0: {  	[tilespmem:s0+$0x0] =	vst.add.f32.msk $0xffff, v1  }
0x1d1: {  	v1 =	vld [tilespmem:$0x6670];
	_ =	sdelay $0x4  }
0x1d2: {  	[tilespmem:s1+$0x0] =	vst.add.f32.msk $0xffff, v1  }
0x1d3: {  	_ =	swait.ge [sflag:s14], $0x200  }
0x1d4: {  	[sflag:s14] =	ssyncset.done $0x0  }
0x1d5: {  	[sflag:s14] =	ssyncadd.s32 $0xFFFFFE00  }
0x1d6: {  	v1 =	vld [tilespmem:$0x6680];
	_ =	sdelay $0x4  }
0x1d7: {  	[tilespmem:s25+$0x0] =	vst.add.f32.msk $0xffff, v1  }
0x1d8: {  	v1 =	vld [tilespmem:$0x6690];
	_ =	sdelay $0x4  }
0x1d9: {  	[tilespmem:s26+$0x0] =	vst.add.f32.msk $0xffff, v1  }
0x1da: {  	v1 =	vld [tilespmem:$0x66A0];
	_ =	sdelay $0x4  }
0x1db: {  	[tilespmem:s28+$0x0] =	vst.add.f32.msk $0xffff, v1  }
0x1dc: {  	v1 =	vld [tilespmem:$0x66B0];
	_ =	sdelay $0x4  }
0x1dd: {  	[tilespmem:s29+$0x0] =	vst.add.f32.msk $0xffff, v1  }
0x1de: {  	v1 =	vld [tilespmem:$0x66C0];
	_ =	sdelay $0x4  }
0x1df: {  	[tilespmem:s30+$0x0] =	vst.add.f32.msk $0xffff, v1  }
0x1e0: {  	v1 =	vld [tilespmem:$0x66D0];
	_ =	sdelay $0x4  }
0x1e1: {  	[tilespmem:s31+$0x0] =	vst.add.f32.msk $0xffff, v1  }
0x1e2: {  	v1 =	vld [tilespmem:$0x66E0];
	_ =	sdelay $0x4  }
0x1e3: {  	[tilespmem:s0+$0x0] =	vst.add.f32.msk $0xffff, v1  }
0x1e4: {  	v1 =	vld [tilespmem:$0x66F0];
	_ =	sdelay $0x4  }
0x1e5: {  	[tilespmem:s1+$0x0] =	vst.add.f32.msk $0xffff, v1  }
0x1e6: {  	v1 =	vld [tilespmem:$0x6700];
	_ =	sdelay $0x4  }
0x1e7: {  	[tilespmem:s25+$0x0] =	vst.add.f32.msk $0xffff, v1  }
0x1e8: {  	v1 =	vld [tilespmem:$0x6710];
	_ =	sdelay $0x4  }
0x1e9: {  	[tilespmem:s26+$0x0] =	vst.add.f32.msk $0xffff, v1  }
0x1ea: {  	v1 =	vld [tilespmem:$0x6720];
	_ =	sdelay $0x4  }
0x1eb: {  	[tilespmem:s28+$0x0] =	vst.add.f32.msk $0xffff, v1  }
0x1ec: {  	v1 =	vld [tilespmem:$0x6730];
	_ =	sdelay $0x4  }
0x1ed: {  	[tilespmem:s29+$0x0] =	vst.add.f32.msk $0xffff, v1  }
0x1ee: {  	v1 =	vld [tilespmem:$0x6740];
	_ =	sdelay $0x4  }
0x1ef: {  	[tilespmem:s30+$0x0] =	vst.add.f32.msk $0xffff, v1  }
0x1f0: {  	v1 =	vld [tilespmem:$0x6750];
	_ =	sdelay $0x4  }
0x1f1: {  	[tilespmem:s31+$0x0] =	vst.add.f32.msk $0xffff, v1  }
0x1f2: {  	v1 =	vld [tilespmem:$0x6760];
	_ =	sdelay $0x4  }
0x1f3: {  	[tilespmem:s0+$0x0] =	vst.add.f32.msk $0xffff, v1  }
0x1f4: {  	v1 =	vld [tilespmem:$0x6770];
	_ =	sdelay $0x4  }
0x1f5: {  	[tilespmem:s1+$0x0] =	vst.add.f32.msk $0xffff, v1  }
0x1f6: {  	v1 =	vld [tilespmem:$0x6780];
	_ =	sdelay $0x4  }
0x1f7: {  	[tilespmem:s25+$0x0] =	vst.add.f32.msk $0xffff, v1  }
0x1f8: {  	v1 =	vld [tilespmem:$0x6790];
	_ =	sdelay $0x4  }
0x1f9: {  	[tilespmem:s26+$0x0] =	vst.add.f32.msk $0xffff, v1  }
0x1fa: {  	v1 =	vld [tilespmem:$0x67A0];
	_ =	sdelay $0x4  }
0x1fb: {  	[tilespmem:s28+$0x0] =	vst.add.f32.msk $0xffff, v1  }
0x1fc: {  	v1 =	vld [tilespmem:$0x67B0];
	_ =	sdelay $0x4  }
0x1fd: {  	[tilespmem:s29+$0x0] =	vst.add.f32.msk $0xffff, v1  }
0x1fe: {  	v1 =	vld [tilespmem:$0x67C0];
	_ =	sdelay $0x4  }
0x1ff: {  	[tilespmem:s30+$0x0] =	vst.add.f32.msk $0xffff, v1  }
0x200: {  	v1 =	vld [tilespmem:$0x67D0];
	_ =	sdelay $0x4  }
0x201: {  	[tilespmem:s31+$0x0] =	vst.add.f32.msk $0xffff, v1  }
0x202: {  	v1 =	vld [tilespmem:$0x67E0];
	_ =	sdelay $0x4  }
0x203: {  	[tilespmem:s0+$0x0] =	vst.add.f32.msk $0xffff, v1  }
0x204: {  	v1 =	vld [tilespmem:$0x67F0];
	_ =	sdelay $0x4  }
0x205: {  	[tilespmem:s1+$0x0] =	vst.add.f32.msk $0xffff, v1  }
0x206: {  	v1 =	vld [tilespmem:$0x6800];
	_ =	sdelay $0x4  }
0x207: {  	[tilespmem:s25+$0x0] =	vst.add.f32.msk $0xffff, v1  }
0x208: {  	v1 =	vld [tilespmem:$0x6810];
	_ =	sdelay $0x4  }
0x209: {  	[tilespmem:s26+$0x0] =	vst.add.f32.msk $0xffff, v1  }
0x20a: {  	v1 =	vld [tilespmem:$0x6820];
	_ =	sdelay $0x4  }
0x20b: {  	[tilespmem:s28+$0x0] =	vst.add.f32.msk $0xffff, v1  }
0x20c: {  	v1 =	vld [tilespmem:$0x6830];
	_ =	sdelay $0x4  }
0x20d: {  	[tilespmem:s29+$0x0] =	vst.add.f32.msk $0xffff, v1  }
0x20e: {  	v1 =	vld [tilespmem:$0x6840];
	_ =	sdelay $0x4  }
0x20f: {  	[tilespmem:s30+$0x0] =	vst.add.f32.msk $0xffff, v1  }
0x210: {  	v1 =	vld [tilespmem:$0x6850];
	_ =	sdelay $0x4  }
0x211: {  	[tilespmem:s31+$0x0] =	vst.add.f32.msk $0xffff, v1  }
0x212: {  	v1 =	vld [tilespmem:$0x6860];
	_ =	sdelay $0x4  }
0x213: {  	[tilespmem:s0+$0x0] =	vst.add.f32.msk $0xffff, v1  }
0x214: {  	v1 =	vld [tilespmem:$0x6870];
	_ =	sdelay $0x4  }
0x215: {  	[tilespmem:s1+$0x0] =	vst.add.f32.msk $0xffff, v1  }
0x216: {  	_ =	swait.ge [sflag:s15], $0x200  }
0x217: {  	[sflag:s15] =	ssyncset.done $0x0  }
0x218: {  	[sflag:s15] =	ssyncadd.s32 $0xFFFFFE00  }
0x219: {  	v1 =	vld [tilespmem:$0x6880];
	_ =	sdelay $0x4  }
0x21a: {  	[tilespmem:s25+$0x0] =	vst.add.f32.msk $0xffff, v1  }
0x21b: {  	v1 =	vld [tilespmem:$0x6890];
	_ =	sdelay $0x4  }
0x21c: {  	[tilespmem:s26+$0x0] =	vst.add.f32.msk $0xffff, v1  }
0x21d: {  	v1 =	vld [tilespmem:$0x68A0];
	_ =	sdelay $0x4  }
0x21e: {  	[tilespmem:s28+$0x0] =	vst.add.f32.msk $0xffff, v1  }
0x21f: {  	v1 =	vld [tilespmem:$0x68B0];
	_ =	sdelay $0x4  }
0x220: {  	[tilespmem:s29+$0x0] =	vst.add.f32.msk $0xffff, v1  }
0x221: {  	v1 =	vld [tilespmem:$0x68C0];
	_ =	sdelay $0x4  }
0x222: {  	[tilespmem:s30+$0x0] =	vst.add.f32.msk $0xffff, v1  }
0x223: {  	v1 =	vld [tilespmem:$0x68D0];
	_ =	sdelay $0x4  }
0x224: {  	[tilespmem:s31+$0x0] =	vst.add.f32.msk $0xffff, v1  }
0x225: {  	v1 =	vld [tilespmem:$0x68E0];
	_ =	sdelay $0x4  }
0x226: {  	[tilespmem:s0+$0x0] =	vst.add.f32.msk $0xffff, v1  }
0x227: {  	v1 =	vld [tilespmem:$0x68F0];
	_ =	sdelay $0x4  }
0x228: {  	[tilespmem:s1+$0x0] =	vst.add.f32.msk $0xffff, v1  }
0x229: {  	v1 =	vld [tilespmem:$0x6900];
	_ =	sdelay $0x4  }
0x22a: {  	[tilespmem:s25+$0x0] =	vst.add.f32.msk $0xffff, v1  }
0x22b: {  	v1 =	vld [tilespmem:$0x6910];
	_ =	sdelay $0x4  }
0x22c: {  	[tilespmem:s26+$0x0] =	vst.add.f32.msk $0xffff, v1  }
0x22d: {  	v1 =	vld [tilespmem:$0x6920];
	_ =	sdelay $0x4  }
0x22e: {  	[tilespmem:s28+$0x0] =	vst.add.f32.msk $0xffff, v1  }
0x22f: {  	v1 =	vld [tilespmem:$0x6930];
	_ =	sdelay $0x4  }
0x230: {  	[tilespmem:s29+$0x0] =	vst.add.f32.msk $0xffff, v1  }
0x231: {  	v1 =	vld [tilespmem:$0x6940];
	_ =	sdelay $0x4  }
0x232: {  	[tilespmem:s30+$0x0] =	vst.add.f32.msk $0xffff, v1  }
0x233: {  	v1 =	vld [tilespmem:$0x6950];
	_ =	sdelay $0x4  }
0x234: {  	[tilespmem:s31+$0x0] =	vst.add.f32.msk $0xffff, v1  }
0x235: {  	v1 =	vld [tilespmem:$0x6960];
	_ =	sdelay $0x4  }
0x236: {  	[tilespmem:s0+$0x0] =	vst.add.f32.msk $0xffff, v1  }
0x237: {  	v1 =	vld [tilespmem:$0x6970];
	_ =	sdelay $0x4  }
0x238: {  	[tilespmem:s1+$0x0] =	vst.add.f32.msk $0xffff, v1  }
0x239: {  	v1 =	vld [tilespmem:$0x6980];
	_ =	sdelay $0x4  }
0x23a: {  	[tilespmem:s25+$0x0] =	vst.add.f32.msk $0xffff, v1  }
0x23b: {  	v1 =	vld [tilespmem:$0x6990];
	_ =	sdelay $0x4  }
0x23c: {  	[tilespmem:s26+$0x0] =	vst.add.f32.msk $0xffff, v1  }
0x23d: {  	v1 =	vld [tilespmem:$0x69A0];
	_ =	sdelay $0x4  }
0x23e: {  	[tilespmem:s28+$0x0] =	vst.add.f32.msk $0xffff, v1  }
0x23f: {  	v1 =	vld [tilespmem:$0x69B0];
	_ =	sdelay $0x4  }
0x240: {  	[tilespmem:s29+$0x0] =	vst.add.f32.msk $0xffff, v1  }
0x241: {  	v1 =	vld [tilespmem:$0x69C0];
	_ =	sdelay $0x4  }
0x242: {  	[tilespmem:s30+$0x0] =	vst.add.f32.msk $0xffff, v1  }
0x243: {  	v1 =	vld [tilespmem:$0x69D0];
	_ =	sdelay $0x4  }
0x244: {  	[tilespmem:s31+$0x0] =	vst.add.f32.msk $0xffff, v1  }
0x245: {  	v1 =	vld [tilespmem:$0x69E0];
	_ =	sdelay $0x4  }
0x246: {  	[tilespmem:s0+$0x0] =	vst.add.f32.msk $0xffff, v1  }
0x247: {  	v1 =	vld [tilespmem:$0x69F0];
	_ =	sdelay $0x4  }
0x248: {  	[tilespmem:s1+$0x0] =	vst.add.f32.msk $0xffff, v1  }
0x249: {  	v1 =	vld [tilespmem:$0x6A00];
	_ =	sdelay $0x4  }
0x24a: {  	[tilespmem:s25+$0x0] =	vst.add.f32.msk $0xffff, v1  }
0x24b: {  	v1 =	vld [tilespmem:$0x6A10];
	_ =	sdelay $0x4  }
0x24c: {  	[tilespmem:s26+$0x0] =	vst.add.f32.msk $0xffff, v1  }
0x24d: {  	v1 =	vld [tilespmem:$0x6A20];
	_ =	sdelay $0x4  }
0x24e: {  	[tilespmem:s28+$0x0] =	vst.add.f32.msk $0xffff, v1  }
0x24f: {  	v1 =	vld [tilespmem:$0x6A30];
	_ =	sdelay $0x4  }
0x250: {  	[tilespmem:s29+$0x0] =	vst.add.f32.msk $0xffff, v1  }
0x251: {  	v1 =	vld [tilespmem:$0x6A40];
	_ =	sdelay $0x4  }
0x252: {  	[tilespmem:s30+$0x0] =	vst.add.f32.msk $0xffff, v1  }
0x253: {  	v1 =	vld [tilespmem:$0x6A50];
	_ =	sdelay $0x4  }
0x254: {  	[tilespmem:s31+$0x0] =	vst.add.f32.msk $0xffff, v1  }
0x255: {  	v1 =	vld [tilespmem:$0x6A60];
	_ =	sdelay $0x4  }
0x256: {  	[tilespmem:s0+$0x0] =	vst.add.f32.msk $0xffff, v1  }
0x257: {  	v1 =	vld [tilespmem:$0x6A70];
	_ =	sdelay $0x4  }
0x258: {  	[tilespmem:s1+$0x0] =	vst.add.f32.msk $0xffff, v1  }
0x259: {  	_ =	swait.ge [sflag:s19], $0x200  }
0x25a: {  	[sflag:s19] =	ssyncset.done $0x0  }
0x25b: {  	[sflag:s19] =	ssyncadd.s32 $0xFFFFFE00  }
0x25c: {  	v1 =	vld [tilespmem:$0x6A80];
	_ =	sdelay $0x4  }
0x25d: {  	[tilespmem:s25+$0x0] =	vst.add.f32.msk $0xffff, v1  }
0x25e: {  	v1 =	vld [tilespmem:$0x6A90];
	_ =	sdelay $0x4  }
0x25f: {  	[tilespmem:s26+$0x0] =	vst.add.f32.msk $0xffff, v1  }
0x260: {  	v1 =	vld [tilespmem:$0x6AA0];
	_ =	sdelay $0x4  }
0x261: {  	[tilespmem:s28+$0x0] =	vst.add.f32.msk $0xffff, v1  }
0x262: {  	v1 =	vld [tilespmem:$0x6AB0];
	_ =	sdelay $0x4  }
0x263: {  	[tilespmem:s29+$0x0] =	vst.add.f32.msk $0xffff, v1  }
0x264: {  	v1 =	vld [tilespmem:$0x6AC0];
	_ =	sdelay $0x4  }
0x265: {  	[tilespmem:s30+$0x0] =	vst.add.f32.msk $0xffff, v1  }
0x266: {  	v1 =	vld [tilespmem:$0x6AD0];
	_ =	sdelay $0x4  }
0x267: {  	[tilespmem:s31+$0x0] =	vst.add.f32.msk $0xffff, v1  }
0x268: {  	v1 =	vld [tilespmem:$0x6AE0];
	_ =	sdelay $0x4  }
0x269: {  	[tilespmem:s0+$0x0] =	vst.add.f32.msk $0xffff, v1  }
0x26a: {  	v1 =	vld [tilespmem:$0x6AF0];
	_ =	sdelay $0x4  }
0x26b: {  	[tilespmem:s1+$0x0] =	vst.add.f32.msk $0xffff, v1  }
0x26c: {  	v1 =	vld [tilespmem:$0x6B00];
	_ =	sdelay $0x4  }
0x26d: {  	[tilespmem:s25+$0x0] =	vst.add.f32.msk $0xffff, v1  }
0x26e: {  	v1 =	vld [tilespmem:$0x6B10];
	_ =	sdelay $0x4  }
0x26f: {  	[tilespmem:s26+$0x0] =	vst.add.f32.msk $0xffff, v1  }
0x270: {  	v1 =	vld [tilespmem:$0x6B20];
	_ =	sdelay $0x4  }
0x271: {  	[tilespmem:s28+$0x0] =	vst.add.f32.msk $0xffff, v1  }
0x272: {  	v1 =	vld [tilespmem:$0x6B30];
	_ =	sdelay $0x4  }
0x273: {  	[tilespmem:s29+$0x0] =	vst.add.f32.msk $0xffff, v1  }
0x274: {  	v1 =	vld [tilespmem:$0x6B40];
	_ =	sdelay $0x4  }
0x275: {  	[tilespmem:s30+$0x0] =	vst.add.f32.msk $0xffff, v1  }
0x276: {  	v1 =	vld [tilespmem:$0x6B50];
	_ =	sdelay $0x4  }
0x277: {  	[tilespmem:s31+$0x0] =	vst.add.f32.msk $0xffff, v1  }
0x278: {  	v1 =	vld [tilespmem:$0x6B60];
	_ =	sdelay $0x4  }
0x279: {  	[tilespmem:s0+$0x0] =	vst.add.f32.msk $0xffff, v1  }
0x27a: {  	v1 =	vld [tilespmem:$0x6B70];
	_ =	sdelay $0x4  }
0x27b: {  	[tilespmem:s1+$0x0] =	vst.add.f32.msk $0xffff, v1  }
0x27c: {  	v1 =	vld [tilespmem:$0x6B80];
	_ =	sdelay $0x4  }
0x27d: {  	[tilespmem:s25+$0x0] =	vst.add.f32.msk $0xffff, v1  }
0x27e: {  	v1 =	vld [tilespmem:$0x6B90];
	_ =	sdelay $0x4  }
0x27f: {  	[tilespmem:s26+$0x0] =	vst.add.f32.msk $0xffff, v1  }
0x280: {  	v1 =	vld [tilespmem:$0x6BA0];
	_ =	sdelay $0x4  }
0x281: {  	[tilespmem:s28+$0x0] =	vst.add.f32.msk $0xffff, v1  }
0x282: {  	v1 =	vld [tilespmem:$0x6BB0];
	_ =	sdelay $0x4  }
0x283: {  	[tilespmem:s29+$0x0] =	vst.add.f32.msk $0xffff, v1  }
0x284: {  	v1 =	vld [tilespmem:$0x6BC0];
	_ =	sdelay $0x4  }
0x285: {  	[tilespmem:s30+$0x0] =	vst.add.f32.msk $0xffff, v1  }
0x286: {  	v1 =	vld [tilespmem:$0x6BD0];
	_ =	sdelay $0x4  }
0x287: {  	[tilespmem:s31+$0x0] =	vst.add.f32.msk $0xffff, v1  }
0x288: {  	v1 =	vld [tilespmem:$0x6BE0];
	_ =	sdelay $0x4  }
0x289: {  	[tilespmem:s0+$0x0] =	vst.add.f32.msk $0xffff, v1  }
0x28a: {  	v1 =	vld [tilespmem:$0x6BF0];
	_ =	sdelay $0x4  }
0x28b: {  	[tilespmem:s1+$0x0] =	vst.add.f32.msk $0xffff, v1  }
0x28c: {  	v1 =	vld [tilespmem:$0x6C00];
	_ =	sdelay $0x4  }
0x28d: {  	[tilespmem:s25+$0x0] =	vst.add.f32.msk $0xffff, v1  }
0x28e: {  	v1 =	vld [tilespmem:$0x6C10];
	_ =	sdelay $0x4  }
0x28f: {  	[tilespmem:s26+$0x0] =	vst.add.f32.msk $0xffff, v1  }
0x290: {  	v1 =	vld [tilespmem:$0x6C20];
	_ =	sdelay $0x4  }
0x291: {  	[tilespmem:s28+$0x0] =	vst.add.f32.msk $0xffff, v1  }
0x292: {  	v1 =	vld [tilespmem:$0x6C30];
	_ =	sdelay $0x4  }
0x293: {  	[tilespmem:s29+$0x0] =	vst.add.f32.msk $0xffff, v1  }
0x294: {  	v1 =	vld [tilespmem:$0x6C40];
	_ =	sdelay $0x4  }
0x295: {  	[tilespmem:s30+$0x0] =	vst.add.f32.msk $0xffff, v1  }
0x296: {  	v1 =	vld [tilespmem:$0x6C50];
	_ =	sdelay $0x4  }
0x297: {  	[tilespmem:s31+$0x0] =	vst.add.f32.msk $0xffff, v1  }
0x298: {  	v1 =	vld [tilespmem:$0x6C60];
	_ =	sdelay $0x4  }
0x299: {  	[tilespmem:s0+$0x0] =	vst.add.f32.msk $0xffff, v1  }
0x29a: {  	v1 =	vld [tilespmem:$0x6C70];
	_ =	sdelay $0x4  }
0x29b: {  	[tilespmem:s1+$0x0] =	vst.add.f32.msk $0xffff, v1  }
0x29c: {  	_ =	swait.ge [sflag:s21], $0x200  }
0x29d: {  	[sflag:s21] =	ssyncset.done $0x0  }
0x29e: {  	[sflag:s21] =	ssyncadd.s32 $0xFFFFFE00  }
0x29f: {  	v1 =	vld [tilespmem:$0x6C80];
	_ =	sdelay $0x4  }
0x2a0: {  	[tilespmem:s25+$0x0] =	vst.add.f32.msk $0xffff, v1  }
0x2a1: {  	v1 =	vld [tilespmem:$0x6C90];
	_ =	sdelay $0x4  }
0x2a2: {  	[tilespmem:s26+$0x0] =	vst.add.f32.msk $0xffff, v1  }
0x2a3: {  	v1 =	vld [tilespmem:$0x6CA0];
	_ =	sdelay $0x4  }
0x2a4: {  	[tilespmem:s28+$0x0] =	vst.add.f32.msk $0xffff, v1  }
0x2a5: {  	v1 =	vld [tilespmem:$0x6CB0];
	_ =	sdelay $0x4  }
0x2a6: {  	[tilespmem:s29+$0x0] =	vst.add.f32.msk $0xffff, v1  }
0x2a7: {  	v1 =	vld [tilespmem:$0x6CC0];
	_ =	sdelay $0x4  }
0x2a8: {  	[tilespmem:s30+$0x0] =	vst.add.f32.msk $0xffff, v1  }
0x2a9: {  	v1 =	vld [tilespmem:$0x6CD0];
	_ =	sdelay $0x4  }
0x2aa: {  	[tilespmem:s31+$0x0] =	vst.add.f32.msk $0xffff, v1  }
0x2ab: {  	v1 =	vld [tilespmem:$0x6CE0];
	_ =	sdelay $0x4  }
0x2ac: {  	[tilespmem:s0+$0x0] =	vst.add.f32.msk $0xffff, v1  }
0x2ad: {  	v1 =	vld [tilespmem:$0x6CF0];
	_ =	sdelay $0x4  }
0x2ae: {  	[tilespmem:s1+$0x0] =	vst.add.f32.msk $0xffff, v1  }
0x2af: {  	v1 =	vld [tilespmem:$0x6D00];
	_ =	sdelay $0x4  }
0x2b0: {  	[tilespmem:s25+$0x0] =	vst.add.f32.msk $0xffff, v1  }
0x2b1: {  	v1 =	vld [tilespmem:$0x6D10];
	_ =	sdelay $0x4  }
0x2b2: {  	[tilespmem:s26+$0x0] =	vst.add.f32.msk $0xffff, v1  }
0x2b3: {  	v1 =	vld [tilespmem:$0x6D20];
	_ =	sdelay $0x4  }
0x2b4: {  	[tilespmem:s28+$0x0] =	vst.add.f32.msk $0xffff, v1  }
0x2b5: {  	v1 =	vld [tilespmem:$0x6D30];
	_ =	sdelay $0x4  }
0x2b6: {  	[tilespmem:s29+$0x0] =	vst.add.f32.msk $0xffff, v1  }
0x2b7: {  	v1 =	vld [tilespmem:$0x6D40];
	_ =	sdelay $0x4  }
0x2b8: {  	[tilespmem:s30+$0x0] =	vst.add.f32.msk $0xffff, v1  }
0x2b9: {  	v1 =	vld [tilespmem:$0x6D50];
	_ =	sdelay $0x4  }
0x2ba: {  	[tilespmem:s31+$0x0] =	vst.add.f32.msk $0xffff, v1  }
0x2bb: {  	v1 =	vld [tilespmem:$0x6D60];
	_ =	sdelay $0x4  }
0x2bc: {  	[tilespmem:s0+$0x0] =	vst.add.f32.msk $0xffff, v1  }
0x2bd: {  	v1 =	vld [tilespmem:$0x6D70];
	_ =	sdelay $0x4  }
0x2be: {  	[tilespmem:s1+$0x0] =	vst.add.f32.msk $0xffff, v1  }
0x2bf: {  	v1 =	vld [tilespmem:$0x6D80];
	_ =	sdelay $0x4  }
0x2c0: {  	[tilespmem:s25+$0x0] =	vst.add.f32.msk $0xffff, v1  }
0x2c1: {  	v1 =	vld [tilespmem:$0x6D90];
	_ =	sdelay $0x4  }
0x2c2: {  	[tilespmem:s26+$0x0] =	vst.add.f32.msk $0xffff, v1  }
0x2c3: {  	v1 =	vld [tilespmem:$0x6DA0];
	_ =	sdelay $0x4  }
0x2c4: {  	[tilespmem:s28+$0x0] =	vst.add.f32.msk $0xffff, v1  }
0x2c5: {  	v1 =	vld [tilespmem:$0x6DB0];
	_ =	sdelay $0x4  }
0x2c6: {  	[tilespmem:s29+$0x0] =	vst.add.f32.msk $0xffff, v1  }
0x2c7: {  	v1 =	vld [tilespmem:$0x6DC0];
	_ =	sdelay $0x4  }
0x2c8: {  	[tilespmem:s30+$0x0] =	vst.add.f32.msk $0xffff, v1  }
0x2c9: {  	v1 =	vld [tilespmem:$0x6DD0];
	_ =	sdelay $0x4  }
0x2ca: {  	[tilespmem:s31+$0x0] =	vst.add.f32.msk $0xffff, v1  }
0x2cb: {  	v1 =	vld [tilespmem:$0x6DE0];
	_ =	sdelay $0x4  }
0x2cc: {  	[tilespmem:s0+$0x0] =	vst.add.f32.msk $0xffff, v1  }
0x2cd: {  	v1 =	vld [tilespmem:$0x6DF0];
	_ =	sdelay $0x4  }
0x2ce: {  	[tilespmem:s1+$0x0] =	vst.add.f32.msk $0xffff, v1  }
0x2cf: {  	v1 =	vld [tilespmem:$0x6E00];
	_ =	sdelay $0x4  }
0x2d0: {  	[tilespmem:s25+$0x0] =	vst.add.f32.msk $0xffff, v1  }
0x2d1: {  	v1 =	vld [tilespmem:$0x6E10];
	_ =	sdelay $0x4  }
0x2d2: {  	[tilespmem:s26+$0x0] =	vst.add.f32.msk $0xffff, v1  }
0x2d3: {  	v1 =	vld [tilespmem:$0x6E20];
	_ =	sdelay $0x4  }
0x2d4: {  	[tilespmem:s28+$0x0] =	vst.add.f32.msk $0xffff, v1  }
0x2d5: {  	v1 =	vld [tilespmem:$0x6E30];
	_ =	sdelay $0x4  }
0x2d6: {  	[tilespmem:s29+$0x0] =	vst.add.f32.msk $0xffff, v1  }
0x2d7: {  	v1 =	vld [tilespmem:$0x6E40];
	_ =	sdelay $0x4  }
0x2d8: {  	[tilespmem:s30+$0x0] =	vst.add.f32.msk $0xffff, v1  }
0x2d9: {  	v1 =	vld [tilespmem:$0x6E50];
	_ =	sdelay $0x4  }
0x2da: {  	[tilespmem:s31+$0x0] =	vst.add.f32.msk $0xffff, v1  }
0x2db: {  	v1 =	vld [tilespmem:$0x6E60];
	_ =	sdelay $0x4  }
0x2dc: {  	[tilespmem:s0+$0x0] =	vst.add.f32.msk $0xffff, v1  }
0x2dd: {  	v1 =	vld [tilespmem:$0x6E70];
	_ =	sdelay $0x2  }
0x2de: {  	s4 =	sadd.s32 $0x1, s4  }
0x2df: {  	p0 =	sne.s32 s4, s9  }
.Ltmp1:
0x2e0: {  	[tilespmem:s1+$0x0] =	vst.add.f32.msk $0xffff, v1;
	(pc) =	sbr.rel @p0 .LBB2_1-.Ltmp1, $4  }
0x2e1: {  	[hbm4b:s8+s3] =	stream.linear.scatter [tilespmem:s25], [sflag:$0x6], $0x80, $0x38;
	[tilespmem:$0x16680] =	vst v63  }
0x2e2: {  	_ =	swait.ge [sflag:s23], $0x80  }
0x2e3: {  	[sflag:s23] =	ssyncset.done $0x0  }
0x2e4: {  	[sflag:s23] =	ssyncadd.s32 $0xFFFFFF80  }
0x2e5: {  	_ =	sfence.sel $0x180000  }
0x2e6: {  	[bflag:$0x0] =	sbarrier.arrive $0xFFFF  }
0x2e7: {  	_ =	strace $0x90000047  }
0x2e8: {  	s0 =	stileid.u32;
	[bflag:$0x2] =	sbarrier.arrive $0xFFFF  }
0x2e9: {  	p0 =	sne.s32 s0, $0x0;
	s0 =	rddreg [dreg:$0x3]  }
0x2ea: {  	s0 =	sadd.s32 @!p0 $0x100000, s0  }
0x2eb: {  	[sflag:s0] =	ssyncadd.tile.s32 @!p0 $0x1;
	_ =	shalt  }
.Lfunc_end2:
_tile_overlayer_lowered:
.L_overlay_start_2:
0x2ec: {  	(tag) =	ssettag $0x2  }
0x2ed: {  	s0 =	rddreg [dreg:$0x0];
	s2 =	stileid.u32  }
0x2ee: {  	s1 =	rddreg [dreg:$0x1];
	p0 =	sne.s32 s2, $0x0  }
0x2ef: {  	s3 =	rddreg [dreg:$0x2];
	[bflag:$0x3] =	sbarrier.arrive $0xFFFF;
	s2 =	simm.s32 @!p0 $0x1C06  }
0x2f0: {  	[timem:s3], [sflag:s2] =	dma.local @!p0 [hbm:s0], s1  }
0x2f1: {  	s0 =	simm.s32 @!p0 $0x6  }
0x2f2: {  	_ =	swait.ge @!p0 [sflag:s0], s1  }
0x2f3: {  	s1 =	ssub.s32 @!p0 $0x0, s1;
	[sflag:s0] =	ssyncset.done @!p0 $0x0  }
0x2f4: {  	[sflag:s0] =	ssyncadd.s32 @!p0 s1  }
0x2f5: {  	[bflag:$0x3] =	sbarrier.arrive $0xFFFF  }
0x2f6: {  	_ =	shalt  }

</sc_bundles>
